<compile_context>
chip_gen: v7x
topology: tpu7x:2x2x1
jax: 0.10.2.dev20260603
libtpu: 0.0.44.dev20260713+nightly
codegen_flags: <defaults>
</compile_context>

<pallas_src>
import jax
import jax.numpy as jnp
from jax import lax
from jax.experimental import pallas as pl
from jax.experimental.pallas import tpu as pltpu, tpu_sc as plsc

VOCAB = 23236
VOCABP = 23296
DIM = 1728
BATCH = 1024
SEQ = 50

NC = 2
NS = 16
NW = NC * NS
NDT = DIM // 8
NUNIT = NDT * 4
KMAX = NUNIT // NW
TBLK = 512


def _unit_d0(wid, k):
    u = wid + NW * k
    dt = u // 4
    q = u % 4
    return dt, q, dt * 8 + q * 2


def _sc_body(ids_hbm, ttp_hbm, out_hbm, band0, band1, ids0, ids1, st0, st1,
             bsem0, bsem1, isem0, isem1, wsem0, wsem1):
    wid = lax.axis_index("s") * NC + lax.axis_index("c")

    def band_load(k, band, bsem):
        _, _, d0 = _unit_d0(wid, k)
        pltpu.async_copy(ttp_hbm.at[pl.ds(d0, 2)], band, bsem)

    def band_wait(k, band, bsem):
        _, _, d0 = _unit_d0(wid, k)
        pltpu.make_async_copy(ttp_hbm.at[pl.ds(d0, 2)], band, bsem).wait()

    def ids_load(s, idsb, isem):
        pltpu.async_copy(ids_hbm.at[s], idsb, isem)

    def ids_wait(s, idsb, isem):
        pltpu.make_async_copy(ids_hbm.at[s], idsb, isem).wait()

    def do_s(s, band, idsb, stage, wsem, dt, q):
        def g_body(g, carry):
            idx16 = idsb[pl.ds(g * 16, 16)]
            bt = g // 8
            off = (g % 8) * 16
            for ds in range(2):
                vals = plsc.load_gather(
                    band, [jnp.full((16,), ds, jnp.int32), idx16]
                )
                stage[bt, ds, pl.ds(off, 16)] = vals
            return carry

        lax.fori_loop(0, 64, g_body, 0, unroll=4)
        pltpu.async_copy(
            stage, out_hbm.at[s, dt, :, pl.ds(q * 2, 2), :], wsem
        )

    def write_wait(stage, wsem, dt, q):
        pltpu.make_async_copy(
            stage, out_hbm.at[0, dt, :, pl.ds(q * 2, 2), :], wsem
        ).wait()

    def do_unit(k, band, bsem):
        dt, q, _ = _unit_d0(wid, k)
        ids_load(0, ids0, isem0)
        ids_load(1, ids1, isem1)
        band_wait(k, band, bsem)
        ids_wait(0, ids0, isem0)
        do_s(0, band, ids0, st0, wsem0, dt, q)
        ids_load(2, ids0, isem0)
        ids_wait(1, ids1, isem1)
        do_s(1, band, ids1, st1, wsem1, dt, q)
        ids_load(3, ids1, isem1)

        def s_body(s2, carry):
            sa = 2 * s2
            write_wait(st0, wsem0, dt, q)
            ids_wait(sa, ids0, isem0)
            do_s(sa, band, ids0, st0, wsem0, dt, q)
            ids_load(jnp.minimum(sa + 2, SEQ - 1), ids0, isem0)
            sb = sa + 1
            write_wait(st1, wsem1, dt, q)
            ids_wait(sb, ids1, isem1)
            do_s(sb, band, ids1, st1, wsem1, dt, q)
            ids_load(jnp.minimum(sb + 2, SEQ - 1), ids1, isem1)
            return carry

        lax.fori_loop(1, SEQ // 2, s_body, 0)
        write_wait(st0, wsem0, dt, q)
        write_wait(st1, wsem1, dt, q)
        ids_wait(0, ids0, isem0)
        ids_wait(0, ids1, isem1)

    band_load(0, band0, bsem0)
    band_load(1, band1, bsem1)

    def k_body(k2, carry):
        do_unit(2 * k2, band0, bsem0)
        band_load(2 * k2 + 2, band0, bsem0)

        do_unit(2 * k2 + 1, band1, bsem1)

        @pl.when(k2 < KMAX // 2 - 1)
        def _():
            band_load(2 * k2 + 3, band1, bsem1)

        return carry

    lax.fori_loop(0, KMAX // 2, k_body, 0)
    do_unit(KMAX - 1, band0, bsem0)


def _sc_tgather(idsT, ttp):
    mesh = plsc.VectorSubcoreMesh(core_axis_name="c", subcore_axis_name="s")
    scratch = (
        [pltpu.VMEM((2, VOCABP), jnp.float32) for _ in range(2)]
        + [pltpu.VMEM((BATCH,), jnp.int32) for _ in range(2)]
        + [pltpu.VMEM((8, 2, 128), jnp.float32) for _ in range(2)]
        + [pltpu.SemaphoreType.DMA for _ in range(6)]
    )
    fn = pl.kernel(
        _sc_body,
        out_type=jax.ShapeDtypeStruct((SEQ, NDT, 8, 8, 128), jnp.float32),
        mesh=mesh,
        scratch_types=scratch,
        compiler_params=pltpu.CompilerParams(
            use_tc_tiling_on_sc=False, needs_layout_passes=False
        ),
    )
    return fn(idsT, ttp)


def _tc_copy_body(x_ref, o_ref):
    o_ref[...] = x_ref[...]


def _tc_compact(tT):
    grid = (VOCABP + TBLK - 1) // TBLK
    return pl.pallas_call(
        _tc_copy_body,
        grid=(grid,),
        in_specs=[pl.BlockSpec((DIM, TBLK), lambda i: (0, i))],
        out_specs=pl.BlockSpec((DIM, TBLK), lambda i: (0, i)),
        out_shape=jax.ShapeDtypeStruct((DIM, VOCABP), jnp.float32),
    )(tT)


@jax.jit
def _run(input_ids, table):
    ttp = _tc_compact(table.T)
    idsT = input_ids.T.astype(jnp.int32)
    o5 = _sc_tgather(idsT, ttp)
    out3 = jnp.transpose(o5, (0, 1, 3, 2, 4)).reshape(SEQ, DIM, BATCH)
    return jnp.transpose(out3, (2, 0, 1))


def kernel(input_ids, table):
    return _run(input_ids, table)

# --- scband reference (transcript-rebuilt; emitter-appended) ---
"""Pipeline reference for scband-glyph-embedding-4801773437309 (READ-ONLY COPY).

The authoritative reference and input builder live on the scoring server;
editing this copy changes nothing except your own understanding.
"""

import jax, jax.numpy as jnp
import numpy as np

VOCAB_SIZE = 23236
FONT_NUM = 3
FONT_SIZE = 24
EMBED_DIM = FONT_NUM * FONT_SIZE * FONT_SIZE  # 1728
BATCH = 1024
SEQ_LEN = 50


def setup_inputs(seed: int = 0) -> dict:
    key = jax.random.key(seed)
    k_idx, k_tab = jax.random.split(key)
    input_ids = jax.random.randint(k_idx, (BATCH, SEQ_LEN), 0, VOCAB_SIZE, dtype=jnp.int64 if jax.config.jax_enable_x64 else jnp.int32)
    # stands in for the stacked+flattened font arrays: [vocab_size, font_num*font_size**2]
    table = jax.random.normal(k_tab, (VOCAB_SIZE, EMBED_DIM), dtype=jnp.float32)
    return {"input_ids": input_ids, "table": table}


def reference(input_ids, table):
    # GlyphEmbedding.forward: nn.Embedding lookup -> [batch, seq_len, font_num*font_size**2]
    return jnp.take(table, input_ids, axis=0)

if __name__ == "__main__":
    import jax
    _d = setup_inputs()
    print(jax.jit(kernel)(*tuple(_d.values())))

</pallas_src>

<mosaic_0001>
#map = affine_map<(d0, d1) -> (0, 0)>
#map1 = affine_map<(d0, d1) -> (0, 0, 0, 0, 0)>
module attributes {stable_mosaic.version = 14 : i64} {
  func.func @_sc_body(%arg0: i32, %arg1: i32, %arg2: memref<50x1024xi32, #tpu.memory_space<hbm>>, %arg3: memref<1728x23296xf32, #tpu.memory_space<hbm>>, %arg4: memref<50x216x8x8x128xf32, #tpu.memory_space<hbm>>, %arg5: memref<2x23296xf32, #tpu.memory_space<vmem>>, %arg6: memref<2x23296xf32, #tpu.memory_space<vmem>>, %arg7: memref<1024xi32, #tpu.memory_space<vmem>>, %arg8: memref<1024xi32, #tpu.memory_space<vmem>>, %arg9: memref<8x2x128xf32, #tpu.memory_space<vmem>>, %arg10: memref<8x2x128xf32, #tpu.memory_space<vmem>>, %arg11: memref<!tpu.dma_semaphore, #tpu.memory_space<semaphore_mem>>, %arg12: memref<!tpu.dma_semaphore, #tpu.memory_space<semaphore_mem>>, %arg13: memref<!tpu.dma_semaphore, #tpu.memory_space<semaphore_mem>>, %arg14: memref<!tpu.dma_semaphore, #tpu.memory_space<semaphore_mem>>, %arg15: memref<!tpu.dma_semaphore, #tpu.memory_space<semaphore_mem>>, %arg16: memref<!tpu.dma_semaphore, #tpu.memory_space<semaphore_mem>>) attributes {dimension_semantics = [#tpu.dimension_semantics<core_parallel>, #tpu.dimension_semantics<subcore_parallel>], iteration_bounds = array<i64: 2, 16>, scalar_prefetch = 0 : i64, scratch_operands = 12 : i64, tpu.core_type = #tpu.core_type<sc_vector_subcore>, window_params = [{transform_indices = #map}, {transform_indices = #map}, {transform_indices = #map1}]} {
    %mul3A = arith.constant 2 : i32
    %mul3A_0 = arith.muli %arg1, %mul3A : i32
    %add3A = arith.addi %mul3A_0, %arg0 : i32
    %add3A_1 = arith.constant 0 : i32
    %add3A_2 = arith.addi %add3A, %add3A_1 : i32
    %jit3A = arith.constant 4 : i32
    %div3A = arith.divsi %add3A_2, %jit3A : i32
    %sign3A = arith.constant 0 : i32
    %sign3A_3 = arith.cmpi sgt, %add3A_2, %sign3A : i32
    %sign3A_4 = arith.extui %sign3A_3 : i1 to i32
    %sign3A_5 = arith.constant 0 : i32
    %sign3A_6 = arith.cmpi slt, %add3A_2, %sign3A_5 : i32
    %sign3A_7 = arith.extui %sign3A_6 : i1 to i32
    %sign3A_8 = arith.subi %sign3A_4, %sign3A_7 : i32
    %sign3A_9 = arith.constant 0 : i32
    %sign3A_10 = arith.cmpi sgt, %jit3A, %sign3A_9 : i32
    %sign3A_11 = arith.extui %sign3A_10 : i1 to i32
    %sign3A_12 = arith.constant 0 : i32
    %sign3A_13 = arith.cmpi slt, %jit3A, %sign3A_12 : i32
    %sign3A_14 = arith.extui %sign3A_13 : i1 to i32
    %sign3A_15 = arith.subi %sign3A_11, %sign3A_14 : i32
    %ne3A = arith.cmpi ne, %sign3A_8, %sign3A_15 : i32
    %rem3A = arith.remsi %add3A_2, %jit3A : i32
    %ne3A_16 = arith.constant 0 : i32
    %ne3A_17 = arith.cmpi ne, %rem3A, %ne3A_16 : i32
    %and3A = arith.andi %ne3A, %ne3A_17 : i1
    %sub3A = arith.constant 1 : i32
    %sub3A_18 = arith.subi %div3A, %sub3A : i32
    %select_n3A = arith.select %and3A, %sub3A_18, %div3A : i32
    %jit3A_19 = arith.constant 4 : i32
    %eq3A = arith.constant 0 : i32
    %eq3A_20 = arith.cmpi eq, %jit3A_19, %eq3A : i32
    %jit3A_21 = arith.constant 1 : i32
    %select_n3A_22 = arith.select %eq3A_20, %jit3A_21, %jit3A_19 : i32
    %rem3A_23 = arith.remsi %add3A_2, %select_n3A_22 : i32
    %ne3A_24 = arith.constant 0 : i32
    %ne3A_25 = arith.cmpi ne, %rem3A_23, %ne3A_24 : i32
    %lt3A = arith.constant 0 : i32
    %lt3A_26 = arith.cmpi slt, %rem3A_23, %lt3A : i32
    %lt3A_27 = arith.constant 0 : i32
    %lt3A_28 = arith.cmpi slt, %select_n3A_22, %lt3A_27 : i32
    %ne3A_29 = arith.xori %lt3A_26, %lt3A_28 : i1
    %and3A_30 = arith.andi %ne3A_29, %ne3A_25 : i1
    %add3A_31 = arith.addi %rem3A_23, %select_n3A_22 : i32
    %select_n3A_32 = arith.select %and3A_30, %add3A_31, %rem3A_23 : i32
    %mul3A_33 = arith.constant 8 : i32
    %mul3A_34 = arith.muli %select_n3A, %mul3A_33 : i32
    %mul3A_35 = arith.constant 2 : i32
    %mul3A_36 = arith.muli %select_n3A_32, %mul3A_35 : i32
    %add3A_37 = arith.addi %mul3A_34, %mul3A_36 : i32
    %dma_start3A = arith.constant 0 : i32
    %dma_start3A_38 = tpu.memref_slice %arg3[%add3A_37, %dma_start3A] : memref<1728x23296xf32, #tpu.memory_space<hbm>> -> memref<2x23296xf32, #tpu.memory_space<hbm>>
    %dma_start3A_39 = arith.constant 0 : i32
    %dma_start3A_40 = tpu.memref_slice %arg3[%add3A_37, %dma_start3A_39] : memref<1728x23296xf32, #tpu.memory_space<hbm>> -> memref<2x23296xf32, #tpu.memory_space<hbm>>
    tpu.enqueue_dma source(%dma_start3A_40 : memref<2x23296xf32, #tpu.memory_space<hbm>>) target(%arg5 : memref<2x23296xf32, #tpu.memory_space<vmem>>) target_semaphore(%arg11 : memref<!tpu.dma_semaphore, #tpu.memory_space<semaphore_mem>>)
    %add3A_41 = arith.constant 32 : i32
    %add3A_42 = arith.addi %add3A, %add3A_41 : i32
    %jit3A_43 = arith.constant 4 : i32
    %div3A_44 = arith.divsi %add3A_42, %jit3A_43 : i32
    %sign3A_45 = arith.constant 0 : i32
    %sign3A_46 = arith.cmpi sgt, %add3A_42, %sign3A_45 : i32
    %sign3A_47 = arith.extui %sign3A_46 : i1 to i32
    %sign3A_48 = arith.constant 0 : i32
    %sign3A_49 = arith.cmpi slt, %add3A_42, %sign3A_48 : i32
    %sign3A_50 = arith.extui %sign3A_49 : i1 to i32
    %sign3A_51 = arith.subi %sign3A_47, %sign3A_50 : i32
    %sign3A_52 = arith.constant 0 : i32
    %sign3A_53 = arith.cmpi sgt, %jit3A_43, %sign3A_52 : i32
    %sign3A_54 = arith.extui %sign3A_53 : i1 to i32
    %sign3A_55 = arith.constant 0 : i32
    %sign3A_56 = arith.cmpi slt, %jit3A_43, %sign3A_55 : i32
    %sign3A_57 = arith.extui %sign3A_56 : i1 to i32
    %sign3A_58 = arith.subi %sign3A_54, %sign3A_57 : i32
    %ne3A_59 = arith.cmpi ne, %sign3A_51, %sign3A_58 : i32
    %rem3A_60 = arith.remsi %add3A_42, %jit3A_43 : i32
    %ne3A_61 = arith.constant 0 : i32
    %ne3A_62 = arith.cmpi ne, %rem3A_60, %ne3A_61 : i32
    %and3A_63 = arith.andi %ne3A_59, %ne3A_62 : i1
    %sub3A_64 = arith.constant 1 : i32
    %sub3A_65 = arith.subi %div3A_44, %sub3A_64 : i32
    %select_n3A_66 = arith.select %and3A_63, %sub3A_65, %div3A_44 : i32
    %jit3A_67 = arith.constant 4 : i32
    %eq3A_68 = arith.constant 0 : i32
    %eq3A_69 = arith.cmpi eq, %jit3A_67, %eq3A_68 : i32
    %jit3A_70 = arith.constant 1 : i32
    %select_n3A_71 = arith.select %eq3A_69, %jit3A_70, %jit3A_67 : i32
    %rem3A_72 = arith.remsi %add3A_42, %select_n3A_71 : i32
    %ne3A_73 = arith.constant 0 : i32
    %ne3A_74 = arith.cmpi ne, %rem3A_72, %ne3A_73 : i32
    %lt3A_75 = arith.constant 0 : i32
    %lt3A_76 = arith.cmpi slt, %rem3A_72, %lt3A_75 : i32
    %lt3A_77 = arith.constant 0 : i32
    %lt3A_78 = arith.cmpi slt, %select_n3A_71, %lt3A_77 : i32
    %ne3A_79 = arith.xori %lt3A_76, %lt3A_78 : i1
    %and3A_80 = arith.andi %ne3A_79, %ne3A_74 : i1
    %add3A_81 = arith.addi %rem3A_72, %select_n3A_71 : i32
    %select_n3A_82 = arith.select %and3A_80, %add3A_81, %rem3A_72 : i32
    %mul3A_83 = arith.constant 8 : i32
    %mul3A_84 = arith.muli %select_n3A_66, %mul3A_83 : i32
    %mul3A_85 = arith.constant 2 : i32
    %mul3A_86 = arith.muli %select_n3A_82, %mul3A_85 : i32
    %add3A_87 = arith.addi %mul3A_84, %mul3A_86 : i32
    %dma_start3A_88 = arith.constant 0 : i32
    %dma_start3A_89 = tpu.memref_slice %arg3[%add3A_87, %dma_start3A_88] : memref<1728x23296xf32, #tpu.memory_space<hbm>> -> memref<2x23296xf32, #tpu.memory_space<hbm>>
    %dma_start3A_90 = arith.constant 0 : i32
    %dma_start3A_91 = tpu.memref_slice %arg3[%add3A_87, %dma_start3A_90] : memref<1728x23296xf32, #tpu.memory_space<hbm>> -> memref<2x23296xf32, #tpu.memory_space<hbm>>
    tpu.enqueue_dma source(%dma_start3A_91 : memref<2x23296xf32, #tpu.memory_space<hbm>>) target(%arg6 : memref<2x23296xf32, #tpu.memory_space<vmem>>) target_semaphore(%arg12 : memref<!tpu.dma_semaphore, #tpu.memory_space<semaphore_mem>>)
    %scan3A = arith.constant 0 : i32
    %scan3A_92 = arith.constant 0 : i32
    %scan3A_93 = arith.constant 13 : i32
    %scan3A_94 = arith.addi %scan3A_92, %scan3A_93 : i32
    %scan3A_95 = arith.constant 1 : i32
    scf.for %scan3A_312 = %scan3A_92 to %scan3A_94 step %scan3A_95  : i32 {
      %mul3A_313 = arith.constant 2 : i32
      %mul3A_314 = arith.muli %mul3A_313, %scan3A_312 : i32
      %mul3A_315 = arith.constant 32 : i32
      %mul3A_316 = arith.muli %mul3A_315, %mul3A_314 : i32
      %add3A_317 = arith.addi %add3A, %mul3A_316 : i32
      %jit3A_318 = arith.constant 4 : i32
      %div3A_319 = arith.divsi %add3A_317, %jit3A_318 : i32
      %sign3A_320 = arith.constant 0 : i32
      %sign3A_321 = arith.cmpi sgt, %add3A_317, %sign3A_320 : i32
      %sign3A_322 = arith.extui %sign3A_321 : i1 to i32
      %sign3A_323 = arith.constant 0 : i32
      %sign3A_324 = arith.cmpi slt, %add3A_317, %sign3A_323 : i32
      %sign3A_325 = arith.extui %sign3A_324 : i1 to i32
      %sign3A_326 = arith.subi %sign3A_322, %sign3A_325 : i32
      %sign3A_327 = arith.constant 0 : i32
      %sign3A_328 = arith.cmpi sgt, %jit3A_318, %sign3A_327 : i32
      %sign3A_329 = arith.extui %sign3A_328 : i1 to i32
      %sign3A_330 = arith.constant 0 : i32
      %sign3A_331 = arith.cmpi slt, %jit3A_318, %sign3A_330 : i32
      %sign3A_332 = arith.extui %sign3A_331 : i1 to i32
      %sign3A_333 = arith.subi %sign3A_329, %sign3A_332 : i32
      %ne3A_334 = arith.cmpi ne, %sign3A_326, %sign3A_333 : i32
      %rem3A_335 = arith.remsi %add3A_317, %jit3A_318 : i32
      %ne3A_336 = arith.constant 0 : i32
      %ne3A_337 = arith.cmpi ne, %rem3A_335, %ne3A_336 : i32
      %and3A_338 = arith.andi %ne3A_334, %ne3A_337 : i1
      %sub3A_339 = arith.constant 1 : i32
      %sub3A_340 = arith.subi %div3A_319, %sub3A_339 : i32
      %select_n3A_341 = arith.select %and3A_338, %sub3A_340, %div3A_319 : i32
      %jit3A_342 = arith.constant 4 : i32
      %eq3A_343 = arith.constant 0 : i32
      %eq3A_344 = arith.cmpi eq, %jit3A_342, %eq3A_343 : i32
      %jit3A_345 = arith.constant 1 : i32
      %select_n3A_346 = arith.select %eq3A_344, %jit3A_345, %jit3A_342 : i32
      %rem3A_347 = arith.remsi %add3A_317, %select_n3A_346 : i32
      %ne3A_348 = arith.constant 0 : i32
      %ne3A_349 = arith.cmpi ne, %rem3A_347, %ne3A_348 : i32
      %lt3A_350 = arith.constant 0 : i32
      %lt3A_351 = arith.cmpi slt, %rem3A_347, %lt3A_350 : i32
      %lt3A_352 = arith.constant 0 : i32
      %lt3A_353 = arith.cmpi slt, %select_n3A_346, %lt3A_352 : i32
      %ne3A_354 = arith.xori %lt3A_351, %lt3A_353 : i1
      %and3A_355 = arith.andi %ne3A_354, %ne3A_349 : i1
      %add3A_356 = arith.addi %rem3A_347, %select_n3A_346 : i32
      %select_n3A_357 = arith.select %and3A_355, %add3A_356, %rem3A_347 : i32
      %mul3A_358 = arith.constant 8 : i32
      %mul3A_359 = arith.muli %select_n3A_341, %mul3A_358 : i32
      %mul3A_360 = arith.constant 2 : i32
      %mul3A_361 = arith.muli %select_n3A_357, %mul3A_360 : i32
      %add3A_362 = arith.addi %mul3A_359, %mul3A_361 : i32
      %dma_start3A_363 = arith.constant 0 : i32
      %dma_start3A_364 = arith.constant 0 : i32
      %dma_start3A_365 = tpu.memref_slice %arg2[%dma_start3A_363, %dma_start3A_364] : memref<50x1024xi32, #tpu.memory_space<hbm>> -> memref<1x1024xi32, #tpu.memory_space<hbm>>
      %dma_start3A_366 = tpu.memref_squeeze %dma_start3A_365 : memref<1x1024xi32, #tpu.memory_space<hbm>> -> memref<1024xi32, #tpu.memory_space<hbm>>
      %dma_start3A_367 = arith.constant 0 : i32
      %dma_start3A_368 = tpu.memref_slice %arg2[%dma_start3A_363, %dma_start3A_367] : memref<50x1024xi32, #tpu.memory_space<hbm>> -> memref<1x1024xi32, #tpu.memory_space<hbm>>
      %dma_start3A_369 = tpu.memref_squeeze %dma_start3A_368 : memref<1x1024xi32, #tpu.memory_space<hbm>> -> memref<1024xi32, #tpu.memory_space<hbm>>
      tpu.enqueue_dma source(%dma_start3A_369 : memref<1024xi32, #tpu.memory_space<hbm>>) target(%arg7 : memref<1024xi32, #tpu.memory_space<vmem>>) target_semaphore(%arg13 : memref<!tpu.dma_semaphore, #tpu.memory_space<semaphore_mem>>)
      %dma_start3A_370 = arith.constant 1 : i32
      %dma_start3A_371 = arith.constant 0 : i32
      %dma_start3A_372 = tpu.memref_slice %arg2[%dma_start3A_370, %dma_start3A_371] : memref<50x1024xi32, #tpu.memory_space<hbm>> -> memref<1x1024xi32, #tpu.memory_space<hbm>>
      %dma_start3A_373 = tpu.memref_squeeze %dma_start3A_372 : memref<1x1024xi32, #tpu.memory_space<hbm>> -> memref<1024xi32, #tpu.memory_space<hbm>>
      %dma_start3A_374 = arith.constant 0 : i32
      %dma_start3A_375 = tpu.memref_slice %arg2[%dma_start3A_370, %dma_start3A_374] : memref<50x1024xi32, #tpu.memory_space<hbm>> -> memref<1x1024xi32, #tpu.memory_space<hbm>>
      %dma_start3A_376 = tpu.memref_squeeze %dma_start3A_375 : memref<1x1024xi32, #tpu.memory_space<hbm>> -> memref<1024xi32, #tpu.memory_space<hbm>>
      tpu.enqueue_dma source(%dma_start3A_376 : memref<1024xi32, #tpu.memory_space<hbm>>) target(%arg8 : memref<1024xi32, #tpu.memory_space<vmem>>) target_semaphore(%arg14 : memref<!tpu.dma_semaphore, #tpu.memory_space<semaphore_mem>>)
      %mul3A_377 = arith.constant 32 : i32
      %mul3A_378 = arith.muli %mul3A_377, %mul3A_314 : i32
      %add3A_379 = arith.addi %add3A, %mul3A_378 : i32
      %jit3A_380 = arith.constant 4 : i32
      %div3A_381 = arith.divsi %add3A_379, %jit3A_380 : i32
      %sign3A_382 = arith.constant 0 : i32
      %sign3A_383 = arith.cmpi sgt, %add3A_379, %sign3A_382 : i32
      %sign3A_384 = arith.extui %sign3A_383 : i1 to i32
      %sign3A_385 = arith.constant 0 : i32
      %sign3A_386 = arith.cmpi slt, %add3A_379, %sign3A_385 : i32
      %sign3A_387 = arith.extui %sign3A_386 : i1 to i32
      %sign3A_388 = arith.subi %sign3A_384, %sign3A_387 : i32
      %sign3A_389 = arith.constant 0 : i32
      %sign3A_390 = arith.cmpi sgt, %jit3A_380, %sign3A_389 : i32
      %sign3A_391 = arith.extui %sign3A_390 : i1 to i32
      %sign3A_392 = arith.constant 0 : i32
      %sign3A_393 = arith.cmpi slt, %jit3A_380, %sign3A_392 : i32
      %sign3A_394 = arith.extui %sign3A_393 : i1 to i32
      %sign3A_395 = arith.subi %sign3A_391, %sign3A_394 : i32
      %ne3A_396 = arith.cmpi ne, %sign3A_388, %sign3A_395 : i32
      %rem3A_397 = arith.remsi %add3A_379, %jit3A_380 : i32
      %ne3A_398 = arith.constant 0 : i32
      %ne3A_399 = arith.cmpi ne, %rem3A_397, %ne3A_398 : i32
      %and3A_400 = arith.andi %ne3A_396, %ne3A_399 : i1
      %sub3A_401 = arith.constant 1 : i32
      %sub3A_402 = arith.subi %div3A_381, %sub3A_401 : i32
      %select_n3A_403 = arith.select %and3A_400, %sub3A_402, %div3A_381 : i32
      %jit3A_404 = arith.constant 4 : i32
      %eq3A_405 = arith.constant 0 : i32
      %eq3A_406 = arith.cmpi eq, %jit3A_404, %eq3A_405 : i32
      %jit3A_407 = arith.constant 1 : i32
      %select_n3A_408 = arith.select %eq3A_406, %jit3A_407, %jit3A_404 : i32
      %rem3A_409 = arith.remsi %add3A_379, %select_n3A_408 : i32
      %ne3A_410 = arith.constant 0 : i32
      %ne3A_411 = arith.cmpi ne, %rem3A_409, %ne3A_410 : i32
      %lt3A_412 = arith.constant 0 : i32
      %lt3A_413 = arith.cmpi slt, %rem3A_409, %lt3A_412 : i32
      %lt3A_414 = arith.constant 0 : i32
      %lt3A_415 = arith.cmpi slt, %select_n3A_408, %lt3A_414 : i32
      %ne3A_416 = arith.xori %lt3A_413, %lt3A_415 : i1
      %and3A_417 = arith.andi %ne3A_416, %ne3A_411 : i1
      %add3A_418 = arith.addi %rem3A_409, %select_n3A_408 : i32
      %select_n3A_419 = arith.select %and3A_417, %add3A_418, %rem3A_409 : i32
      %mul3A_420 = arith.constant 8 : i32
      %mul3A_421 = arith.muli %select_n3A_403, %mul3A_420 : i32
      %mul3A_422 = arith.constant 2 : i32
      %mul3A_423 = arith.muli %select_n3A_419, %mul3A_422 : i32
      %add3A_424 = arith.addi %mul3A_421, %mul3A_423 : i32
      %dma_wait3A_425 = arith.constant 0 : i32
      %dma_wait3A_426 = tpu.memref_slice %arg3[%add3A_424, %dma_wait3A_425] : memref<1728x23296xf32, #tpu.memory_space<hbm>> -> memref<2x23296xf32, #tpu.memory_space<hbm>>
      %dma_wait3A_427 = arith.constant 0 : i32
      %dma_wait3A_428 = tpu.memref_slice %arg3[%add3A_424, %dma_wait3A_427] : memref<1728x23296xf32, #tpu.memory_space<hbm>> -> memref<2x23296xf32, #tpu.memory_space<hbm>>
      tpu.wait_dma2 semaphore(%arg11 : memref<!tpu.dma_semaphore, #tpu.memory_space<semaphore_mem>>) src(%dma_wait3A_428 : memref<2x23296xf32, #tpu.memory_space<hbm>>) dst(%arg5 : memref<2x23296xf32, #tpu.memory_space<vmem>>)
      %dma_wait3A_429 = arith.constant 0 : i32
      %dma_wait3A_430 = arith.constant 0 : i32
      %dma_wait3A_431 = tpu.memref_slice %arg2[%dma_wait3A_429, %dma_wait3A_430] : memref<50x1024xi32, #tpu.memory_space<hbm>> -> memref<1x1024xi32, #tpu.memory_space<hbm>>
      %dma_wait3A_432 = tpu.memref_squeeze %dma_wait3A_431 : memref<1x1024xi32, #tpu.memory_space<hbm>> -> memref<1024xi32, #tpu.memory_space<hbm>>
      %dma_wait3A_433 = arith.constant 0 : i32
      %dma_wait3A_434 = tpu.memref_slice %arg2[%dma_wait3A_429, %dma_wait3A_433] : memref<50x1024xi32, #tpu.memory_space<hbm>> -> memref<1x1024xi32, #tpu.memory_space<hbm>>
      %dma_wait3A_435 = tpu.memref_squeeze %dma_wait3A_434 : memref<1x1024xi32, #tpu.memory_space<hbm>> -> memref<1024xi32, #tpu.memory_space<hbm>>
      tpu.wait_dma2 semaphore(%arg13 : memref<!tpu.dma_semaphore, #tpu.memory_space<semaphore_mem>>) src(%dma_wait3A_435 : memref<1024xi32, #tpu.memory_space<hbm>>) dst(%arg7 : memref<1024xi32, #tpu.memory_space<vmem>>)
      %scan3A_436 = arith.constant 0 : i32
      %scan3A_437 = arith.constant 0 : i32
      %scan3A_438 = arith.constant 64 : i32
      %scan3A_439 = arith.addi %scan3A_437, %scan3A_438 : i32
      %scan3A_440 = arith.constant 4 : i32
      scf.for %scan3A_814 = %scan3A_437 to %scan3A_439 step %scan3A_440  : i32 {
        %mul3A_815 = arith.constant 16 : i32
        %mul3A_816 = arith.muli %scan3A_814, %mul3A_815 : i32
        %get3A = arith.index_cast %mul3A_816 : i32 to index
        %get3A_817 = tpu.vector_load %arg7[%get3A] {strides = array<i32>} : memref<1024xi32, #tpu.memory_space<vmem>>, vector<16xi32>,
        %jit3A_818 = arith.constant 8 : i32
        %div3A_819 = arith.divsi %scan3A_814, %jit3A_818 : i32
        %sign3A_820 = arith.constant 0 : i32
        %sign3A_821 = arith.cmpi sgt, %scan3A_814, %sign3A_820 : i32
        %sign3A_822 = arith.extui %sign3A_821 : i1 to i32
        %sign3A_823 = arith.constant 0 : i32
        %sign3A_824 = arith.cmpi slt, %scan3A_814, %sign3A_823 : i32
        %sign3A_825 = arith.extui %sign3A_824 : i1 to i32
        %sign3A_826 = arith.subi %sign3A_822, %sign3A_825 : i32
        %sign3A_827 = arith.constant 0 : i32
        %sign3A_828 = arith.cmpi sgt, %jit3A_818, %sign3A_827 : i32
        %sign3A_829 = arith.extui %sign3A_828 : i1 to i32
        %sign3A_830 = arith.constant 0 : i32
        %sign3A_831 = arith.cmpi slt, %jit3A_818, %sign3A_830 : i32
        %sign3A_832 = arith.extui %sign3A_831 : i1 to i32
        %sign3A_833 = arith.subi %sign3A_829, %sign3A_832 : i32
        %ne3A_834 = arith.cmpi ne, %sign3A_826, %sign3A_833 : i32
        %rem3A_835 = arith.remsi %scan3A_814, %jit3A_818 : i32
        %ne3A_836 = arith.constant 0 : i32
        %ne3A_837 = arith.cmpi ne, %rem3A_835, %ne3A_836 : i32
        %and3A_838 = arith.andi %ne3A_834, %ne3A_837 : i1
        %sub3A_839 = arith.constant 1 : i32
        %sub3A_840 = arith.subi %div3A_819, %sub3A_839 : i32
        %select_n3A_841 = arith.select %and3A_838, %sub3A_840, %div3A_819 : i32
        %jit3A_842 = arith.constant 8 : i32
        %eq3A_843 = arith.constant 0 : i32
        %eq3A_844 = arith.cmpi eq, %jit3A_842, %eq3A_843 : i32
        %jit3A_845 = arith.constant 1 : i32
        %select_n3A_846 = arith.select %eq3A_844, %jit3A_845, %jit3A_842 : i32
        %rem3A_847 = arith.remsi %scan3A_814, %select_n3A_846 : i32
        %ne3A_848 = arith.constant 0 : i32
        %ne3A_849 = arith.cmpi ne, %rem3A_847, %ne3A_848 : i32
        %lt3A_850 = arith.constant 0 : i32
        %lt3A_851 = arith.cmpi slt, %rem3A_847, %lt3A_850 : i32
        %lt3A_852 = arith.constant 0 : i32
        %lt3A_853 = arith.cmpi slt, %select_n3A_846, %lt3A_852 : i32
        %ne3A_854 = arith.xori %lt3A_851, %lt3A_853 : i1
        %and3A_855 = arith.andi %ne3A_854, %ne3A_849 : i1
        %add3A_856 = arith.addi %rem3A_847, %select_n3A_846 : i32
        %select_n3A_857 = arith.select %and3A_855, %add3A_856, %rem3A_847 : i32
        %mul3A_858 = arith.constant 16 : i32
        %mul3A_859 = arith.muli %select_n3A_857, %mul3A_858 : i32
        %broadcast_in_dim3A = arith.constant 0 : i32
        %broadcast_in_dim3A_860 = vector.broadcast %broadcast_in_dim3A : i32 to vector<16xi32>
        %gather3A = tpu.vector_load_idx %arg5[%broadcast_in_dim3A_860, %get3A_817] : memref<2x23296xf32, #tpu.memory_space<vmem>>[vector<16xi32>, vector<16xi32>], vector<16xf32>,
        %swap3A = arith.constant 0 : i32
        %swap3A_861 = arith.index_cast %select_n3A_841 : i32 to index
        %swap3A_862 = arith.index_cast %swap3A : i32 to index
        %swap3A_863 = arith.index_cast %mul3A_859 : i32 to index
        %swap3A_864 = tpu.vector_load %arg9[%swap3A_861, %swap3A_862, %swap3A_863] {strides = array<i32>} : memref<8x2x128xf32, #tpu.memory_space<vmem>>, vector<16xf32>,
        tpu.vector_store %arg9[%swap3A_861, %swap3A_862, %swap3A_863], %gather3A {strides = array<i32>} : memref<8x2x128xf32, #tpu.memory_space<vmem>>, vector<16xf32>,
        %broadcast_in_dim3A_865 = arith.constant 1 : i32
        %broadcast_in_dim3A_866 = vector.broadcast %broadcast_in_dim3A_865 : i32 to vector<16xi32>
        %gather3A_867 = tpu.vector_load_idx %arg5[%broadcast_in_dim3A_866, %get3A_817] : memref<2x23296xf32, #tpu.memory_space<vmem>>[vector<16xi32>, vector<16xi32>], vector<16xf32>,
        %swap3A_868 = arith.constant 1 : i32
        %swap3A_869 = arith.index_cast %select_n3A_841 : i32 to index
        %swap3A_870 = arith.index_cast %swap3A_868 : i32 to index
        %swap3A_871 = arith.index_cast %mul3A_859 : i32 to index
        %swap3A_872 = tpu.vector_load %arg9[%swap3A_869, %swap3A_870, %swap3A_871] {strides = array<i32>} : memref<8x2x128xf32, #tpu.memory_space<vmem>>, vector<16xf32>,
        tpu.vector_store %arg9[%swap3A_869, %swap3A_870, %swap3A_871], %gather3A_867 {strides = array<i32>} : memref<8x2x128xf32, #tpu.memory_space<vmem>>, vector<16xf32>,
        %scan3A_873 = arith.constant 1 : i32
        %scan3A_874 = arith.addi %scan3A_814, %scan3A_873 : i32
        %mul3A_875 = arith.constant 16 : i32
        %mul3A_876 = arith.muli %scan3A_874, %mul3A_875 : i32
        %get3A_877 = arith.index_cast %mul3A_876 : i32 to index
        %get3A_878 = tpu.vector_load %arg7[%get3A_877] {strides = array<i32>} : memref<1024xi32, #tpu.memory_space<vmem>>, vector<16xi32>,
        %jit3A_879 = arith.constant 8 : i32
        %div3A_880 = arith.divsi %scan3A_874, %jit3A_879 : i32
        %sign3A_881 = arith.constant 0 : i32
        %sign3A_882 = arith.cmpi sgt, %scan3A_874, %sign3A_881 : i32
        %sign3A_883 = arith.extui %sign3A_882 : i1 to i32
        %sign3A_884 = arith.constant 0 : i32
        %sign3A_885 = arith.cmpi slt, %scan3A_874, %sign3A_884 : i32
        %sign3A_886 = arith.extui %sign3A_885 : i1 to i32
        %sign3A_887 = arith.subi %sign3A_883, %sign3A_886 : i32
        %sign3A_888 = arith.constant 0 : i32
        %sign3A_889 = arith.cmpi sgt, %jit3A_879, %sign3A_888 : i32
        %sign3A_890 = arith.extui %sign3A_889 : i1 to i32
        %sign3A_891 = arith.constant 0 : i32
        %sign3A_892 = arith.cmpi slt, %jit3A_879, %sign3A_891 : i32
        %sign3A_893 = arith.extui %sign3A_892 : i1 to i32
        %sign3A_894 = arith.subi %sign3A_890, %sign3A_893 : i32
        %ne3A_895 = arith.cmpi ne, %sign3A_887, %sign3A_894 : i32
        %rem3A_896 = arith.remsi %scan3A_874, %jit3A_879 : i32
        %ne3A_897 = arith.constant 0 : i32
        %ne3A_898 = arith.cmpi ne, %rem3A_896, %ne3A_897 : i32
        %and3A_899 = arith.andi %ne3A_895, %ne3A_898 : i1
        %sub3A_900 = arith.constant 1 : i32
        %sub3A_901 = arith.subi %div3A_880, %sub3A_900 : i32
        %select_n3A_902 = arith.select %and3A_899, %sub3A_901, %div3A_880 : i32
        %jit3A_903 = arith.constant 8 : i32
        %eq3A_904 = arith.constant 0 : i32
        %eq3A_905 = arith.cmpi eq, %jit3A_903, %eq3A_904 : i32
        %jit3A_906 = arith.constant 1 : i32
        %select_n3A_907 = arith.select %eq3A_905, %jit3A_906, %jit3A_903 : i32
        %rem3A_908 = arith.remsi %scan3A_874, %select_n3A_907 : i32
        %ne3A_909 = arith.constant 0 : i32
        %ne3A_910 = arith.cmpi ne, %rem3A_908, %ne3A_909 : i32
        %lt3A_911 = arith.constant 0 : i32
        %lt3A_912 = arith.cmpi slt, %rem3A_908, %lt3A_911 : i32
        %lt3A_913 = arith.constant 0 : i32
        %lt3A_914 = arith.cmpi slt, %select_n3A_907, %lt3A_913 : i32
        %ne3A_915 = arith.xori %lt3A_912, %lt3A_914 : i1
        %and3A_916 = arith.andi %ne3A_915, %ne3A_910 : i1
        %add3A_917 = arith.addi %rem3A_908, %select_n3A_907 : i32
        %select_n3A_918 = arith.select %and3A_916, %add3A_917, %rem3A_908 : i32
        %mul3A_919 = arith.constant 16 : i32
        %mul3A_920 = arith.muli %select_n3A_918, %mul3A_919 : i32
        %broadcast_in_dim3A_921 = arith.constant 0 : i32
        %broadcast_in_dim3A_922 = vector.broadcast %broadcast_in_dim3A_921 : i32 to vector<16xi32>
        %gather3A_923 = tpu.vector_load_idx %arg5[%broadcast_in_dim3A_922, %get3A_878] : memref<2x23296xf32, #tpu.memory_space<vmem>>[vector<16xi32>, vector<16xi32>], vector<16xf32>,
        %swap3A_924 = arith.constant 0 : i32
        %swap3A_925 = arith.index_cast %select_n3A_902 : i32 to index
        %swap3A_926 = arith.index_cast %swap3A_924 : i32 to index
        %swap3A_927 = arith.index_cast %mul3A_920 : i32 to index
        %swap3A_928 = tpu.vector_load %arg9[%swap3A_925, %swap3A_926, %swap3A_927] {strides = array<i32>} : memref<8x2x128xf32, #tpu.memory_space<vmem>>, vector<16xf32>,
        tpu.vector_store %arg9[%swap3A_925, %swap3A_926, %swap3A_927], %gather3A_923 {strides = array<i32>} : memref<8x2x128xf32, #tpu.memory_space<vmem>>, vector<16xf32>,
        %broadcast_in_dim3A_929 = arith.constant 1 : i32
        %broadcast_in_dim3A_930 = vector.broadcast %broadcast_in_dim3A_929 : i32 to vector<16xi32>
        %gather3A_931 = tpu.vector_load_idx %arg5[%broadcast_in_dim3A_930, %get3A_878] : memref<2x23296xf32, #tpu.memory_space<vmem>>[vector<16xi32>, vector<16xi32>], vector<16xf32>,
        %swap3A_932 = arith.constant 1 : i32
        %swap3A_933 = arith.index_cast %select_n3A_902 : i32 to index
        %swap3A_934 = arith.index_cast %swap3A_932 : i32 to index
        %swap3A_935 = arith.index_cast %mul3A_920 : i32 to index
        %swap3A_936 = tpu.vector_load %arg9[%swap3A_933, %swap3A_934, %swap3A_935] {strides = array<i32>} : memref<8x2x128xf32, #tpu.memory_space<vmem>>, vector<16xf32>,
        tpu.vector_store %arg9[%swap3A_933, %swap3A_934, %swap3A_935], %gather3A_931 {strides = array<i32>} : memref<8x2x128xf32, #tpu.memory_space<vmem>>, vector<16xf32>,
        %scan3A_937 = arith.constant 2 : i32
        %scan3A_938 = arith.addi %scan3A_814, %scan3A_937 : i32
        %mul3A_939 = arith.constant 16 : i32
        %mul3A_940 = arith.muli %scan3A_938, %mul3A_939 : i32
        %get3A_941 = arith.index_cast %mul3A_940 : i32 to index
        %get3A_942 = tpu.vector_load %arg7[%get3A_941] {strides = array<i32>} : memref<1024xi32, #tpu.memory_space<vmem>>, vector<16xi32>,
        %jit3A_943 = arith.constant 8 : i32
        %div3A_944 = arith.divsi %scan3A_938, %jit3A_943 : i32
        %sign3A_945 = arith.constant 0 : i32
        %sign3A_946 = arith.cmpi sgt, %scan3A_938, %sign3A_945 : i32
        %sign3A_947 = arith.extui %sign3A_946 : i1 to i32
        %sign3A_948 = arith.constant 0 : i32
        %sign3A_949 = arith.cmpi slt, %scan3A_938, %sign3A_948 : i32
        %sign3A_950 = arith.extui %sign3A_949 : i1 to i32
        %sign3A_951 = arith.subi %sign3A_947, %sign3A_950 : i32
        %sign3A_952 = arith.constant 0 : i32
        %sign3A_953 = arith.cmpi sgt, %jit3A_943, %sign3A_952 : i32
        %sign3A_954 = arith.extui %sign3A_953 : i1 to i32
        %sign3A_955 = arith.constant 0 : i32
        %sign3A_956 = arith.cmpi slt, %jit3A_943, %sign3A_955 : i32
        %sign3A_957 = arith.extui %sign3A_956 : i1 to i32
        %sign3A_958 = arith.subi %sign3A_954, %sign3A_957 : i32
        %ne3A_959 = arith.cmpi ne, %sign3A_951, %sign3A_958 : i32
        %rem3A_960 = arith.remsi %scan3A_938, %jit3A_943 : i32
        %ne3A_961 = arith.constant 0 : i32
        %ne3A_962 = arith.cmpi ne, %rem3A_960, %ne3A_961 : i32
        %and3A_963 = arith.andi %ne3A_959, %ne3A_962 : i1
        %sub3A_964 = arith.constant 1 : i32
        %sub3A_965 = arith.subi %div3A_944, %sub3A_964 : i32
        %select_n3A_966 = arith.select %and3A_963, %sub3A_965, %div3A_944 : i32
        %jit3A_967 = arith.constant 8 : i32
        %eq3A_968 = arith.constant 0 : i32
        %eq3A_969 = arith.cmpi eq, %jit3A_967, %eq3A_968 : i32
        %jit3A_970 = arith.constant 1 : i32
        %select_n3A_971 = arith.select %eq3A_969, %jit3A_970, %jit3A_967 : i32
        %rem3A_972 = arith.remsi %scan3A_938, %select_n3A_971 : i32
        %ne3A_973 = arith.constant 0 : i32
        %ne3A_974 = arith.cmpi ne, %rem3A_972, %ne3A_973 : i32
        %lt3A_975 = arith.constant 0 : i32
        %lt3A_976 = arith.cmpi slt, %rem3A_972, %lt3A_975 : i32
        %lt3A_977 = arith.constant 0 : i32
        %lt3A_978 = arith.cmpi slt, %select_n3A_971, %lt3A_977 : i32
        %ne3A_979 = arith.xori %lt3A_976, %lt3A_978 : i1
        %and3A_980 = arith.andi %ne3A_979, %ne3A_974 : i1
        %add3A_981 = arith.addi %rem3A_972, %select_n3A_971 : i32
        %select_n3A_982 = arith.select %and3A_980, %add3A_981, %rem3A_972 : i32
        %mul3A_983 = arith.constant 16 : i32
        %mul3A_984 = arith.muli %select_n3A_982, %mul3A_983 : i32
        %broadcast_in_dim3A_985 = arith.constant 0 : i32
        %broadcast_in_dim3A_986 = vector.broadcast %broadcast_in_dim3A_985 : i32 to vector<16xi32>
        %gather3A_987 = tpu.vector_load_idx %arg5[%broadcast_in_dim3A_986, %get3A_942] : memref<2x23296xf32, #tpu.memory_space<vmem>>[vector<16xi32>, vector<16xi32>], vector<16xf32>,
        %swap3A_988 = arith.constant 0 : i32
        %swap3A_989 = arith.index_cast %select_n3A_966 : i32 to index
        %swap3A_990 = arith.index_cast %swap3A_988 : i32 to index
        %swap3A_991 = arith.index_cast %mul3A_984 : i32 to index
        %swap3A_992 = tpu.vector_load %arg9[%swap3A_989, %swap3A_990, %swap3A_991] {strides = array<i32>} : memref<8x2x128xf32, #tpu.memory_space<vmem>>, vector<16xf32>,
        tpu.vector_store %arg9[%swap3A_989, %swap3A_990, %swap3A_991], %gather3A_987 {strides = array<i32>} : memref<8x2x128xf32, #tpu.memory_space<vmem>>, vector<16xf32>,
        %broadcast_in_dim3A_993 = arith.constant 1 : i32
        %broadcast_in_dim3A_994 = vector.broadcast %broadcast_in_dim3A_993 : i32 to vector<16xi32>
        %gather3A_995 = tpu.vector_load_idx %arg5[%broadcast_in_dim3A_994, %get3A_942] : memref<2x23296xf32, #tpu.memory_space<vmem>>[vector<16xi32>, vector<16xi32>], vector<16xf32>,
        %swap3A_996 = arith.constant 1 : i32
        %swap3A_997 = arith.index_cast %select_n3A_966 : i32 to index
        %swap3A_998 = arith.index_cast %swap3A_996 : i32 to index
        %swap3A_999 = arith.index_cast %mul3A_984 : i32 to index
        %swap3A_1000 = tpu.vector_load %arg9[%swap3A_997, %swap3A_998, %swap3A_999] {strides = array<i32>} : memref<8x2x128xf32, #tpu.memory_space<vmem>>, vector<16xf32>,
        tpu.vector_store %arg9[%swap3A_997, %swap3A_998, %swap3A_999], %gather3A_995 {strides = array<i32>} : memref<8x2x128xf32, #tpu.memory_space<vmem>>, vector<16xf32>,
        %scan3A_1001 = arith.constant 3 : i32
        %scan3A_1002 = arith.addi %scan3A_814, %scan3A_1001 : i32
        %mul3A_1003 = arith.constant 16 : i32
        %mul3A_1004 = arith.muli %scan3A_1002, %mul3A_1003 : i32
        %get3A_1005 = arith.index_cast %mul3A_1004 : i32 to index
        %get3A_1006 = tpu.vector_load %arg7[%get3A_1005] {strides = array<i32>} : memref<1024xi32, #tpu.memory_space<vmem>>, vector<16xi32>,
        %jit3A_1007 = arith.constant 8 : i32
        %div3A_1008 = arith.divsi %scan3A_1002, %jit3A_1007 : i32
        %sign3A_1009 = arith.constant 0 : i32
        %sign3A_1010 = arith.cmpi sgt, %scan3A_1002, %sign3A_1009 : i32
        %sign3A_1011 = arith.extui %sign3A_1010 : i1 to i32
        %sign3A_1012 = arith.constant 0 : i32
        %sign3A_1013 = arith.cmpi slt, %scan3A_1002, %sign3A_1012 : i32
        %sign3A_1014 = arith.extui %sign3A_1013 : i1 to i32
        %sign3A_1015 = arith.subi %sign3A_1011, %sign3A_1014 : i32
        %sign3A_1016 = arith.constant 0 : i32
        %sign3A_1017 = arith.cmpi sgt, %jit3A_1007, %sign3A_1016 : i32
        %sign3A_1018 = arith.extui %sign3A_1017 : i1 to i32
        %sign3A_1019 = arith.constant 0 : i32
        %sign3A_1020 = arith.cmpi slt, %jit3A_1007, %sign3A_1019 : i32
        %sign3A_1021 = arith.extui %sign3A_1020 : i1 to i32
        %sign3A_1022 = arith.subi %sign3A_1018, %sign3A_1021 : i32
        %ne3A_1023 = arith.cmpi ne, %sign3A_1015, %sign3A_1022 : i32
        %rem3A_1024 = arith.remsi %scan3A_1002, %jit3A_1007 : i32
        %ne3A_1025 = arith.constant 0 : i32
        %ne3A_1026 = arith.cmpi ne, %rem3A_1024, %ne3A_1025 : i32
        %and3A_1027 = arith.andi %ne3A_1023, %ne3A_1026 : i1
        %sub3A_1028 = arith.constant 1 : i32
        %sub3A_1029 = arith.subi %div3A_1008, %sub3A_1028 : i32
        %select_n3A_1030 = arith.select %and3A_1027, %sub3A_1029, %div3A_1008 : i32
        %jit3A_1031 = arith.constant 8 : i32
        %eq3A_1032 = arith.constant 0 : i32
        %eq3A_1033 = arith.cmpi eq, %jit3A_1031, %eq3A_1032 : i32
        %jit3A_1034 = arith.constant 1 : i32
        %select_n3A_1035 = arith.select %eq3A_1033, %jit3A_1034, %jit3A_1031 : i32
        %rem3A_1036 = arith.remsi %scan3A_1002, %select_n3A_1035 : i32
        %ne3A_1037 = arith.constant 0 : i32
        %ne3A_1038 = arith.cmpi ne, %rem3A_1036, %ne3A_1037 : i32
        %lt3A_1039 = arith.constant 0 : i32
        %lt3A_1040 = arith.cmpi slt, %rem3A_1036, %lt3A_1039 : i32
        %lt3A_1041 = arith.constant 0 : i32
        %lt3A_1042 = arith.cmpi slt, %select_n3A_1035, %lt3A_1041 : i32
        %ne3A_1043 = arith.xori %lt3A_1040, %lt3A_1042 : i1
        %and3A_1044 = arith.andi %ne3A_1043, %ne3A_1038 : i1
        %add3A_1045 = arith.addi %rem3A_1036, %select_n3A_1035 : i32
        %select_n3A_1046 = arith.select %and3A_1044, %add3A_1045, %rem3A_1036 : i32
        %mul3A_1047 = arith.constant 16 : i32
        %mul3A_1048 = arith.muli %select_n3A_1046, %mul3A_1047 : i32
        %broadcast_in_dim3A_1049 = arith.constant 0 : i32
        %broadcast_in_dim3A_1050 = vector.broadcast %broadcast_in_dim3A_1049 : i32 to vector<16xi32>
        %gather3A_1051 = tpu.vector_load_idx %arg5[%broadcast_in_dim3A_1050, %get3A_1006] : memref<2x23296xf32, #tpu.memory_space<vmem>>[vector<16xi32>, vector<16xi32>], vector<16xf32>,
        %swap3A_1052 = arith.constant 0 : i32
        %swap3A_1053 = arith.index_cast %select_n3A_1030 : i32 to index
        %swap3A_1054 = arith.index_cast %swap3A_1052 : i32 to index
        %swap3A_1055 = arith.index_cast %mul3A_1048 : i32 to index
        %swap3A_1056 = tpu.vector_load %arg9[%swap3A_1053, %swap3A_1054, %swap3A_1055] {strides = array<i32>} : memref<8x2x128xf32, #tpu.memory_space<vmem>>, vector<16xf32>,
        tpu.vector_store %arg9[%swap3A_1053, %swap3A_1054, %swap3A_1055], %gather3A_1051 {strides = array<i32>} : memref<8x2x128xf32, #tpu.memory_space<vmem>>, vector<16xf32>,
        %broadcast_in_dim3A_1057 = arith.constant 1 : i32
        %broadcast_in_dim3A_1058 = vector.broadcast %broadcast_in_dim3A_1057 : i32 to vector<16xi32>
        %gather3A_1059 = tpu.vector_load_idx %arg5[%broadcast_in_dim3A_1058, %get3A_1006] : memref<2x23296xf32, #tpu.memory_space<vmem>>[vector<16xi32>, vector<16xi32>], vector<16xf32>,
        %swap3A_1060 = arith.constant 1 : i32
        %swap3A_1061 = arith.index_cast %select_n3A_1030 : i32 to index
        %swap3A_1062 = arith.index_cast %swap3A_1060 : i32 to index
        %swap3A_1063 = arith.index_cast %mul3A_1048 : i32 to index
        %swap3A_1064 = tpu.vector_load %arg9[%swap3A_1061, %swap3A_1062, %swap3A_1063] {strides = array<i32>} : memref<8x2x128xf32, #tpu.memory_space<vmem>>, vector<16xf32>,
        tpu.vector_store %arg9[%swap3A_1061, %swap3A_1062, %swap3A_1063], %gather3A_1059 {strides = array<i32>} : memref<8x2x128xf32, #tpu.memory_space<vmem>>, vector<16xf32>,
      }
      %scan3A_441 = arith.constant 64 : i32
      %mul3A_442 = arith.constant 2 : i32
      %mul3A_443 = arith.muli %select_n3A_357, %mul3A_442 : i32
      %dma_start3A_444 = arith.constant 0 : i32
      %dma_start3A_445 = arith.constant 0 : i32
      %dma_start3A_446 = arith.constant 0 : i32
      %dma_start3A_447 = tpu.memref_slice %arg4[%dma_start3A_444, %select_n3A_341, %dma_start3A_445, %mul3A_443, %dma_start3A_446] : memref<50x216x8x8x128xf32, #tpu.memory_space<hbm>> -> memref<1x1x8x2x128xf32, #tpu.memory_space<hbm>>
      %dma_start3A_448 = tpu.memref_squeeze %dma_start3A_447 : memref<1x1x8x2x128xf32, #tpu.memory_space<hbm>> -> memref<8x2x128xf32, #tpu.memory_space<hbm>>
      %dma_start3A_449 = arith.constant 0 : i32
      %dma_start3A_450 = arith.constant 0 : i32
      %dma_start3A_451 = tpu.memref_slice %arg4[%dma_start3A_444, %select_n3A_341, %dma_start3A_449, %mul3A_443, %dma_start3A_450] : memref<50x216x8x8x128xf32, #tpu.memory_space<hbm>> -> memref<1x1x8x2x128xf32, #tpu.memory_space<hbm>>
      %dma_start3A_452 = tpu.memref_squeeze %dma_start3A_451 : memref<1x1x8x2x128xf32, #tpu.memory_space<hbm>> -> memref<8x2x128xf32, #tpu.memory_space<hbm>>
      tpu.enqueue_dma source(%arg9 : memref<8x2x128xf32, #tpu.memory_space<vmem>>) target(%dma_start3A_452 : memref<8x2x128xf32, #tpu.memory_space<hbm>>) target_semaphore(%arg15 : memref<!tpu.dma_semaphore, #tpu.memory_space<semaphore_mem>>)
      %dma_start3A_453 = arith.constant 2 : i32
      %dma_start3A_454 = arith.constant 0 : i32
      %dma_start3A_455 = tpu.memref_slice %arg2[%dma_start3A_453, %dma_start3A_454] : memref<50x1024xi32, #tpu.memory_space<hbm>> -> memref<1x1024xi32, #tpu.memory_space<hbm>>
      %dma_start3A_456 = tpu.memref_squeeze %dma_start3A_455 : memref<1x1024xi32, #tpu.memory_space<hbm>> -> memref<1024xi32, #tpu.memory_space<hbm>>
      %dma_start3A_457 = arith.constant 0 : i32
      %dma_start3A_458 = tpu.memref_slice %arg2[%dma_start3A_453, %dma_start3A_457] : memref<50x1024xi32, #tpu.memory_space<hbm>> -> memref<1x1024xi32, #tpu.memory_space<hbm>>
      %dma_start3A_459 = tpu.memref_squeeze %dma_start3A_458 : memref<1x1024xi32, #tpu.memory_space<hbm>> -> memref<1024xi32, #tpu.memory_space<hbm>>
      tpu.enqueue_dma source(%dma_start3A_459 : memref<1024xi32, #tpu.memory_space<hbm>>) target(%arg7 : memref<1024xi32, #tpu.memory_space<vmem>>) target_semaphore(%arg13 : memref<!tpu.dma_semaphore, #tpu.memory_space<semaphore_mem>>)
      %dma_wait3A_460 = arith.constant 1 : i32
      %dma_wait3A_461 = arith.constant 0 : i32
      %dma_wait3A_462 = tpu.memref_slice %arg2[%dma_wait3A_460, %dma_wait3A_461] : memref<50x1024xi32, #tpu.memory_space<hbm>> -> memref<1x1024xi32, #tpu.memory_space<hbm>>
      %dma_wait3A_463 = tpu.memref_squeeze %dma_wait3A_462 : memref<1x1024xi32, #tpu.memory_space<hbm>> -> memref<1024xi32, #tpu.memory_space<hbm>>
      %dma_wait3A_464 = arith.constant 0 : i32
      %dma_wait3A_465 = tpu.memref_slice %arg2[%dma_wait3A_460, %dma_wait3A_464] : memref<50x1024xi32, #tpu.memory_space<hbm>> -> memref<1x1024xi32, #tpu.memory_space<hbm>>
      %dma_wait3A_466 = tpu.memref_squeeze %dma_wait3A_465 : memref<1x1024xi32, #tpu.memory_space<hbm>> -> memref<1024xi32, #tpu.memory_space<hbm>>
      tpu.wait_dma2 semaphore(%arg14 : memref<!tpu.dma_semaphore, #tpu.memory_space<semaphore_mem>>) src(%dma_wait3A_466 : memref<1024xi32, #tpu.memory_space<hbm>>) dst(%arg8 : memref<1024xi32, #tpu.memory_space<vmem>>)
      %scan3A_467 = arith.constant 0 : i32
      %scan3A_468 = arith.constant 0 : i32
      %scan3A_469 = arith.constant 64 : i32
      %scan3A_470 = arith.addi %scan3A_468, %scan3A_469 : i32
      %scan3A_471 = arith.constant 4 : i32
      scf.for %scan3A_814 = %scan3A_468 to %scan3A_470 step %scan3A_471  : i32 {
        %mul3A_815 = arith.constant 16 : i32
        %mul3A_816 = arith.muli %scan3A_814, %mul3A_815 : i32
        %get3A = arith.index_cast %mul3A_816 : i32 to index
        %get3A_817 = tpu.vector_load %arg8[%get3A] {strides = array<i32>} : memref<1024xi32, #tpu.memory_space<vmem>>, vector<16xi32>,
        %jit3A_818 = arith.constant 8 : i32
        %div3A_819 = arith.divsi %scan3A_814, %jit3A_818 : i32
        %sign3A_820 = arith.constant 0 : i32
        %sign3A_821 = arith.cmpi sgt, %scan3A_814, %sign3A_820 : i32
        %sign3A_822 = arith.extui %sign3A_821 : i1 to i32
        %sign3A_823 = arith.constant 0 : i32
        %sign3A_824 = arith.cmpi slt, %scan3A_814, %sign3A_823 : i32
        %sign3A_825 = arith.extui %sign3A_824 : i1 to i32
        %sign3A_826 = arith.subi %sign3A_822, %sign3A_825 : i32
        %sign3A_827 = arith.constant 0 : i32
        %sign3A_828 = arith.cmpi sgt, %jit3A_818, %sign3A_827 : i32
        %sign3A_829 = arith.extui %sign3A_828 : i1 to i32
        %sign3A_830 = arith.constant 0 : i32
        %sign3A_831 = arith.cmpi slt, %jit3A_818, %sign3A_830 : i32
        %sign3A_832 = arith.extui %sign3A_831 : i1 to i32
        %sign3A_833 = arith.subi %sign3A_829, %sign3A_832 : i32
        %ne3A_834 = arith.cmpi ne, %sign3A_826, %sign3A_833 : i32
        %rem3A_835 = arith.remsi %scan3A_814, %jit3A_818 : i32
        %ne3A_836 = arith.constant 0 : i32
        %ne3A_837 = arith.cmpi ne, %rem3A_835, %ne3A_836 : i32
        %and3A_838 = arith.andi %ne3A_834, %ne3A_837 : i1
        %sub3A_839 = arith.constant 1 : i32
        %sub3A_840 = arith.subi %div3A_819, %sub3A_839 : i32
        %select_n3A_841 = arith.select %and3A_838, %sub3A_840, %div3A_819 : i32
        %jit3A_842 = arith.constant 8 : i32
        %eq3A_843 = arith.constant 0 : i32
        %eq3A_844 = arith.cmpi eq, %jit3A_842, %eq3A_843 : i32
        %jit3A_845 = arith.constant 1 : i32
        %select_n3A_846 = arith.select %eq3A_844, %jit3A_845, %jit3A_842 : i32
        %rem3A_847 = arith.remsi %scan3A_814, %select_n3A_846 : i32
        %ne3A_848 = arith.constant 0 : i32
        %ne3A_849 = arith.cmpi ne, %rem3A_847, %ne3A_848 : i32
        %lt3A_850 = arith.constant 0 : i32
        %lt3A_851 = arith.cmpi slt, %rem3A_847, %lt3A_850 : i32
        %lt3A_852 = arith.constant 0 : i32
        %lt3A_853 = arith.cmpi slt, %select_n3A_846, %lt3A_852 : i32
        %ne3A_854 = arith.xori %lt3A_851, %lt3A_853 : i1
        %and3A_855 = arith.andi %ne3A_854, %ne3A_849 : i1
        %add3A_856 = arith.addi %rem3A_847, %select_n3A_846 : i32
        %select_n3A_857 = arith.select %and3A_855, %add3A_856, %rem3A_847 : i32
        %mul3A_858 = arith.constant 16 : i32
        %mul3A_859 = arith.muli %select_n3A_857, %mul3A_858 : i32
        %broadcast_in_dim3A = arith.constant 0 : i32
        %broadcast_in_dim3A_860 = vector.broadcast %broadcast_in_dim3A : i32 to vector<16xi32>
        %gather3A = tpu.vector_load_idx %arg5[%broadcast_in_dim3A_860, %get3A_817] : memref<2x23296xf32, #tpu.memory_space<vmem>>[vector<16xi32>, vector<16xi32>], vector<16xf32>,
        %swap3A = arith.constant 0 : i32
        %swap3A_861 = arith.index_cast %select_n3A_841 : i32 to index
        %swap3A_862 = arith.index_cast %swap3A : i32 to index
        %swap3A_863 = arith.index_cast %mul3A_859 : i32 to index
        %swap3A_864 = tpu.vector_load %arg10[%swap3A_861, %swap3A_862, %swap3A_863] {strides = array<i32>} : memref<8x2x128xf32, #tpu.memory_space<vmem>>, vector<16xf32>,
        tpu.vector_store %arg10[%swap3A_861, %swap3A_862, %swap3A_863], %gather3A {strides = array<i32>} : memref<8x2x128xf32, #tpu.memory_space<vmem>>, vector<16xf32>,
        %broadcast_in_dim3A_865 = arith.constant 1 : i32
        %broadcast_in_dim3A_866 = vector.broadcast %broadcast_in_dim3A_865 : i32 to vector<16xi32>
        %gather3A_867 = tpu.vector_load_idx %arg5[%broadcast_in_dim3A_866, %get3A_817] : memref<2x23296xf32, #tpu.memory_space<vmem>>[vector<16xi32>, vector<16xi32>], vector<16xf32>,
        %swap3A_868 = arith.constant 1 : i32
        %swap3A_869 = arith.index_cast %select_n3A_841 : i32 to index
        %swap3A_870 = arith.index_cast %swap3A_868 : i32 to index
        %swap3A_871 = arith.index_cast %mul3A_859 : i32 to index
        %swap3A_872 = tpu.vector_load %arg10[%swap3A_869, %swap3A_870, %swap3A_871] {strides = array<i32>} : memref<8x2x128xf32, #tpu.memory_space<vmem>>, vector<16xf32>,
        tpu.vector_store %arg10[%swap3A_869, %swap3A_870, %swap3A_871], %gather3A_867 {strides = array<i32>} : memref<8x2x128xf32, #tpu.memory_space<vmem>>, vector<16xf32>,
        %scan3A_873 = arith.constant 1 : i32
        %scan3A_874 = arith.addi %scan3A_814, %scan3A_873 : i32
        %mul3A_875 = arith.constant 16 : i32
        %mul3A_876 = arith.muli %scan3A_874, %mul3A_875 : i32
        %get3A_877 = arith.index_cast %mul3A_876 : i32 to index
        %get3A_878 = tpu.vector_load %arg8[%get3A_877] {strides = array<i32>} : memref<1024xi32, #tpu.memory_space<vmem>>, vector<16xi32>,
        %jit3A_879 = arith.constant 8 : i32
        %div3A_880 = arith.divsi %scan3A_874, %jit3A_879 : i32
        %sign3A_881 = arith.constant 0 : i32
        %sign3A_882 = arith.cmpi sgt, %scan3A_874, %sign3A_881 : i32
        %sign3A_883 = arith.extui %sign3A_882 : i1 to i32
        %sign3A_884 = arith.constant 0 : i32
        %sign3A_885 = arith.cmpi slt, %scan3A_874, %sign3A_884 : i32
        %sign3A_886 = arith.extui %sign3A_885 : i1 to i32
        %sign3A_887 = arith.subi %sign3A_883, %sign3A_886 : i32
        %sign3A_888 = arith.constant 0 : i32
        %sign3A_889 = arith.cmpi sgt, %jit3A_879, %sign3A_888 : i32
        %sign3A_890 = arith.extui %sign3A_889 : i1 to i32
        %sign3A_891 = arith.constant 0 : i32
        %sign3A_892 = arith.cmpi slt, %jit3A_879, %sign3A_891 : i32
        %sign3A_893 = arith.extui %sign3A_892 : i1 to i32
        %sign3A_894 = arith.subi %sign3A_890, %sign3A_893 : i32
        %ne3A_895 = arith.cmpi ne, %sign3A_887, %sign3A_894 : i32
        %rem3A_896 = arith.remsi %scan3A_874, %jit3A_879 : i32
        %ne3A_897 = arith.constant 0 : i32
        %ne3A_898 = arith.cmpi ne, %rem3A_896, %ne3A_897 : i32
        %and3A_899 = arith.andi %ne3A_895, %ne3A_898 : i1
        %sub3A_900 = arith.constant 1 : i32
        %sub3A_901 = arith.subi %div3A_880, %sub3A_900 : i32
        %select_n3A_902 = arith.select %and3A_899, %sub3A_901, %div3A_880 : i32
        %jit3A_903 = arith.constant 8 : i32
        %eq3A_904 = arith.constant 0 : i32
        %eq3A_905 = arith.cmpi eq, %jit3A_903, %eq3A_904 : i32
        %jit3A_906 = arith.constant 1 : i32
        %select_n3A_907 = arith.select %eq3A_905, %jit3A_906, %jit3A_903 : i32
        %rem3A_908 = arith.remsi %scan3A_874, %select_n3A_907 : i32
        %ne3A_909 = arith.constant 0 : i32
        %ne3A_910 = arith.cmpi ne, %rem3A_908, %ne3A_909 : i32
        %lt3A_911 = arith.constant 0 : i32
        %lt3A_912 = arith.cmpi slt, %rem3A_908, %lt3A_911 : i32
        %lt3A_913 = arith.constant 0 : i32
        %lt3A_914 = arith.cmpi slt, %select_n3A_907, %lt3A_913 : i32
        %ne3A_915 = arith.xori %lt3A_912, %lt3A_914 : i1
        %and3A_916 = arith.andi %ne3A_915, %ne3A_910 : i1
        %add3A_917 = arith.addi %rem3A_908, %select_n3A_907 : i32
        %select_n3A_918 = arith.select %and3A_916, %add3A_917, %rem3A_908 : i32
        %mul3A_919 = arith.constant 16 : i32
        %mul3A_920 = arith.muli %select_n3A_918, %mul3A_919 : i32
        %broadcast_in_dim3A_921 = arith.constant 0 : i32
        %broadcast_in_dim3A_922 = vector.broadcast %broadcast_in_dim3A_921 : i32 to vector<16xi32>
        %gather3A_923 = tpu.vector_load_idx %arg5[%broadcast_in_dim3A_922, %get3A_878] : memref<2x23296xf32, #tpu.memory_space<vmem>>[vector<16xi32>, vector<16xi32>], vector<16xf32>,
        %swap3A_924 = arith.constant 0 : i32
        %swap3A_925 = arith.index_cast %select_n3A_902 : i32 to index
        %swap3A_926 = arith.index_cast %swap3A_924 : i32 to index
        %swap3A_927 = arith.index_cast %mul3A_920 : i32 to index
        %swap3A_928 = tpu.vector_load %arg10[%swap3A_925, %swap3A_926, %swap3A_927] {strides = array<i32>} : memref<8x2x128xf32, #tpu.memory_space<vmem>>, vector<16xf32>,
        tpu.vector_store %arg10[%swap3A_925, %swap3A_926, %swap3A_927], %gather3A_923 {strides = array<i32>} : memref<8x2x128xf32, #tpu.memory_space<vmem>>, vector<16xf32>,
        %broadcast_in_dim3A_929 = arith.constant 1 : i32
        %broadcast_in_dim3A_930 = vector.broadcast %broadcast_in_dim3A_929 : i32 to vector<16xi32>
        %gather3A_931 = tpu.vector_load_idx %arg5[%broadcast_in_dim3A_930, %get3A_878] : memref<2x23296xf32, #tpu.memory_space<vmem>>[vector<16xi32>, vector<16xi32>], vector<16xf32>,
        %swap3A_932 = arith.constant 1 : i32
        %swap3A_933 = arith.index_cast %select_n3A_902 : i32 to index
        %swap3A_934 = arith.index_cast %swap3A_932 : i32 to index
        %swap3A_935 = arith.index_cast %mul3A_920 : i32 to index
        %swap3A_936 = tpu.vector_load %arg10[%swap3A_933, %swap3A_934, %swap3A_935] {strides = array<i32>} : memref<8x2x128xf32, #tpu.memory_space<vmem>>, vector<16xf32>,
        tpu.vector_store %arg10[%swap3A_933, %swap3A_934, %swap3A_935], %gather3A_931 {strides = array<i32>} : memref<8x2x128xf32, #tpu.memory_space<vmem>>, vector<16xf32>,
        %scan3A_937 = arith.constant 2 : i32
        %scan3A_938 = arith.addi %scan3A_814, %scan3A_937 : i32
        %mul3A_939 = arith.constant 16 : i32
        %mul3A_940 = arith.muli %scan3A_938, %mul3A_939 : i32
        %get3A_941 = arith.index_cast %mul3A_940 : i32 to index
        %get3A_942 = tpu.vector_load %arg8[%get3A_941] {strides = array<i32>} : memref<1024xi32, #tpu.memory_space<vmem>>, vector<16xi32>,
        %jit3A_943 = arith.constant 8 : i32
        %div3A_944 = arith.divsi %scan3A_938, %jit3A_943 : i32
        %sign3A_945 = arith.constant 0 : i32
        %sign3A_946 = arith.cmpi sgt, %scan3A_938, %sign3A_945 : i32
        %sign3A_947 = arith.extui %sign3A_946 : i1 to i32
        %sign3A_948 = arith.constant 0 : i32
        %sign3A_949 = arith.cmpi slt, %scan3A_938, %sign3A_948 : i32
        %sign3A_950 = arith.extui %sign3A_949 : i1 to i32
        %sign3A_951 = arith.subi %sign3A_947, %sign3A_950 : i32
        %sign3A_952 = arith.constant 0 : i32
        %sign3A_953 = arith.cmpi sgt, %jit3A_943, %sign3A_952 : i32
        %sign3A_954 = arith.extui %sign3A_953 : i1 to i32
        %sign3A_955 = arith.constant 0 : i32
        %sign3A_956 = arith.cmpi slt, %jit3A_943, %sign3A_955 : i32
        %sign3A_957 = arith.extui %sign3A_956 : i1 to i32
        %sign3A_958 = arith.subi %sign3A_954, %sign3A_957 : i32
        %ne3A_959 = arith.cmpi ne, %sign3A_951, %sign3A_958 : i32
        %rem3A_960 = arith.remsi %scan3A_938, %jit3A_943 : i32
        %ne3A_961 = arith.constant 0 : i32
        %ne3A_962 = arith.cmpi ne, %rem3A_960, %ne3A_961 : i32
        %and3A_963 = arith.andi %ne3A_959, %ne3A_962 : i1
        %sub3A_964 = arith.constant 1 : i32
        %sub3A_965 = arith.subi %div3A_944, %sub3A_964 : i32
        %select_n3A_966 = arith.select %and3A_963, %sub3A_965, %div3A_944 : i32
        %jit3A_967 = arith.constant 8 : i32
        %eq3A_968 = arith.constant 0 : i32
        %eq3A_969 = arith.cmpi eq, %jit3A_967, %eq3A_968 : i32
        %jit3A_970 = arith.constant 1 : i32
        %select_n3A_971 = arith.select %eq3A_969, %jit3A_970, %jit3A_967 : i32
        %rem3A_972 = arith.remsi %scan3A_938, %select_n3A_971 : i32
        %ne3A_973 = arith.constant 0 : i32
        %ne3A_974 = arith.cmpi ne, %rem3A_972, %ne3A_973 : i32
        %lt3A_975 = arith.constant 0 : i32
        %lt3A_976 = arith.cmpi slt, %rem3A_972, %lt3A_975 : i32
        %lt3A_977 = arith.constant 0 : i32
        %lt3A_978 = arith.cmpi slt, %select_n3A_971, %lt3A_977 : i32
        %ne3A_979 = arith.xori %lt3A_976, %lt3A_978 : i1
        %and3A_980 = arith.andi %ne3A_979, %ne3A_974 : i1
        %add3A_981 = arith.addi %rem3A_972, %select_n3A_971 : i32
        %select_n3A_982 = arith.select %and3A_980, %add3A_981, %rem3A_972 : i32
        %mul3A_983 = arith.constant 16 : i32
        %mul3A_984 = arith.muli %select_n3A_982, %mul3A_983 : i32
        %broadcast_in_dim3A_985 = arith.constant 0 : i32
        %broadcast_in_dim3A_986 = vector.broadcast %broadcast_in_dim3A_985 : i32 to vector<16xi32>
        %gather3A_987 = tpu.vector_load_idx %arg5[%broadcast_in_dim3A_986, %get3A_942] : memref<2x23296xf32, #tpu.memory_space<vmem>>[vector<16xi32>, vector<16xi32>], vector<16xf32>,
        %swap3A_988 = arith.constant 0 : i32
        %swap3A_989 = arith.index_cast %select_n3A_966 : i32 to index
        %swap3A_990 = arith.index_cast %swap3A_988 : i32 to index
        %swap3A_991 = arith.index_cast %mul3A_984 : i32 to index
        %swap3A_992 = tpu.vector_load %arg10[%swap3A_989, %swap3A_990, %swap3A_991] {strides = array<i32>} : memref<8x2x128xf32, #tpu.memory_space<vmem>>, vector<16xf32>,
        tpu.vector_store %arg10[%swap3A_989, %swap3A_990, %swap3A_991], %gather3A_987 {strides = array<i32>} : memref<8x2x128xf32, #tpu.memory_space<vmem>>, vector<16xf32>,
        %broadcast_in_dim3A_993 = arith.constant 1 : i32
        %broadcast_in_dim3A_994 = vector.broadcast %broadcast_in_dim3A_993 : i32 to vector<16xi32>
        %gather3A_995 = tpu.vector_load_idx %arg5[%broadcast_in_dim3A_994, %get3A_942] : memref<2x23296xf32, #tpu.memory_space<vmem>>[vector<16xi32>, vector<16xi32>], vector<16xf32>,
        %swap3A_996 = arith.constant 1 : i32
        %swap3A_997 = arith.index_cast %select_n3A_966 : i32 to index
        %swap3A_998 = arith.index_cast %swap3A_996 : i32 to index
        %swap3A_999 = arith.index_cast %mul3A_984 : i32 to index
        %swap3A_1000 = tpu.vector_load %arg10[%swap3A_997, %swap3A_998, %swap3A_999] {strides = array<i32>} : memref<8x2x128xf32, #tpu.memory_space<vmem>>, vector<16xf32>,
        tpu.vector_store %arg10[%swap3A_997, %swap3A_998, %swap3A_999], %gather3A_995 {strides = array<i32>} : memref<8x2x128xf32, #tpu.memory_space<vmem>>, vector<16xf32>,
        %scan3A_1001 = arith.constant 3 : i32
        %scan3A_1002 = arith.addi %scan3A_814, %scan3A_1001 : i32
        %mul3A_1003 = arith.constant 16 : i32
        %mul3A_1004 = arith.muli %scan3A_1002, %mul3A_1003 : i32
        %get3A_1005 = arith.index_cast %mul3A_1004 : i32 to index
        %get3A_1006 = tpu.vector_load %arg8[%get3A_1005] {strides = array<i32>} : memref<1024xi32, #tpu.memory_space<vmem>>, vector<16xi32>,
        %jit3A_1007 = arith.constant 8 : i32
        %div3A_1008 = arith.divsi %scan3A_1002, %jit3A_1007 : i32
        %sign3A_1009 = arith.constant 0 : i32
        %sign3A_1010 = arith.cmpi sgt, %scan3A_1002, %sign3A_1009 : i32
        %sign3A_1011 = arith.extui %sign3A_1010 : i1 to i32
        %sign3A_1012 = arith.constant 0 : i32
        %sign3A_1013 = arith.cmpi slt, %scan3A_1002, %sign3A_1012 : i32
        %sign3A_1014 = arith.extui %sign3A_1013 : i1 to i32
        %sign3A_1015 = arith.subi %sign3A_1011, %sign3A_1014 : i32
        %sign3A_1016 = arith.constant 0 : i32
        %sign3A_1017 = arith.cmpi sgt, %jit3A_1007, %sign3A_1016 : i32
        %sign3A_1018 = arith.extui %sign3A_1017 : i1 to i32
        %sign3A_1019 = arith.constant 0 : i32
        %sign3A_1020 = arith.cmpi slt, %jit3A_1007, %sign3A_1019 : i32
        %sign3A_1021 = arith.extui %sign3A_1020 : i1 to i32
        %sign3A_1022 = arith.subi %sign3A_1018, %sign3A_1021 : i32
        %ne3A_1023 = arith.cmpi ne, %sign3A_1015, %sign3A_1022 : i32
        %rem3A_1024 = arith.remsi %scan3A_1002, %jit3A_1007 : i32
        %ne3A_1025 = arith.constant 0 : i32
        %ne3A_1026 = arith.cmpi ne, %rem3A_1024, %ne3A_1025 : i32
        %and3A_1027 = arith.andi %ne3A_1023, %ne3A_1026 : i1
        %sub3A_1028 = arith.constant 1 : i32
        %sub3A_1029 = arith.subi %div3A_1008, %sub3A_1028 : i32
        %select_n3A_1030 = arith.select %and3A_1027, %sub3A_1029, %div3A_1008 : i32
        %jit3A_1031 = arith.constant 8 : i32
        %eq3A_1032 = arith.constant 0 : i32
        %eq3A_1033 = arith.cmpi eq, %jit3A_1031, %eq3A_1032 : i32
        %jit3A_1034 = arith.constant 1 : i32
        %select_n3A_1035 = arith.select %eq3A_1033, %jit3A_1034, %jit3A_1031 : i32
        %rem3A_1036 = arith.remsi %scan3A_1002, %select_n3A_1035 : i32
        %ne3A_1037 = arith.constant 0 : i32
        %ne3A_1038 = arith.cmpi ne, %rem3A_1036, %ne3A_1037 : i32
        %lt3A_1039 = arith.constant 0 : i32
        %lt3A_1040 = arith.cmpi slt, %rem3A_1036, %lt3A_1039 : i32
        %lt3A_1041 = arith.constant 0 : i32
        %lt3A_1042 = arith.cmpi slt, %select_n3A_1035, %lt3A_1041 : i32
        %ne3A_1043 = arith.xori %lt3A_1040, %lt3A_1042 : i1
        %and3A_1044 = arith.andi %ne3A_1043, %ne3A_1038 : i1
        %add3A_1045 = arith.addi %rem3A_1036, %select_n3A_1035 : i32
        %select_n3A_1046 = arith.select %and3A_1044, %add3A_1045, %rem3A_1036 : i32
        %mul3A_1047 = arith.constant 16 : i32
        %mul3A_1048 = arith.muli %select_n3A_1046, %mul3A_1047 : i32
        %broadcast_in_dim3A_1049 = arith.constant 0 : i32
        %broadcast_in_dim3A_1050 = vector.broadcast %broadcast_in_dim3A_1049 : i32 to vector<16xi32>
        %gather3A_1051 = tpu.vector_load_idx %arg5[%broadcast_in_dim3A_1050, %get3A_1006] : memref<2x23296xf32, #tpu.memory_space<vmem>>[vector<16xi32>, vector<16xi32>], vector<16xf32>,
        %swap3A_1052 = arith.constant 0 : i32
        %swap3A_1053 = arith.index_cast %select_n3A_1030 : i32 to index
        %swap3A_1054 = arith.index_cast %swap3A_1052 : i32 to index
        %swap3A_1055 = arith.index_cast %mul3A_1048 : i32 to index
        %swap3A_1056 = tpu.vector_load %arg10[%swap3A_1053, %swap3A_1054, %swap3A_1055] {strides = array<i32>} : memref<8x2x128xf32, #tpu.memory_space<vmem>>, vector<16xf32>,
        tpu.vector_store %arg10[%swap3A_1053, %swap3A_1054, %swap3A_1055], %gather3A_1051 {strides = array<i32>} : memref<8x2x128xf32, #tpu.memory_space<vmem>>, vector<16xf32>,
        %broadcast_in_dim3A_1057 = arith.constant 1 : i32
        %broadcast_in_dim3A_1058 = vector.broadcast %broadcast_in_dim3A_1057 : i32 to vector<16xi32>
        %gather3A_1059 = tpu.vector_load_idx %arg5[%broadcast_in_dim3A_1058, %get3A_1006] : memref<2x23296xf32, #tpu.memory_space<vmem>>[vector<16xi32>, vector<16xi32>], vector<16xf32>,
        %swap3A_1060 = arith.constant 1 : i32
        %swap3A_1061 = arith.index_cast %select_n3A_1030 : i32 to index
        %swap3A_1062 = arith.index_cast %swap3A_1060 : i32 to index
        %swap3A_1063 = arith.index_cast %mul3A_1048 : i32 to index
        %swap3A_1064 = tpu.vector_load %arg10[%swap3A_1061, %swap3A_1062, %swap3A_1063] {strides = array<i32>} : memref<8x2x128xf32, #tpu.memory_space<vmem>>, vector<16xf32>,
        tpu.vector_store %arg10[%swap3A_1061, %swap3A_1062, %swap3A_1063], %gather3A_1059 {strides = array<i32>} : memref<8x2x128xf32, #tpu.memory_space<vmem>>, vector<16xf32>,
      }
      %scan3A_472 = arith.constant 64 : i32
      %mul3A_473 = arith.constant 2 : i32
      %mul3A_474 = arith.muli %select_n3A_357, %mul3A_473 : i32
      %dma_start3A_475 = arith.constant 1 : i32
      %dma_start3A_476 = arith.constant 0 : i32
      %dma_start3A_477 = arith.constant 0 : i32
      %dma_start3A_478 = tpu.memref_slice %arg4[%dma_start3A_475, %select_n3A_341, %dma_start3A_476, %mul3A_474, %dma_start3A_477] : memref<50x216x8x8x128xf32, #tpu.memory_space<hbm>> -> memref<1x1x8x2x128xf32, #tpu.memory_space<hbm>>
      %dma_start3A_479 = tpu.memref_squeeze %dma_start3A_478 : memref<1x1x8x2x128xf32, #tpu.memory_space<hbm>> -> memref<8x2x128xf32, #tpu.memory_space<hbm>>
      %dma_start3A_480 = arith.constant 0 : i32
      %dma_start3A_481 = arith.constant 0 : i32
      %dma_start3A_482 = tpu.memref_slice %arg4[%dma_start3A_475, %select_n3A_341, %dma_start3A_480, %mul3A_474, %dma_start3A_481] : memref<50x216x8x8x128xf32, #tpu.memory_space<hbm>> -> memref<1x1x8x2x128xf32, #tpu.memory_space<hbm>>
      %dma_start3A_483 = tpu.memref_squeeze %dma_start3A_482 : memref<1x1x8x2x128xf32, #tpu.memory_space<hbm>> -> memref<8x2x128xf32, #tpu.memory_space<hbm>>
      tpu.enqueue_dma source(%arg10 : memref<8x2x128xf32, #tpu.memory_space<vmem>>) target(%dma_start3A_483 : memref<8x2x128xf32, #tpu.memory_space<hbm>>) target_semaphore(%arg16 : memref<!tpu.dma_semaphore, #tpu.memory_space<semaphore_mem>>)
      %dma_start3A_484 = arith.constant 3 : i32
      %dma_start3A_485 = arith.constant 0 : i32
      %dma_start3A_486 = tpu.memref_slice %arg2[%dma_start3A_484, %dma_start3A_485] : memref<50x1024xi32, #tpu.memory_space<hbm>> -> memref<1x1024xi32, #tpu.memory_space<hbm>>
      %dma_start3A_487 = tpu.memref_squeeze %dma_start3A_486 : memref<1x1024xi32, #tpu.memory_space<hbm>> -> memref<1024xi32, #tpu.memory_space<hbm>>
      %dma_start3A_488 = arith.constant 0 : i32
      %dma_start3A_489 = tpu.memref_slice %arg2[%dma_start3A_484, %dma_start3A_488] : memref<50x1024xi32, #tpu.memory_space<hbm>> -> memref<1x1024xi32, #tpu.memory_space<hbm>>
      %dma_start3A_490 = tpu.memref_squeeze %dma_start3A_489 : memref<1x1024xi32, #tpu.memory_space<hbm>> -> memref<1024xi32, #tpu.memory_space<hbm>>
      tpu.enqueue_dma source(%dma_start3A_490 : memref<1024xi32, #tpu.memory_space<hbm>>) target(%arg8 : memref<1024xi32, #tpu.memory_space<vmem>>) target_semaphore(%arg14 : memref<!tpu.dma_semaphore, #tpu.memory_space<semaphore_mem>>)
      %scan3A_491 = arith.constant 0 : i32
      %scan3A_492 = arith.constant 1 : i32
      %scan3A_493 = arith.constant 24 : i32
      %scan3A_494 = arith.addi %scan3A_492, %scan3A_493 : i32
      %scan3A_495 = arith.constant 1 : i32
      scf.for %scan3A_814 = %scan3A_492 to %scan3A_494 step %scan3A_495  : i32 {
        %mul3A_815 = arith.constant 2 : i32
        %mul3A_816 = arith.muli %mul3A_815, %scan3A_814 : i32
        %mul3A_817 = arith.constant 2 : i32
        %mul3A_818 = arith.muli %select_n3A_357, %mul3A_817 : i32
        %dma_wait3A_819 = arith.constant 0 : i32
        %dma_wait3A_820 = arith.constant 0 : i32
        %dma_wait3A_821 = arith.constant 0 : i32
        %dma_wait3A_822 = tpu.memref_slice %arg4[%dma_wait3A_819, %select_n3A_341, %dma_wait3A_820, %mul3A_818, %dma_wait3A_821] : memref<50x216x8x8x128xf32, #tpu.memory_space<hbm>> -> memref<1x1x8x2x128xf32, #tpu.memory_space<hbm>>
        %dma_wait3A_823 = tpu.memref_squeeze %dma_wait3A_822 : memref<1x1x8x2x128xf32, #tpu.memory_space<hbm>> -> memref<8x2x128xf32, #tpu.memory_space<hbm>>
        %dma_wait3A_824 = arith.constant 0 : i32
        %dma_wait3A_825 = arith.constant 0 : i32
        %dma_wait3A_826 = tpu.memref_slice %arg4[%dma_wait3A_819, %select_n3A_341, %dma_wait3A_824, %mul3A_818, %dma_wait3A_825] : memref<50x216x8x8x128xf32, #tpu.memory_space<hbm>> -> memref<1x1x8x2x128xf32, #tpu.memory_space<hbm>>
        %dma_wait3A_827 = tpu.memref_squeeze %dma_wait3A_826 : memref<1x1x8x2x128xf32, #tpu.memory_space<hbm>> -> memref<8x2x128xf32, #tpu.memory_space<hbm>>
        tpu.wait_dma2 semaphore(%arg15 : memref<!tpu.dma_semaphore, #tpu.memory_space<semaphore_mem>>) src(%arg9 : memref<8x2x128xf32, #tpu.memory_space<vmem>>) dst(%dma_wait3A_827 : memref<8x2x128xf32, #tpu.memory_space<hbm>>)
        %dma_wait3A_828 = arith.constant 0 : i32
        %dma_wait3A_829 = tpu.memref_slice %arg2[%mul3A_816, %dma_wait3A_828] : memref<50x1024xi32, #tpu.memory_space<hbm>> -> memref<1x1024xi32, #tpu.memory_space<hbm>>
        %dma_wait3A_830 = tpu.memref_squeeze %dma_wait3A_829 : memref<1x1024xi32, #tpu.memory_space<hbm>> -> memref<1024xi32, #tpu.memory_space<hbm>>
        %dma_wait3A_831 = arith.constant 0 : i32
        %dma_wait3A_832 = tpu.memref_slice %arg2[%mul3A_816, %dma_wait3A_831] : memref<50x1024xi32, #tpu.memory_space<hbm>> -> memref<1x1024xi32, #tpu.memory_space<hbm>>
        %dma_wait3A_833 = tpu.memref_squeeze %dma_wait3A_832 : memref<1x1024xi32, #tpu.memory_space<hbm>> -> memref<1024xi32, #tpu.memory_space<hbm>>
        tpu.wait_dma2 semaphore(%arg13 : memref<!tpu.dma_semaphore, #tpu.memory_space<semaphore_mem>>) src(%dma_wait3A_833 : memref<1024xi32, #tpu.memory_space<hbm>>) dst(%arg7 : memref<1024xi32, #tpu.memory_space<vmem>>)
        %scan3A_834 = arith.constant 0 : i32
        %scan3A_835 = arith.constant 0 : i32
        %scan3A_836 = arith.constant 64 : i32
        %scan3A_837 = arith.addi %scan3A_835, %scan3A_836 : i32
        %scan3A_838 = arith.constant 4 : i32
        scf.for %scan3A_904 = %scan3A_835 to %scan3A_837 step %scan3A_838  : i32 {
          %mul3A_905 = arith.constant 16 : i32
          %mul3A_906 = arith.muli %scan3A_904, %mul3A_905 : i32
          %get3A = arith.index_cast %mul3A_906 : i32 to index
          %get3A_907 = tpu.vector_load %arg7[%get3A] {strides = array<i32>} : memref<1024xi32, #tpu.memory_space<vmem>>, vector<16xi32>,
          %jit3A_908 = arith.constant 8 : i32
          %div3A_909 = arith.divsi %scan3A_904, %jit3A_908 : i32
          %sign3A_910 = arith.constant 0 : i32
          %sign3A_911 = arith.cmpi sgt, %scan3A_904, %sign3A_910 : i32
          %sign3A_912 = arith.extui %sign3A_911 : i1 to i32
          %sign3A_913 = arith.constant 0 : i32
          %sign3A_914 = arith.cmpi slt, %scan3A_904, %sign3A_913 : i32
          %sign3A_915 = arith.extui %sign3A_914 : i1 to i32
          %sign3A_916 = arith.subi %sign3A_912, %sign3A_915 : i32
          %sign3A_917 = arith.constant 0 : i32
          %sign3A_918 = arith.cmpi sgt, %jit3A_908, %sign3A_917 : i32
          %sign3A_919 = arith.extui %sign3A_918 : i1 to i32
          %sign3A_920 = arith.constant 0 : i32
          %sign3A_921 = arith.cmpi slt, %jit3A_908, %sign3A_920 : i32
          %sign3A_922 = arith.extui %sign3A_921 : i1 to i32
          %sign3A_923 = arith.subi %sign3A_919, %sign3A_922 : i32
          %ne3A_924 = arith.cmpi ne, %sign3A_916, %sign3A_923 : i32
          %rem3A_925 = arith.remsi %scan3A_904, %jit3A_908 : i32
          %ne3A_926 = arith.constant 0 : i32
          %ne3A_927 = arith.cmpi ne, %rem3A_925, %ne3A_926 : i32
          %and3A_928 = arith.andi %ne3A_924, %ne3A_927 : i1
          %sub3A_929 = arith.constant 1 : i32
          %sub3A_930 = arith.subi %div3A_909, %sub3A_929 : i32
          %select_n3A_931 = arith.select %and3A_928, %sub3A_930, %div3A_909 : i32
          %jit3A_932 = arith.constant 8 : i32
          %eq3A_933 = arith.constant 0 : i32
          %eq3A_934 = arith.cmpi eq, %jit3A_932, %eq3A_933 : i32
          %jit3A_935 = arith.constant 1 : i32
          %select_n3A_936 = arith.select %eq3A_934, %jit3A_935, %jit3A_932 : i32
          %rem3A_937 = arith.remsi %scan3A_904, %select_n3A_936 : i32
          %ne3A_938 = arith.constant 0 : i32
          %ne3A_939 = arith.cmpi ne, %rem3A_937, %ne3A_938 : i32
          %lt3A_940 = arith.constant 0 : i32
          %lt3A_941 = arith.cmpi slt, %rem3A_937, %lt3A_940 : i32
          %lt3A_942 = arith.constant 0 : i32
          %lt3A_943 = arith.cmpi slt, %select_n3A_936, %lt3A_942 : i32
          %ne3A_944 = arith.xori %lt3A_941, %lt3A_943 : i1
          %and3A_945 = arith.andi %ne3A_944, %ne3A_939 : i1
          %add3A_946 = arith.addi %rem3A_937, %select_n3A_936 : i32
          %select_n3A_947 = arith.select %and3A_945, %add3A_946, %rem3A_937 : i32
          %mul3A_948 = arith.constant 16 : i32
          %mul3A_949 = arith.muli %select_n3A_947, %mul3A_948 : i32
          %broadcast_in_dim3A = arith.constant 0 : i32
          %broadcast_in_dim3A_950 = vector.broadcast %broadcast_in_dim3A : i32 to vector<16xi32>
          %gather3A = tpu.vector_load_idx %arg5[%broadcast_in_dim3A_950, %get3A_907] : memref<2x23296xf32, #tpu.memory_space<vmem>>[vector<16xi32>, vector<16xi32>], vector<16xf32>,
          %swap3A = arith.constant 0 : i32
          %swap3A_951 = arith.index_cast %select_n3A_931 : i32 to index
          %swap3A_952 = arith.index_cast %swap3A : i32 to index
          %swap3A_953 = arith.index_cast %mul3A_949 : i32 to index
          %swap3A_954 = tpu.vector_load %arg9[%swap3A_951, %swap3A_952, %swap3A_953] {strides = array<i32>} : memref<8x2x128xf32, #tpu.memory_space<vmem>>, vector<16xf32>,
          tpu.vector_store %arg9[%swap3A_951, %swap3A_952, %swap3A_953], %gather3A {strides = array<i32>} : memref<8x2x128xf32, #tpu.memory_space<vmem>>, vector<16xf32>,
          %broadcast_in_dim3A_955 = arith.constant 1 : i32
          %broadcast_in_dim3A_956 = vector.broadcast %broadcast_in_dim3A_955 : i32 to vector<16xi32>
          %gather3A_957 = tpu.vector_load_idx %arg5[%broadcast_in_dim3A_956, %get3A_907] : memref<2x23296xf32, #tpu.memory_space<vmem>>[vector<16xi32>, vector<16xi32>], vector<16xf32>,
          %swap3A_958 = arith.constant 1 : i32
          %swap3A_959 = arith.index_cast %select_n3A_931 : i32 to index
          %swap3A_960 = arith.index_cast %swap3A_958 : i32 to index
          %swap3A_961 = arith.index_cast %mul3A_949 : i32 to index
          %swap3A_962 = tpu.vector_load %arg9[%swap3A_959, %swap3A_960, %swap3A_961] {strides = array<i32>} : memref<8x2x128xf32, #tpu.memory_space<vmem>>, vector<16xf32>,
          tpu.vector_store %arg9[%swap3A_959, %swap3A_960, %swap3A_961], %gather3A_957 {strides = array<i32>} : memref<8x2x128xf32, #tpu.memory_space<vmem>>, vector<16xf32>,
          %scan3A_963 = arith.constant 1 : i32
          %scan3A_964 = arith.addi %scan3A_904, %scan3A_963 : i32
          %mul3A_965 = arith.constant 16 : i32
          %mul3A_966 = arith.muli %scan3A_964, %mul3A_965 : i32
          %get3A_967 = arith.index_cast %mul3A_966 : i32 to index
          %get3A_968 = tpu.vector_load %arg7[%get3A_967] {strides = array<i32>} : memref<1024xi32, #tpu.memory_space<vmem>>, vector<16xi32>,
          %jit3A_969 = arith.constant 8 : i32
          %div3A_970 = arith.divsi %scan3A_964, %jit3A_969 : i32
          %sign3A_971 = arith.constant 0 : i32
          %sign3A_972 = arith.cmpi sgt, %scan3A_964, %sign3A_971 : i32
          %sign3A_973 = arith.extui %sign3A_972 : i1 to i32
          %sign3A_974 = arith.constant 0 : i32
          %sign3A_975 = arith.cmpi slt, %scan3A_964, %sign3A_974 : i32
          %sign3A_976 = arith.extui %sign3A_975 : i1 to i32
          %sign3A_977 = arith.subi %sign3A_973, %sign3A_976 : i32
          %sign3A_978 = arith.constant 0 : i32
          %sign3A_979 = arith.cmpi sgt, %jit3A_969, %sign3A_978 : i32
          %sign3A_980 = arith.extui %sign3A_979 : i1 to i32
          %sign3A_981 = arith.constant 0 : i32
          %sign3A_982 = arith.cmpi slt, %jit3A_969, %sign3A_981 : i32
          %sign3A_983 = arith.extui %sign3A_982 : i1 to i32
          %sign3A_984 = arith.subi %sign3A_980, %sign3A_983 : i32
          %ne3A_985 = arith.cmpi ne, %sign3A_977, %sign3A_984 : i32
          %rem3A_986 = arith.remsi %scan3A_964, %jit3A_969 : i32
          %ne3A_987 = arith.constant 0 : i32
          %ne3A_988 = arith.cmpi ne, %rem3A_986, %ne3A_987 : i32
          %and3A_989 = arith.andi %ne3A_985, %ne3A_988 : i1
          %sub3A_990 = arith.constant 1 : i32
          %sub3A_991 = arith.subi %div3A_970, %sub3A_990 : i32
          %select_n3A_992 = arith.select %and3A_989, %sub3A_991, %div3A_970 : i32
          %jit3A_993 = arith.constant 8 : i32
          %eq3A_994 = arith.constant 0 : i32
          %eq3A_995 = arith.cmpi eq, %jit3A_993, %eq3A_994 : i32
          %jit3A_996 = arith.constant 1 : i32
          %select_n3A_997 = arith.select %eq3A_995, %jit3A_996, %jit3A_993 : i32
          %rem3A_998 = arith.remsi %scan3A_964, %select_n3A_997 : i32
          %ne3A_999 = arith.constant 0 : i32
          %ne3A_1000 = arith.cmpi ne, %rem3A_998, %ne3A_999 : i32
          %lt3A_1001 = arith.constant 0 : i32
          %lt3A_1002 = arith.cmpi slt, %rem3A_998, %lt3A_1001 : i32
          %lt3A_1003 = arith.constant 0 : i32
          %lt3A_1004 = arith.cmpi slt, %select_n3A_997, %lt3A_1003 : i32
          %ne3A_1005 = arith.xori %lt3A_1002, %lt3A_1004 : i1
          %and3A_1006 = arith.andi %ne3A_1005, %ne3A_1000 : i1
          %add3A_1007 = arith.addi %rem3A_998, %select_n3A_997 : i32
          %select_n3A_1008 = arith.select %and3A_1006, %add3A_1007, %rem3A_998 : i32
          %mul3A_1009 = arith.constant 16 : i32
          %mul3A_1010 = arith.muli %select_n3A_1008, %mul3A_1009 : i32
          %broadcast_in_dim3A_1011 = arith.constant 0 : i32
          %broadcast_in_dim3A_1012 = vector.broadcast %broadcast_in_dim3A_1011 : i32 to vector<16xi32>
          %gather3A_1013 = tpu.vector_load_idx %arg5[%broadcast_in_dim3A_1012, %get3A_968] : memref<2x23296xf32, #tpu.memory_space<vmem>>[vector<16xi32>, vector<16xi32>], vector<16xf32>,
          %swap3A_1014 = arith.constant 0 : i32
          %swap3A_1015 = arith.index_cast %select_n3A_992 : i32 to index
          %swap3A_1016 = arith.index_cast %swap3A_1014 : i32 to index
          %swap3A_1017 = arith.index_cast %mul3A_1010 : i32 to index
          %swap3A_1018 = tpu.vector_load %arg9[%swap3A_1015, %swap3A_1016, %swap3A_1017] {strides = array<i32>} : memref<8x2x128xf32, #tpu.memory_space<vmem>>, vector<16xf32>,
          tpu.vector_store %arg9[%swap3A_1015, %swap3A_1016, %swap3A_1017], %gather3A_1013 {strides = array<i32>} : memref<8x2x128xf32, #tpu.memory_space<vmem>>, vector<16xf32>,
          %broadcast_in_dim3A_1019 = arith.constant 1 : i32
          %broadcast_in_dim3A_1020 = vector.broadcast %broadcast_in_dim3A_1019 : i32 to vector<16xi32>
          %gather3A_1021 = tpu.vector_load_idx %arg5[%broadcast_in_dim3A_1020, %get3A_968] : memref<2x23296xf32, #tpu.memory_space<vmem>>[vector<16xi32>, vector<16xi32>], vector<16xf32>,
          %swap3A_1022 = arith.constant 1 : i32
          %swap3A_1023 = arith.index_cast %select_n3A_992 : i32 to index
          %swap3A_1024 = arith.index_cast %swap3A_1022 : i32 to index
          %swap3A_1025 = arith.index_cast %mul3A_1010 : i32 to index
          %swap3A_1026 = tpu.vector_load %arg9[%swap3A_1023, %swap3A_1024, %swap3A_1025] {strides = array<i32>} : memref<8x2x128xf32, #tpu.memory_space<vmem>>, vector<16xf32>,
          tpu.vector_store %arg9[%swap3A_1023, %swap3A_1024, %swap3A_1025], %gather3A_1021 {strides = array<i32>} : memref<8x2x128xf32, #tpu.memory_space<vmem>>, vector<16xf32>,
          %scan3A_1027 = arith.constant 2 : i32
          %scan3A_1028 = arith.addi %scan3A_904, %scan3A_1027 : i32
          %mul3A_1029 = arith.constant 16 : i32
          %mul3A_1030 = arith.muli %scan3A_1028, %mul3A_1029 : i32
          %get3A_1031 = arith.index_cast %mul3A_1030 : i32 to index
          %get3A_1032 = tpu.vector_load %arg7[%get3A_1031] {strides = array<i32>} : memref<1024xi32, #tpu.memory_space<vmem>>, vector<16xi32>,
          %jit3A_1033 = arith.constant 8 : i32
          %div3A_1034 = arith.divsi %scan3A_1028, %jit3A_1033 : i32
          %sign3A_1035 = arith.constant 0 : i32
          %sign3A_1036 = arith.cmpi sgt, %scan3A_1028, %sign3A_1035 : i32
          %sign3A_1037 = arith.extui %sign3A_1036 : i1 to i32
          %sign3A_1038 = arith.constant 0 : i32
          %sign3A_1039 = arith.cmpi slt, %scan3A_1028, %sign3A_1038 : i32
          %sign3A_1040 = arith.extui %sign3A_1039 : i1 to i32
          %sign3A_1041 = arith.subi %sign3A_1037, %sign3A_1040 : i32
          %sign3A_1042 = arith.constant 0 : i32
          %sign3A_1043 = arith.cmpi sgt, %jit3A_1033, %sign3A_1042 : i32
          %sign3A_1044 = arith.extui %sign3A_1043 : i1 to i32
          %sign3A_1045 = arith.constant 0 : i32
          %sign3A_1046 = arith.cmpi slt, %jit3A_1033, %sign3A_1045 : i32
          %sign3A_1047 = arith.extui %sign3A_1046 : i1 to i32
          %sign3A_1048 = arith.subi %sign3A_1044, %sign3A_1047 : i32
          %ne3A_1049 = arith.cmpi ne, %sign3A_1041, %sign3A_1048 : i32
          %rem3A_1050 = arith.remsi %scan3A_1028, %jit3A_1033 : i32
          %ne3A_1051 = arith.constant 0 : i32
          %ne3A_1052 = arith.cmpi ne, %rem3A_1050, %ne3A_1051 : i32
          %and3A_1053 = arith.andi %ne3A_1049, %ne3A_1052 : i1
          %sub3A_1054 = arith.constant 1 : i32
          %sub3A_1055 = arith.subi %div3A_1034, %sub3A_1054 : i32
          %select_n3A_1056 = arith.select %and3A_1053, %sub3A_1055, %div3A_1034 : i32
          %jit3A_1057 = arith.constant 8 : i32
          %eq3A_1058 = arith.constant 0 : i32
          %eq3A_1059 = arith.cmpi eq, %jit3A_1057, %eq3A_1058 : i32
          %jit3A_1060 = arith.constant 1 : i32
          %select_n3A_1061 = arith.select %eq3A_1059, %jit3A_1060, %jit3A_1057 : i32
          %rem3A_1062 = arith.remsi %scan3A_1028, %select_n3A_1061 : i32
          %ne3A_1063 = arith.constant 0 : i32
          %ne3A_1064 = arith.cmpi ne, %rem3A_1062, %ne3A_1063 : i32
          %lt3A_1065 = arith.constant 0 : i32
          %lt3A_1066 = arith.cmpi slt, %rem3A_1062, %lt3A_1065 : i32
          %lt3A_1067 = arith.constant 0 : i32
          %lt3A_1068 = arith.cmpi slt, %select_n3A_1061, %lt3A_1067 : i32
          %ne3A_1069 = arith.xori %lt3A_1066, %lt3A_1068 : i1
          %and3A_1070 = arith.andi %ne3A_1069, %ne3A_1064 : i1
          %add3A_1071 = arith.addi %rem3A_1062, %select_n3A_1061 : i32
          %select_n3A_1072 = arith.select %and3A_1070, %add3A_1071, %rem3A_1062 : i32
          %mul3A_1073 = arith.constant 16 : i32
          %mul3A_1074 = arith.muli %select_n3A_1072, %mul3A_1073 : i32
          %broadcast_in_dim3A_1075 = arith.constant 0 : i32
          %broadcast_in_dim3A_1076 = vector.broadcast %broadcast_in_dim3A_1075 : i32 to vector<16xi32>
          %gather3A_1077 = tpu.vector_load_idx %arg5[%broadcast_in_dim3A_1076, %get3A_1032] : memref<2x23296xf32, #tpu.memory_space<vmem>>[vector<16xi32>, vector<16xi32>], vector<16xf32>,
          %swap3A_1078 = arith.constant 0 : i32
          %swap3A_1079 = arith.index_cast %select_n3A_1056 : i32 to index
          %swap3A_1080 = arith.index_cast %swap3A_1078 : i32 to index
          %swap3A_1081 = arith.index_cast %mul3A_1074 : i32 to index
          %swap3A_1082 = tpu.vector_load %arg9[%swap3A_1079, %swap3A_1080, %swap3A_1081] {strides = array<i32>} : memref<8x2x128xf32, #tpu.memory_space<vmem>>, vector<16xf32>,
          tpu.vector_store %arg9[%swap3A_1079, %swap3A_1080, %swap3A_1081], %gather3A_1077 {strides = array<i32>} : memref<8x2x128xf32, #tpu.memory_space<vmem>>, vector<16xf32>,
          %broadcast_in_dim3A_1083 = arith.constant 1 : i32
          %broadcast_in_dim3A_1084 = vector.broadcast %broadcast_in_dim3A_1083 : i32 to vector<16xi32>
          %gather3A_1085 = tpu.vector_load_idx %arg5[%broadcast_in_dim3A_1084, %get3A_1032] : memref<2x23296xf32, #tpu.memory_space<vmem>>[vector<16xi32>, vector<16xi32>], vector<16xf32>,
          %swap3A_1086 = arith.constant 1 : i32
          %swap3A_1087 = arith.index_cast %select_n3A_1056 : i32 to index
          %swap3A_1088 = arith.index_cast %swap3A_1086 : i32 to index
          %swap3A_1089 = arith.index_cast %mul3A_1074 : i32 to index
          %swap3A_1090 = tpu.vector_load %arg9[%swap3A_1087, %swap3A_1088, %swap3A_1089] {strides = array<i32>} : memref<8x2x128xf32, #tpu.memory_space<vmem>>, vector<16xf32>,
          tpu.vector_store %arg9[%swap3A_1087, %swap3A_1088, %swap3A_1089], %gather3A_1085 {strides = array<i32>} : memref<8x2x128xf32, #tpu.memory_space<vmem>>, vector<16xf32>,
          %scan3A_1091 = arith.constant 3 : i32
          %scan3A_1092 = arith.addi %scan3A_904, %scan3A_1091 : i32
          %mul3A_1093 = arith.constant 16 : i32
          %mul3A_1094 = arith.muli %scan3A_1092, %mul3A_1093 : i32
          %get3A_1095 = arith.index_cast %mul3A_1094 : i32 to index
          %get3A_1096 = tpu.vector_load %arg7[%get3A_1095] {strides = array<i32>} : memref<1024xi32, #tpu.memory_space<vmem>>, vector<16xi32>,
          %jit3A_1097 = arith.constant 8 : i32
          %div3A_1098 = arith.divsi %scan3A_1092, %jit3A_1097 : i32
          %sign3A_1099 = arith.constant 0 : i32
          %sign3A_1100 = arith.cmpi sgt, %scan3A_1092, %sign3A_1099 : i32
          %sign3A_1101 = arith.extui %sign3A_1100 : i1 to i32
          %sign3A_1102 = arith.constant 0 : i32
          %sign3A_1103 = arith.cmpi slt, %scan3A_1092, %sign3A_1102 : i32
          %sign3A_1104 = arith.extui %sign3A_1103 : i1 to i32
          %sign3A_1105 = arith.subi %sign3A_1101, %sign3A_1104 : i32
          %sign3A_1106 = arith.constant 0 : i32
          %sign3A_1107 = arith.cmpi sgt, %jit3A_1097, %sign3A_1106 : i32
          %sign3A_1108 = arith.extui %sign3A_1107 : i1 to i32
          %sign3A_1109 = arith.constant 0 : i32
          %sign3A_1110 = arith.cmpi slt, %jit3A_1097, %sign3A_1109 : i32
          %sign3A_1111 = arith.extui %sign3A_1110 : i1 to i32
          %sign3A_1112 = arith.subi %sign3A_1108, %sign3A_1111 : i32
          %ne3A_1113 = arith.cmpi ne, %sign3A_1105, %sign3A_1112 : i32
          %rem3A_1114 = arith.remsi %scan3A_1092, %jit3A_1097 : i32
          %ne3A_1115 = arith.constant 0 : i32
          %ne3A_1116 = arith.cmpi ne, %rem3A_1114, %ne3A_1115 : i32
          %and3A_1117 = arith.andi %ne3A_1113, %ne3A_1116 : i1
          %sub3A_1118 = arith.constant 1 : i32
          %sub3A_1119 = arith.subi %div3A_1098, %sub3A_1118 : i32
          %select_n3A_1120 = arith.select %and3A_1117, %sub3A_1119, %div3A_1098 : i32
          %jit3A_1121 = arith.constant 8 : i32
          %eq3A_1122 = arith.constant 0 : i32
          %eq3A_1123 = arith.cmpi eq, %jit3A_1121, %eq3A_1122 : i32
          %jit3A_1124 = arith.constant 1 : i32
          %select_n3A_1125 = arith.select %eq3A_1123, %jit3A_1124, %jit3A_1121 : i32
          %rem3A_1126 = arith.remsi %scan3A_1092, %select_n3A_1125 : i32
          %ne3A_1127 = arith.constant 0 : i32
          %ne3A_1128 = arith.cmpi ne, %rem3A_1126, %ne3A_1127 : i32
          %lt3A_1129 = arith.constant 0 : i32
          %lt3A_1130 = arith.cmpi slt, %rem3A_1126, %lt3A_1129 : i32
          %lt3A_1131 = arith.constant 0 : i32
          %lt3A_1132 = arith.cmpi slt, %select_n3A_1125, %lt3A_1131 : i32
          %ne3A_1133 = arith.xori %lt3A_1130, %lt3A_1132 : i1
          %and3A_1134 = arith.andi %ne3A_1133, %ne3A_1128 : i1
          %add3A_1135 = arith.addi %rem3A_1126, %select_n3A_1125 : i32
          %select_n3A_1136 = arith.select %and3A_1134, %add3A_1135, %rem3A_1126 : i32
          %mul3A_1137 = arith.constant 16 : i32
          %mul3A_1138 = arith.muli %select_n3A_1136, %mul3A_1137 : i32
          %broadcast_in_dim3A_1139 = arith.constant 0 : i32
          %broadcast_in_dim3A_1140 = vector.broadcast %broadcast_in_dim3A_1139 : i32 to vector<16xi32>
          %gather3A_1141 = tpu.vector_load_idx %arg5[%broadcast_in_dim3A_1140, %get3A_1096] : memref<2x23296xf32, #tpu.memory_space<vmem>>[vector<16xi32>, vector<16xi32>], vector<16xf32>,
          %swap3A_1142 = arith.constant 0 : i32
          %swap3A_1143 = arith.index_cast %select_n3A_1120 : i32 to index
          %swap3A_1144 = arith.index_cast %swap3A_1142 : i32 to index
          %swap3A_1145 = arith.index_cast %mul3A_1138 : i32 to index
          %swap3A_1146 = tpu.vector_load %arg9[%swap3A_1143, %swap3A_1144, %swap3A_1145] {strides = array<i32>} : memref<8x2x128xf32, #tpu.memory_space<vmem>>, vector<16xf32>,
          tpu.vector_store %arg9[%swap3A_1143, %swap3A_1144, %swap3A_1145], %gather3A_1141 {strides = array<i32>} : memref<8x2x128xf32, #tpu.memory_space<vmem>>, vector<16xf32>,
          %broadcast_in_dim3A_1147 = arith.constant 1 : i32
          %broadcast_in_dim3A_1148 = vector.broadcast %broadcast_in_dim3A_1147 : i32 to vector<16xi32>
          %gather3A_1149 = tpu.vector_load_idx %arg5[%broadcast_in_dim3A_1148, %get3A_1096] : memref<2x23296xf32, #tpu.memory_space<vmem>>[vector<16xi32>, vector<16xi32>], vector<16xf32>,
          %swap3A_1150 = arith.constant 1 : i32
          %swap3A_1151 = arith.index_cast %select_n3A_1120 : i32 to index
          %swap3A_1152 = arith.index_cast %swap3A_1150 : i32 to index
          %swap3A_1153 = arith.index_cast %mul3A_1138 : i32 to index
          %swap3A_1154 = tpu.vector_load %arg9[%swap3A_1151, %swap3A_1152, %swap3A_1153] {strides = array<i32>} : memref<8x2x128xf32, #tpu.memory_space<vmem>>, vector<16xf32>,
          tpu.vector_store %arg9[%swap3A_1151, %swap3A_1152, %swap3A_1153], %gather3A_1149 {strides = array<i32>} : memref<8x2x128xf32, #tpu.memory_space<vmem>>, vector<16xf32>,
        }
        %scan3A_839 = arith.constant 64 : i32
        %mul3A_840 = arith.constant 2 : i32
        %mul3A_841 = arith.muli %select_n3A_357, %mul3A_840 : i32
        %dma_start3A_842 = arith.constant 0 : i32
        %dma_start3A_843 = arith.constant 0 : i32
        %dma_start3A_844 = tpu.memref_slice %arg4[%mul3A_816, %select_n3A_341, %dma_start3A_842, %mul3A_841, %dma_start3A_843] : memref<50x216x8x8x128xf32, #tpu.memory_space<hbm>> -> memref<1x1x8x2x128xf32, #tpu.memory_space<hbm>>
        %dma_start3A_845 = tpu.memref_squeeze %dma_start3A_844 : memref<1x1x8x2x128xf32, #tpu.memory_space<hbm>> -> memref<8x2x128xf32, #tpu.memory_space<hbm>>
        %dma_start3A_846 = arith.constant 0 : i32
        %dma_start3A_847 = arith.constant 0 : i32
        %dma_start3A_848 = tpu.memref_slice %arg4[%mul3A_816, %select_n3A_341, %dma_start3A_846, %mul3A_841, %dma_start3A_847] : memref<50x216x8x8x128xf32, #tpu.memory_space<hbm>> -> memref<1x1x8x2x128xf32, #tpu.memory_space<hbm>>
        %dma_start3A_849 = tpu.memref_squeeze %dma_start3A_848 : memref<1x1x8x2x128xf32, #tpu.memory_space<hbm>> -> memref<8x2x128xf32, #tpu.memory_space<hbm>>
        tpu.enqueue_dma source(%arg9 : memref<8x2x128xf32, #tpu.memory_space<vmem>>) target(%dma_start3A_849 : memref<8x2x128xf32, #tpu.memory_space<hbm>>) target_semaphore(%arg15 : memref<!tpu.dma_semaphore, #tpu.memory_space<semaphore_mem>>)
        %add3A_850 = arith.constant 2 : i32
        %add3A_851 = arith.addi %mul3A_816, %add3A_850 : i32
        %min3A = arith.constant 49 : i32
        %min3A_852 = arith.minsi %add3A_851, %min3A : i32
        %dma_start3A_853 = arith.constant 0 : i32
        %dma_start3A_854 = tpu.memref_slice %arg2[%min3A_852, %dma_start3A_853] : memref<50x1024xi32, #tpu.memory_space<hbm>> -> memref<1x1024xi32, #tpu.memory_space<hbm>>
        %dma_start3A_855 = tpu.memref_squeeze %dma_start3A_854 : memref<1x1024xi32, #tpu.memory_space<hbm>> -> memref<1024xi32, #tpu.memory_space<hbm>>
        %dma_start3A_856 = arith.constant 0 : i32
        %dma_start3A_857 = tpu.memref_slice %arg2[%min3A_852, %dma_start3A_856] : memref<50x1024xi32, #tpu.memory_space<hbm>> -> memref<1x1024xi32, #tpu.memory_space<hbm>>
        %dma_start3A_858 = tpu.memref_squeeze %dma_start3A_857 : memref<1x1024xi32, #tpu.memory_space<hbm>> -> memref<1024xi32, #tpu.memory_space<hbm>>
        tpu.enqueue_dma source(%dma_start3A_858 : memref<1024xi32, #tpu.memory_space<hbm>>) target(%arg7 : memref<1024xi32, #tpu.memory_space<vmem>>) target_semaphore(%arg13 : memref<!tpu.dma_semaphore, #tpu.memory_space<semaphore_mem>>)
        %add3A_859 = arith.constant 1 : i32
        %add3A_860 = arith.addi %mul3A_816, %add3A_859 : i32
        %mul3A_861 = arith.constant 2 : i32
        %mul3A_862 = arith.muli %select_n3A_357, %mul3A_861 : i32
        %dma_wait3A_863 = arith.constant 0 : i32
        %dma_wait3A_864 = arith.constant 0 : i32
        %dma_wait3A_865 = arith.constant 0 : i32
        %dma_wait3A_866 = tpu.memref_slice %arg4[%dma_wait3A_863, %select_n3A_341, %dma_wait3A_864, %mul3A_862, %dma_wait3A_865] : memref<50x216x8x8x128xf32, #tpu.memory_space<hbm>> -> memref<1x1x8x2x128xf32, #tpu.memory_space<hbm>>
        %dma_wait3A_867 = tpu.memref_squeeze %dma_wait3A_866 : memref<1x1x8x2x128xf32, #tpu.memory_space<hbm>> -> memref<8x2x128xf32, #tpu.memory_space<hbm>>
        %dma_wait3A_868 = arith.constant 0 : i32
        %dma_wait3A_869 = arith.constant 0 : i32
        %dma_wait3A_870 = tpu.memref_slice %arg4[%dma_wait3A_863, %select_n3A_341, %dma_wait3A_868, %mul3A_862, %dma_wait3A_869] : memref<50x216x8x8x128xf32, #tpu.memory_space<hbm>> -> memref<1x1x8x2x128xf32, #tpu.memory_space<hbm>>
        %dma_wait3A_871 = tpu.memref_squeeze %dma_wait3A_870 : memref<1x1x8x2x128xf32, #tpu.memory_space<hbm>> -> memref<8x2x128xf32, #tpu.memory_space<hbm>>
        tpu.wait_dma2 semaphore(%arg16 : memref<!tpu.dma_semaphore, #tpu.memory_space<semaphore_mem>>) src(%arg10 : memref<8x2x128xf32, #tpu.memory_space<vmem>>) dst(%dma_wait3A_871 : memref<8x2x128xf32, #tpu.memory_space<hbm>>)
        %dma_wait3A_872 = arith.constant 0 : i32
        %dma_wait3A_873 = tpu.memref_slice %arg2[%add3A_860, %dma_wait3A_872] : memref<50x1024xi32, #tpu.memory_space<hbm>> -> memref<1x1024xi32, #tpu.memory_space<hbm>>
        %dma_wait3A_874 = tpu.memref_squeeze %dma_wait3A_873 : memref<1x1024xi32, #tpu.memory_space<hbm>> -> memref<1024xi32, #tpu.memory_space<hbm>>
        %dma_wait3A_875 = arith.constant 0 : i32
        %dma_wait3A_876 = tpu.memref_slice %arg2[%add3A_860, %dma_wait3A_875] : memref<50x1024xi32, #tpu.memory_space<hbm>> -> memref<1x1024xi32, #tpu.memory_space<hbm>>
        %dma_wait3A_877 = tpu.memref_squeeze %dma_wait3A_876 : memref<1x1024xi32, #tpu.memory_space<hbm>> -> memref<1024xi32, #tpu.memory_space<hbm>>
        tpu.wait_dma2 semaphore(%arg14 : memref<!tpu.dma_semaphore, #tpu.memory_space<semaphore_mem>>) src(%dma_wait3A_877 : memref<1024xi32, #tpu.memory_space<hbm>>) dst(%arg8 : memref<1024xi32, #tpu.memory_space<vmem>>)
        %scan3A_878 = arith.constant 0 : i32
        %scan3A_879 = arith.constant 0 : i32
        %scan3A_880 = arith.constant 64 : i32
        %scan3A_881 = arith.addi %scan3A_879, %scan3A_880 : i32
        %scan3A_882 = arith.constant 4 : i32
        scf.for %scan3A_904 = %scan3A_879 to %scan3A_881 step %scan3A_882  : i32 {
          %mul3A_905 = arith.constant 16 : i32
          %mul3A_906 = arith.muli %scan3A_904, %mul3A_905 : i32
          %get3A = arith.index_cast %mul3A_906 : i32 to index
          %get3A_907 = tpu.vector_load %arg8[%get3A] {strides = array<i32>} : memref<1024xi32, #tpu.memory_space<vmem>>, vector<16xi32>,
          %jit3A_908 = arith.constant 8 : i32
          %div3A_909 = arith.divsi %scan3A_904, %jit3A_908 : i32
          %sign3A_910 = arith.constant 0 : i32
          %sign3A_911 = arith.cmpi sgt, %scan3A_904, %sign3A_910 : i32
          %sign3A_912 = arith.extui %sign3A_911 : i1 to i32
          %sign3A_913 = arith.constant 0 : i32
          %sign3A_914 = arith.cmpi slt, %scan3A_904, %sign3A_913 : i32
          %sign3A_915 = arith.extui %sign3A_914 : i1 to i32
          %sign3A_916 = arith.subi %sign3A_912, %sign3A_915 : i32
          %sign3A_917 = arith.constant 0 : i32
          %sign3A_918 = arith.cmpi sgt, %jit3A_908, %sign3A_917 : i32
          %sign3A_919 = arith.extui %sign3A_918 : i1 to i32
          %sign3A_920 = arith.constant 0 : i32
          %sign3A_921 = arith.cmpi slt, %jit3A_908, %sign3A_920 : i32
          %sign3A_922 = arith.extui %sign3A_921 : i1 to i32
          %sign3A_923 = arith.subi %sign3A_919, %sign3A_922 : i32
          %ne3A_924 = arith.cmpi ne, %sign3A_916, %sign3A_923 : i32
          %rem3A_925 = arith.remsi %scan3A_904, %jit3A_908 : i32
          %ne3A_926 = arith.constant 0 : i32
          %ne3A_927 = arith.cmpi ne, %rem3A_925, %ne3A_926 : i32
          %and3A_928 = arith.andi %ne3A_924, %ne3A_927 : i1
          %sub3A_929 = arith.constant 1 : i32
          %sub3A_930 = arith.subi %div3A_909, %sub3A_929 : i32
          %select_n3A_931 = arith.select %and3A_928, %sub3A_930, %div3A_909 : i32
          %jit3A_932 = arith.constant 8 : i32
          %eq3A_933 = arith.constant 0 : i32
          %eq3A_934 = arith.cmpi eq, %jit3A_932, %eq3A_933 : i32
          %jit3A_935 = arith.constant 1 : i32
          %select_n3A_936 = arith.select %eq3A_934, %jit3A_935, %jit3A_932 : i32
          %rem3A_937 = arith.remsi %scan3A_904, %select_n3A_936 : i32
          %ne3A_938 = arith.constant 0 : i32
          %ne3A_939 = arith.cmpi ne, %rem3A_937, %ne3A_938 : i32
          %lt3A_940 = arith.constant 0 : i32
          %lt3A_941 = arith.cmpi slt, %rem3A_937, %lt3A_940 : i32
          %lt3A_942 = arith.constant 0 : i32
          %lt3A_943 = arith.cmpi slt, %select_n3A_936, %lt3A_942 : i32
          %ne3A_944 = arith.xori %lt3A_941, %lt3A_943 : i1
          %and3A_945 = arith.andi %ne3A_944, %ne3A_939 : i1
          %add3A_946 = arith.addi %rem3A_937, %select_n3A_936 : i32
          %select_n3A_947 = arith.select %and3A_945, %add3A_946, %rem3A_937 : i32
          %mul3A_948 = arith.constant 16 : i32
          %mul3A_949 = arith.muli %select_n3A_947, %mul3A_948 : i32
          %broadcast_in_dim3A = arith.constant 0 : i32
          %broadcast_in_dim3A_950 = vector.broadcast %broadcast_in_dim3A : i32 to vector<16xi32>
          %gather3A = tpu.vector_load_idx %arg5[%broadcast_in_dim3A_950, %get3A_907] : memref<2x23296xf32, #tpu.memory_space<vmem>>[vector<16xi32>, vector<16xi32>], vector<16xf32>,
          %swap3A = arith.constant 0 : i32
          %swap3A_951 = arith.index_cast %select_n3A_931 : i32 to index
          %swap3A_952 = arith.index_cast %swap3A : i32 to index
          %swap3A_953 = arith.index_cast %mul3A_949 : i32 to index
          %swap3A_954 = tpu.vector_load %arg10[%swap3A_951, %swap3A_952, %swap3A_953] {strides = array<i32>} : memref<8x2x128xf32, #tpu.memory_space<vmem>>, vector<16xf32>,
          tpu.vector_store %arg10[%swap3A_951, %swap3A_952, %swap3A_953], %gather3A {strides = array<i32>} : memref<8x2x128xf32, #tpu.memory_space<vmem>>, vector<16xf32>,
          %broadcast_in_dim3A_955 = arith.constant 1 : i32
          %broadcast_in_dim3A_956 = vector.broadcast %broadcast_in_dim3A_955 : i32 to vector<16xi32>
          %gather3A_957 = tpu.vector_load_idx %arg5[%broadcast_in_dim3A_956, %get3A_907] : memref<2x23296xf32, #tpu.memory_space<vmem>>[vector<16xi32>, vector<16xi32>], vector<16xf32>,
          %swap3A_958 = arith.constant 1 : i32
          %swap3A_959 = arith.index_cast %select_n3A_931 : i32 to index
          %swap3A_960 = arith.index_cast %swap3A_958 : i32 to index
          %swap3A_961 = arith.index_cast %mul3A_949 : i32 to index
          %swap3A_962 = tpu.vector_load %arg10[%swap3A_959, %swap3A_960, %swap3A_961] {strides = array<i32>} : memref<8x2x128xf32, #tpu.memory_space<vmem>>, vector<16xf32>,
          tpu.vector_store %arg10[%swap3A_959, %swap3A_960, %swap3A_961], %gather3A_957 {strides = array<i32>} : memref<8x2x128xf32, #tpu.memory_space<vmem>>, vector<16xf32>,
          %scan3A_963 = arith.constant 1 : i32
          %scan3A_964 = arith.addi %scan3A_904, %scan3A_963 : i32
          %mul3A_965 = arith.constant 16 : i32
          %mul3A_966 = arith.muli %scan3A_964, %mul3A_965 : i32
          %get3A_967 = arith.index_cast %mul3A_966 : i32 to index
          %get3A_968 = tpu.vector_load %arg8[%get3A_967] {strides = array<i32>} : memref<1024xi32, #tpu.memory_space<vmem>>, vector<16xi32>,
          %jit3A_969 = arith.constant 8 : i32
          %div3A_970 = arith.divsi %scan3A_964, %jit3A_969 : i32
          %sign3A_971 = arith.constant 0 : i32
          %sign3A_972 = arith.cmpi sgt, %scan3A_964, %sign3A_971 : i32
          %sign3A_973 = arith.extui %sign3A_972 : i1 to i32
          %sign3A_974 = arith.constant 0 : i32
          %sign3A_975 = arith.cmpi slt, %scan3A_964, %sign3A_974 : i32
          %sign3A_976 = arith.extui %sign3A_975 : i1 to i32
          %sign3A_977 = arith.subi %sign3A_973, %sign3A_976 : i32
          %sign3A_978 = arith.constant 0 : i32
          %sign3A_979 = arith.cmpi sgt, %jit3A_969, %sign3A_978 : i32
          %sign3A_980 = arith.extui %sign3A_979 : i1 to i32
          %sign3A_981 = arith.constant 0 : i32
          %sign3A_982 = arith.cmpi slt, %jit3A_969, %sign3A_981 : i32
          %sign3A_983 = arith.extui %sign3A_982 : i1 to i32
          %sign3A_984 = arith.subi %sign3A_980, %sign3A_983 : i32
          %ne3A_985 = arith.cmpi ne, %sign3A_977, %sign3A_984 : i32
          %rem3A_986 = arith.remsi %scan3A_964, %jit3A_969 : i32
          %ne3A_987 = arith.constant 0 : i32
          %ne3A_988 = arith.cmpi ne, %rem3A_986, %ne3A_987 : i32
          %and3A_989 = arith.andi %ne3A_985, %ne3A_988 : i1
          %sub3A_990 = arith.constant 1 : i32
          %sub3A_991 = arith.subi %div3A_970, %sub3A_990 : i32
          %select_n3A_992 = arith.select %and3A_989, %sub3A_991, %div3A_970 : i32
          %jit3A_993 = arith.constant 8 : i32
          %eq3A_994 = arith.constant 0 : i32
          %eq3A_995 = arith.cmpi eq, %jit3A_993, %eq3A_994 : i32
          %jit3A_996 = arith.constant 1 : i32
          %select_n3A_997 = arith.select %eq3A_995, %jit3A_996, %jit3A_993 : i32
          %rem3A_998 = arith.remsi %scan3A_964, %select_n3A_997 : i32
          %ne3A_999 = arith.constant 0 : i32
          %ne3A_1000 = arith.cmpi ne, %rem3A_998, %ne3A_999 : i32
          %lt3A_1001 = arith.constant 0 : i32
          %lt3A_1002 = arith.cmpi slt, %rem3A_998, %lt3A_1001 : i32
          %lt3A_1003 = arith.constant 0 : i32
          %lt3A_1004 = arith.cmpi slt, %select_n3A_997, %lt3A_1003 : i32
          %ne3A_1005 = arith.xori %lt3A_1002, %lt3A_1004 : i1
          %and3A_1006 = arith.andi %ne3A_1005, %ne3A_1000 : i1
          %add3A_1007 = arith.addi %rem3A_998, %select_n3A_997 : i32
          %select_n3A_1008 = arith.select %and3A_1006, %add3A_1007, %rem3A_998 : i32
          %mul3A_1009 = arith.constant 16 : i32
          %mul3A_1010 = arith.muli %select_n3A_1008, %mul3A_1009 : i32
          %broadcast_in_dim3A_1011 = arith.constant 0 : i32
          %broadcast_in_dim3A_1012 = vector.broadcast %broadcast_in_dim3A_1011 : i32 to vector<16xi32>
          %gather3A_1013 = tpu.vector_load_idx %arg5[%broadcast_in_dim3A_1012, %get3A_968] : memref<2x23296xf32, #tpu.memory_space<vmem>>[vector<16xi32>, vector<16xi32>], vector<16xf32>,
          %swap3A_1014 = arith.constant 0 : i32
          %swap3A_1015 = arith.index_cast %select_n3A_992 : i32 to index
          %swap3A_1016 = arith.index_cast %swap3A_1014 : i32 to index
          %swap3A_1017 = arith.index_cast %mul3A_1010 : i32 to index
          %swap3A_1018 = tpu.vector_load %arg10[%swap3A_1015, %swap3A_1016, %swap3A_1017] {strides = array<i32>} : memref<8x2x128xf32, #tpu.memory_space<vmem>>, vector<16xf32>,
          tpu.vector_store %arg10[%swap3A_1015, %swap3A_1016, %swap3A_1017], %gather3A_1013 {strides = array<i32>} : memref<8x2x128xf32, #tpu.memory_space<vmem>>, vector<16xf32>,
          %broadcast_in_dim3A_1019 = arith.constant 1 : i32
          %broadcast_in_dim3A_1020 = vector.broadcast %broadcast_in_dim3A_1019 : i32 to vector<16xi32>
          %gather3A_1021 = tpu.vector_load_idx %arg5[%broadcast_in_dim3A_1020, %get3A_968] : memref<2x23296xf32, #tpu.memory_space<vmem>>[vector<16xi32>, vector<16xi32>], vector<16xf32>,
          %swap3A_1022 = arith.constant 1 : i32
          %swap3A_1023 = arith.index_cast %select_n3A_992 : i32 to index
          %swap3A_1024 = arith.index_cast %swap3A_1022 : i32 to index
          %swap3A_1025 = arith.index_cast %mul3A_1010 : i32 to index
          %swap3A_1026 = tpu.vector_load %arg10[%swap3A_1023, %swap3A_1024, %swap3A_1025] {strides = array<i32>} : memref<8x2x128xf32, #tpu.memory_space<vmem>>, vector<16xf32>,
          tpu.vector_store %arg10[%swap3A_1023, %swap3A_1024, %swap3A_1025], %gather3A_1021 {strides = array<i32>} : memref<8x2x128xf32, #tpu.memory_space<vmem>>, vector<16xf32>,
          %scan3A_1027 = arith.constant 2 : i32
          %scan3A_1028 = arith.addi %scan3A_904, %scan3A_1027 : i32
          %mul3A_1029 = arith.constant 16 : i32
          %mul3A_1030 = arith.muli %scan3A_1028, %mul3A_1029 : i32
          %get3A_1031 = arith.index_cast %mul3A_1030 : i32 to index
          %get3A_1032 = tpu.vector_load %arg8[%get3A_1031] {strides = array<i32>} : memref<1024xi32, #tpu.memory_space<vmem>>, vector<16xi32>,
          %jit3A_1033 = arith.constant 8 : i32
          %div3A_1034 = arith.divsi %scan3A_1028, %jit3A_1033 : i32
          %sign3A_1035 = arith.constant 0 : i32
          %sign3A_1036 = arith.cmpi sgt, %scan3A_1028, %sign3A_1035 : i32
          %sign3A_1037 = arith.extui %sign3A_1036 : i1 to i32
          %sign3A_1038 = arith.constant 0 : i32
          %sign3A_1039 = arith.cmpi slt, %scan3A_1028, %sign3A_1038 : i32
          %sign3A_1040 = arith.extui %sign3A_1039 : i1 to i32
          %sign3A_1041 = arith.subi %sign3A_1037, %sign3A_1040 : i32
          %sign3A_1042 = arith.constant 0 : i32
          %sign3A_1043 = arith.cmpi sgt, %jit3A_1033, %sign3A_1042 : i32
          %sign3A_1044 = arith.extui %sign3A_1043 : i1 to i32
          %sign3A_1045 = arith.constant 0 : i32
          %sign3A_1046 = arith.cmpi slt, %jit3A_1033, %sign3A_1045 : i32
          %sign3A_1047 = arith.extui %sign3A_1046 : i1 to i32
          %sign3A_1048 = arith.subi %sign3A_1044, %sign3A_1047 : i32
          %ne3A_1049 = arith.cmpi ne, %sign3A_1041, %sign3A_1048 : i32
          %rem3A_1050 = arith.remsi %scan3A_1028, %jit3A_1033 : i32
          %ne3A_1051 = arith.constant 0 : i32
          %ne3A_1052 = arith.cmpi ne, %rem3A_1050, %ne3A_1051 : i32
          %and3A_1053 = arith.andi %ne3A_1049, %ne3A_1052 : i1
          %sub3A_1054 = arith.constant 1 : i32
          %sub3A_1055 = arith.subi %div3A_1034, %sub3A_1054 : i32
          %select_n3A_1056 = arith.select %and3A_1053, %sub3A_1055, %div3A_1034 : i32
          %jit3A_1057 = arith.constant 8 : i32
          %eq3A_1058 = arith.constant 0 : i32
          %eq3A_1059 = arith.cmpi eq, %jit3A_1057, %eq3A_1058 : i32
          %jit3A_1060 = arith.constant 1 : i32
          %select_n3A_1061 = arith.select %eq3A_1059, %jit3A_1060, %jit3A_1057 : i32
          %rem3A_1062 = arith.remsi %scan3A_1028, %select_n3A_1061 : i32
          %ne3A_1063 = arith.constant 0 : i32
          %ne3A_1064 = arith.cmpi ne, %rem3A_1062, %ne3A_1063 : i32
          %lt3A_1065 = arith.constant 0 : i32
          %lt3A_1066 = arith.cmpi slt, %rem3A_1062, %lt3A_1065 : i32
          %lt3A_1067 = arith.constant 0 : i32
          %lt3A_1068 = arith.cmpi slt, %select_n3A_1061, %lt3A_1067 : i32
          %ne3A_1069 = arith.xori %lt3A_1066, %lt3A_1068 : i1
          %and3A_1070 = arith.andi %ne3A_1069, %ne3A_1064 : i1
          %add3A_1071 = arith.addi %rem3A_1062, %select_n3A_1061 : i32
          %select_n3A_1072 = arith.select %and3A_1070, %add3A_1071, %rem3A_1062 : i32
          %mul3A_1073 = arith.constant 16 : i32
          %mul3A_1074 = arith.muli %select_n3A_1072, %mul3A_1073 : i32
          %broadcast_in_dim3A_1075 = arith.constant 0 : i32
          %broadcast_in_dim3A_1076 = vector.broadcast %broadcast_in_dim3A_1075 : i32 to vector<16xi32>
          %gather3A_1077 = tpu.vector_load_idx %arg5[%broadcast_in_dim3A_1076, %get3A_1032] : memref<2x23296xf32, #tpu.memory_space<vmem>>[vector<16xi32>, vector<16xi32>], vector<16xf32>,
          %swap3A_1078 = arith.constant 0 : i32
          %swap3A_1079 = arith.index_cast %select_n3A_1056 : i32 to index
          %swap3A_1080 = arith.index_cast %swap3A_1078 : i32 to index
          %swap3A_1081 = arith.index_cast %mul3A_1074 : i32 to index
          %swap3A_1082 = tpu.vector_load %arg10[%swap3A_1079, %swap3A_1080, %swap3A_1081] {strides = array<i32>} : memref<8x2x128xf32, #tpu.memory_space<vmem>>, vector<16xf32>,
          tpu.vector_store %arg10[%swap3A_1079, %swap3A_1080, %swap3A_1081], %gather3A_1077 {strides = array<i32>} : memref<8x2x128xf32, #tpu.memory_space<vmem>>, vector<16xf32>,
          %broadcast_in_dim3A_1083 = arith.constant 1 : i32
          %broadcast_in_dim3A_1084 = vector.broadcast %broadcast_in_dim3A_1083 : i32 to vector<16xi32>
          %gather3A_1085 = tpu.vector_load_idx %arg5[%broadcast_in_dim3A_1084, %get3A_1032] : memref<2x23296xf32, #tpu.memory_space<vmem>>[vector<16xi32>, vector<16xi32>], vector<16xf32>,
          %swap3A_1086 = arith.constant 1 : i32
          %swap3A_1087 = arith.index_cast %select_n3A_1056 : i32 to index
          %swap3A_1088 = arith.index_cast %swap3A_1086 : i32 to index
          %swap3A_1089 = arith.index_cast %mul3A_1074 : i32 to index
          %swap3A_1090 = tpu.vector_load %arg10[%swap3A_1087, %swap3A_1088, %swap3A_1089] {strides = array<i32>} : memref<8x2x128xf32, #tpu.memory_space<vmem>>, vector<16xf32>,
          tpu.vector_store %arg10[%swap3A_1087, %swap3A_1088, %swap3A_1089], %gather3A_1085 {strides = array<i32>} : memref<8x2x128xf32, #tpu.memory_space<vmem>>, vector<16xf32>,
          %scan3A_1091 = arith.constant 3 : i32
          %scan3A_1092 = arith.addi %scan3A_904, %scan3A_1091 : i32
          %mul3A_1093 = arith.constant 16 : i32
          %mul3A_1094 = arith.muli %scan3A_1092, %mul3A_1093 : i32
          %get3A_1095 = arith.index_cast %mul3A_1094 : i32 to index
          %get3A_1096 = tpu.vector_load %arg8[%get3A_1095] {strides = array<i32>} : memref<1024xi32, #tpu.memory_space<vmem>>, vector<16xi32>,
          %jit3A_1097 = arith.constant 8 : i32
          %div3A_1098 = arith.divsi %scan3A_1092, %jit3A_1097 : i32
          %sign3A_1099 = arith.constant 0 : i32
          %sign3A_1100 = arith.cmpi sgt, %scan3A_1092, %sign3A_1099 : i32
          %sign3A_1101 = arith.extui %sign3A_1100 : i1 to i32
          %sign3A_1102 = arith.constant 0 : i32
          %sign3A_1103 = arith.cmpi slt, %scan3A_1092, %sign3A_1102 : i32
          %sign3A_1104 = arith.extui %sign3A_1103 : i1 to i32
          %sign3A_1105 = arith.subi %sign3A_1101, %sign3A_1104 : i32
          %sign3A_1106 = arith.constant 0 : i32
          %sign3A_1107 = arith.cmpi sgt, %jit3A_1097, %sign3A_1106 : i32
          %sign3A_1108 = arith.extui %sign3A_1107 : i1 to i32
          %sign3A_1109 = arith.constant 0 : i32
          %sign3A_1110 = arith.cmpi slt, %jit3A_1097, %sign3A_1109 : i32
          %sign3A_1111 = arith.extui %sign3A_1110 : i1 to i32
          %sign3A_1112 = arith.subi %sign3A_1108, %sign3A_1111 : i32
          %ne3A_1113 = arith.cmpi ne, %sign3A_1105, %sign3A_1112 : i32
          %rem3A_1114 = arith.remsi %scan3A_1092, %jit3A_1097 : i32
          %ne3A_1115 = arith.constant 0 : i32
          %ne3A_1116 = arith.cmpi ne, %rem3A_1114, %ne3A_1115 : i32
          %and3A_1117 = arith.andi %ne3A_1113, %ne3A_1116 : i1
          %sub3A_1118 = arith.constant 1 : i32
          %sub3A_1119 = arith.subi %div3A_1098, %sub3A_1118 : i32
          %select_n3A_1120 = arith.select %and3A_1117, %sub3A_1119, %div3A_1098 : i32
          %jit3A_1121 = arith.constant 8 : i32
          %eq3A_1122 = arith.constant 0 : i32
          %eq3A_1123 = arith.cmpi eq, %jit3A_1121, %eq3A_1122 : i32
          %jit3A_1124 = arith.constant 1 : i32
          %select_n3A_1125 = arith.select %eq3A_1123, %jit3A_1124, %jit3A_1121 : i32
          %rem3A_1126 = arith.remsi %scan3A_1092, %select_n3A_1125 : i32
          %ne3A_1127 = arith.constant 0 : i32
          %ne3A_1128 = arith.cmpi ne, %rem3A_1126, %ne3A_1127 : i32
          %lt3A_1129 = arith.constant 0 : i32
          %lt3A_1130 = arith.cmpi slt, %rem3A_1126, %lt3A_1129 : i32
          %lt3A_1131 = arith.constant 0 : i32
          %lt3A_1132 = arith.cmpi slt, %select_n3A_1125, %lt3A_1131 : i32
          %ne3A_1133 = arith.xori %lt3A_1130, %lt3A_1132 : i1
          %and3A_1134 = arith.andi %ne3A_1133, %ne3A_1128 : i1
          %add3A_1135 = arith.addi %rem3A_1126, %select_n3A_1125 : i32
          %select_n3A_1136 = arith.select %and3A_1134, %add3A_1135, %rem3A_1126 : i32
          %mul3A_1137 = arith.constant 16 : i32
          %mul3A_1138 = arith.muli %select_n3A_1136, %mul3A_1137 : i32
          %broadcast_in_dim3A_1139 = arith.constant 0 : i32
          %broadcast_in_dim3A_1140 = vector.broadcast %broadcast_in_dim3A_1139 : i32 to vector<16xi32>
          %gather3A_1141 = tpu.vector_load_idx %arg5[%broadcast_in_dim3A_1140, %get3A_1096] : memref<2x23296xf32, #tpu.memory_space<vmem>>[vector<16xi32>, vector<16xi32>], vector<16xf32>,
          %swap3A_1142 = arith.constant 0 : i32
          %swap3A_1143 = arith.index_cast %select_n3A_1120 : i32 to index
          %swap3A_1144 = arith.index_cast %swap3A_1142 : i32 to index
          %swap3A_1145 = arith.index_cast %mul3A_1138 : i32 to index
          %swap3A_1146 = tpu.vector_load %arg10[%swap3A_1143, %swap3A_1144, %swap3A_1145] {strides = array<i32>} : memref<8x2x128xf32, #tpu.memory_space<vmem>>, vector<16xf32>,
          tpu.vector_store %arg10[%swap3A_1143, %swap3A_1144, %swap3A_1145], %gather3A_1141 {strides = array<i32>} : memref<8x2x128xf32, #tpu.memory_space<vmem>>, vector<16xf32>,
          %broadcast_in_dim3A_1147 = arith.constant 1 : i32
          %broadcast_in_dim3A_1148 = vector.broadcast %broadcast_in_dim3A_1147 : i32 to vector<16xi32>
          %gather3A_1149 = tpu.vector_load_idx %arg5[%broadcast_in_dim3A_1148, %get3A_1096] : memref<2x23296xf32, #tpu.memory_space<vmem>>[vector<16xi32>, vector<16xi32>], vector<16xf32>,
          %swap3A_1150 = arith.constant 1 : i32
          %swap3A_1151 = arith.index_cast %select_n3A_1120 : i32 to index
          %swap3A_1152 = arith.index_cast %swap3A_1150 : i32 to index
          %swap3A_1153 = arith.index_cast %mul3A_1138 : i32 to index
          %swap3A_1154 = tpu.vector_load %arg10[%swap3A_1151, %swap3A_1152, %swap3A_1153] {strides = array<i32>} : memref<8x2x128xf32, #tpu.memory_space<vmem>>, vector<16xf32>,
          tpu.vector_store %arg10[%swap3A_1151, %swap3A_1152, %swap3A_1153], %gather3A_1149 {strides = array<i32>} : memref<8x2x128xf32, #tpu.memory_space<vmem>>, vector<16xf32>,
        }
        %scan3A_883 = arith.constant 64 : i32
        %mul3A_884 = arith.constant 2 : i32
        %mul3A_885 = arith.muli %select_n3A_357, %mul3A_884 : i32
        %dma_start3A_886 = arith.constant 0 : i32
        %dma_start3A_887 = arith.constant 0 : i32
        %dma_start3A_888 = tpu.memref_slice %arg4[%add3A_860, %select_n3A_341, %dma_start3A_886, %mul3A_885, %dma_start3A_887] : memref<50x216x8x8x128xf32, #tpu.memory_space<hbm>> -> memref<1x1x8x2x128xf32, #tpu.memory_space<hbm>>
        %dma_start3A_889 = tpu.memref_squeeze %dma_start3A_888 : memref<1x1x8x2x128xf32, #tpu.memory_space<hbm>> -> memref<8x2x128xf32, #tpu.memory_space<hbm>>
        %dma_start3A_890 = arith.constant 0 : i32
        %dma_start3A_891 = arith.constant 0 : i32
        %dma_start3A_892 = tpu.memref_slice %arg4[%add3A_860, %select_n3A_341, %dma_start3A_890, %mul3A_885, %dma_start3A_891] : memref<50x216x8x8x128xf32, #tpu.memory_space<hbm>> -> memref<1x1x8x2x128xf32, #tpu.memory_space<hbm>>
        %dma_start3A_893 = tpu.memref_squeeze %dma_start3A_892 : memref<1x1x8x2x128xf32, #tpu.memory_space<hbm>> -> memref<8x2x128xf32, #tpu.memory_space<hbm>>
        tpu.enqueue_dma source(%arg10 : memref<8x2x128xf32, #tpu.memory_space<vmem>>) target(%dma_start3A_893 : memref<8x2x128xf32, #tpu.memory_space<hbm>>) target_semaphore(%arg16 : memref<!tpu.dma_semaphore, #tpu.memory_space<semaphore_mem>>)
        %add3A_894 = arith.constant 2 : i32
        %add3A_895 = arith.addi %add3A_860, %add3A_894 : i32
        %min3A_896 = arith.constant 49 : i32
        %min3A_897 = arith.minsi %add3A_895, %min3A_896 : i32
        %dma_start3A_898 = arith.constant 0 : i32
        %dma_start3A_899 = tpu.memref_slice %arg2[%min3A_897, %dma_start3A_898] : memref<50x1024xi32, #tpu.memory_space<hbm>> -> memref<1x1024xi32, #tpu.memory_space<hbm>>
        %dma_start3A_900 = tpu.memref_squeeze %dma_start3A_899 : memref<1x1024xi32, #tpu.memory_space<hbm>> -> memref<1024xi32, #tpu.memory_space<hbm>>
        %dma_start3A_901 = arith.constant 0 : i32
        %dma_start3A_902 = tpu.memref_slice %arg2[%min3A_897, %dma_start3A_901] : memref<50x1024xi32, #tpu.memory_space<hbm>> -> memref<1x1024xi32, #tpu.memory_space<hbm>>
        %dma_start3A_903 = tpu.memref_squeeze %dma_start3A_902 : memref<1x1024xi32, #tpu.memory_space<hbm>> -> memref<1024xi32, #tpu.memory_space<hbm>>
        tpu.enqueue_dma source(%dma_start3A_903 : memref<1024xi32, #tpu.memory_space<hbm>>) target(%arg8 : memref<1024xi32, #tpu.memory_space<vmem>>) target_semaphore(%arg14 : memref<!tpu.dma_semaphore, #tpu.memory_space<semaphore_mem>>)
      }
      %scan3A_496 = arith.constant 24 : i32
      %mul3A_497 = arith.constant 2 : i32
      %mul3A_498 = arith.muli %select_n3A_357, %mul3A_497 : i32
      %dma_wait3A_499 = arith.constant 0 : i32
      %dma_wait3A_500 = arith.constant 0 : i32
      %dma_wait3A_501 = arith.constant 0 : i32
      %dma_wait3A_502 = tpu.memref_slice %arg4[%dma_wait3A_499, %select_n3A_341, %dma_wait3A_500, %mul3A_498, %dma_wait3A_501] : memref<50x216x8x8x128xf32, #tpu.memory_space<hbm>> -> memref<1x1x8x2x128xf32, #tpu.memory_space<hbm>>
      %dma_wait3A_503 = tpu.memref_squeeze %dma_wait3A_502 : memref<1x1x8x2x128xf32, #tpu.memory_space<hbm>> -> memref<8x2x128xf32, #tpu.memory_space<hbm>>
      %dma_wait3A_504 = arith.constant 0 : i32
      %dma_wait3A_505 = arith.constant 0 : i32
      %dma_wait3A_506 = tpu.memref_slice %arg4[%dma_wait3A_499, %select_n3A_341, %dma_wait3A_504, %mul3A_498, %dma_wait3A_505] : memref<50x216x8x8x128xf32, #tpu.memory_space<hbm>> -> memref<1x1x8x2x128xf32, #tpu.memory_space<hbm>>
      %dma_wait3A_507 = tpu.memref_squeeze %dma_wait3A_506 : memref<1x1x8x2x128xf32, #tpu.memory_space<hbm>> -> memref<8x2x128xf32, #tpu.memory_space<hbm>>
      tpu.wait_dma2 semaphore(%arg15 : memref<!tpu.dma_semaphore, #tpu.memory_space<semaphore_mem>>) src(%arg9 : memref<8x2x128xf32, #tpu.memory_space<vmem>>) dst(%dma_wait3A_507 : memref<8x2x128xf32, #tpu.memory_space<hbm>>)
      %mul3A_508 = arith.constant 2 : i32
      %mul3A_509 = arith.muli %select_n3A_357, %mul3A_508 : i32
      %dma_wait3A_510 = arith.constant 0 : i32
      %dma_wait3A_511 = arith.constant 0 : i32
      %dma_wait3A_512 = arith.constant 0 : i32
      %dma_wait3A_513 = tpu.memref_slice %arg4[%dma_wait3A_510, %select_n3A_341, %dma_wait3A_511, %mul3A_509, %dma_wait3A_512] : memref<50x216x8x8x128xf32, #tpu.memory_space<hbm>> -> memref<1x1x8x2x128xf32, #tpu.memory_space<hbm>>
      %dma_wait3A_514 = tpu.memref_squeeze %dma_wait3A_513 : memref<1x1x8x2x128xf32, #tpu.memory_space<hbm>> -> memref<8x2x128xf32, #tpu.memory_space<hbm>>
      %dma_wait3A_515 = arith.constant 0 : i32
      %dma_wait3A_516 = arith.constant 0 : i32
      %dma_wait3A_517 = tpu.memref_slice %arg4[%dma_wait3A_510, %select_n3A_341, %dma_wait3A_515, %mul3A_509, %dma_wait3A_516] : memref<50x216x8x8x128xf32, #tpu.memory_space<hbm>> -> memref<1x1x8x2x128xf32, #tpu.memory_space<hbm>>
      %dma_wait3A_518 = tpu.memref_squeeze %dma_wait3A_517 : memref<1x1x8x2x128xf32, #tpu.memory_space<hbm>> -> memref<8x2x128xf32, #tpu.memory_space<hbm>>
      tpu.wait_dma2 semaphore(%arg16 : memref<!tpu.dma_semaphore, #tpu.memory_space<semaphore_mem>>) src(%arg10 : memref<8x2x128xf32, #tpu.memory_space<vmem>>) dst(%dma_wait3A_518 : memref<8x2x128xf32, #tpu.memory_space<hbm>>)
      %dma_wait3A_519 = arith.constant 0 : i32
      %dma_wait3A_520 = arith.constant 0 : i32
      %dma_wait3A_521 = tpu.memref_slice %arg2[%dma_wait3A_519, %dma_wait3A_520] : memref<50x1024xi32, #tpu.memory_space<hbm>> -> memref<1x1024xi32, #tpu.memory_space<hbm>>
      %dma_wait3A_522 = tpu.memref_squeeze %dma_wait3A_521 : memref<1x1024xi32, #tpu.memory_space<hbm>> -> memref<1024xi32, #tpu.memory_space<hbm>>
      %dma_wait3A_523 = arith.constant 0 : i32
      %dma_wait3A_524 = tpu.memref_slice %arg2[%dma_wait3A_519, %dma_wait3A_523] : memref<50x1024xi32, #tpu.memory_space<hbm>> -> memref<1x1024xi32, #tpu.memory_space<hbm>>
      %dma_wait3A_525 = tpu.memref_squeeze %dma_wait3A_524 : memref<1x1024xi32, #tpu.memory_space<hbm>> -> memref<1024xi32, #tpu.memory_space<hbm>>
      tpu.wait_dma2 semaphore(%arg13 : memref<!tpu.dma_semaphore, #tpu.memory_space<semaphore_mem>>) src(%dma_wait3A_525 : memref<1024xi32, #tpu.memory_space<hbm>>) dst(%arg7 : memref<1024xi32, #tpu.memory_space<vmem>>)
      %dma_wait3A_526 = arith.constant 0 : i32
      %dma_wait3A_527 = arith.constant 0 : i32
      %dma_wait3A_528 = tpu.memref_slice %arg2[%dma_wait3A_526, %dma_wait3A_527] : memref<50x1024xi32, #tpu.memory_space<hbm>> -> memref<1x1024xi32, #tpu.memory_space<hbm>>
      %dma_wait3A_529 = tpu.memref_squeeze %dma_wait3A_528 : memref<1x1024xi32, #tpu.memory_space<hbm>> -> memref<1024xi32, #tpu.memory_space<hbm>>
      %dma_wait3A_530 = arith.constant 0 : i32
      %dma_wait3A_531 = tpu.memref_slice %arg2[%dma_wait3A_526, %dma_wait3A_530] : memref<50x1024xi32, #tpu.memory_space<hbm>> -> memref<1x1024xi32, #tpu.memory_space<hbm>>
      %dma_wait3A_532 = tpu.memref_squeeze %dma_wait3A_531 : memref<1x1024xi32, #tpu.memory_space<hbm>> -> memref<1024xi32, #tpu.memory_space<hbm>>
      tpu.wait_dma2 semaphore(%arg14 : memref<!tpu.dma_semaphore, #tpu.memory_space<semaphore_mem>>) src(%dma_wait3A_532 : memref<1024xi32, #tpu.memory_space<hbm>>) dst(%arg8 : memref<1024xi32, #tpu.memory_space<vmem>>)
      %mul3A_533 = arith.constant 2 : i32
      %mul3A_534 = arith.muli %mul3A_533, %scan3A_312 : i32
      %add3A_535 = arith.constant 2 : i32
      %add3A_536 = arith.addi %mul3A_534, %add3A_535 : i32
      %mul3A_537 = arith.constant 32 : i32
      %mul3A_538 = arith.muli %mul3A_537, %add3A_536 : i32
      %add3A_539 = arith.addi %add3A, %mul3A_538 : i32
      %jit3A_540 = arith.constant 4 : i32
      %div3A_541 = arith.divsi %add3A_539, %jit3A_540 : i32
      %sign3A_542 = arith.constant 0 : i32
      %sign3A_543 = arith.cmpi sgt, %add3A_539, %sign3A_542 : i32
      %sign3A_544 = arith.extui %sign3A_543 : i1 to i32
      %sign3A_545 = arith.constant 0 : i32
      %sign3A_546 = arith.cmpi slt, %add3A_539, %sign3A_545 : i32
      %sign3A_547 = arith.extui %sign3A_546 : i1 to i32
      %sign3A_548 = arith.subi %sign3A_544, %sign3A_547 : i32
      %sign3A_549 = arith.constant 0 : i32
      %sign3A_550 = arith.cmpi sgt, %jit3A_540, %sign3A_549 : i32
      %sign3A_551 = arith.extui %sign3A_550 : i1 to i32
      %sign3A_552 = arith.constant 0 : i32
      %sign3A_553 = arith.cmpi slt, %jit3A_540, %sign3A_552 : i32
      %sign3A_554 = arith.extui %sign3A_553 : i1 to i32
      %sign3A_555 = arith.subi %sign3A_551, %sign3A_554 : i32
      %ne3A_556 = arith.cmpi ne, %sign3A_548, %sign3A_555 : i32
      %rem3A_557 = arith.remsi %add3A_539, %jit3A_540 : i32
      %ne3A_558 = arith.constant 0 : i32
      %ne3A_559 = arith.cmpi ne, %rem3A_557, %ne3A_558 : i32
      %and3A_560 = arith.andi %ne3A_556, %ne3A_559 : i1
      %sub3A_561 = arith.constant 1 : i32
      %sub3A_562 = arith.subi %div3A_541, %sub3A_561 : i32
      %select_n3A_563 = arith.select %and3A_560, %sub3A_562, %div3A_541 : i32
      %jit3A_564 = arith.constant 4 : i32
      %eq3A_565 = arith.constant 0 : i32
      %eq3A_566 = arith.cmpi eq, %jit3A_564, %eq3A_565 : i32
      %jit3A_567 = arith.constant 1 : i32
      %select_n3A_568 = arith.select %eq3A_566, %jit3A_567, %jit3A_564 : i32
      %rem3A_569 = arith.remsi %add3A_539, %select_n3A_568 : i32
      %ne3A_570 = arith.constant 0 : i32
      %ne3A_571 = arith.cmpi ne, %rem3A_569, %ne3A_570 : i32
      %lt3A_572 = arith.constant 0 : i32
      %lt3A_573 = arith.cmpi slt, %rem3A_569, %lt3A_572 : i32
      %lt3A_574 = arith.constant 0 : i32
      %lt3A_575 = arith.cmpi slt, %select_n3A_568, %lt3A_574 : i32
      %ne3A_576 = arith.xori %lt3A_573, %lt3A_575 : i1
      %and3A_577 = arith.andi %ne3A_576, %ne3A_571 : i1
      %add3A_578 = arith.addi %rem3A_569, %select_n3A_568 : i32
      %select_n3A_579 = arith.select %and3A_577, %add3A_578, %rem3A_569 : i32
      %mul3A_580 = arith.constant 8 : i32
      %mul3A_581 = arith.muli %select_n3A_563, %mul3A_580 : i32
      %mul3A_582 = arith.constant 2 : i32
      %mul3A_583 = arith.muli %select_n3A_579, %mul3A_582 : i32
      %add3A_584 = arith.addi %mul3A_581, %mul3A_583 : i32
      %dma_start3A_585 = arith.constant 0 : i32
      %dma_start3A_586 = tpu.memref_slice %arg3[%add3A_584, %dma_start3A_585] : memref<1728x23296xf32, #tpu.memory_space<hbm>> -> memref<2x23296xf32, #tpu.memory_space<hbm>>
      %dma_start3A_587 = arith.constant 0 : i32
      %dma_start3A_588 = tpu.memref_slice %arg3[%add3A_584, %dma_start3A_587] : memref<1728x23296xf32, #tpu.memory_space<hbm>> -> memref<2x23296xf32, #tpu.memory_space<hbm>>
      tpu.enqueue_dma source(%dma_start3A_588 : memref<2x23296xf32, #tpu.memory_space<hbm>>) target(%arg5 : memref<2x23296xf32, #tpu.memory_space<vmem>>) target_semaphore(%arg11 : memref<!tpu.dma_semaphore, #tpu.memory_space<semaphore_mem>>)
      %mul3A_589 = arith.constant 2 : i32
      %mul3A_590 = arith.muli %mul3A_589, %scan3A_312 : i32
      %add3A_591 = arith.constant 1 : i32
      %add3A_592 = arith.addi %mul3A_590, %add3A_591 : i32
      %mul3A_593 = arith.constant 32 : i32
      %mul3A_594 = arith.muli %mul3A_593, %add3A_592 : i32
      %add3A_595 = arith.addi %add3A, %mul3A_594 : i32
      %jit3A_596 = arith.constant 4 : i32
      %div3A_597 = arith.divsi %add3A_595, %jit3A_596 : i32
      %sign3A_598 = arith.constant 0 : i32
      %sign3A_599 = arith.cmpi sgt, %add3A_595, %sign3A_598 : i32
      %sign3A_600 = arith.extui %sign3A_599 : i1 to i32
      %sign3A_601 = arith.constant 0 : i32
      %sign3A_602 = arith.cmpi slt, %add3A_595, %sign3A_601 : i32
      %sign3A_603 = arith.extui %sign3A_602 : i1 to i32
      %sign3A_604 = arith.subi %sign3A_600, %sign3A_603 : i32
      %sign3A_605 = arith.constant 0 : i32
      %sign3A_606 = arith.cmpi sgt, %jit3A_596, %sign3A_605 : i32
      %sign3A_607 = arith.extui %sign3A_606 : i1 to i32
      %sign3A_608 = arith.constant 0 : i32
      %sign3A_609 = arith.cmpi slt, %jit3A_596, %sign3A_608 : i32
      %sign3A_610 = arith.extui %sign3A_609 : i1 to i32
      %sign3A_611 = arith.subi %sign3A_607, %sign3A_610 : i32
      %ne3A_612 = arith.cmpi ne, %sign3A_604, %sign3A_611 : i32
      %rem3A_613 = arith.remsi %add3A_595, %jit3A_596 : i32
      %ne3A_614 = arith.constant 0 : i32
      %ne3A_615 = arith.cmpi ne, %rem3A_613, %ne3A_614 : i32
      %and3A_616 = arith.andi %ne3A_612, %ne3A_615 : i1
      %sub3A_617 = arith.constant 1 : i32
      %sub3A_618 = arith.subi %div3A_597, %sub3A_617 : i32
      %select_n3A_619 = arith.select %and3A_616, %sub3A_618, %div3A_597 : i32
      %jit3A_620 = arith.constant 4 : i32
      %eq3A_621 = arith.constant 0 : i32
      %eq3A_622 = arith.cmpi eq, %jit3A_620, %eq3A_621 : i32
      %jit3A_623 = arith.constant 1 : i32
      %select_n3A_624 = arith.select %eq3A_622, %jit3A_623, %jit3A_620 : i32
      %rem3A_625 = arith.remsi %add3A_595, %select_n3A_624 : i32
      %ne3A_626 = arith.constant 0 : i32
      %ne3A_627 = arith.cmpi ne, %rem3A_625, %ne3A_626 : i32
      %lt3A_628 = arith.constant 0 : i32
      %lt3A_629 = arith.cmpi slt, %rem3A_625, %lt3A_628 : i32
      %lt3A_630 = arith.constant 0 : i32
      %lt3A_631 = arith.cmpi slt, %select_n3A_624, %lt3A_630 : i32
      %ne3A_632 = arith.xori %lt3A_629, %lt3A_631 : i1
      %and3A_633 = arith.andi %ne3A_632, %ne3A_627 : i1
      %add3A_634 = arith.addi %rem3A_625, %select_n3A_624 : i32
      %select_n3A_635 = arith.select %and3A_633, %add3A_634, %rem3A_625 : i32
      %mul3A_636 = arith.constant 8 : i32
      %mul3A_637 = arith.muli %select_n3A_619, %mul3A_636 : i32
      %mul3A_638 = arith.constant 2 : i32
      %mul3A_639 = arith.muli %select_n3A_635, %mul3A_638 : i32
      %add3A_640 = arith.addi %mul3A_637, %mul3A_639 : i32
      %dma_start3A_641 = arith.constant 0 : i32
      %dma_start3A_642 = arith.constant 0 : i32
      %dma_start3A_643 = tpu.memref_slice %arg2[%dma_start3A_641, %dma_start3A_642] : memref<50x1024xi32, #tpu.memory_space<hbm>> -> memref<1x1024xi32, #tpu.memory_space<hbm>>
      %dma_start3A_644 = tpu.memref_squeeze %dma_start3A_643 : memref<1x1024xi32, #tpu.memory_space<hbm>> -> memref<1024xi32, #tpu.memory_space<hbm>>
      %dma_start3A_645 = arith.constant 0 : i32
      %dma_start3A_646 = tpu.memref_slice %arg2[%dma_start3A_641, %dma_start3A_645] : memref<50x1024xi32, #tpu.memory_space<hbm>> -> memref<1x1024xi32, #tpu.memory_space<hbm>>
      %dma_start3A_647 = tpu.memref_squeeze %dma_start3A_646 : memref<1x1024xi32, #tpu.memory_space<hbm>> -> memref<1024xi32, #tpu.memory_space<hbm>>
      tpu.enqueue_dma source(%dma_start3A_647 : memref<1024xi32, #tpu.memory_space<hbm>>) target(%arg7 : memref<1024xi32, #tpu.memory_space<vmem>>) target_semaphore(%arg13 : memref<!tpu.dma_semaphore, #tpu.memory_space<semaphore_mem>>)
      %dma_start3A_648 = arith.constant 1 : i32
      %dma_start3A_649 = arith.constant 0 : i32
      %dma_start3A_650 = tpu.memref_slice %arg2[%dma_start3A_648, %dma_start3A_649] : memref<50x1024xi32, #tpu.memory_space<hbm>> -> memref<1x1024xi32, #tpu.memory_space<hbm>>
      %dma_start3A_651 = tpu.memref_squeeze %dma_start3A_650 : memref<1x1024xi32, #tpu.memory_space<hbm>> -> memref<1024xi32, #tpu.memory_space<hbm>>
      %dma_start3A_652 = arith.constant 0 : i32
      %dma_start3A_653 = tpu.memref_slice %arg2[%dma_start3A_648, %dma_start3A_652] : memref<50x1024xi32, #tpu.memory_space<hbm>> -> memref<1x1024xi32, #tpu.memory_space<hbm>>
      %dma_start3A_654 = tpu.memref_squeeze %dma_start3A_653 : memref<1x1024xi32, #tpu.memory_space<hbm>> -> memref<1024xi32, #tpu.memory_space<hbm>>
      tpu.enqueue_dma source(%dma_start3A_654 : memref<1024xi32, #tpu.memory_space<hbm>>) target(%arg8 : memref<1024xi32, #tpu.memory_space<vmem>>) target_semaphore(%arg14 : memref<!tpu.dma_semaphore, #tpu.memory_space<semaphore_mem>>)
      %mul3A_655 = arith.constant 32 : i32
      %mul3A_656 = arith.muli %mul3A_655, %add3A_592 : i32
      %add3A_657 = arith.addi %add3A, %mul3A_656 : i32
      %jit3A_658 = arith.constant 4 : i32
      %div3A_659 = arith.divsi %add3A_657, %jit3A_658 : i32
      %sign3A_660 = arith.constant 0 : i32
      %sign3A_661 = arith.cmpi sgt, %add3A_657, %sign3A_660 : i32
      %sign3A_662 = arith.extui %sign3A_661 : i1 to i32
      %sign3A_663 = arith.constant 0 : i32
      %sign3A_664 = arith.cmpi slt, %add3A_657, %sign3A_663 : i32
      %sign3A_665 = arith.extui %sign3A_664 : i1 to i32
      %sign3A_666 = arith.subi %sign3A_662, %sign3A_665 : i32
      %sign3A_667 = arith.constant 0 : i32
      %sign3A_668 = arith.cmpi sgt, %jit3A_658, %sign3A_667 : i32
      %sign3A_669 = arith.extui %sign3A_668 : i1 to i32
      %sign3A_670 = arith.constant 0 : i32
      %sign3A_671 = arith.cmpi slt, %jit3A_658, %sign3A_670 : i32
      %sign3A_672 = arith.extui %sign3A_671 : i1 to i32
      %sign3A_673 = arith.subi %sign3A_669, %sign3A_672 : i32
      %ne3A_674 = arith.cmpi ne, %sign3A_666, %sign3A_673 : i32
      %rem3A_675 = arith.remsi %add3A_657, %jit3A_658 : i32
      %ne3A_676 = arith.constant 0 : i32
      %ne3A_677 = arith.cmpi ne, %rem3A_675, %ne3A_676 : i32
      %and3A_678 = arith.andi %ne3A_674, %ne3A_677 : i1
      %sub3A_679 = arith.constant 1 : i32
      %sub3A_680 = arith.subi %div3A_659, %sub3A_679 : i32
      %select_n3A_681 = arith.select %and3A_678, %sub3A_680, %div3A_659 : i32
      %jit3A_682 = arith.constant 4 : i32
      %eq3A_683 = arith.constant 0 : i32
      %eq3A_684 = arith.cmpi eq, %jit3A_682, %eq3A_683 : i32
      %jit3A_685 = arith.constant 1 : i32
      %select_n3A_686 = arith.select %eq3A_684, %jit3A_685, %jit3A_682 : i32
      %rem3A_687 = arith.remsi %add3A_657, %select_n3A_686 : i32
      %ne3A_688 = arith.constant 0 : i32
      %ne3A_689 = arith.cmpi ne, %rem3A_687, %ne3A_688 : i32
      %lt3A_690 = arith.constant 0 : i32
      %lt3A_691 = arith.cmpi slt, %rem3A_687, %lt3A_690 : i32
      %lt3A_692 = arith.constant 0 : i32
      %lt3A_693 = arith.cmpi slt, %select_n3A_686, %lt3A_692 : i32
      %ne3A_694 = arith.xori %lt3A_691, %lt3A_693 : i1
      %and3A_695 = arith.andi %ne3A_694, %ne3A_689 : i1
      %add3A_696 = arith.addi %rem3A_687, %select_n3A_686 : i32
      %select_n3A_697 = arith.select %and3A_695, %add3A_696, %rem3A_687 : i32
      %mul3A_698 = arith.constant 8 : i32
      %mul3A_699 = arith.muli %select_n3A_681, %mul3A_698 : i32
      %mul3A_700 = arith.constant 2 : i32
      %mul3A_701 = arith.muli %select_n3A_697, %mul3A_700 : i32
      %add3A_702 = arith.addi %mul3A_699, %mul3A_701 : i32
      %dma_wait3A_703 = arith.constant 0 : i32
      %dma_wait3A_704 = tpu.memref_slice %arg3[%add3A_702, %dma_wait3A_703] : memref<1728x23296xf32, #tpu.memory_space<hbm>> -> memref<2x23296xf32, #tpu.memory_space<hbm>>
      %dma_wait3A_705 = arith.constant 0 : i32
      %dma_wait3A_706 = tpu.memref_slice %arg3[%add3A_702, %dma_wait3A_705] : memref<1728x23296xf32, #tpu.memory_space<hbm>> -> memref<2x23296xf32, #tpu.memory_space<hbm>>
      tpu.wait_dma2 semaphore(%arg12 : memref<!tpu.dma_semaphore, #tpu.memory_space<semaphore_mem>>) src(%dma_wait3A_706 : memref<2x23296xf32, #tpu.memory_space<hbm>>) dst(%arg6 : memref<2x23296xf32, #tpu.memory_space<vmem>>)
      %dma_wait3A_707 = arith.constant 0 : i32
      %dma_wait3A_708 = arith.constant 0 : i32
      %dma_wait3A_709 = tpu.memref_slice %arg2[%dma_wait3A_707, %dma_wait3A_708] : memref<50x1024xi32, #tpu.memory_space<hbm>> -> memref<1x1024xi32, #tpu.memory_space<hbm>>
      %dma_wait3A_710 = tpu.memref_squeeze %dma_wait3A_709 : memref<1x1024xi32, #tpu.memory_space<hbm>> -> memref<1024xi32, #tpu.memory_space<hbm>>
      %dma_wait3A_711 = arith.constant 0 : i32
      %dma_wait3A_712 = tpu.memref_slice %arg2[%dma_wait3A_707, %dma_wait3A_711] : memref<50x1024xi32, #tpu.memory_space<hbm>> -> memref<1x1024xi32, #tpu.memory_space<hbm>>
      %dma_wait3A_713 = tpu.memref_squeeze %dma_wait3A_712 : memref<1x1024xi32, #tpu.memory_space<hbm>> -> memref<1024xi32, #tpu.memory_space<hbm>>
      tpu.wait_dma2 semaphore(%arg13 : memref<!tpu.dma_semaphore, #tpu.memory_space<semaphore_mem>>) src(%dma_wait3A_713 : memref<1024xi32, #tpu.memory_space<hbm>>) dst(%arg7 : memref<1024xi32, #tpu.memory_space<vmem>>)
      %scan3A_714 = arith.constant 0 : i32
      %scan3A_715 = arith.constant 0 : i32
      %scan3A_716 = arith.constant 64 : i32
      %scan3A_717 = arith.addi %scan3A_715, %scan3A_716 : i32
      %scan3A_718 = arith.constant 4 : i32
      scf.for %scan3A_814 = %scan3A_715 to %scan3A_717 step %scan3A_718  : i32 {
        %mul3A_815 = arith.constant 16 : i32
        %mul3A_816 = arith.muli %scan3A_814, %mul3A_815 : i32
        %get3A = arith.index_cast %mul3A_816 : i32 to index
        %get3A_817 = tpu.vector_load %arg7[%get3A] {strides = array<i32>} : memref<1024xi32, #tpu.memory_space<vmem>>, vector<16xi32>,
        %jit3A_818 = arith.constant 8 : i32
        %div3A_819 = arith.divsi %scan3A_814, %jit3A_818 : i32
        %sign3A_820 = arith.constant 0 : i32
        %sign3A_821 = arith.cmpi sgt, %scan3A_814, %sign3A_820 : i32
        %sign3A_822 = arith.extui %sign3A_821 : i1 to i32
        %sign3A_823 = arith.constant 0 : i32
        %sign3A_824 = arith.cmpi slt, %scan3A_814, %sign3A_823 : i32
        %sign3A_825 = arith.extui %sign3A_824 : i1 to i32
        %sign3A_826 = arith.subi %sign3A_822, %sign3A_825 : i32
        %sign3A_827 = arith.constant 0 : i32
        %sign3A_828 = arith.cmpi sgt, %jit3A_818, %sign3A_827 : i32
        %sign3A_829 = arith.extui %sign3A_828 : i1 to i32
        %sign3A_830 = arith.constant 0 : i32
        %sign3A_831 = arith.cmpi slt, %jit3A_818, %sign3A_830 : i32
        %sign3A_832 = arith.extui %sign3A_831 : i1 to i32
        %sign3A_833 = arith.subi %sign3A_829, %sign3A_832 : i32
        %ne3A_834 = arith.cmpi ne, %sign3A_826, %sign3A_833 : i32
        %rem3A_835 = arith.remsi %scan3A_814, %jit3A_818 : i32
        %ne3A_836 = arith.constant 0 : i32
        %ne3A_837 = arith.cmpi ne, %rem3A_835, %ne3A_836 : i32
        %and3A_838 = arith.andi %ne3A_834, %ne3A_837 : i1
        %sub3A_839 = arith.constant 1 : i32
        %sub3A_840 = arith.subi %div3A_819, %sub3A_839 : i32
        %select_n3A_841 = arith.select %and3A_838, %sub3A_840, %div3A_819 : i32
        %jit3A_842 = arith.constant 8 : i32
        %eq3A_843 = arith.constant 0 : i32
        %eq3A_844 = arith.cmpi eq, %jit3A_842, %eq3A_843 : i32
        %jit3A_845 = arith.constant 1 : i32
        %select_n3A_846 = arith.select %eq3A_844, %jit3A_845, %jit3A_842 : i32
        %rem3A_847 = arith.remsi %scan3A_814, %select_n3A_846 : i32
        %ne3A_848 = arith.constant 0 : i32
        %ne3A_849 = arith.cmpi ne, %rem3A_847, %ne3A_848 : i32
        %lt3A_850 = arith.constant 0 : i32
        %lt3A_851 = arith.cmpi slt, %rem3A_847, %lt3A_850 : i32
        %lt3A_852 = arith.constant 0 : i32
        %lt3A_853 = arith.cmpi slt, %select_n3A_846, %lt3A_852 : i32
        %ne3A_854 = arith.xori %lt3A_851, %lt3A_853 : i1
        %and3A_855 = arith.andi %ne3A_854, %ne3A_849 : i1
        %add3A_856 = arith.addi %rem3A_847, %select_n3A_846 : i32
        %select_n3A_857 = arith.select %and3A_855, %add3A_856, %rem3A_847 : i32
        %mul3A_858 = arith.constant 16 : i32
        %mul3A_859 = arith.muli %select_n3A_857, %mul3A_858 : i32
        %broadcast_in_dim3A = arith.constant 0 : i32
        %broadcast_in_dim3A_860 = vector.broadcast %broadcast_in_dim3A : i32 to vector<16xi32>
        %gather3A = tpu.vector_load_idx %arg6[%broadcast_in_dim3A_860, %get3A_817] : memref<2x23296xf32, #tpu.memory_space<vmem>>[vector<16xi32>, vector<16xi32>], vector<16xf32>,
        %swap3A = arith.constant 0 : i32
        %swap3A_861 = arith.index_cast %select_n3A_841 : i32 to index
        %swap3A_862 = arith.index_cast %swap3A : i32 to index
        %swap3A_863 = arith.index_cast %mul3A_859 : i32 to index
        %swap3A_864 = tpu.vector_load %arg9[%swap3A_861, %swap3A_862, %swap3A_863] {strides = array<i32>} : memref<8x2x128xf32, #tpu.memory_space<vmem>>, vector<16xf32>,
        tpu.vector_store %arg9[%swap3A_861, %swap3A_862, %swap3A_863], %gather3A {strides = array<i32>} : memref<8x2x128xf32, #tpu.memory_space<vmem>>, vector<16xf32>,
        %broadcast_in_dim3A_865 = arith.constant 1 : i32
        %broadcast_in_dim3A_866 = vector.broadcast %broadcast_in_dim3A_865 : i32 to vector<16xi32>
        %gather3A_867 = tpu.vector_load_idx %arg6[%broadcast_in_dim3A_866, %get3A_817] : memref<2x23296xf32, #tpu.memory_space<vmem>>[vector<16xi32>, vector<16xi32>], vector<16xf32>,
        %swap3A_868 = arith.constant 1 : i32
        %swap3A_869 = arith.index_cast %select_n3A_841 : i32 to index
        %swap3A_870 = arith.index_cast %swap3A_868 : i32 to index
        %swap3A_871 = arith.index_cast %mul3A_859 : i32 to index
        %swap3A_872 = tpu.vector_load %arg9[%swap3A_869, %swap3A_870, %swap3A_871] {strides = array<i32>} : memref<8x2x128xf32, #tpu.memory_space<vmem>>, vector<16xf32>,
        tpu.vector_store %arg9[%swap3A_869, %swap3A_870, %swap3A_871], %gather3A_867 {strides = array<i32>} : memref<8x2x128xf32, #tpu.memory_space<vmem>>, vector<16xf32>,
        %scan3A_873 = arith.constant 1 : i32
        %scan3A_874 = arith.addi %scan3A_814, %scan3A_873 : i32
        %mul3A_875 = arith.constant 16 : i32
        %mul3A_876 = arith.muli %scan3A_874, %mul3A_875 : i32
        %get3A_877 = arith.index_cast %mul3A_876 : i32 to index
        %get3A_878 = tpu.vector_load %arg7[%get3A_877] {strides = array<i32>} : memref<1024xi32, #tpu.memory_space<vmem>>, vector<16xi32>,
        %jit3A_879 = arith.constant 8 : i32
        %div3A_880 = arith.divsi %scan3A_874, %jit3A_879 : i32
        %sign3A_881 = arith.constant 0 : i32
        %sign3A_882 = arith.cmpi sgt, %scan3A_874, %sign3A_881 : i32
        %sign3A_883 = arith.extui %sign3A_882 : i1 to i32
        %sign3A_884 = arith.constant 0 : i32
        %sign3A_885 = arith.cmpi slt, %scan3A_874, %sign3A_884 : i32
        %sign3A_886 = arith.extui %sign3A_885 : i1 to i32
        %sign3A_887 = arith.subi %sign3A_883, %sign3A_886 : i32
        %sign3A_888 = arith.constant 0 : i32
        %sign3A_889 = arith.cmpi sgt, %jit3A_879, %sign3A_888 : i32
        %sign3A_890 = arith.extui %sign3A_889 : i1 to i32
        %sign3A_891 = arith.constant 0 : i32
        %sign3A_892 = arith.cmpi slt, %jit3A_879, %sign3A_891 : i32
        %sign3A_893 = arith.extui %sign3A_892 : i1 to i32
        %sign3A_894 = arith.subi %sign3A_890, %sign3A_893 : i32
        %ne3A_895 = arith.cmpi ne, %sign3A_887, %sign3A_894 : i32
        %rem3A_896 = arith.remsi %scan3A_874, %jit3A_879 : i32
        %ne3A_897 = arith.constant 0 : i32
        %ne3A_898 = arith.cmpi ne, %rem3A_896, %ne3A_897 : i32
        %and3A_899 = arith.andi %ne3A_895, %ne3A_898 : i1
        %sub3A_900 = arith.constant 1 : i32
        %sub3A_901 = arith.subi %div3A_880, %sub3A_900 : i32
        %select_n3A_902 = arith.select %and3A_899, %sub3A_901, %div3A_880 : i32
        %jit3A_903 = arith.constant 8 : i32
        %eq3A_904 = arith.constant 0 : i32
        %eq3A_905 = arith.cmpi eq, %jit3A_903, %eq3A_904 : i32
        %jit3A_906 = arith.constant 1 : i32
        %select_n3A_907 = arith.select %eq3A_905, %jit3A_906, %jit3A_903 : i32
        %rem3A_908 = arith.remsi %scan3A_874, %select_n3A_907 : i32
        %ne3A_909 = arith.constant 0 : i32
        %ne3A_910 = arith.cmpi ne, %rem3A_908, %ne3A_909 : i32
        %lt3A_911 = arith.constant 0 : i32
        %lt3A_912 = arith.cmpi slt, %rem3A_908, %lt3A_911 : i32
        %lt3A_913 = arith.constant 0 : i32
        %lt3A_914 = arith.cmpi slt, %select_n3A_907, %lt3A_913 : i32
        %ne3A_915 = arith.xori %lt3A_912, %lt3A_914 : i1
        %and3A_916 = arith.andi %ne3A_915, %ne3A_910 : i1
        %add3A_917 = arith.addi %rem3A_908, %select_n3A_907 : i32
        %select_n3A_918 = arith.select %and3A_916, %add3A_917, %rem3A_908 : i32
        %mul3A_919 = arith.constant 16 : i32
        %mul3A_920 = arith.muli %select_n3A_918, %mul3A_919 : i32
        %broadcast_in_dim3A_921 = arith.constant 0 : i32
        %broadcast_in_dim3A_922 = vector.broadcast %broadcast_in_dim3A_921 : i32 to vector<16xi32>
        %gather3A_923 = tpu.vector_load_idx %arg6[%broadcast_in_dim3A_922, %get3A_878] : memref<2x23296xf32, #tpu.memory_space<vmem>>[vector<16xi32>, vector<16xi32>], vector<16xf32>,
        %swap3A_924 = arith.constant 0 : i32
        %swap3A_925 = arith.index_cast %select_n3A_902 : i32 to index
        %swap3A_926 = arith.index_cast %swap3A_924 : i32 to index
        %swap3A_927 = arith.index_cast %mul3A_920 : i32 to index
        %swap3A_928 = tpu.vector_load %arg9[%swap3A_925, %swap3A_926, %swap3A_927] {strides = array<i32>} : memref<8x2x128xf32, #tpu.memory_space<vmem>>, vector<16xf32>,
        tpu.vector_store %arg9[%swap3A_925, %swap3A_926, %swap3A_927], %gather3A_923 {strides = array<i32>} : memref<8x2x128xf32, #tpu.memory_space<vmem>>, vector<16xf32>,
        %broadcast_in_dim3A_929 = arith.constant 1 : i32
        %broadcast_in_dim3A_930 = vector.broadcast %broadcast_in_dim3A_929 : i32 to vector<16xi32>
        %gather3A_931 = tpu.vector_load_idx %arg6[%broadcast_in_dim3A_930, %get3A_878] : memref<2x23296xf32, #tpu.memory_space<vmem>>[vector<16xi32>, vector<16xi32>], vector<16xf32>,
        %swap3A_932 = arith.constant 1 : i32
        %swap3A_933 = arith.index_cast %select_n3A_902 : i32 to index
        %swap3A_934 = arith.index_cast %swap3A_932 : i32 to index
        %swap3A_935 = arith.index_cast %mul3A_920 : i32 to index
        %swap3A_936 = tpu.vector_load %arg9[%swap3A_933, %swap3A_934, %swap3A_935] {strides = array<i32>} : memref<8x2x128xf32, #tpu.memory_space<vmem>>, vector<16xf32>,
        tpu.vector_store %arg9[%swap3A_933, %swap3A_934, %swap3A_935], %gather3A_931 {strides = array<i32>} : memref<8x2x128xf32, #tpu.memory_space<vmem>>, vector<16xf32>,
        %scan3A_937 = arith.constant 2 : i32
        %scan3A_938 = arith.addi %scan3A_814, %scan3A_937 : i32
        %mul3A_939 = arith.constant 16 : i32
        %mul3A_940 = arith.muli %scan3A_938, %mul3A_939 : i32
        %get3A_941 = arith.index_cast %mul3A_940 : i32 to index
        %get3A_942 = tpu.vector_load %arg7[%get3A_941] {strides = array<i32>} : memref<1024xi32, #tpu.memory_space<vmem>>, vector<16xi32>,
        %jit3A_943 = arith.constant 8 : i32
        %div3A_944 = arith.divsi %scan3A_938, %jit3A_943 : i32
        %sign3A_945 = arith.constant 0 : i32
        %sign3A_946 = arith.cmpi sgt, %scan3A_938, %sign3A_945 : i32
        %sign3A_947 = arith.extui %sign3A_946 : i1 to i32
        %sign3A_948 = arith.constant 0 : i32
        %sign3A_949 = arith.cmpi slt, %scan3A_938, %sign3A_948 : i32
        %sign3A_950 = arith.extui %sign3A_949 : i1 to i32
        %sign3A_951 = arith.subi %sign3A_947, %sign3A_950 : i32
        %sign3A_952 = arith.constant 0 : i32
        %sign3A_953 = arith.cmpi sgt, %jit3A_943, %sign3A_952 : i32
        %sign3A_954 = arith.extui %sign3A_953 : i1 to i32
        %sign3A_955 = arith.constant 0 : i32
        %sign3A_956 = arith.cmpi slt, %jit3A_943, %sign3A_955 : i32
        %sign3A_957 = arith.extui %sign3A_956 : i1 to i32
        %sign3A_958 = arith.subi %sign3A_954, %sign3A_957 : i32
        %ne3A_959 = arith.cmpi ne, %sign3A_951, %sign3A_958 : i32
        %rem3A_960 = arith.remsi %scan3A_938, %jit3A_943 : i32
        %ne3A_961 = arith.constant 0 : i32
        %ne3A_962 = arith.cmpi ne, %rem3A_960, %ne3A_961 : i32
        %and3A_963 = arith.andi %ne3A_959, %ne3A_962 : i1
        %sub3A_964 = arith.constant 1 : i32
        %sub3A_965 = arith.subi %div3A_944, %sub3A_964 : i32
        %select_n3A_966 = arith.select %and3A_963, %sub3A_965, %div3A_944 : i32
        %jit3A_967 = arith.constant 8 : i32
        %eq3A_968 = arith.constant 0 : i32
        %eq3A_969 = arith.cmpi eq, %jit3A_967, %eq3A_968 : i32
        %jit3A_970 = arith.constant 1 : i32
        %select_n3A_971 = arith.select %eq3A_969, %jit3A_970, %jit3A_967 : i32
        %rem3A_972 = arith.remsi %scan3A_938, %select_n3A_971 : i32
        %ne3A_973 = arith.constant 0 : i32
        %ne3A_974 = arith.cmpi ne, %rem3A_972, %ne3A_973 : i32
        %lt3A_975 = arith.constant 0 : i32
        %lt3A_976 = arith.cmpi slt, %rem3A_972, %lt3A_975 : i32
        %lt3A_977 = arith.constant 0 : i32
        %lt3A_978 = arith.cmpi slt, %select_n3A_971, %lt3A_977 : i32
        %ne3A_979 = arith.xori %lt3A_976, %lt3A_978 : i1
        %and3A_980 = arith.andi %ne3A_979, %ne3A_974 : i1
        %add3A_981 = arith.addi %rem3A_972, %select_n3A_971 : i32
        %select_n3A_982 = arith.select %and3A_980, %add3A_981, %rem3A_972 : i32
        %mul3A_983 = arith.constant 16 : i32
        %mul3A_984 = arith.muli %select_n3A_982, %mul3A_983 : i32
        %broadcast_in_dim3A_985 = arith.constant 0 : i32
        %broadcast_in_dim3A_986 = vector.broadcast %broadcast_in_dim3A_985 : i32 to vector<16xi32>
        %gather3A_987 = tpu.vector_load_idx %arg6[%broadcast_in_dim3A_986, %get3A_942] : memref<2x23296xf32, #tpu.memory_space<vmem>>[vector<16xi32>, vector<16xi32>], vector<16xf32>,
        %swap3A_988 = arith.constant 0 : i32
        %swap3A_989 = arith.index_cast %select_n3A_966 : i32 to index
        %swap3A_990 = arith.index_cast %swap3A_988 : i32 to index
        %swap3A_991 = arith.index_cast %mul3A_984 : i32 to index
        %swap3A_992 = tpu.vector_load %arg9[%swap3A_989, %swap3A_990, %swap3A_991] {strides = array<i32>} : memref<8x2x128xf32, #tpu.memory_space<vmem>>, vector<16xf32>,
        tpu.vector_store %arg9[%swap3A_989, %swap3A_990, %swap3A_991], %gather3A_987 {strides = array<i32>} : memref<8x2x128xf32, #tpu.memory_space<vmem>>, vector<16xf32>,
        %broadcast_in_dim3A_993 = arith.constant 1 : i32
        %broadcast_in_dim3A_994 = vector.broadcast %broadcast_in_dim3A_993 : i32 to vector<16xi32>
        %gather3A_995 = tpu.vector_load_idx %arg6[%broadcast_in_dim3A_994, %get3A_942] : memref<2x23296xf32, #tpu.memory_space<vmem>>[vector<16xi32>, vector<16xi32>], vector<16xf32>,
        %swap3A_996 = arith.constant 1 : i32
        %swap3A_997 = arith.index_cast %select_n3A_966 : i32 to index
        %swap3A_998 = arith.index_cast %swap3A_996 : i32 to index
        %swap3A_999 = arith.index_cast %mul3A_984 : i32 to index
        %swap3A_1000 = tpu.vector_load %arg9[%swap3A_997, %swap3A_998, %swap3A_999] {strides = array<i32>} : memref<8x2x128xf32, #tpu.memory_space<vmem>>, vector<16xf32>,
        tpu.vector_store %arg9[%swap3A_997, %swap3A_998, %swap3A_999], %gather3A_995 {strides = array<i32>} : memref<8x2x128xf32, #tpu.memory_space<vmem>>, vector<16xf32>,
        %scan3A_1001 = arith.constant 3 : i32
        %scan3A_1002 = arith.addi %scan3A_814, %scan3A_1001 : i32
        %mul3A_1003 = arith.constant 16 : i32
        %mul3A_1004 = arith.muli %scan3A_1002, %mul3A_1003 : i32
        %get3A_1005 = arith.index_cast %mul3A_1004 : i32 to index
        %get3A_1006 = tpu.vector_load %arg7[%get3A_1005] {strides = array<i32>} : memref<1024xi32, #tpu.memory_space<vmem>>, vector<16xi32>,
        %jit3A_1007 = arith.constant 8 : i32
        %div3A_1008 = arith.divsi %scan3A_1002, %jit3A_1007 : i32
        %sign3A_1009 = arith.constant 0 : i32
        %sign3A_1010 = arith.cmpi sgt, %scan3A_1002, %sign3A_1009 : i32
        %sign3A_1011 = arith.extui %sign3A_1010 : i1 to i32
        %sign3A_1012 = arith.constant 0 : i32
        %sign3A_1013 = arith.cmpi slt, %scan3A_1002, %sign3A_1012 : i32
        %sign3A_1014 = arith.extui %sign3A_1013 : i1 to i32
        %sign3A_1015 = arith.subi %sign3A_1011, %sign3A_1014 : i32
        %sign3A_1016 = arith.constant 0 : i32
        %sign3A_1017 = arith.cmpi sgt, %jit3A_1007, %sign3A_1016 : i32
        %sign3A_1018 = arith.extui %sign3A_1017 : i1 to i32
        %sign3A_1019 = arith.constant 0 : i32
        %sign3A_1020 = arith.cmpi slt, %jit3A_1007, %sign3A_1019 : i32
        %sign3A_1021 = arith.extui %sign3A_1020 : i1 to i32
        %sign3A_1022 = arith.subi %sign3A_1018, %sign3A_1021 : i32
        %ne3A_1023 = arith.cmpi ne, %sign3A_1015, %sign3A_1022 : i32
        %rem3A_1024 = arith.remsi %scan3A_1002, %jit3A_1007 : i32
        %ne3A_1025 = arith.constant 0 : i32
        %ne3A_1026 = arith.cmpi ne, %rem3A_1024, %ne3A_1025 : i32
        %and3A_1027 = arith.andi %ne3A_1023, %ne3A_1026 : i1
        %sub3A_1028 = arith.constant 1 : i32
        %sub3A_1029 = arith.subi %div3A_1008, %sub3A_1028 : i32
        %select_n3A_1030 = arith.select %and3A_1027, %sub3A_1029, %div3A_1008 : i32
        %jit3A_1031 = arith.constant 8 : i32
        %eq3A_1032 = arith.constant 0 : i32
        %eq3A_1033 = arith.cmpi eq, %jit3A_1031, %eq3A_1032 : i32
        %jit3A_1034 = arith.constant 1 : i32
        %select_n3A_1035 = arith.select %eq3A_1033, %jit3A_1034, %jit3A_1031 : i32
        %rem3A_1036 = arith.remsi %scan3A_1002, %select_n3A_1035 : i32
        %ne3A_1037 = arith.constant 0 : i32
        %ne3A_1038 = arith.cmpi ne, %rem3A_1036, %ne3A_1037 : i32
        %lt3A_1039 = arith.constant 0 : i32
        %lt3A_1040 = arith.cmpi slt, %rem3A_1036, %lt3A_1039 : i32
        %lt3A_1041 = arith.constant 0 : i32
        %lt3A_1042 = arith.cmpi slt, %select_n3A_1035, %lt3A_1041 : i32
        %ne3A_1043 = arith.xori %lt3A_1040, %lt3A_1042 : i1
        %and3A_1044 = arith.andi %ne3A_1043, %ne3A_1038 : i1
        %add3A_1045 = arith.addi %rem3A_1036, %select_n3A_1035 : i32
        %select_n3A_1046 = arith.select %and3A_1044, %add3A_1045, %rem3A_1036 : i32
        %mul3A_1047 = arith.constant 16 : i32
        %mul3A_1048 = arith.muli %select_n3A_1046, %mul3A_1047 : i32
        %broadcast_in_dim3A_1049 = arith.constant 0 : i32
        %broadcast_in_dim3A_1050 = vector.broadcast %broadcast_in_dim3A_1049 : i32 to vector<16xi32>
        %gather3A_1051 = tpu.vector_load_idx %arg6[%broadcast_in_dim3A_1050, %get3A_1006] : memref<2x23296xf32, #tpu.memory_space<vmem>>[vector<16xi32>, vector<16xi32>], vector<16xf32>,
        %swap3A_1052 = arith.constant 0 : i32
        %swap3A_1053 = arith.index_cast %select_n3A_1030 : i32 to index
        %swap3A_1054 = arith.index_cast %swap3A_1052 : i32 to index
        %swap3A_1055 = arith.index_cast %mul3A_1048 : i32 to index
        %swap3A_1056 = tpu.vector_load %arg9[%swap3A_1053, %swap3A_1054, %swap3A_1055] {strides = array<i32>} : memref<8x2x128xf32, #tpu.memory_space<vmem>>, vector<16xf32>,
        tpu.vector_store %arg9[%swap3A_1053, %swap3A_1054, %swap3A_1055], %gather3A_1051 {strides = array<i32>} : memref<8x2x128xf32, #tpu.memory_space<vmem>>, vector<16xf32>,
        %broadcast_in_dim3A_1057 = arith.constant 1 : i32
        %broadcast_in_dim3A_1058 = vector.broadcast %broadcast_in_dim3A_1057 : i32 to vector<16xi32>
        %gather3A_1059 = tpu.vector_load_idx %arg6[%broadcast_in_dim3A_1058, %get3A_1006] : memref<2x23296xf32, #tpu.memory_space<vmem>>[vector<16xi32>, vector<16xi32>], vector<16xf32>,
        %swap3A_1060 = arith.constant 1 : i32
        %swap3A_1061 = arith.index_cast %select_n3A_1030 : i32 to index
        %swap3A_1062 = arith.index_cast %swap3A_1060 : i32 to index
        %swap3A_1063 = arith.index_cast %mul3A_1048 : i32 to index
        %swap3A_1064 = tpu.vector_load %arg9[%swap3A_1061, %swap3A_1062, %swap3A_1063] {strides = array<i32>} : memref<8x2x128xf32, #tpu.memory_space<vmem>>, vector<16xf32>,
        tpu.vector_store %arg9[%swap3A_1061, %swap3A_1062, %swap3A_1063], %gather3A_1059 {strides = array<i32>} : memref<8x2x128xf32, #tpu.memory_space<vmem>>, vector<16xf32>,
      }
      %scan3A_719 = arith.constant 64 : i32
      %mul3A_720 = arith.constant 2 : i32
      %mul3A_721 = arith.muli %select_n3A_635, %mul3A_720 : i32
      %dma_start3A_722 = arith.constant 0 : i32
      %dma_start3A_723 = arith.constant 0 : i32
      %dma_start3A_724 = arith.constant 0 : i32
      %dma_start3A_725 = tpu.memref_slice %arg4[%dma_start3A_722, %select_n3A_619, %dma_start3A_723, %mul3A_721, %dma_start3A_724] : memref<50x216x8x8x128xf32, #tpu.memory_space<hbm>> -> memref<1x1x8x2x128xf32, #tpu.memory_space<hbm>>
      %dma_start3A_726 = tpu.memref_squeeze %dma_start3A_725 : memref<1x1x8x2x128xf32, #tpu.memory_space<hbm>> -> memref<8x2x128xf32, #tpu.memory_space<hbm>>
      %dma_start3A_727 = arith.constant 0 : i32
      %dma_start3A_728 = arith.constant 0 : i32
      %dma_start3A_729 = tpu.memref_slice %arg4[%dma_start3A_722, %select_n3A_619, %dma_start3A_727, %mul3A_721, %dma_start3A_728] : memref<50x216x8x8x128xf32, #tpu.memory_space<hbm>> -> memref<1x1x8x2x128xf32, #tpu.memory_space<hbm>>
      %dma_start3A_730 = tpu.memref_squeeze %dma_start3A_729 : memref<1x1x8x2x128xf32, #tpu.memory_space<hbm>> -> memref<8x2x128xf32, #tpu.memory_space<hbm>>
      tpu.enqueue_dma source(%arg9 : memref<8x2x128xf32, #tpu.memory_space<vmem>>) target(%dma_start3A_730 : memref<8x2x128xf32, #tpu.memory_space<hbm>>) target_semaphore(%arg15 : memref<!tpu.dma_semaphore, #tpu.memory_space<semaphore_mem>>)
      %dma_start3A_731 = arith.constant 2 : i32
      %dma_start3A_732 = arith.constant 0 : i32
      %dma_start3A_733 = tpu.memref_slice %arg2[%dma_start3A_731, %dma_start3A_732] : memref<50x1024xi32, #tpu.memory_space<hbm>> -> memref<1x1024xi32, #tpu.memory_space<hbm>>
      %dma_start3A_734 = tpu.memref_squeeze %dma_start3A_733 : memref<1x1024xi32, #tpu.memory_space<hbm>> -> memref<1024xi32, #tpu.memory_space<hbm>>
      %dma_start3A_735 = arith.constant 0 : i32
      %dma_start3A_736 = tpu.memref_slice %arg2[%dma_start3A_731, %dma_start3A_735] : memref<50x1024xi32, #tpu.memory_space<hbm>> -> memref<1x1024xi32, #tpu.memory_space<hbm>>
      %dma_start3A_737 = tpu.memref_squeeze %dma_start3A_736 : memref<1x1024xi32, #tpu.memory_space<hbm>> -> memref<1024xi32, #tpu.memory_space<hbm>>
      tpu.enqueue_dma source(%dma_start3A_737 : memref<1024xi32, #tpu.memory_space<hbm>>) target(%arg7 : memref<1024xi32, #tpu.memory_space<vmem>>) target_semaphore(%arg13 : memref<!tpu.dma_semaphore, #tpu.memory_space<semaphore_mem>>)
      %dma_wait3A_738 = arith.constant 1 : i32
      %dma_wait3A_739 = arith.constant 0 : i32
      %dma_wait3A_740 = tpu.memref_slice %arg2[%dma_wait3A_738, %dma_wait3A_739] : memref<50x1024xi32, #tpu.memory_space<hbm>> -> memref<1x1024xi32, #tpu.memory_space<hbm>>
      %dma_wait3A_741 = tpu.memref_squeeze %dma_wait3A_740 : memref<1x1024xi32, #tpu.memory_space<hbm>> -> memref<1024xi32, #tpu.memory_space<hbm>>
      %dma_wait3A_742 = arith.constant 0 : i32
      %dma_wait3A_743 = tpu.memref_slice %arg2[%dma_wait3A_738, %dma_wait3A_742] : memref<50x1024xi32, #tpu.memory_space<hbm>> -> memref<1x1024xi32, #tpu.memory_space<hbm>>
      %dma_wait3A_744 = tpu.memref_squeeze %dma_wait3A_743 : memref<1x1024xi32, #tpu.memory_space<hbm>> -> memref<1024xi32, #tpu.memory_space<hbm>>
      tpu.wait_dma2 semaphore(%arg14 : memref<!tpu.dma_semaphore, #tpu.memory_space<semaphore_mem>>) src(%dma_wait3A_744 : memref<1024xi32, #tpu.memory_space<hbm>>) dst(%arg8 : memref<1024xi32, #tpu.memory_space<vmem>>)
      %scan3A_745 = arith.constant 0 : i32
      %scan3A_746 = arith.constant 0 : i32
      %scan3A_747 = arith.constant 64 : i32
      %scan3A_748 = arith.addi %scan3A_746, %scan3A_747 : i32
      %scan3A_749 = arith.constant 4 : i32
      scf.for %scan3A_814 = %scan3A_746 to %scan3A_748 step %scan3A_749  : i32 {
        %mul3A_815 = arith.constant 16 : i32
        %mul3A_816 = arith.muli %scan3A_814, %mul3A_815 : i32
        %get3A = arith.index_cast %mul3A_816 : i32 to index
        %get3A_817 = tpu.vector_load %arg8[%get3A] {strides = array<i32>} : memref<1024xi32, #tpu.memory_space<vmem>>, vector<16xi32>,
        %jit3A_818 = arith.constant 8 : i32
        %div3A_819 = arith.divsi %scan3A_814, %jit3A_818 : i32
        %sign3A_820 = arith.constant 0 : i32
        %sign3A_821 = arith.cmpi sgt, %scan3A_814, %sign3A_820 : i32
        %sign3A_822 = arith.extui %sign3A_821 : i1 to i32
        %sign3A_823 = arith.constant 0 : i32
        %sign3A_824 = arith.cmpi slt, %scan3A_814, %sign3A_823 : i32
        %sign3A_825 = arith.extui %sign3A_824 : i1 to i32
        %sign3A_826 = arith.subi %sign3A_822, %sign3A_825 : i32
        %sign3A_827 = arith.constant 0 : i32
        %sign3A_828 = arith.cmpi sgt, %jit3A_818, %sign3A_827 : i32
        %sign3A_829 = arith.extui %sign3A_828 : i1 to i32
        %sign3A_830 = arith.constant 0 : i32
        %sign3A_831 = arith.cmpi slt, %jit3A_818, %sign3A_830 : i32
        %sign3A_832 = arith.extui %sign3A_831 : i1 to i32
        %sign3A_833 = arith.subi %sign3A_829, %sign3A_832 : i32
        %ne3A_834 = arith.cmpi ne, %sign3A_826, %sign3A_833 : i32
        %rem3A_835 = arith.remsi %scan3A_814, %jit3A_818 : i32
        %ne3A_836 = arith.constant 0 : i32
        %ne3A_837 = arith.cmpi ne, %rem3A_835, %ne3A_836 : i32
        %and3A_838 = arith.andi %ne3A_834, %ne3A_837 : i1
        %sub3A_839 = arith.constant 1 : i32
        %sub3A_840 = arith.subi %div3A_819, %sub3A_839 : i32
        %select_n3A_841 = arith.select %and3A_838, %sub3A_840, %div3A_819 : i32
        %jit3A_842 = arith.constant 8 : i32
        %eq3A_843 = arith.constant 0 : i32
        %eq3A_844 = arith.cmpi eq, %jit3A_842, %eq3A_843 : i32
        %jit3A_845 = arith.constant 1 : i32
        %select_n3A_846 = arith.select %eq3A_844, %jit3A_845, %jit3A_842 : i32
        %rem3A_847 = arith.remsi %scan3A_814, %select_n3A_846 : i32
        %ne3A_848 = arith.constant 0 : i32
        %ne3A_849 = arith.cmpi ne, %rem3A_847, %ne3A_848 : i32
        %lt3A_850 = arith.constant 0 : i32
        %lt3A_851 = arith.cmpi slt, %rem3A_847, %lt3A_850 : i32
        %lt3A_852 = arith.constant 0 : i32
        %lt3A_853 = arith.cmpi slt, %select_n3A_846, %lt3A_852 : i32
        %ne3A_854 = arith.xori %lt3A_851, %lt3A_853 : i1
        %and3A_855 = arith.andi %ne3A_854, %ne3A_849 : i1
        %add3A_856 = arith.addi %rem3A_847, %select_n3A_846 : i32
        %select_n3A_857 = arith.select %and3A_855, %add3A_856, %rem3A_847 : i32
        %mul3A_858 = arith.constant 16 : i32
        %mul3A_859 = arith.muli %select_n3A_857, %mul3A_858 : i32
        %broadcast_in_dim3A = arith.constant 0 : i32
        %broadcast_in_dim3A_860 = vector.broadcast %broadcast_in_dim3A : i32 to vector<16xi32>
        %gather3A = tpu.vector_load_idx %arg6[%broadcast_in_dim3A_860, %get3A_817] : memref<2x23296xf32, #tpu.memory_space<vmem>>[vector<16xi32>, vector<16xi32>], vector<16xf32>,
        %swap3A = arith.constant 0 : i32
        %swap3A_861 = arith.index_cast %select_n3A_841 : i32 to index
        %swap3A_862 = arith.index_cast %swap3A : i32 to index
        %swap3A_863 = arith.index_cast %mul3A_859 : i32 to index
        %swap3A_864 = tpu.vector_load %arg10[%swap3A_861, %swap3A_862, %swap3A_863] {strides = array<i32>} : memref<8x2x128xf32, #tpu.memory_space<vmem>>, vector<16xf32>,
        tpu.vector_store %arg10[%swap3A_861, %swap3A_862, %swap3A_863], %gather3A {strides = array<i32>} : memref<8x2x128xf32, #tpu.memory_space<vmem>>, vector<16xf32>,
        %broadcast_in_dim3A_865 = arith.constant 1 : i32
        %broadcast_in_dim3A_866 = vector.broadcast %broadcast_in_dim3A_865 : i32 to vector<16xi32>
        %gather3A_867 = tpu.vector_load_idx %arg6[%broadcast_in_dim3A_866, %get3A_817] : memref<2x23296xf32, #tpu.memory_space<vmem>>[vector<16xi32>, vector<16xi32>], vector<16xf32>,
        %swap3A_868 = arith.constant 1 : i32
        %swap3A_869 = arith.index_cast %select_n3A_841 : i32 to index
        %swap3A_870 = arith.index_cast %swap3A_868 : i32 to index
        %swap3A_871 = arith.index_cast %mul3A_859 : i32 to index
        %swap3A_872 = tpu.vector_load %arg10[%swap3A_869, %swap3A_870, %swap3A_871] {strides = array<i32>} : memref<8x2x128xf32, #tpu.memory_space<vmem>>, vector<16xf32>,
        tpu.vector_store %arg10[%swap3A_869, %swap3A_870, %swap3A_871], %gather3A_867 {strides = array<i32>} : memref<8x2x128xf32, #tpu.memory_space<vmem>>, vector<16xf32>,
        %scan3A_873 = arith.constant 1 : i32
        %scan3A_874 = arith.addi %scan3A_814, %scan3A_873 : i32
        %mul3A_875 = arith.constant 16 : i32
        %mul3A_876 = arith.muli %scan3A_874, %mul3A_875 : i32
        %get3A_877 = arith.index_cast %mul3A_876 : i32 to index
        %get3A_878 = tpu.vector_load %arg8[%get3A_877] {strides = array<i32>} : memref<1024xi32, #tpu.memory_space<vmem>>, vector<16xi32>,
        %jit3A_879 = arith.constant 8 : i32
        %div3A_880 = arith.divsi %scan3A_874, %jit3A_879 : i32
        %sign3A_881 = arith.constant 0 : i32
        %sign3A_882 = arith.cmpi sgt, %scan3A_874, %sign3A_881 : i32
        %sign3A_883 = arith.extui %sign3A_882 : i1 to i32
        %sign3A_884 = arith.constant 0 : i32
        %sign3A_885 = arith.cmpi slt, %scan3A_874, %sign3A_884 : i32
        %sign3A_886 = arith.extui %sign3A_885 : i1 to i32
        %sign3A_887 = arith.subi %sign3A_883, %sign3A_886 : i32
        %sign3A_888 = arith.constant 0 : i32
        %sign3A_889 = arith.cmpi sgt, %jit3A_879, %sign3A_888 : i32
        %sign3A_890 = arith.extui %sign3A_889 : i1 to i32
        %sign3A_891 = arith.constant 0 : i32
        %sign3A_892 = arith.cmpi slt, %jit3A_879, %sign3A_891 : i32
        %sign3A_893 = arith.extui %sign3A_892 : i1 to i32
        %sign3A_894 = arith.subi %sign3A_890, %sign3A_893 : i32
        %ne3A_895 = arith.cmpi ne, %sign3A_887, %sign3A_894 : i32
        %rem3A_896 = arith.remsi %scan3A_874, %jit3A_879 : i32
        %ne3A_897 = arith.constant 0 : i32
        %ne3A_898 = arith.cmpi ne, %rem3A_896, %ne3A_897 : i32
        %and3A_899 = arith.andi %ne3A_895, %ne3A_898 : i1
        %sub3A_900 = arith.constant 1 : i32
        %sub3A_901 = arith.subi %div3A_880, %sub3A_900 : i32
        %select_n3A_902 = arith.select %and3A_899, %sub3A_901, %div3A_880 : i32
        %jit3A_903 = arith.constant 8 : i32
        %eq3A_904 = arith.constant 0 : i32
        %eq3A_905 = arith.cmpi eq, %jit3A_903, %eq3A_904 : i32
        %jit3A_906 = arith.constant 1 : i32
        %select_n3A_907 = arith.select %eq3A_905, %jit3A_906, %jit3A_903 : i32
        %rem3A_908 = arith.remsi %scan3A_874, %select_n3A_907 : i32
        %ne3A_909 = arith.constant 0 : i32
        %ne3A_910 = arith.cmpi ne, %rem3A_908, %ne3A_909 : i32
        %lt3A_911 = arith.constant 0 : i32
        %lt3A_912 = arith.cmpi slt, %rem3A_908, %lt3A_911 : i32
        %lt3A_913 = arith.constant 0 : i32
        %lt3A_914 = arith.cmpi slt, %select_n3A_907, %lt3A_913 : i32
        %ne3A_915 = arith.xori %lt3A_912, %lt3A_914 : i1
        %and3A_916 = arith.andi %ne3A_915, %ne3A_910 : i1
        %add3A_917 = arith.addi %rem3A_908, %select_n3A_907 : i32
        %select_n3A_918 = arith.select %and3A_916, %add3A_917, %rem3A_908 : i32
        %mul3A_919 = arith.constant 16 : i32
        %mul3A_920 = arith.muli %select_n3A_918, %mul3A_919 : i32
        %broadcast_in_dim3A_921 = arith.constant 0 : i32
        %broadcast_in_dim3A_922 = vector.broadcast %broadcast_in_dim3A_921 : i32 to vector<16xi32>
        %gather3A_923 = tpu.vector_load_idx %arg6[%broadcast_in_dim3A_922, %get3A_878] : memref<2x23296xf32, #tpu.memory_space<vmem>>[vector<16xi32>, vector<16xi32>], vector<16xf32>,
        %swap3A_924 = arith.constant 0 : i32
        %swap3A_925 = arith.index_cast %select_n3A_902 : i32 to index
        %swap3A_926 = arith.index_cast %swap3A_924 : i32 to index
        %swap3A_927 = arith.index_cast %mul3A_920 : i32 to index
        %swap3A_928 = tpu.vector_load %arg10[%swap3A_925, %swap3A_926, %swap3A_927] {strides = array<i32>} : memref<8x2x128xf32, #tpu.memory_space<vmem>>, vector<16xf32>,
        tpu.vector_store %arg10[%swap3A_925, %swap3A_926, %swap3A_927], %gather3A_923 {strides = array<i32>} : memref<8x2x128xf32, #tpu.memory_space<vmem>>, vector<16xf32>,
        %broadcast_in_dim3A_929 = arith.constant 1 : i32
        %broadcast_in_dim3A_930 = vector.broadcast %broadcast_in_dim3A_929 : i32 to vector<16xi32>
        %gather3A_931 = tpu.vector_load_idx %arg6[%broadcast_in_dim3A_930, %get3A_878] : memref<2x23296xf32, #tpu.memory_space<vmem>>[vector<16xi32>, vector<16xi32>], vector<16xf32>,
        %swap3A_932 = arith.constant 1 : i32
        %swap3A_933 = arith.index_cast %select_n3A_902 : i32 to index
        %swap3A_934 = arith.index_cast %swap3A_932 : i32 to index
        %swap3A_935 = arith.index_cast %mul3A_920 : i32 to index
        %swap3A_936 = tpu.vector_load %arg10[%swap3A_933, %swap3A_934, %swap3A_935] {strides = array<i32>} : memref<8x2x128xf32, #tpu.memory_space<vmem>>, vector<16xf32>,
        tpu.vector_store %arg10[%swap3A_933, %swap3A_934, %swap3A_935], %gather3A_931 {strides = array<i32>} : memref<8x2x128xf32, #tpu.memory_space<vmem>>, vector<16xf32>,
        %scan3A_937 = arith.constant 2 : i32
        %scan3A_938 = arith.addi %scan3A_814, %scan3A_937 : i32
        %mul3A_939 = arith.constant 16 : i32
        %mul3A_940 = arith.muli %scan3A_938, %mul3A_939 : i32
        %get3A_941 = arith.index_cast %mul3A_940 : i32 to index
        %get3A_942 = tpu.vector_load %arg8[%get3A_941] {strides = array<i32>} : memref<1024xi32, #tpu.memory_space<vmem>>, vector<16xi32>,
        %jit3A_943 = arith.constant 8 : i32
        %div3A_944 = arith.divsi %scan3A_938, %jit3A_943 : i32
        %sign3A_945 = arith.constant 0 : i32
        %sign3A_946 = arith.cmpi sgt, %scan3A_938, %sign3A_945 : i32
        %sign3A_947 = arith.extui %sign3A_946 : i1 to i32
        %sign3A_948 = arith.constant 0 : i32
        %sign3A_949 = arith.cmpi slt, %scan3A_938, %sign3A_948 : i32
        %sign3A_950 = arith.extui %sign3A_949 : i1 to i32
        %sign3A_951 = arith.subi %sign3A_947, %sign3A_950 : i32
        %sign3A_952 = arith.constant 0 : i32
        %sign3A_953 = arith.cmpi sgt, %jit3A_943, %sign3A_952 : i32
        %sign3A_954 = arith.extui %sign3A_953 : i1 to i32
        %sign3A_955 = arith.constant 0 : i32
        %sign3A_956 = arith.cmpi slt, %jit3A_943, %sign3A_955 : i32
        %sign3A_957 = arith.extui %sign3A_956 : i1 to i32
        %sign3A_958 = arith.subi %sign3A_954, %sign3A_957 : i32
        %ne3A_959 = arith.cmpi ne, %sign3A_951, %sign3A_958 : i32
        %rem3A_960 = arith.remsi %scan3A_938, %jit3A_943 : i32
        %ne3A_961 = arith.constant 0 : i32
        %ne3A_962 = arith.cmpi ne, %rem3A_960, %ne3A_961 : i32
        %and3A_963 = arith.andi %ne3A_959, %ne3A_962 : i1
        %sub3A_964 = arith.constant 1 : i32
        %sub3A_965 = arith.subi %div3A_944, %sub3A_964 : i32
        %select_n3A_966 = arith.select %and3A_963, %sub3A_965, %div3A_944 : i32
        %jit3A_967 = arith.constant 8 : i32
        %eq3A_968 = arith.constant 0 : i32
        %eq3A_969 = arith.cmpi eq, %jit3A_967, %eq3A_968 : i32
        %jit3A_970 = arith.constant 1 : i32
        %select_n3A_971 = arith.select %eq3A_969, %jit3A_970, %jit3A_967 : i32
        %rem3A_972 = arith.remsi %scan3A_938, %select_n3A_971 : i32
        %ne3A_973 = arith.constant 0 : i32
        %ne3A_974 = arith.cmpi ne, %rem3A_972, %ne3A_973 : i32
        %lt3A_975 = arith.constant 0 : i32
        %lt3A_976 = arith.cmpi slt, %rem3A_972, %lt3A_975 : i32
        %lt3A_977 = arith.constant 0 : i32
        %lt3A_978 = arith.cmpi slt, %select_n3A_971, %lt3A_977 : i32
        %ne3A_979 = arith.xori %lt3A_976, %lt3A_978 : i1
        %and3A_980 = arith.andi %ne3A_979, %ne3A_974 : i1
        %add3A_981 = arith.addi %rem3A_972, %select_n3A_971 : i32
        %select_n3A_982 = arith.select %and3A_980, %add3A_981, %rem3A_972 : i32
        %mul3A_983 = arith.constant 16 : i32
        %mul3A_984 = arith.muli %select_n3A_982, %mul3A_983 : i32
        %broadcast_in_dim3A_985 = arith.constant 0 : i32
        %broadcast_in_dim3A_986 = vector.broadcast %broadcast_in_dim3A_985 : i32 to vector<16xi32>
        %gather3A_987 = tpu.vector_load_idx %arg6[%broadcast_in_dim3A_986, %get3A_942] : memref<2x23296xf32, #tpu.memory_space<vmem>>[vector<16xi32>, vector<16xi32>], vector<16xf32>,
        %swap3A_988 = arith.constant 0 : i32
        %swap3A_989 = arith.index_cast %select_n3A_966 : i32 to index
        %swap3A_990 = arith.index_cast %swap3A_988 : i32 to index
        %swap3A_991 = arith.index_cast %mul3A_984 : i32 to index
        %swap3A_992 = tpu.vector_load %arg10[%swap3A_989, %swap3A_990, %swap3A_991] {strides = array<i32>} : memref<8x2x128xf32, #tpu.memory_space<vmem>>, vector<16xf32>,
        tpu.vector_store %arg10[%swap3A_989, %swap3A_990, %swap3A_991], %gather3A_987 {strides = array<i32>} : memref<8x2x128xf32, #tpu.memory_space<vmem>>, vector<16xf32>,
        %broadcast_in_dim3A_993 = arith.constant 1 : i32
        %broadcast_in_dim3A_994 = vector.broadcast %broadcast_in_dim3A_993 : i32 to vector<16xi32>
        %gather3A_995 = tpu.vector_load_idx %arg6[%broadcast_in_dim3A_994, %get3A_942] : memref<2x23296xf32, #tpu.memory_space<vmem>>[vector<16xi32>, vector<16xi32>], vector<16xf32>,
        %swap3A_996 = arith.constant 1 : i32
        %swap3A_997 = arith.index_cast %select_n3A_966 : i32 to index
        %swap3A_998 = arith.index_cast %swap3A_996 : i32 to index
        %swap3A_999 = arith.index_cast %mul3A_984 : i32 to index
        %swap3A_1000 = tpu.vector_load %arg10[%swap3A_997, %swap3A_998, %swap3A_999] {strides = array<i32>} : memref<8x2x128xf32, #tpu.memory_space<vmem>>, vector<16xf32>,
        tpu.vector_store %arg10[%swap3A_997, %swap3A_998, %swap3A_999], %gather3A_995 {strides = array<i32>} : memref<8x2x128xf32, #tpu.memory_space<vmem>>, vector<16xf32>,
        %scan3A_1001 = arith.constant 3 : i32
        %scan3A_1002 = arith.addi %scan3A_814, %scan3A_1001 : i32
        %mul3A_1003 = arith.constant 16 : i32
        %mul3A_1004 = arith.muli %scan3A_1002, %mul3A_1003 : i32
        %get3A_1005 = arith.index_cast %mul3A_1004 : i32 to index
        %get3A_1006 = tpu.vector_load %arg8[%get3A_1005] {strides = array<i32>} : memref<1024xi32, #tpu.memory_space<vmem>>, vector<16xi32>,
        %jit3A_1007 = arith.constant 8 : i32
        %div3A_1008 = arith.divsi %scan3A_1002, %jit3A_1007 : i32
        %sign3A_1009 = arith.constant 0 : i32
        %sign3A_1010 = arith.cmpi sgt, %scan3A_1002, %sign3A_1009 : i32
        %sign3A_1011 = arith.extui %sign3A_1010 : i1 to i32
        %sign3A_1012 = arith.constant 0 : i32
        %sign3A_1013 = arith.cmpi slt, %scan3A_1002, %sign3A_1012 : i32
        %sign3A_1014 = arith.extui %sign3A_1013 : i1 to i32
        %sign3A_1015 = arith.subi %sign3A_1011, %sign3A_1014 : i32
        %sign3A_1016 = arith.constant 0 : i32
        %sign3A_1017 = arith.cmpi sgt, %jit3A_1007, %sign3A_1016 : i32
        %sign3A_1018 = arith.extui %sign3A_1017 : i1 to i32
        %sign3A_1019 = arith.constant 0 : i32
        %sign3A_1020 = arith.cmpi slt, %jit3A_1007, %sign3A_1019 : i32
        %sign3A_1021 = arith.extui %sign3A_1020 : i1 to i32
        %sign3A_1022 = arith.subi %sign3A_1018, %sign3A_1021 : i32
        %ne3A_1023 = arith.cmpi ne, %sign3A_1015, %sign3A_1022 : i32
        %rem3A_1024 = arith.remsi %scan3A_1002, %jit3A_1007 : i32
        %ne3A_1025 = arith.constant 0 : i32
        %ne3A_1026 = arith.cmpi ne, %rem3A_1024, %ne3A_1025 : i32
        %and3A_1027 = arith.andi %ne3A_1023, %ne3A_1026 : i1
        %sub3A_1028 = arith.constant 1 : i32
        %sub3A_1029 = arith.subi %div3A_1008, %sub3A_1028 : i32
        %select_n3A_1030 = arith.select %and3A_1027, %sub3A_1029, %div3A_1008 : i32
        %jit3A_1031 = arith.constant 8 : i32
        %eq3A_1032 = arith.constant 0 : i32
        %eq3A_1033 = arith.cmpi eq, %jit3A_1031, %eq3A_1032 : i32
        %jit3A_1034 = arith.constant 1 : i32
        %select_n3A_1035 = arith.select %eq3A_1033, %jit3A_1034, %jit3A_1031 : i32
        %rem3A_1036 = arith.remsi %scan3A_1002, %select_n3A_1035 : i32
        %ne3A_1037 = arith.constant 0 : i32
        %ne3A_1038 = arith.cmpi ne, %rem3A_1036, %ne3A_1037 : i32
        %lt3A_1039 = arith.constant 0 : i32
        %lt3A_1040 = arith.cmpi slt, %rem3A_1036, %lt3A_1039 : i32
        %lt3A_1041 = arith.constant 0 : i32
        %lt3A_1042 = arith.cmpi slt, %select_n3A_1035, %lt3A_1041 : i32
        %ne3A_1043 = arith.xori %lt3A_1040, %lt3A_1042 : i1
        %and3A_1044 = arith.andi %ne3A_1043, %ne3A_1038 : i1
        %add3A_1045 = arith.addi %rem3A_1036, %select_n3A_1035 : i32
        %select_n3A_1046 = arith.select %and3A_1044, %add3A_1045, %rem3A_1036 : i32
        %mul3A_1047 = arith.constant 16 : i32
        %mul3A_1048 = arith.muli %select_n3A_1046, %mul3A_1047 : i32
        %broadcast_in_dim3A_1049 = arith.constant 0 : i32
        %broadcast_in_dim3A_1050 = vector.broadcast %broadcast_in_dim3A_1049 : i32 to vector<16xi32>
        %gather3A_1051 = tpu.vector_load_idx %arg6[%broadcast_in_dim3A_1050, %get3A_1006] : memref<2x23296xf32, #tpu.memory_space<vmem>>[vector<16xi32>, vector<16xi32>], vector<16xf32>,
        %swap3A_1052 = arith.constant 0 : i32
        %swap3A_1053 = arith.index_cast %select_n3A_1030 : i32 to index
        %swap3A_1054 = arith.index_cast %swap3A_1052 : i32 to index
        %swap3A_1055 = arith.index_cast %mul3A_1048 : i32 to index
        %swap3A_1056 = tpu.vector_load %arg10[%swap3A_1053, %swap3A_1054, %swap3A_1055] {strides = array<i32>} : memref<8x2x128xf32, #tpu.memory_space<vmem>>, vector<16xf32>,
        tpu.vector_store %arg10[%swap3A_1053, %swap3A_1054, %swap3A_1055], %gather3A_1051 {strides = array<i32>} : memref<8x2x128xf32, #tpu.memory_space<vmem>>, vector<16xf32>,
        %broadcast_in_dim3A_1057 = arith.constant 1 : i32
        %broadcast_in_dim3A_1058 = vector.broadcast %broadcast_in_dim3A_1057 : i32 to vector<16xi32>
        %gather3A_1059 = tpu.vector_load_idx %arg6[%broadcast_in_dim3A_1058, %get3A_1006] : memref<2x23296xf32, #tpu.memory_space<vmem>>[vector<16xi32>, vector<16xi32>], vector<16xf32>,
        %swap3A_1060 = arith.constant 1 : i32
        %swap3A_1061 = arith.index_cast %select_n3A_1030 : i32 to index
        %swap3A_1062 = arith.index_cast %swap3A_1060 : i32 to index
        %swap3A_1063 = arith.index_cast %mul3A_1048 : i32 to index
        %swap3A_1064 = tpu.vector_load %arg10[%swap3A_1061, %swap3A_1062, %swap3A_1063] {strides = array<i32>} : memref<8x2x128xf32, #tpu.memory_space<vmem>>, vector<16xf32>,
        tpu.vector_store %arg10[%swap3A_1061, %swap3A_1062, %swap3A_1063], %gather3A_1059 {strides = array<i32>} : memref<8x2x128xf32, #tpu.memory_space<vmem>>, vector<16xf32>,
      }
      %scan3A_750 = arith.constant 64 : i32
      %mul3A_751 = arith.constant 2 : i32
      %mul3A_752 = arith.muli %select_n3A_635, %mul3A_751 : i32
      %dma_start3A_753 = arith.constant 1 : i32
      %dma_start3A_754 = arith.constant 0 : i32
      %dma_start3A_755 = arith.constant 0 : i32
      %dma_start3A_756 = tpu.memref_slice %arg4[%dma_start3A_753, %select_n3A_619, %dma_start3A_754, %mul3A_752, %dma_start3A_755] : memref<50x216x8x8x128xf32, #tpu.memory_space<hbm>> -> memref<1x1x8x2x128xf32, #tpu.memory_space<hbm>>
      %dma_start3A_757 = tpu.memref_squeeze %dma_start3A_756 : memref<1x1x8x2x128xf32, #tpu.memory_space<hbm>> -> memref<8x2x128xf32, #tpu.memory_space<hbm>>
      %dma_start3A_758 = arith.constant 0 : i32
      %dma_start3A_759 = arith.constant 0 : i32
      %dma_start3A_760 = tpu.memref_slice %arg4[%dma_start3A_753, %select_n3A_619, %dma_start3A_758, %mul3A_752, %dma_start3A_759] : memref<50x216x8x8x128xf32, #tpu.memory_space<hbm>> -> memref<1x1x8x2x128xf32, #tpu.memory_space<hbm>>
      %dma_start3A_761 = tpu.memref_squeeze %dma_start3A_760 : memref<1x1x8x2x128xf32, #tpu.memory_space<hbm>> -> memref<8x2x128xf32, #tpu.memory_space<hbm>>
      tpu.enqueue_dma source(%arg10 : memref<8x2x128xf32, #tpu.memory_space<vmem>>) target(%dma_start3A_761 : memref<8x2x128xf32, #tpu.memory_space<hbm>>) target_semaphore(%arg16 : memref<!tpu.dma_semaphore, #tpu.memory_space<semaphore_mem>>)
      %dma_start3A_762 = arith.constant 3 : i32
      %dma_start3A_763 = arith.constant 0 : i32
      %dma_start3A_764 = tpu.memref_slice %arg2[%dma_start3A_762, %dma_start3A_763] : memref<50x1024xi32, #tpu.memory_space<hbm>> -> memref<1x1024xi32, #tpu.memory_space<hbm>>
      %dma_start3A_765 = tpu.memref_squeeze %dma_start3A_764 : memref<1x1024xi32, #tpu.memory_space<hbm>> -> memref<1024xi32, #tpu.memory_space<hbm>>
      %dma_start3A_766 = arith.constant 0 : i32
      %dma_start3A_767 = tpu.memref_slice %arg2[%dma_start3A_762, %dma_start3A_766] : memref<50x1024xi32, #tpu.memory_space<hbm>> -> memref<1x1024xi32, #tpu.memory_space<hbm>>
      %dma_start3A_768 = tpu.memref_squeeze %dma_start3A_767 : memref<1x1024xi32, #tpu.memory_space<hbm>> -> memref<1024xi32, #tpu.memory_space<hbm>>
      tpu.enqueue_dma source(%dma_start3A_768 : memref<1024xi32, #tpu.memory_space<hbm>>) target(%arg8 : memref<1024xi32, #tpu.memory_space<vmem>>) target_semaphore(%arg14 : memref<!tpu.dma_semaphore, #tpu.memory_space<semaphore_mem>>)
      %scan3A_769 = arith.constant 0 : i32
      %scan3A_770 = arith.constant 1 : i32
      %scan3A_771 = arith.constant 24 : i32
      %scan3A_772 = arith.addi %scan3A_770, %scan3A_771 : i32
      %scan3A_773 = arith.constant 1 : i32
      scf.for %scan3A_814 = %scan3A_770 to %scan3A_772 step %scan3A_773  : i32 {
        %mul3A_815 = arith.constant 2 : i32
        %mul3A_816 = arith.muli %mul3A_815, %scan3A_814 : i32
        %mul3A_817 = arith.constant 2 : i32
        %mul3A_818 = arith.muli %select_n3A_635, %mul3A_817 : i32
        %dma_wait3A_819 = arith.constant 0 : i32
        %dma_wait3A_820 = arith.constant 0 : i32
        %dma_wait3A_821 = arith.constant 0 : i32
        %dma_wait3A_822 = tpu.memref_slice %arg4[%dma_wait3A_819, %select_n3A_619, %dma_wait3A_820, %mul3A_818, %dma_wait3A_821] : memref<50x216x8x8x128xf32, #tpu.memory_space<hbm>> -> memref<1x1x8x2x128xf32, #tpu.memory_space<hbm>>
        %dma_wait3A_823 = tpu.memref_squeeze %dma_wait3A_822 : memref<1x1x8x2x128xf32, #tpu.memory_space<hbm>> -> memref<8x2x128xf32, #tpu.memory_space<hbm>>
        %dma_wait3A_824 = arith.constant 0 : i32
        %dma_wait3A_825 = arith.constant 0 : i32
        %dma_wait3A_826 = tpu.memref_slice %arg4[%dma_wait3A_819, %select_n3A_619, %dma_wait3A_824, %mul3A_818, %dma_wait3A_825] : memref<50x216x8x8x128xf32, #tpu.memory_space<hbm>> -> memref<1x1x8x2x128xf32, #tpu.memory_space<hbm>>
        %dma_wait3A_827 = tpu.memref_squeeze %dma_wait3A_826 : memref<1x1x8x2x128xf32, #tpu.memory_space<hbm>> -> memref<8x2x128xf32, #tpu.memory_space<hbm>>
        tpu.wait_dma2 semaphore(%arg15 : memref<!tpu.dma_semaphore, #tpu.memory_space<semaphore_mem>>) src(%arg9 : memref<8x2x128xf32, #tpu.memory_space<vmem>>) dst(%dma_wait3A_827 : memref<8x2x128xf32, #tpu.memory_space<hbm>>)
        %dma_wait3A_828 = arith.constant 0 : i32
        %dma_wait3A_829 = tpu.memref_slice %arg2[%mul3A_816, %dma_wait3A_828] : memref<50x1024xi32, #tpu.memory_space<hbm>> -> memref<1x1024xi32, #tpu.memory_space<hbm>>
        %dma_wait3A_830 = tpu.memref_squeeze %dma_wait3A_829 : memref<1x1024xi32, #tpu.memory_space<hbm>> -> memref<1024xi32, #tpu.memory_space<hbm>>
        %dma_wait3A_831 = arith.constant 0 : i32
        %dma_wait3A_832 = tpu.memref_slice %arg2[%mul3A_816, %dma_wait3A_831] : memref<50x1024xi32, #tpu.memory_space<hbm>> -> memref<1x1024xi32, #tpu.memory_space<hbm>>
        %dma_wait3A_833 = tpu.memref_squeeze %dma_wait3A_832 : memref<1x1024xi32, #tpu.memory_space<hbm>> -> memref<1024xi32, #tpu.memory_space<hbm>>
        tpu.wait_dma2 semaphore(%arg13 : memref<!tpu.dma_semaphore, #tpu.memory_space<semaphore_mem>>) src(%dma_wait3A_833 : memref<1024xi32, #tpu.memory_space<hbm>>) dst(%arg7 : memref<1024xi32, #tpu.memory_space<vmem>>)
        %scan3A_834 = arith.constant 0 : i32
        %scan3A_835 = arith.constant 0 : i32
        %scan3A_836 = arith.constant 64 : i32
        %scan3A_837 = arith.addi %scan3A_835, %scan3A_836 : i32
        %scan3A_838 = arith.constant 4 : i32
        scf.for %scan3A_904 = %scan3A_835 to %scan3A_837 step %scan3A_838  : i32 {
          %mul3A_905 = arith.constant 16 : i32
          %mul3A_906 = arith.muli %scan3A_904, %mul3A_905 : i32
          %get3A = arith.index_cast %mul3A_906 : i32 to index
          %get3A_907 = tpu.vector_load %arg7[%get3A] {strides = array<i32>} : memref<1024xi32, #tpu.memory_space<vmem>>, vector<16xi32>,
          %jit3A_908 = arith.constant 8 : i32
          %div3A_909 = arith.divsi %scan3A_904, %jit3A_908 : i32
          %sign3A_910 = arith.constant 0 : i32
          %sign3A_911 = arith.cmpi sgt, %scan3A_904, %sign3A_910 : i32
          %sign3A_912 = arith.extui %sign3A_911 : i1 to i32
          %sign3A_913 = arith.constant 0 : i32
          %sign3A_914 = arith.cmpi slt, %scan3A_904, %sign3A_913 : i32
          %sign3A_915 = arith.extui %sign3A_914 : i1 to i32
          %sign3A_916 = arith.subi %sign3A_912, %sign3A_915 : i32
          %sign3A_917 = arith.constant 0 : i32
          %sign3A_918 = arith.cmpi sgt, %jit3A_908, %sign3A_917 : i32
          %sign3A_919 = arith.extui %sign3A_918 : i1 to i32
          %sign3A_920 = arith.constant 0 : i32
          %sign3A_921 = arith.cmpi slt, %jit3A_908, %sign3A_920 : i32
          %sign3A_922 = arith.extui %sign3A_921 : i1 to i32
          %sign3A_923 = arith.subi %sign3A_919, %sign3A_922 : i32
          %ne3A_924 = arith.cmpi ne, %sign3A_916, %sign3A_923 : i32
          %rem3A_925 = arith.remsi %scan3A_904, %jit3A_908 : i32
          %ne3A_926 = arith.constant 0 : i32
          %ne3A_927 = arith.cmpi ne, %rem3A_925, %ne3A_926 : i32
          %and3A_928 = arith.andi %ne3A_924, %ne3A_927 : i1
          %sub3A_929 = arith.constant 1 : i32
          %sub3A_930 = arith.subi %div3A_909, %sub3A_929 : i32
          %select_n3A_931 = arith.select %and3A_928, %sub3A_930, %div3A_909 : i32
          %jit3A_932 = arith.constant 8 : i32
          %eq3A_933 = arith.constant 0 : i32
          %eq3A_934 = arith.cmpi eq, %jit3A_932, %eq3A_933 : i32
          %jit3A_935 = arith.constant 1 : i32
          %select_n3A_936 = arith.select %eq3A_934, %jit3A_935, %jit3A_932 : i32
          %rem3A_937 = arith.remsi %scan3A_904, %select_n3A_936 : i32
          %ne3A_938 = arith.constant 0 : i32
          %ne3A_939 = arith.cmpi ne, %rem3A_937, %ne3A_938 : i32
          %lt3A_940 = arith.constant 0 : i32
          %lt3A_941 = arith.cmpi slt, %rem3A_937, %lt3A_940 : i32
          %lt3A_942 = arith.constant 0 : i32
          %lt3A_943 = arith.cmpi slt, %select_n3A_936, %lt3A_942 : i32
          %ne3A_944 = arith.xori %lt3A_941, %lt3A_943 : i1
          %and3A_945 = arith.andi %ne3A_944, %ne3A_939 : i1
          %add3A_946 = arith.addi %rem3A_937, %select_n3A_936 : i32
          %select_n3A_947 = arith.select %and3A_945, %add3A_946, %rem3A_937 : i32
          %mul3A_948 = arith.constant 16 : i32
          %mul3A_949 = arith.muli %select_n3A_947, %mul3A_948 : i32
          %broadcast_in_dim3A = arith.constant 0 : i32
          %broadcast_in_dim3A_950 = vector.broadcast %broadcast_in_dim3A : i32 to vector<16xi32>
          %gather3A = tpu.vector_load_idx %arg6[%broadcast_in_dim3A_950, %get3A_907] : memref<2x23296xf32, #tpu.memory_space<vmem>>[vector<16xi32>, vector<16xi32>], vector<16xf32>,
          %swap3A = arith.constant 0 : i32
          %swap3A_951 = arith.index_cast %select_n3A_931 : i32 to index
          %swap3A_952 = arith.index_cast %swap3A : i32 to index
          %swap3A_953 = arith.index_cast %mul3A_949 : i32 to index
          %swap3A_954 = tpu.vector_load %arg9[%swap3A_951, %swap3A_952, %swap3A_953] {strides = array<i32>} : memref<8x2x128xf32, #tpu.memory_space<vmem>>, vector<16xf32>,
          tpu.vector_store %arg9[%swap3A_951, %swap3A_952, %swap3A_953], %gather3A {strides = array<i32>} : memref<8x2x128xf32, #tpu.memory_space<vmem>>, vector<16xf32>,
          %broadcast_in_dim3A_955 = arith.constant 1 : i32
          %broadcast_in_dim3A_956 = vector.broadcast %broadcast_in_dim3A_955 : i32 to vector<16xi32>
          %gather3A_957 = tpu.vector_load_idx %arg6[%broadcast_in_dim3A_956, %get3A_907] : memref<2x23296xf32, #tpu.memory_space<vmem>>[vector<16xi32>, vector<16xi32>], vector<16xf32>,
          %swap3A_958 = arith.constant 1 : i32
          %swap3A_959 = arith.index_cast %select_n3A_931 : i32 to index
          %swap3A_960 = arith.index_cast %swap3A_958 : i32 to index
          %swap3A_961 = arith.index_cast %mul3A_949 : i32 to index
          %swap3A_962 = tpu.vector_load %arg9[%swap3A_959, %swap3A_960, %swap3A_961] {strides = array<i32>} : memref<8x2x128xf32, #tpu.memory_space<vmem>>, vector<16xf32>,
          tpu.vector_store %arg9[%swap3A_959, %swap3A_960, %swap3A_961], %gather3A_957 {strides = array<i32>} : memref<8x2x128xf32, #tpu.memory_space<vmem>>, vector<16xf32>,
          %scan3A_963 = arith.constant 1 : i32
          %scan3A_964 = arith.addi %scan3A_904, %scan3A_963 : i32
          %mul3A_965 = arith.constant 16 : i32
          %mul3A_966 = arith.muli %scan3A_964, %mul3A_965 : i32
          %get3A_967 = arith.index_cast %mul3A_966 : i32 to index
          %get3A_968 = tpu.vector_load %arg7[%get3A_967] {strides = array<i32>} : memref<1024xi32, #tpu.memory_space<vmem>>, vector<16xi32>,
          %jit3A_969 = arith.constant 8 : i32
          %div3A_970 = arith.divsi %scan3A_964, %jit3A_969 : i32
          %sign3A_971 = arith.constant 0 : i32
          %sign3A_972 = arith.cmpi sgt, %scan3A_964, %sign3A_971 : i32
          %sign3A_973 = arith.extui %sign3A_972 : i1 to i32
          %sign3A_974 = arith.constant 0 : i32
          %sign3A_975 = arith.cmpi slt, %scan3A_964, %sign3A_974 : i32
          %sign3A_976 = arith.extui %sign3A_975 : i1 to i32
          %sign3A_977 = arith.subi %sign3A_973, %sign3A_976 : i32
          %sign3A_978 = arith.constant 0 : i32
          %sign3A_979 = arith.cmpi sgt, %jit3A_969, %sign3A_978 : i32
          %sign3A_980 = arith.extui %sign3A_979 : i1 to i32
          %sign3A_981 = arith.constant 0 : i32
          %sign3A_982 = arith.cmpi slt, %jit3A_969, %sign3A_981 : i32
          %sign3A_983 = arith.extui %sign3A_982 : i1 to i32
          %sign3A_984 = arith.subi %sign3A_980, %sign3A_983 : i32
          %ne3A_985 = arith.cmpi ne, %sign3A_977, %sign3A_984 : i32
          %rem3A_986 = arith.remsi %scan3A_964, %jit3A_969 : i32
          %ne3A_987 = arith.constant 0 : i32
          %ne3A_988 = arith.cmpi ne, %rem3A_986, %ne3A_987 : i32
          %and3A_989 = arith.andi %ne3A_985, %ne3A_988 : i1
          %sub3A_990 = arith.constant 1 : i32
          %sub3A_991 = arith.subi %div3A_970, %sub3A_990 : i32
          %select_n3A_992 = arith.select %and3A_989, %sub3A_991, %div3A_970 : i32
          %jit3A_993 = arith.constant 8 : i32
          %eq3A_994 = arith.constant 0 : i32
          %eq3A_995 = arith.cmpi eq, %jit3A_993, %eq3A_994 : i32
          %jit3A_996 = arith.constant 1 : i32
          %select_n3A_997 = arith.select %eq3A_995, %jit3A_996, %jit3A_993 : i32
          %rem3A_998 = arith.remsi %scan3A_964, %select_n3A_997 : i32
          %ne3A_999 = arith.constant 0 : i32
          %ne3A_1000 = arith.cmpi ne, %rem3A_998, %ne3A_999 : i32
          %lt3A_1001 = arith.constant 0 : i32
          %lt3A_1002 = arith.cmpi slt, %rem3A_998, %lt3A_1001 : i32
          %lt3A_1003 = arith.constant 0 : i32
          %lt3A_1004 = arith.cmpi slt, %select_n3A_997, %lt3A_1003 : i32
          %ne3A_1005 = arith.xori %lt3A_1002, %lt3A_1004 : i1
          %and3A_1006 = arith.andi %ne3A_1005, %ne3A_1000 : i1
          %add3A_1007 = arith.addi %rem3A_998, %select_n3A_997 : i32
          %select_n3A_1008 = arith.select %and3A_1006, %add3A_1007, %rem3A_998 : i32
          %mul3A_1009 = arith.constant 16 : i32
          %mul3A_1010 = arith.muli %select_n3A_1008, %mul3A_1009 : i32
          %broadcast_in_dim3A_1011 = arith.constant 0 : i32
          %broadcast_in_dim3A_1012 = vector.broadcast %broadcast_in_dim3A_1011 : i32 to vector<16xi32>
          %gather3A_1013 = tpu.vector_load_idx %arg6[%broadcast_in_dim3A_1012, %get3A_968] : memref<2x23296xf32, #tpu.memory_space<vmem>>[vector<16xi32>, vector<16xi32>], vector<16xf32>,
          %swap3A_1014 = arith.constant 0 : i32
          %swap3A_1015 = arith.index_cast %select_n3A_992 : i32 to index
          %swap3A_1016 = arith.index_cast %swap3A_1014 : i32 to index
          %swap3A_1017 = arith.index_cast %mul3A_1010 : i32 to index
          %swap3A_1018 = tpu.vector_load %arg9[%swap3A_1015, %swap3A_1016, %swap3A_1017] {strides = array<i32>} : memref<8x2x128xf32, #tpu.memory_space<vmem>>, vector<16xf32>,
          tpu.vector_store %arg9[%swap3A_1015, %swap3A_1016, %swap3A_1017], %gather3A_1013 {strides = array<i32>} : memref<8x2x128xf32, #tpu.memory_space<vmem>>, vector<16xf32>,
          %broadcast_in_dim3A_1019 = arith.constant 1 : i32
          %broadcast_in_dim3A_1020 = vector.broadcast %broadcast_in_dim3A_1019 : i32 to vector<16xi32>
          %gather3A_1021 = tpu.vector_load_idx %arg6[%broadcast_in_dim3A_1020, %get3A_968] : memref<2x23296xf32, #tpu.memory_space<vmem>>[vector<16xi32>, vector<16xi32>], vector<16xf32>,
          %swap3A_1022 = arith.constant 1 : i32
          %swap3A_1023 = arith.index_cast %select_n3A_992 : i32 to index
          %swap3A_1024 = arith.index_cast %swap3A_1022 : i32 to index
          %swap3A_1025 = arith.index_cast %mul3A_1010 : i32 to index
          %swap3A_1026 = tpu.vector_load %arg9[%swap3A_1023, %swap3A_1024, %swap3A_1025] {strides = array<i32>} : memref<8x2x128xf32, #tpu.memory_space<vmem>>, vector<16xf32>,
          tpu.vector_store %arg9[%swap3A_1023, %swap3A_1024, %swap3A_1025], %gather3A_1021 {strides = array<i32>} : memref<8x2x128xf32, #tpu.memory_space<vmem>>, vector<16xf32>,
          %scan3A_1027 = arith.constant 2 : i32
          %scan3A_1028 = arith.addi %scan3A_904, %scan3A_1027 : i32
          %mul3A_1029 = arith.constant 16 : i32
          %mul3A_1030 = arith.muli %scan3A_1028, %mul3A_1029 : i32
          %get3A_1031 = arith.index_cast %mul3A_1030 : i32 to index
          %get3A_1032 = tpu.vector_load %arg7[%get3A_1031] {strides = array<i32>} : memref<1024xi32, #tpu.memory_space<vmem>>, vector<16xi32>,
          %jit3A_1033 = arith.constant 8 : i32
          %div3A_1034 = arith.divsi %scan3A_1028, %jit3A_1033 : i32
          %sign3A_1035 = arith.constant 0 : i32
          %sign3A_1036 = arith.cmpi sgt, %scan3A_1028, %sign3A_1035 : i32
          %sign3A_1037 = arith.extui %sign3A_1036 : i1 to i32
          %sign3A_1038 = arith.constant 0 : i32
          %sign3A_1039 = arith.cmpi slt, %scan3A_1028, %sign3A_1038 : i32
          %sign3A_1040 = arith.extui %sign3A_1039 : i1 to i32
          %sign3A_1041 = arith.subi %sign3A_1037, %sign3A_1040 : i32
          %sign3A_1042 = arith.constant 0 : i32
          %sign3A_1043 = arith.cmpi sgt, %jit3A_1033, %sign3A_1042 : i32
          %sign3A_1044 = arith.extui %sign3A_1043 : i1 to i32
          %sign3A_1045 = arith.constant 0 : i32
          %sign3A_1046 = arith.cmpi slt, %jit3A_1033, %sign3A_1045 : i32
          %sign3A_1047 = arith.extui %sign3A_1046 : i1 to i32
          %sign3A_1048 = arith.subi %sign3A_1044, %sign3A_1047 : i32
          %ne3A_1049 = arith.cmpi ne, %sign3A_1041, %sign3A_1048 : i32
          %rem3A_1050 = arith.remsi %scan3A_1028, %jit3A_1033 : i32
          %ne3A_1051 = arith.constant 0 : i32
          %ne3A_1052 = arith.cmpi ne, %rem3A_1050, %ne3A_1051 : i32
          %and3A_1053 = arith.andi %ne3A_1049, %ne3A_1052 : i1
          %sub3A_1054 = arith.constant 1 : i32
          %sub3A_1055 = arith.subi %div3A_1034, %sub3A_1054 : i32
          %select_n3A_1056 = arith.select %and3A_1053, %sub3A_1055, %div3A_1034 : i32
          %jit3A_1057 = arith.constant 8 : i32
          %eq3A_1058 = arith.constant 0 : i32
          %eq3A_1059 = arith.cmpi eq, %jit3A_1057, %eq3A_1058 : i32
          %jit3A_1060 = arith.constant 1 : i32
          %select_n3A_1061 = arith.select %eq3A_1059, %jit3A_1060, %jit3A_1057 : i32
          %rem3A_1062 = arith.remsi %scan3A_1028, %select_n3A_1061 : i32
          %ne3A_1063 = arith.constant 0 : i32
          %ne3A_1064 = arith.cmpi ne, %rem3A_1062, %ne3A_1063 : i32
          %lt3A_1065 = arith.constant 0 : i32
          %lt3A_1066 = arith.cmpi slt, %rem3A_1062, %lt3A_1065 : i32
          %lt3A_1067 = arith.constant 0 : i32
          %lt3A_1068 = arith.cmpi slt, %select_n3A_1061, %lt3A_1067 : i32
          %ne3A_1069 = arith.xori %lt3A_1066, %lt3A_1068 : i1
          %and3A_1070 = arith.andi %ne3A_1069, %ne3A_1064 : i1
          %add3A_1071 = arith.addi %rem3A_1062, %select_n3A_1061 : i32
          %select_n3A_1072 = arith.select %and3A_1070, %add3A_1071, %rem3A_1062 : i32
          %mul3A_1073 = arith.constant 16 : i32
          %mul3A_1074 = arith.muli %select_n3A_1072, %mul3A_1073 : i32
          %broadcast_in_dim3A_1075 = arith.constant 0 : i32
          %broadcast_in_dim3A_1076 = vector.broadcast %broadcast_in_dim3A_1075 : i32 to vector<16xi32>
          %gather3A_1077 = tpu.vector_load_idx %arg6[%broadcast_in_dim3A_1076, %get3A_1032] : memref<2x23296xf32, #tpu.memory_space<vmem>>[vector<16xi32>, vector<16xi32>], vector<16xf32>,
          %swap3A_1078 = arith.constant 0 : i32
          %swap3A_1079 = arith.index_cast %select_n3A_1056 : i32 to index
          %swap3A_1080 = arith.index_cast %swap3A_1078 : i32 to index
          %swap3A_1081 = arith.index_cast %mul3A_1074 : i32 to index
          %swap3A_1082 = tpu.vector_load %arg9[%swap3A_1079, %swap3A_1080, %swap3A_1081] {strides = array<i32>} : memref<8x2x128xf32, #tpu.memory_space<vmem>>, vector<16xf32>,
          tpu.vector_store %arg9[%swap3A_1079, %swap3A_1080, %swap3A_1081], %gather3A_1077 {strides = array<i32>} : memref<8x2x128xf32, #tpu.memory_space<vmem>>, vector<16xf32>,
          %broadcast_in_dim3A_1083 = arith.constant 1 : i32
          %broadcast_in_dim3A_1084 = vector.broadcast %broadcast_in_dim3A_1083 : i32 to vector<16xi32>
          %gather3A_1085 = tpu.vector_load_idx %arg6[%broadcast_in_dim3A_1084, %get3A_1032] : memref<2x23296xf32, #tpu.memory_space<vmem>>[vector<16xi32>, vector<16xi32>], vector<16xf32>,
          %swap3A_1086 = arith.constant 1 : i32
          %swap3A_1087 = arith.index_cast %select_n3A_1056 : i32 to index
          %swap3A_1088 = arith.index_cast %swap3A_1086 : i32 to index
          %swap3A_1089 = arith.index_cast %mul3A_1074 : i32 to index
          %swap3A_1090 = tpu.vector_load %arg9[%swap3A_1087, %swap3A_1088, %swap3A_1089] {strides = array<i32>} : memref<8x2x128xf32, #tpu.memory_space<vmem>>, vector<16xf32>,
          tpu.vector_store %arg9[%swap3A_1087, %swap3A_1088, %swap3A_1089], %gather3A_1085 {strides = array<i32>} : memref<8x2x128xf32, #tpu.memory_space<vmem>>, vector<16xf32>,
          %scan3A_1091 = arith.constant 3 : i32
          %scan3A_1092 = arith.addi %scan3A_904, %scan3A_1091 : i32
          %mul3A_1093 = arith.constant 16 : i32
          %mul3A_1094 = arith.muli %scan3A_1092, %mul3A_1093 : i32
          %get3A_1095 = arith.index_cast %mul3A_1094 : i32 to index
          %get3A_1096 = tpu.vector_load %arg7[%get3A_1095] {strides = array<i32>} : memref<1024xi32, #tpu.memory_space<vmem>>, vector<16xi32>,
          %jit3A_1097 = arith.constant 8 : i32
          %div3A_1098 = arith.divsi %scan3A_1092, %jit3A_1097 : i32
          %sign3A_1099 = arith.constant 0 : i32
          %sign3A_1100 = arith.cmpi sgt, %scan3A_1092, %sign3A_1099 : i32
          %sign3A_1101 = arith.extui %sign3A_1100 : i1 to i32
          %sign3A_1102 = arith.constant 0 : i32
          %sign3A_1103 = arith.cmpi slt, %scan3A_1092, %sign3A_1102 : i32
          %sign3A_1104 = arith.extui %sign3A_1103 : i1 to i32
          %sign3A_1105 = arith.subi %sign3A_1101, %sign3A_1104 : i32
          %sign3A_1106 = arith.constant 0 : i32
          %sign3A_1107 = arith.cmpi sgt, %jit3A_1097, %sign3A_1106 : i32
          %sign3A_1108 = arith.extui %sign3A_1107 : i1 to i32
          %sign3A_1109 = arith.constant 0 : i32
          %sign3A_1110 = arith.cmpi slt, %jit3A_1097, %sign3A_1109 : i32
          %sign3A_1111 = arith.extui %sign3A_1110 : i1 to i32
          %sign3A_1112 = arith.subi %sign3A_1108, %sign3A_1111 : i32
          %ne3A_1113 = arith.cmpi ne, %sign3A_1105, %sign3A_1112 : i32
          %rem3A_1114 = arith.remsi %scan3A_1092, %jit3A_1097 : i32
          %ne3A_1115 = arith.constant 0 : i32
          %ne3A_1116 = arith.cmpi ne, %rem3A_1114, %ne3A_1115 : i32
          %and3A_1117 = arith.andi %ne3A_1113, %ne3A_1116 : i1
          %sub3A_1118 = arith.constant 1 : i32
          %sub3A_1119 = arith.subi %div3A_1098, %sub3A_1118 : i32
          %select_n3A_1120 = arith.select %and3A_1117, %sub3A_1119, %div3A_1098 : i32
          %jit3A_1121 = arith.constant 8 : i32
          %eq3A_1122 = arith.constant 0 : i32
          %eq3A_1123 = arith.cmpi eq, %jit3A_1121, %eq3A_1122 : i32
          %jit3A_1124 = arith.constant 1 : i32
          %select_n3A_1125 = arith.select %eq3A_1123, %jit3A_1124, %jit3A_1121 : i32
          %rem3A_1126 = arith.remsi %scan3A_1092, %select_n3A_1125 : i32
          %ne3A_1127 = arith.constant 0 : i32
          %ne3A_1128 = arith.cmpi ne, %rem3A_1126, %ne3A_1127 : i32
          %lt3A_1129 = arith.constant 0 : i32
          %lt3A_1130 = arith.cmpi slt, %rem3A_1126, %lt3A_1129 : i32
          %lt3A_1131 = arith.constant 0 : i32
          %lt3A_1132 = arith.cmpi slt, %select_n3A_1125, %lt3A_1131 : i32
          %ne3A_1133 = arith.xori %lt3A_1130, %lt3A_1132 : i1
          %and3A_1134 = arith.andi %ne3A_1133, %ne3A_1128 : i1
          %add3A_1135 = arith.addi %rem3A_1126, %select_n3A_1125 : i32
          %select_n3A_1136 = arith.select %and3A_1134, %add3A_1135, %rem3A_1126 : i32
          %mul3A_1137 = arith.constant 16 : i32
          %mul3A_1138 = arith.muli %select_n3A_1136, %mul3A_1137 : i32
          %broadcast_in_dim3A_1139 = arith.constant 0 : i32
          %broadcast_in_dim3A_1140 = vector.broadcast %broadcast_in_dim3A_1139 : i32 to vector<16xi32>
          %gather3A_1141 = tpu.vector_load_idx %arg6[%broadcast_in_dim3A_1140, %get3A_1096] : memref<2x23296xf32, #tpu.memory_space<vmem>>[vector<16xi32>, vector<16xi32>], vector<16xf32>,
          %swap3A_1142 = arith.constant 0 : i32
          %swap3A_1143 = arith.index_cast %select_n3A_1120 : i32 to index
          %swap3A_1144 = arith.index_cast %swap3A_1142 : i32 to index
          %swap3A_1145 = arith.index_cast %mul3A_1138 : i32 to index
          %swap3A_1146 = tpu.vector_load %arg9[%swap3A_1143, %swap3A_1144, %swap3A_1145] {strides = array<i32>} : memref<8x2x128xf32, #tpu.memory_space<vmem>>, vector<16xf32>,
          tpu.vector_store %arg9[%swap3A_1143, %swap3A_1144, %swap3A_1145], %gather3A_1141 {strides = array<i32>} : memref<8x2x128xf32, #tpu.memory_space<vmem>>, vector<16xf32>,
          %broadcast_in_dim3A_1147 = arith.constant 1 : i32
          %broadcast_in_dim3A_1148 = vector.broadcast %broadcast_in_dim3A_1147 : i32 to vector<16xi32>
          %gather3A_1149 = tpu.vector_load_idx %arg6[%broadcast_in_dim3A_1148, %get3A_1096] : memref<2x23296xf32, #tpu.memory_space<vmem>>[vector<16xi32>, vector<16xi32>], vector<16xf32>,
          %swap3A_1150 = arith.constant 1 : i32
          %swap3A_1151 = arith.index_cast %select_n3A_1120 : i32 to index
          %swap3A_1152 = arith.index_cast %swap3A_1150 : i32 to index
          %swap3A_1153 = arith.index_cast %mul3A_1138 : i32 to index
          %swap3A_1154 = tpu.vector_load %arg9[%swap3A_1151, %swap3A_1152, %swap3A_1153] {strides = array<i32>} : memref<8x2x128xf32, #tpu.memory_space<vmem>>, vector<16xf32>,
          tpu.vector_store %arg9[%swap3A_1151, %swap3A_1152, %swap3A_1153], %gather3A_1149 {strides = array<i32>} : memref<8x2x128xf32, #tpu.memory_space<vmem>>, vector<16xf32>,
        }
        %scan3A_839 = arith.constant 64 : i32
        %mul3A_840 = arith.constant 2 : i32
        %mul3A_841 = arith.muli %select_n3A_635, %mul3A_840 : i32
        %dma_start3A_842 = arith.constant 0 : i32
        %dma_start3A_843 = arith.constant 0 : i32
        %dma_start3A_844 = tpu.memref_slice %arg4[%mul3A_816, %select_n3A_619, %dma_start3A_842, %mul3A_841, %dma_start3A_843] : memref<50x216x8x8x128xf32, #tpu.memory_space<hbm>> -> memref<1x1x8x2x128xf32, #tpu.memory_space<hbm>>
        %dma_start3A_845 = tpu.memref_squeeze %dma_start3A_844 : memref<1x1x8x2x128xf32, #tpu.memory_space<hbm>> -> memref<8x2x128xf32, #tpu.memory_space<hbm>>
        %dma_start3A_846 = arith.constant 0 : i32
        %dma_start3A_847 = arith.constant 0 : i32
        %dma_start3A_848 = tpu.memref_slice %arg4[%mul3A_816, %select_n3A_619, %dma_start3A_846, %mul3A_841, %dma_start3A_847] : memref<50x216x8x8x128xf32, #tpu.memory_space<hbm>> -> memref<1x1x8x2x128xf32, #tpu.memory_space<hbm>>
        %dma_start3A_849 = tpu.memref_squeeze %dma_start3A_848 : memref<1x1x8x2x128xf32, #tpu.memory_space<hbm>> -> memref<8x2x128xf32, #tpu.memory_space<hbm>>
        tpu.enqueue_dma source(%arg9 : memref<8x2x128xf32, #tpu.memory_space<vmem>>) target(%dma_start3A_849 : memref<8x2x128xf32, #tpu.memory_space<hbm>>) target_semaphore(%arg15 : memref<!tpu.dma_semaphore, #tpu.memory_space<semaphore_mem>>)
        %add3A_850 = arith.constant 2 : i32
        %add3A_851 = arith.addi %mul3A_816, %add3A_850 : i32
        %min3A = arith.constant 49 : i32
        %min3A_852 = arith.minsi %add3A_851, %min3A : i32
        %dma_start3A_853 = arith.constant 0 : i32
        %dma_start3A_854 = tpu.memref_slice %arg2[%min3A_852, %dma_start3A_853] : memref<50x1024xi32, #tpu.memory_space<hbm>> -> memref<1x1024xi32, #tpu.memory_space<hbm>>
        %dma_start3A_855 = tpu.memref_squeeze %dma_start3A_854 : memref<1x1024xi32, #tpu.memory_space<hbm>> -> memref<1024xi32, #tpu.memory_space<hbm>>
        %dma_start3A_856 = arith.constant 0 : i32
        %dma_start3A_857 = tpu.memref_slice %arg2[%min3A_852, %dma_start3A_856] : memref<50x1024xi32, #tpu.memory_space<hbm>> -> memref<1x1024xi32, #tpu.memory_space<hbm>>
        %dma_start3A_858 = tpu.memref_squeeze %dma_start3A_857 : memref<1x1024xi32, #tpu.memory_space<hbm>> -> memref<1024xi32, #tpu.memory_space<hbm>>
        tpu.enqueue_dma source(%dma_start3A_858 : memref<1024xi32, #tpu.memory_space<hbm>>) target(%arg7 : memref<1024xi32, #tpu.memory_space<vmem>>) target_semaphore(%arg13 : memref<!tpu.dma_semaphore, #tpu.memory_space<semaphore_mem>>)
        %add3A_859 = arith.constant 1 : i32
        %add3A_860 = arith.addi %mul3A_816, %add3A_859 : i32
        %mul3A_861 = arith.constant 2 : i32
        %mul3A_862 = arith.muli %select_n3A_635, %mul3A_861 : i32
        %dma_wait3A_863 = arith.constant 0 : i32
        %dma_wait3A_864 = arith.constant 0 : i32
        %dma_wait3A_865 = arith.constant 0 : i32
        %dma_wait3A_866 = tpu.memref_slice %arg4[%dma_wait3A_863, %select_n3A_619, %dma_wait3A_864, %mul3A_862, %dma_wait3A_865] : memref<50x216x8x8x128xf32, #tpu.memory_space<hbm>> -> memref<1x1x8x2x128xf32, #tpu.memory_space<hbm>>
        %dma_wait3A_867 = tpu.memref_squeeze %dma_wait3A_866 : memref<1x1x8x2x128xf32, #tpu.memory_space<hbm>> -> memref<8x2x128xf32, #tpu.memory_space<hbm>>
        %dma_wait3A_868 = arith.constant 0 : i32
        %dma_wait3A_869 = arith.constant 0 : i32
        %dma_wait3A_870 = tpu.memref_slice %arg4[%dma_wait3A_863, %select_n3A_619, %dma_wait3A_868, %mul3A_862, %dma_wait3A_869] : memref<50x216x8x8x128xf32, #tpu.memory_space<hbm>> -> memref<1x1x8x2x128xf32, #tpu.memory_space<hbm>>
        %dma_wait3A_871 = tpu.memref_squeeze %dma_wait3A_870 : memref<1x1x8x2x128xf32, #tpu.memory_space<hbm>> -> memref<8x2x128xf32, #tpu.memory_space<hbm>>
        tpu.wait_dma2 semaphore(%arg16 : memref<!tpu.dma_semaphore, #tpu.memory_space<semaphore_mem>>) src(%arg10 : memref<8x2x128xf32, #tpu.memory_space<vmem>>) dst(%dma_wait3A_871 : memref<8x2x128xf32, #tpu.memory_space<hbm>>)
        %dma_wait3A_872 = arith.constant 0 : i32
        %dma_wait3A_873 = tpu.memref_slice %arg2[%add3A_860, %dma_wait3A_872] : memref<50x1024xi32, #tpu.memory_space<hbm>> -> memref<1x1024xi32, #tpu.memory_space<hbm>>
        %dma_wait3A_874 = tpu.memref_squeeze %dma_wait3A_873 : memref<1x1024xi32, #tpu.memory_space<hbm>> -> memref<1024xi32, #tpu.memory_space<hbm>>
        %dma_wait3A_875 = arith.constant 0 : i32
        %dma_wait3A_876 = tpu.memref_slice %arg2[%add3A_860, %dma_wait3A_875] : memref<50x1024xi32, #tpu.memory_space<hbm>> -> memref<1x1024xi32, #tpu.memory_space<hbm>>
        %dma_wait3A_877 = tpu.memref_squeeze %dma_wait3A_876 : memref<1x1024xi32, #tpu.memory_space<hbm>> -> memref<1024xi32, #tpu.memory_space<hbm>>
        tpu.wait_dma2 semaphore(%arg14 : memref<!tpu.dma_semaphore, #tpu.memory_space<semaphore_mem>>) src(%dma_wait3A_877 : memref<1024xi32, #tpu.memory_space<hbm>>) dst(%arg8 : memref<1024xi32, #tpu.memory_space<vmem>>)
        %scan3A_878 = arith.constant 0 : i32
        %scan3A_879 = arith.constant 0 : i32
        %scan3A_880 = arith.constant 64 : i32
        %scan3A_881 = arith.addi %scan3A_879, %scan3A_880 : i32
        %scan3A_882 = arith.constant 4 : i32
        scf.for %scan3A_904 = %scan3A_879 to %scan3A_881 step %scan3A_882  : i32 {
          %mul3A_905 = arith.constant 16 : i32
          %mul3A_906 = arith.muli %scan3A_904, %mul3A_905 : i32
          %get3A = arith.index_cast %mul3A_906 : i32 to index
          %get3A_907 = tpu.vector_load %arg8[%get3A] {strides = array<i32>} : memref<1024xi32, #tpu.memory_space<vmem>>, vector<16xi32>,
          %jit3A_908 = arith.constant 8 : i32
          %div3A_909 = arith.divsi %scan3A_904, %jit3A_908 : i32
          %sign3A_910 = arith.constant 0 : i32
          %sign3A_911 = arith.cmpi sgt, %scan3A_904, %sign3A_910 : i32
          %sign3A_912 = arith.extui %sign3A_911 : i1 to i32
          %sign3A_913 = arith.constant 0 : i32
          %sign3A_914 = arith.cmpi slt, %scan3A_904, %sign3A_913 : i32
          %sign3A_915 = arith.extui %sign3A_914 : i1 to i32
          %sign3A_916 = arith.subi %sign3A_912, %sign3A_915 : i32
          %sign3A_917 = arith.constant 0 : i32
          %sign3A_918 = arith.cmpi sgt, %jit3A_908, %sign3A_917 : i32
          %sign3A_919 = arith.extui %sign3A_918 : i1 to i32
          %sign3A_920 = arith.constant 0 : i32
          %sign3A_921 = arith.cmpi slt, %jit3A_908, %sign3A_920 : i32
          %sign3A_922 = arith.extui %sign3A_921 : i1 to i32
          %sign3A_923 = arith.subi %sign3A_919, %sign3A_922 : i32
          %ne3A_924 = arith.cmpi ne, %sign3A_916, %sign3A_923 : i32
          %rem3A_925 = arith.remsi %scan3A_904, %jit3A_908 : i32
          %ne3A_926 = arith.constant 0 : i32
          %ne3A_927 = arith.cmpi ne, %rem3A_925, %ne3A_926 : i32
          %and3A_928 = arith.andi %ne3A_924, %ne3A_927 : i1
          %sub3A_929 = arith.constant 1 : i32
          %sub3A_930 = arith.subi %div3A_909, %sub3A_929 : i32
          %select_n3A_931 = arith.select %and3A_928, %sub3A_930, %div3A_909 : i32
          %jit3A_932 = arith.constant 8 : i32
          %eq3A_933 = arith.constant 0 : i32
          %eq3A_934 = arith.cmpi eq, %jit3A_932, %eq3A_933 : i32
          %jit3A_935 = arith.constant 1 : i32
          %select_n3A_936 = arith.select %eq3A_934, %jit3A_935, %jit3A_932 : i32
          %rem3A_937 = arith.remsi %scan3A_904, %select_n3A_936 : i32
          %ne3A_938 = arith.constant 0 : i32
          %ne3A_939 = arith.cmpi ne, %rem3A_937, %ne3A_938 : i32
          %lt3A_940 = arith.constant 0 : i32
          %lt3A_941 = arith.cmpi slt, %rem3A_937, %lt3A_940 : i32
          %lt3A_942 = arith.constant 0 : i32
          %lt3A_943 = arith.cmpi slt, %select_n3A_936, %lt3A_942 : i32
          %ne3A_944 = arith.xori %lt3A_941, %lt3A_943 : i1
          %and3A_945 = arith.andi %ne3A_944, %ne3A_939 : i1
          %add3A_946 = arith.addi %rem3A_937, %select_n3A_936 : i32
          %select_n3A_947 = arith.select %and3A_945, %add3A_946, %rem3A_937 : i32
          %mul3A_948 = arith.constant 16 : i32
          %mul3A_949 = arith.muli %select_n3A_947, %mul3A_948 : i32
          %broadcast_in_dim3A = arith.constant 0 : i32
          %broadcast_in_dim3A_950 = vector.broadcast %broadcast_in_dim3A : i32 to vector<16xi32>
          %gather3A = tpu.vector_load_idx %arg6[%broadcast_in_dim3A_950, %get3A_907] : memref<2x23296xf32, #tpu.memory_space<vmem>>[vector<16xi32>, vector<16xi32>], vector<16xf32>,
          %swap3A = arith.constant 0 : i32
          %swap3A_951 = arith.index_cast %select_n3A_931 : i32 to index
          %swap3A_952 = arith.index_cast %swap3A : i32 to index
          %swap3A_953 = arith.index_cast %mul3A_949 : i32 to index
          %swap3A_954 = tpu.vector_load %arg10[%swap3A_951, %swap3A_952, %swap3A_953] {strides = array<i32>} : memref<8x2x128xf32, #tpu.memory_space<vmem>>, vector<16xf32>,
          tpu.vector_store %arg10[%swap3A_951, %swap3A_952, %swap3A_953], %gather3A {strides = array<i32>} : memref<8x2x128xf32, #tpu.memory_space<vmem>>, vector<16xf32>,
          %broadcast_in_dim3A_955 = arith.constant 1 : i32
          %broadcast_in_dim3A_956 = vector.broadcast %broadcast_in_dim3A_955 : i32 to vector<16xi32>
          %gather3A_957 = tpu.vector_load_idx %arg6[%broadcast_in_dim3A_956, %get3A_907] : memref<2x23296xf32, #tpu.memory_space<vmem>>[vector<16xi32>, vector<16xi32>], vector<16xf32>,
          %swap3A_958 = arith.constant 1 : i32
          %swap3A_959 = arith.index_cast %select_n3A_931 : i32 to index
          %swap3A_960 = arith.index_cast %swap3A_958 : i32 to index
          %swap3A_961 = arith.index_cast %mul3A_949 : i32 to index
          %swap3A_962 = tpu.vector_load %arg10[%swap3A_959, %swap3A_960, %swap3A_961] {strides = array<i32>} : memref<8x2x128xf32, #tpu.memory_space<vmem>>, vector<16xf32>,
          tpu.vector_store %arg10[%swap3A_959, %swap3A_960, %swap3A_961], %gather3A_957 {strides = array<i32>} : memref<8x2x128xf32, #tpu.memory_space<vmem>>, vector<16xf32>,
          %scan3A_963 = arith.constant 1 : i32
          %scan3A_964 = arith.addi %scan3A_904, %scan3A_963 : i32
          %mul3A_965 = arith.constant 16 : i32
          %mul3A_966 = arith.muli %scan3A_964, %mul3A_965 : i32
          %get3A_967 = arith.index_cast %mul3A_966 : i32 to index
          %get3A_968 = tpu.vector_load %arg8[%get3A_967] {strides = array<i32>} : memref<1024xi32, #tpu.memory_space<vmem>>, vector<16xi32>,
          %jit3A_969 = arith.constant 8 : i32
          %div3A_970 = arith.divsi %scan3A_964, %jit3A_969 : i32
          %sign3A_971 = arith.constant 0 : i32
          %sign3A_972 = arith.cmpi sgt, %scan3A_964, %sign3A_971 : i32
          %sign3A_973 = arith.extui %sign3A_972 : i1 to i32
          %sign3A_974 = arith.constant 0 : i32
          %sign3A_975 = arith.cmpi slt, %scan3A_964, %sign3A_974 : i32
          %sign3A_976 = arith.extui %sign3A_975 : i1 to i32
          %sign3A_977 = arith.subi %sign3A_973, %sign3A_976 : i32
          %sign3A_978 = arith.constant 0 : i32
          %sign3A_979 = arith.cmpi sgt, %jit3A_969, %sign3A_978 : i32
          %sign3A_980 = arith.extui %sign3A_979 : i1 to i32
          %sign3A_981 = arith.constant 0 : i32
          %sign3A_982 = arith.cmpi slt, %jit3A_969, %sign3A_981 : i32
          %sign3A_983 = arith.extui %sign3A_982 : i1 to i32
          %sign3A_984 = arith.subi %sign3A_980, %sign3A_983 : i32
          %ne3A_985 = arith.cmpi ne, %sign3A_977, %sign3A_984 : i32
          %rem3A_986 = arith.remsi %scan3A_964, %jit3A_969 : i32
          %ne3A_987 = arith.constant 0 : i32
          %ne3A_988 = arith.cmpi ne, %rem3A_986, %ne3A_987 : i32
          %and3A_989 = arith.andi %ne3A_985, %ne3A_988 : i1
          %sub3A_990 = arith.constant 1 : i32
          %sub3A_991 = arith.subi %div3A_970, %sub3A_990 : i32
          %select_n3A_992 = arith.select %and3A_989, %sub3A_991, %div3A_970 : i32
          %jit3A_993 = arith.constant 8 : i32
          %eq3A_994 = arith.constant 0 : i32
          %eq3A_995 = arith.cmpi eq, %jit3A_993, %eq3A_994 : i32
          %jit3A_996 = arith.constant 1 : i32
          %select_n3A_997 = arith.select %eq3A_995, %jit3A_996, %jit3A_993 : i32
          %rem3A_998 = arith.remsi %scan3A_964, %select_n3A_997 : i32
          %ne3A_999 = arith.constant 0 : i32
          %ne3A_1000 = arith.cmpi ne, %rem3A_998, %ne3A_999 : i32
          %lt3A_1001 = arith.constant 0 : i32
          %lt3A_1002 = arith.cmpi slt, %rem3A_998, %lt3A_1001 : i32
          %lt3A_1003 = arith.constant 0 : i32
          %lt3A_1004 = arith.cmpi slt, %select_n3A_997, %lt3A_1003 : i32
          %ne3A_1005 = arith.xori %lt3A_1002, %lt3A_1004 : i1
          %and3A_1006 = arith.andi %ne3A_1005, %ne3A_1000 : i1
          %add3A_1007 = arith.addi %rem3A_998, %select_n3A_997 : i32
          %select_n3A_1008 = arith.select %and3A_1006, %add3A_1007, %rem3A_998 : i32
          %mul3A_1009 = arith.constant 16 : i32
          %mul3A_1010 = arith.muli %select_n3A_1008, %mul3A_1009 : i32
          %broadcast_in_dim3A_1011 = arith.constant 0 : i32
          %broadcast_in_dim3A_1012 = vector.broadcast %broadcast_in_dim3A_1011 : i32 to vector<16xi32>
          %gather3A_1013 = tpu.vector_load_idx %arg6[%broadcast_in_dim3A_1012, %get3A_968] : memref<2x23296xf32, #tpu.memory_space<vmem>>[vector<16xi32>, vector<16xi32>], vector<16xf32>,
          %swap3A_1014 = arith.constant 0 : i32
          %swap3A_1015 = arith.index_cast %select_n3A_992 : i32 to index
          %swap3A_1016 = arith.index_cast %swap3A_1014 : i32 to index
          %swap3A_1017 = arith.index_cast %mul3A_1010 : i32 to index
          %swap3A_1018 = tpu.vector_load %arg10[%swap3A_1015, %swap3A_1016, %swap3A_1017] {strides = array<i32>} : memref<8x2x128xf32, #tpu.memory_space<vmem>>, vector<16xf32>,
          tpu.vector_store %arg10[%swap3A_1015, %swap3A_1016, %swap3A_1017], %gather3A_1013 {strides = array<i32>} : memref<8x2x128xf32, #tpu.memory_space<vmem>>, vector<16xf32>,
          %broadcast_in_dim3A_1019 = arith.constant 1 : i32
          %broadcast_in_dim3A_1020 = vector.broadcast %broadcast_in_dim3A_1019 : i32 to vector<16xi32>
          %gather3A_1021 = tpu.vector_load_idx %arg6[%broadcast_in_dim3A_1020, %get3A_968] : memref<2x23296xf32, #tpu.memory_space<vmem>>[vector<16xi32>, vector<16xi32>], vector<16xf32>,
          %swap3A_1022 = arith.constant 1 : i32
          %swap3A_1023 = arith.index_cast %select_n3A_992 : i32 to index
          %swap3A_1024 = arith.index_cast %swap3A_1022 : i32 to index
          %swap3A_1025 = arith.index_cast %mul3A_1010 : i32 to index
          %swap3A_1026 = tpu.vector_load %arg10[%swap3A_1023, %swap3A_1024, %swap3A_1025] {strides = array<i32>} : memref<8x2x128xf32, #tpu.memory_space<vmem>>, vector<16xf32>,
          tpu.vector_store %arg10[%swap3A_1023, %swap3A_1024, %swap3A_1025], %gather3A_1021 {strides = array<i32>} : memref<8x2x128xf32, #tpu.memory_space<vmem>>, vector<16xf32>,
          %scan3A_1027 = arith.constant 2 : i32
          %scan3A_1028 = arith.addi %scan3A_904, %scan3A_1027 : i32
          %mul3A_1029 = arith.constant 16 : i32
          %mul3A_1030 = arith.muli %scan3A_1028, %mul3A_1029 : i32
          %get3A_1031 = arith.index_cast %mul3A_1030 : i32 to index
          %get3A_1032 = tpu.vector_load %arg8[%get3A_1031] {strides = array<i32>} : memref<1024xi32, #tpu.memory_space<vmem>>, vector<16xi32>,
          %jit3A_1033 = arith.constant 8 : i32
          %div3A_1034 = arith.divsi %scan3A_1028, %jit3A_1033 : i32
          %sign3A_1035 = arith.constant 0 : i32
          %sign3A_1036 = arith.cmpi sgt, %scan3A_1028, %sign3A_1035 : i32
          %sign3A_1037 = arith.extui %sign3A_1036 : i1 to i32
          %sign3A_1038 = arith.constant 0 : i32
          %sign3A_1039 = arith.cmpi slt, %scan3A_1028, %sign3A_1038 : i32
          %sign3A_1040 = arith.extui %sign3A_1039 : i1 to i32
          %sign3A_1041 = arith.subi %sign3A_1037, %sign3A_1040 : i32
          %sign3A_1042 = arith.constant 0 : i32
          %sign3A_1043 = arith.cmpi sgt, %jit3A_1033, %sign3A_1042 : i32
          %sign3A_1044 = arith.extui %sign3A_1043 : i1 to i32
          %sign3A_1045 = arith.constant 0 : i32
          %sign3A_1046 = arith.cmpi slt, %jit3A_1033, %sign3A_1045 : i32
          %sign3A_1047 = arith.extui %sign3A_1046 : i1 to i32
          %sign3A_1048 = arith.subi %sign3A_1044, %sign3A_1047 : i32
          %ne3A_1049 = arith.cmpi ne, %sign3A_1041, %sign3A_1048 : i32
          %rem3A_1050 = arith.remsi %scan3A_1028, %jit3A_1033 : i32
          %ne3A_1051 = arith.constant 0 : i32
          %ne3A_1052 = arith.cmpi ne, %rem3A_1050, %ne3A_1051 : i32
          %and3A_1053 = arith.andi %ne3A_1049, %ne3A_1052 : i1
          %sub3A_1054 = arith.constant 1 : i32
          %sub3A_1055 = arith.subi %div3A_1034, %sub3A_1054 : i32
          %select_n3A_1056 = arith.select %and3A_1053, %sub3A_1055, %div3A_1034 : i32
          %jit3A_1057 = arith.constant 8 : i32
          %eq3A_1058 = arith.constant 0 : i32
          %eq3A_1059 = arith.cmpi eq, %jit3A_1057, %eq3A_1058 : i32
          %jit3A_1060 = arith.constant 1 : i32
          %select_n3A_1061 = arith.select %eq3A_1059, %jit3A_1060, %jit3A_1057 : i32
          %rem3A_1062 = arith.remsi %scan3A_1028, %select_n3A_1061 : i32
          %ne3A_1063 = arith.constant 0 : i32
          %ne3A_1064 = arith.cmpi ne, %rem3A_1062, %ne3A_1063 : i32
          %lt3A_1065 = arith.constant 0 : i32
          %lt3A_1066 = arith.cmpi slt, %rem3A_1062, %lt3A_1065 : i32
          %lt3A_1067 = arith.constant 0 : i32
          %lt3A_1068 = arith.cmpi slt, %select_n3A_1061, %lt3A_1067 : i32
          %ne3A_1069 = arith.xori %lt3A_1066, %lt3A_1068 : i1
          %and3A_1070 = arith.andi %ne3A_1069, %ne3A_1064 : i1
          %add3A_1071 = arith.addi %rem3A_1062, %select_n3A_1061 : i32
          %select_n3A_1072 = arith.select %and3A_1070, %add3A_1071, %rem3A_1062 : i32
          %mul3A_1073 = arith.constant 16 : i32
          %mul3A_1074 = arith.muli %select_n3A_1072, %mul3A_1073 : i32
          %broadcast_in_dim3A_1075 = arith.constant 0 : i32
          %broadcast_in_dim3A_1076 = vector.broadcast %broadcast_in_dim3A_1075 : i32 to vector<16xi32>
          %gather3A_1077 = tpu.vector_load_idx %arg6[%broadcast_in_dim3A_1076, %get3A_1032] : memref<2x23296xf32, #tpu.memory_space<vmem>>[vector<16xi32>, vector<16xi32>], vector<16xf32>,
          %swap3A_1078 = arith.constant 0 : i32
          %swap3A_1079 = arith.index_cast %select_n3A_1056 : i32 to index
          %swap3A_1080 = arith.index_cast %swap3A_1078 : i32 to index
          %swap3A_1081 = arith.index_cast %mul3A_1074 : i32 to index
          %swap3A_1082 = tpu.vector_load %arg10[%swap3A_1079, %swap3A_1080, %swap3A_1081] {strides = array<i32>} : memref<8x2x128xf32, #tpu.memory_space<vmem>>, vector<16xf32>,
          tpu.vector_store %arg10[%swap3A_1079, %swap3A_1080, %swap3A_1081], %gather3A_1077 {strides = array<i32>} : memref<8x2x128xf32, #tpu.memory_space<vmem>>, vector<16xf32>,
          %broadcast_in_dim3A_1083 = arith.constant 1 : i32
          %broadcast_in_dim3A_1084 = vector.broadcast %broadcast_in_dim3A_1083 : i32 to vector<16xi32>
          %gather3A_1085 = tpu.vector_load_idx %arg6[%broadcast_in_dim3A_1084, %get3A_1032] : memref<2x23296xf32, #tpu.memory_space<vmem>>[vector<16xi32>, vector<16xi32>], vector<16xf32>,
          %swap3A_1086 = arith.constant 1 : i32
          %swap3A_1087 = arith.index_cast %select_n3A_1056 : i32 to index
          %swap3A_1088 = arith.index_cast %swap3A_1086 : i32 to index
          %swap3A_1089 = arith.index_cast %mul3A_1074 : i32 to index
          %swap3A_1090 = tpu.vector_load %arg10[%swap3A_1087, %swap3A_1088, %swap3A_1089] {strides = array<i32>} : memref<8x2x128xf32, #tpu.memory_space<vmem>>, vector<16xf32>,
          tpu.vector_store %arg10[%swap3A_1087, %swap3A_1088, %swap3A_1089], %gather3A_1085 {strides = array<i32>} : memref<8x2x128xf32, #tpu.memory_space<vmem>>, vector<16xf32>,
          %scan3A_1091 = arith.constant 3 : i32
          %scan3A_1092 = arith.addi %scan3A_904, %scan3A_1091 : i32
          %mul3A_1093 = arith.constant 16 : i32
          %mul3A_1094 = arith.muli %scan3A_1092, %mul3A_1093 : i32
          %get3A_1095 = arith.index_cast %mul3A_1094 : i32 to index
          %get3A_1096 = tpu.vector_load %arg8[%get3A_1095] {strides = array<i32>} : memref<1024xi32, #tpu.memory_space<vmem>>, vector<16xi32>,
          %jit3A_1097 = arith.constant 8 : i32
          %div3A_1098 = arith.divsi %scan3A_1092, %jit3A_1097 : i32
          %sign3A_1099 = arith.constant 0 : i32
          %sign3A_1100 = arith.cmpi sgt, %scan3A_1092, %sign3A_1099 : i32
          %sign3A_1101 = arith.extui %sign3A_1100 : i1 to i32
          %sign3A_1102 = arith.constant 0 : i32
          %sign3A_1103 = arith.cmpi slt, %scan3A_1092, %sign3A_1102 : i32
          %sign3A_1104 = arith.extui %sign3A_1103 : i1 to i32
          %sign3A_1105 = arith.subi %sign3A_1101, %sign3A_1104 : i32
          %sign3A_1106 = arith.constant 0 : i32
          %sign3A_1107 = arith.cmpi sgt, %jit3A_1097, %sign3A_1106 : i32
          %sign3A_1108 = arith.extui %sign3A_1107 : i1 to i32
          %sign3A_1109 = arith.constant 0 : i32
          %sign3A_1110 = arith.cmpi slt, %jit3A_1097, %sign3A_1109 : i32
          %sign3A_1111 = arith.extui %sign3A_1110 : i1 to i32
          %sign3A_1112 = arith.subi %sign3A_1108, %sign3A_1111 : i32
          %ne3A_1113 = arith.cmpi ne, %sign3A_1105, %sign3A_1112 : i32
          %rem3A_1114 = arith.remsi %scan3A_1092, %jit3A_1097 : i32
          %ne3A_1115 = arith.constant 0 : i32
          %ne3A_1116 = arith.cmpi ne, %rem3A_1114, %ne3A_1115 : i32
          %and3A_1117 = arith.andi %ne3A_1113, %ne3A_1116 : i1
          %sub3A_1118 = arith.constant 1 : i32
          %sub3A_1119 = arith.subi %div3A_1098, %sub3A_1118 : i32
          %select_n3A_1120 = arith.select %and3A_1117, %sub3A_1119, %div3A_1098 : i32
          %jit3A_1121 = arith.constant 8 : i32
          %eq3A_1122 = arith.constant 0 : i32
          %eq3A_1123 = arith.cmpi eq, %jit3A_1121, %eq3A_1122 : i32
          %jit3A_1124 = arith.constant 1 : i32
          %select_n3A_1125 = arith.select %eq3A_1123, %jit3A_1124, %jit3A_1121 : i32
          %rem3A_1126 = arith.remsi %scan3A_1092, %select_n3A_1125 : i32
          %ne3A_1127 = arith.constant 0 : i32
          %ne3A_1128 = arith.cmpi ne, %rem3A_1126, %ne3A_1127 : i32
          %lt3A_1129 = arith.constant 0 : i32
          %lt3A_1130 = arith.cmpi slt, %rem3A_1126, %lt3A_1129 : i32
          %lt3A_1131 = arith.constant 0 : i32
          %lt3A_1132 = arith.cmpi slt, %select_n3A_1125, %lt3A_1131 : i32
          %ne3A_1133 = arith.xori %lt3A_1130, %lt3A_1132 : i1
          %and3A_1134 = arith.andi %ne3A_1133, %ne3A_1128 : i1
          %add3A_1135 = arith.addi %rem3A_1126, %select_n3A_1125 : i32
          %select_n3A_1136 = arith.select %and3A_1134, %add3A_1135, %rem3A_1126 : i32
          %mul3A_1137 = arith.constant 16 : i32
          %mul3A_1138 = arith.muli %select_n3A_1136, %mul3A_1137 : i32
          %broadcast_in_dim3A_1139 = arith.constant 0 : i32
          %broadcast_in_dim3A_1140 = vector.broadcast %broadcast_in_dim3A_1139 : i32 to vector<16xi32>
          %gather3A_1141 = tpu.vector_load_idx %arg6[%broadcast_in_dim3A_1140, %get3A_1096] : memref<2x23296xf32, #tpu.memory_space<vmem>>[vector<16xi32>, vector<16xi32>], vector<16xf32>,
          %swap3A_1142 = arith.constant 0 : i32
          %swap3A_1143 = arith.index_cast %select_n3A_1120 : i32 to index
          %swap3A_1144 = arith.index_cast %swap3A_1142 : i32 to index
          %swap3A_1145 = arith.index_cast %mul3A_1138 : i32 to index
          %swap3A_1146 = tpu.vector_load %arg10[%swap3A_1143, %swap3A_1144, %swap3A_1145] {strides = array<i32>} : memref<8x2x128xf32, #tpu.memory_space<vmem>>, vector<16xf32>,
          tpu.vector_store %arg10[%swap3A_1143, %swap3A_1144, %swap3A_1145], %gather3A_1141 {strides = array<i32>} : memref<8x2x128xf32, #tpu.memory_space<vmem>>, vector<16xf32>,
          %broadcast_in_dim3A_1147 = arith.constant 1 : i32
          %broadcast_in_dim3A_1148 = vector.broadcast %broadcast_in_dim3A_1147 : i32 to vector<16xi32>
          %gather3A_1149 = tpu.vector_load_idx %arg6[%broadcast_in_dim3A_1148, %get3A_1096] : memref<2x23296xf32, #tpu.memory_space<vmem>>[vector<16xi32>, vector<16xi32>], vector<16xf32>,
          %swap3A_1150 = arith.constant 1 : i32
          %swap3A_1151 = arith.index_cast %select_n3A_1120 : i32 to index
          %swap3A_1152 = arith.index_cast %swap3A_1150 : i32 to index
          %swap3A_1153 = arith.index_cast %mul3A_1138 : i32 to index
          %swap3A_1154 = tpu.vector_load %arg10[%swap3A_1151, %swap3A_1152, %swap3A_1153] {strides = array<i32>} : memref<8x2x128xf32, #tpu.memory_space<vmem>>, vector<16xf32>,
          tpu.vector_store %arg10[%swap3A_1151, %swap3A_1152, %swap3A_1153], %gather3A_1149 {strides = array<i32>} : memref<8x2x128xf32, #tpu.memory_space<vmem>>, vector<16xf32>,
        }
        %scan3A_883 = arith.constant 64 : i32
        %mul3A_884 = arith.constant 2 : i32
        %mul3A_885 = arith.muli %select_n3A_635, %mul3A_884 : i32
        %dma_start3A_886 = arith.constant 0 : i32
        %dma_start3A_887 = arith.constant 0 : i32
        %dma_start3A_888 = tpu.memref_slice %arg4[%add3A_860, %select_n3A_619, %dma_start3A_886, %mul3A_885, %dma_start3A_887] : memref<50x216x8x8x128xf32, #tpu.memory_space<hbm>> -> memref<1x1x8x2x128xf32, #tpu.memory_space<hbm>>
        %dma_start3A_889 = tpu.memref_squeeze %dma_start3A_888 : memref<1x1x8x2x128xf32, #tpu.memory_space<hbm>> -> memref<8x2x128xf32, #tpu.memory_space<hbm>>
        %dma_start3A_890 = arith.constant 0 : i32
        %dma_start3A_891 = arith.constant 0 : i32
        %dma_start3A_892 = tpu.memref_slice %arg4[%add3A_860, %select_n3A_619, %dma_start3A_890, %mul3A_885, %dma_start3A_891] : memref<50x216x8x8x128xf32, #tpu.memory_space<hbm>> -> memref<1x1x8x2x128xf32, #tpu.memory_space<hbm>>
        %dma_start3A_893 = tpu.memref_squeeze %dma_start3A_892 : memref<1x1x8x2x128xf32, #tpu.memory_space<hbm>> -> memref<8x2x128xf32, #tpu.memory_space<hbm>>
        tpu.enqueue_dma source(%arg10 : memref<8x2x128xf32, #tpu.memory_space<vmem>>) target(%dma_start3A_893 : memref<8x2x128xf32, #tpu.memory_space<hbm>>) target_semaphore(%arg16 : memref<!tpu.dma_semaphore, #tpu.memory_space<semaphore_mem>>)
        %add3A_894 = arith.constant 2 : i32
        %add3A_895 = arith.addi %add3A_860, %add3A_894 : i32
        %min3A_896 = arith.constant 49 : i32
        %min3A_897 = arith.minsi %add3A_895, %min3A_896 : i32
        %dma_start3A_898 = arith.constant 0 : i32
        %dma_start3A_899 = tpu.memref_slice %arg2[%min3A_897, %dma_start3A_898] : memref<50x1024xi32, #tpu.memory_space<hbm>> -> memref<1x1024xi32, #tpu.memory_space<hbm>>
        %dma_start3A_900 = tpu.memref_squeeze %dma_start3A_899 : memref<1x1024xi32, #tpu.memory_space<hbm>> -> memref<1024xi32, #tpu.memory_space<hbm>>
        %dma_start3A_901 = arith.constant 0 : i32
        %dma_start3A_902 = tpu.memref_slice %arg2[%min3A_897, %dma_start3A_901] : memref<50x1024xi32, #tpu.memory_space<hbm>> -> memref<1x1024xi32, #tpu.memory_space<hbm>>
        %dma_start3A_903 = tpu.memref_squeeze %dma_start3A_902 : memref<1x1024xi32, #tpu.memory_space<hbm>> -> memref<1024xi32, #tpu.memory_space<hbm>>
        tpu.enqueue_dma source(%dma_start3A_903 : memref<1024xi32, #tpu.memory_space<hbm>>) target(%arg8 : memref<1024xi32, #tpu.memory_space<vmem>>) target_semaphore(%arg14 : memref<!tpu.dma_semaphore, #tpu.memory_space<semaphore_mem>>)
      }
      %scan3A_774 = arith.constant 24 : i32
      %mul3A_775 = arith.constant 2 : i32
      %mul3A_776 = arith.muli %select_n3A_635, %mul3A_775 : i32
      %dma_wait3A_777 = arith.constant 0 : i32
      %dma_wait3A_778 = arith.constant 0 : i32
      %dma_wait3A_779 = arith.constant 0 : i32
      %dma_wait3A_780 = tpu.memref_slice %arg4[%dma_wait3A_777, %select_n3A_619, %dma_wait3A_778, %mul3A_776, %dma_wait3A_779] : memref<50x216x8x8x128xf32, #tpu.memory_space<hbm>> -> memref<1x1x8x2x128xf32, #tpu.memory_space<hbm>>
      %dma_wait3A_781 = tpu.memref_squeeze %dma_wait3A_780 : memref<1x1x8x2x128xf32, #tpu.memory_space<hbm>> -> memref<8x2x128xf32, #tpu.memory_space<hbm>>
      %dma_wait3A_782 = arith.constant 0 : i32
      %dma_wait3A_783 = arith.constant 0 : i32
      %dma_wait3A_784 = tpu.memref_slice %arg4[%dma_wait3A_777, %select_n3A_619, %dma_wait3A_782, %mul3A_776, %dma_wait3A_783] : memref<50x216x8x8x128xf32, #tpu.memory_space<hbm>> -> memref<1x1x8x2x128xf32, #tpu.memory_space<hbm>>
      %dma_wait3A_785 = tpu.memref_squeeze %dma_wait3A_784 : memref<1x1x8x2x128xf32, #tpu.memory_space<hbm>> -> memref<8x2x128xf32, #tpu.memory_space<hbm>>
      tpu.wait_dma2 semaphore(%arg15 : memref<!tpu.dma_semaphore, #tpu.memory_space<semaphore_mem>>) src(%arg9 : memref<8x2x128xf32, #tpu.memory_space<vmem>>) dst(%dma_wait3A_785 : memref<8x2x128xf32, #tpu.memory_space<hbm>>)
      %mul3A_786 = arith.constant 2 : i32
      %mul3A_787 = arith.muli %select_n3A_635, %mul3A_786 : i32
      %dma_wait3A_788 = arith.constant 0 : i32
      %dma_wait3A_789 = arith.constant 0 : i32
      %dma_wait3A_790 = arith.constant 0 : i32
      %dma_wait3A_791 = tpu.memref_slice %arg4[%dma_wait3A_788, %select_n3A_619, %dma_wait3A_789, %mul3A_787, %dma_wait3A_790] : memref<50x216x8x8x128xf32, #tpu.memory_space<hbm>> -> memref<1x1x8x2x128xf32, #tpu.memory_space<hbm>>
      %dma_wait3A_792 = tpu.memref_squeeze %dma_wait3A_791 : memref<1x1x8x2x128xf32, #tpu.memory_space<hbm>> -> memref<8x2x128xf32, #tpu.memory_space<hbm>>
      %dma_wait3A_793 = arith.constant 0 : i32
      %dma_wait3A_794 = arith.constant 0 : i32
      %dma_wait3A_795 = tpu.memref_slice %arg4[%dma_wait3A_788, %select_n3A_619, %dma_wait3A_793, %mul3A_787, %dma_wait3A_794] : memref<50x216x8x8x128xf32, #tpu.memory_space<hbm>> -> memref<1x1x8x2x128xf32, #tpu.memory_space<hbm>>
      %dma_wait3A_796 = tpu.memref_squeeze %dma_wait3A_795 : memref<1x1x8x2x128xf32, #tpu.memory_space<hbm>> -> memref<8x2x128xf32, #tpu.memory_space<hbm>>
      tpu.wait_dma2 semaphore(%arg16 : memref<!tpu.dma_semaphore, #tpu.memory_space<semaphore_mem>>) src(%arg10 : memref<8x2x128xf32, #tpu.memory_space<vmem>>) dst(%dma_wait3A_796 : memref<8x2x128xf32, #tpu.memory_space<hbm>>)
      %dma_wait3A_797 = arith.constant 0 : i32
      %dma_wait3A_798 = arith.constant 0 : i32
      %dma_wait3A_799 = tpu.memref_slice %arg2[%dma_wait3A_797, %dma_wait3A_798] : memref<50x1024xi32, #tpu.memory_space<hbm>> -> memref<1x1024xi32, #tpu.memory_space<hbm>>
      %dma_wait3A_800 = tpu.memref_squeeze %dma_wait3A_799 : memref<1x1024xi32, #tpu.memory_space<hbm>> -> memref<1024xi32, #tpu.memory_space<hbm>>
      %dma_wait3A_801 = arith.constant 0 : i32
      %dma_wait3A_802 = tpu.memref_slice %arg2[%dma_wait3A_797, %dma_wait3A_801] : memref<50x1024xi32, #tpu.memory_space<hbm>> -> memref<1x1024xi32, #tpu.memory_space<hbm>>
      %dma_wait3A_803 = tpu.memref_squeeze %dma_wait3A_802 : memref<1x1024xi32, #tpu.memory_space<hbm>> -> memref<1024xi32, #tpu.memory_space<hbm>>
      tpu.wait_dma2 semaphore(%arg13 : memref<!tpu.dma_semaphore, #tpu.memory_space<semaphore_mem>>) src(%dma_wait3A_803 : memref<1024xi32, #tpu.memory_space<hbm>>) dst(%arg7 : memref<1024xi32, #tpu.memory_space<vmem>>)
      %dma_wait3A_804 = arith.constant 0 : i32
      %dma_wait3A_805 = arith.constant 0 : i32
      %dma_wait3A_806 = tpu.memref_slice %arg2[%dma_wait3A_804, %dma_wait3A_805] : memref<50x1024xi32, #tpu.memory_space<hbm>> -> memref<1x1024xi32, #tpu.memory_space<hbm>>
      %dma_wait3A_807 = tpu.memref_squeeze %dma_wait3A_806 : memref<1x1024xi32, #tpu.memory_space<hbm>> -> memref<1024xi32, #tpu.memory_space<hbm>>
      %dma_wait3A_808 = arith.constant 0 : i32
      %dma_wait3A_809 = tpu.memref_slice %arg2[%dma_wait3A_804, %dma_wait3A_808] : memref<50x1024xi32, #tpu.memory_space<hbm>> -> memref<1x1024xi32, #tpu.memory_space<hbm>>
      %dma_wait3A_810 = tpu.memref_squeeze %dma_wait3A_809 : memref<1x1024xi32, #tpu.memory_space<hbm>> -> memref<1024xi32, #tpu.memory_space<hbm>>
      tpu.wait_dma2 semaphore(%arg14 : memref<!tpu.dma_semaphore, #tpu.memory_space<semaphore_mem>>) src(%dma_wait3A_810 : memref<1024xi32, #tpu.memory_space<hbm>>) dst(%arg8 : memref<1024xi32, #tpu.memory_space<vmem>>)
      %lt3A_811 = arith.constant 12 : i32
      %lt3A_812 = arith.cmpi slt, %scan3A_312, %lt3A_811 : i32
      %convert_element_type3A = arith.extui %lt3A_812 : i1 to i32
      %cond3A = arith.constant 0 : i32
      %cond3A_813 = arith.cmpi ne, %convert_element_type3A, %cond3A : i32
      scf.if %cond3A_813 {
        %mul3A_814 = arith.constant 2 : i32
        %mul3A_815 = arith.muli %mul3A_814, %scan3A_312 : i32
        %add3A_816 = arith.constant 3 : i32
        %add3A_817 = arith.addi %mul3A_815, %add3A_816 : i32
        %mul3A_818 = arith.constant 32 : i32
        %mul3A_819 = arith.muli %mul3A_818, %add3A_817 : i32
        %add3A_820 = arith.addi %add3A, %mul3A_819 : i32
        %jit3A_821 = arith.constant 4 : i32
        %div3A_822 = arith.divsi %add3A_820, %jit3A_821 : i32
        %sign3A_823 = arith.constant 0 : i32
        %sign3A_824 = arith.cmpi sgt, %add3A_820, %sign3A_823 : i32
        %sign3A_825 = arith.extui %sign3A_824 : i1 to i32
        %sign3A_826 = arith.constant 0 : i32
        %sign3A_827 = arith.cmpi slt, %add3A_820, %sign3A_826 : i32
        %sign3A_828 = arith.extui %sign3A_827 : i1 to i32
        %sign3A_829 = arith.subi %sign3A_825, %sign3A_828 : i32
        %sign3A_830 = arith.constant 0 : i32
        %sign3A_831 = arith.cmpi sgt, %jit3A_821, %sign3A_830 : i32
        %sign3A_832 = arith.extui %sign3A_831 : i1 to i32
        %sign3A_833 = arith.constant 0 : i32
        %sign3A_834 = arith.cmpi slt, %jit3A_821, %sign3A_833 : i32
        %sign3A_835 = arith.extui %sign3A_834 : i1 to i32
        %sign3A_836 = arith.subi %sign3A_832, %sign3A_835 : i32
        %ne3A_837 = arith.cmpi ne, %sign3A_829, %sign3A_836 : i32
        %rem3A_838 = arith.remsi %add3A_820, %jit3A_821 : i32
        %ne3A_839 = arith.constant 0 : i32
        %ne3A_840 = arith.cmpi ne, %rem3A_838, %ne3A_839 : i32
        %and3A_841 = arith.andi %ne3A_837, %ne3A_840 : i1
        %sub3A_842 = arith.constant 1 : i32
        %sub3A_843 = arith.subi %div3A_822, %sub3A_842 : i32
        %select_n3A_844 = arith.select %and3A_841, %sub3A_843, %div3A_822 : i32
        %jit3A_845 = arith.constant 4 : i32
        %eq3A_846 = arith.constant 0 : i32
        %eq3A_847 = arith.cmpi eq, %jit3A_845, %eq3A_846 : i32
        %jit3A_848 = arith.constant 1 : i32
        %select_n3A_849 = arith.select %eq3A_847, %jit3A_848, %jit3A_845 : i32
        %rem3A_850 = arith.remsi %add3A_820, %select_n3A_849 : i32
        %ne3A_851 = arith.constant 0 : i32
        %ne3A_852 = arith.cmpi ne, %rem3A_850, %ne3A_851 : i32
        %lt3A_853 = arith.constant 0 : i32
        %lt3A_854 = arith.cmpi slt, %rem3A_850, %lt3A_853 : i32
        %lt3A_855 = arith.constant 0 : i32
        %lt3A_856 = arith.cmpi slt, %select_n3A_849, %lt3A_855 : i32
        %ne3A_857 = arith.xori %lt3A_854, %lt3A_856 : i1
        %and3A_858 = arith.andi %ne3A_857, %ne3A_852 : i1
        %add3A_859 = arith.addi %rem3A_850, %select_n3A_849 : i32
        %select_n3A_860 = arith.select %and3A_858, %add3A_859, %rem3A_850 : i32
        %mul3A_861 = arith.constant 8 : i32
        %mul3A_862 = arith.muli %select_n3A_844, %mul3A_861 : i32
        %mul3A_863 = arith.constant 2 : i32
        %mul3A_864 = arith.muli %select_n3A_860, %mul3A_863 : i32
        %add3A_865 = arith.addi %mul3A_862, %mul3A_864 : i32
        %dma_start3A_866 = arith.constant 0 : i32
        %dma_start3A_867 = tpu.memref_slice %arg3[%add3A_865, %dma_start3A_866] : memref<1728x23296xf32, #tpu.memory_space<hbm>> -> memref<2x23296xf32, #tpu.memory_space<hbm>>
        %dma_start3A_868 = arith.constant 0 : i32
        %dma_start3A_869 = tpu.memref_slice %arg3[%add3A_865, %dma_start3A_868] : memref<1728x23296xf32, #tpu.memory_space<hbm>> -> memref<2x23296xf32, #tpu.memory_space<hbm>>
        tpu.enqueue_dma source(%dma_start3A_869 : memref<2x23296xf32, #tpu.memory_space<hbm>>) target(%arg6 : memref<2x23296xf32, #tpu.memory_space<vmem>>) target_semaphore(%arg12 : memref<!tpu.dma_semaphore, #tpu.memory_space<semaphore_mem>>)
      } else {
      }
    }
    %scan3A_96 = arith.constant 13 : i32
    %add3A_97 = arith.constant 832 : i32
    %add3A_98 = arith.addi %add3A, %add3A_97 : i32
    %jit3A_99 = arith.constant 4 : i32
    %div3A_100 = arith.divsi %add3A_98, %jit3A_99 : i32
    %sign3A_101 = arith.constant 0 : i32
    %sign3A_102 = arith.cmpi sgt, %add3A_98, %sign3A_101 : i32
    %sign3A_103 = arith.extui %sign3A_102 : i1 to i32
    %sign3A_104 = arith.constant 0 : i32
    %sign3A_105 = arith.cmpi slt, %add3A_98, %sign3A_104 : i32
    %sign3A_106 = arith.extui %sign3A_105 : i1 to i32
    %sign3A_107 = arith.subi %sign3A_103, %sign3A_106 : i32
    %sign3A_108 = arith.constant 0 : i32
    %sign3A_109 = arith.cmpi sgt, %jit3A_99, %sign3A_108 : i32
    %sign3A_110 = arith.extui %sign3A_109 : i1 to i32
    %sign3A_111 = arith.constant 0 : i32
    %sign3A_112 = arith.cmpi slt, %jit3A_99, %sign3A_111 : i32
    %sign3A_113 = arith.extui %sign3A_112 : i1 to i32
    %sign3A_114 = arith.subi %sign3A_110, %sign3A_113 : i32
    %ne3A_115 = arith.cmpi ne, %sign3A_107, %sign3A_114 : i32
    %rem3A_116 = arith.remsi %add3A_98, %jit3A_99 : i32
    %ne3A_117 = arith.constant 0 : i32
    %ne3A_118 = arith.cmpi ne, %rem3A_116, %ne3A_117 : i32
    %and3A_119 = arith.andi %ne3A_115, %ne3A_118 : i1
    %sub3A_120 = arith.constant 1 : i32
    %sub3A_121 = arith.subi %div3A_100, %sub3A_120 : i32
    %select_n3A_122 = arith.select %and3A_119, %sub3A_121, %div3A_100 : i32
    %jit3A_123 = arith.constant 4 : i32
    %eq3A_124 = arith.constant 0 : i32
    %eq3A_125 = arith.cmpi eq, %jit3A_123, %eq3A_124 : i32
    %jit3A_126 = arith.constant 1 : i32
    %select_n3A_127 = arith.select %eq3A_125, %jit3A_126, %jit3A_123 : i32
    %rem3A_128 = arith.remsi %add3A_98, %select_n3A_127 : i32
    %ne3A_129 = arith.constant 0 : i32
    %ne3A_130 = arith.cmpi ne, %rem3A_128, %ne3A_129 : i32
    %lt3A_131 = arith.constant 0 : i32
    %lt3A_132 = arith.cmpi slt, %rem3A_128, %lt3A_131 : i32
    %lt3A_133 = arith.constant 0 : i32
    %lt3A_134 = arith.cmpi slt, %select_n3A_127, %lt3A_133 : i32
    %ne3A_135 = arith.xori %lt3A_132, %lt3A_134 : i1
    %and3A_136 = arith.andi %ne3A_135, %ne3A_130 : i1
    %add3A_137 = arith.addi %rem3A_128, %select_n3A_127 : i32
    %select_n3A_138 = arith.select %and3A_136, %add3A_137, %rem3A_128 : i32
    %mul3A_139 = arith.constant 8 : i32
    %mul3A_140 = arith.muli %select_n3A_122, %mul3A_139 : i32
    %mul3A_141 = arith.constant 2 : i32
    %mul3A_142 = arith.muli %select_n3A_138, %mul3A_141 : i32
    %add3A_143 = arith.addi %mul3A_140, %mul3A_142 : i32
    %dma_start3A_144 = arith.constant 0 : i32
    %dma_start3A_145 = arith.constant 0 : i32
    %dma_start3A_146 = tpu.memref_slice %arg2[%dma_start3A_144, %dma_start3A_145] : memref<50x1024xi32, #tpu.memory_space<hbm>> -> memref<1x1024xi32, #tpu.memory_space<hbm>>
    %dma_start3A_147 = tpu.memref_squeeze %dma_start3A_146 : memref<1x1024xi32, #tpu.memory_space<hbm>> -> memref<1024xi32, #tpu.memory_space<hbm>>
    %dma_start3A_148 = arith.constant 0 : i32
    %dma_start3A_149 = tpu.memref_slice %arg2[%dma_start3A_144, %dma_start3A_148] : memref<50x1024xi32, #tpu.memory_space<hbm>> -> memref<1x1024xi32, #tpu.memory_space<hbm>>
    %dma_start3A_150 = tpu.memref_squeeze %dma_start3A_149 : memref<1x1024xi32, #tpu.memory_space<hbm>> -> memref<1024xi32, #tpu.memory_space<hbm>>
    tpu.enqueue_dma source(%dma_start3A_150 : memref<1024xi32, #tpu.memory_space<hbm>>) target(%arg7 : memref<1024xi32, #tpu.memory_space<vmem>>) target_semaphore(%arg13 : memref<!tpu.dma_semaphore, #tpu.memory_space<semaphore_mem>>)
    %dma_start3A_151 = arith.constant 1 : i32
    %dma_start3A_152 = arith.constant 0 : i32
    %dma_start3A_153 = tpu.memref_slice %arg2[%dma_start3A_151, %dma_start3A_152] : memref<50x1024xi32, #tpu.memory_space<hbm>> -> memref<1x1024xi32, #tpu.memory_space<hbm>>
    %dma_start3A_154 = tpu.memref_squeeze %dma_start3A_153 : memref<1x1024xi32, #tpu.memory_space<hbm>> -> memref<1024xi32, #tpu.memory_space<hbm>>
    %dma_start3A_155 = arith.constant 0 : i32
    %dma_start3A_156 = tpu.memref_slice %arg2[%dma_start3A_151, %dma_start3A_155] : memref<50x1024xi32, #tpu.memory_space<hbm>> -> memref<1x1024xi32, #tpu.memory_space<hbm>>
    %dma_start3A_157 = tpu.memref_squeeze %dma_start3A_156 : memref<1x1024xi32, #tpu.memory_space<hbm>> -> memref<1024xi32, #tpu.memory_space<hbm>>
    tpu.enqueue_dma source(%dma_start3A_157 : memref<1024xi32, #tpu.memory_space<hbm>>) target(%arg8 : memref<1024xi32, #tpu.memory_space<vmem>>) target_semaphore(%arg14 : memref<!tpu.dma_semaphore, #tpu.memory_space<semaphore_mem>>)
    %add3A_158 = arith.constant 832 : i32
    %add3A_159 = arith.addi %add3A, %add3A_158 : i32
    %jit3A_160 = arith.constant 4 : i32
    %div3A_161 = arith.divsi %add3A_159, %jit3A_160 : i32
    %sign3A_162 = arith.constant 0 : i32
    %sign3A_163 = arith.cmpi sgt, %add3A_159, %sign3A_162 : i32
    %sign3A_164 = arith.extui %sign3A_163 : i1 to i32
    %sign3A_165 = arith.constant 0 : i32
    %sign3A_166 = arith.cmpi slt, %add3A_159, %sign3A_165 : i32
    %sign3A_167 = arith.extui %sign3A_166 : i1 to i32
    %sign3A_168 = arith.subi %sign3A_164, %sign3A_167 : i32
    %sign3A_169 = arith.constant 0 : i32
    %sign3A_170 = arith.cmpi sgt, %jit3A_160, %sign3A_169 : i32
    %sign3A_171 = arith.extui %sign3A_170 : i1 to i32
    %sign3A_172 = arith.constant 0 : i32
    %sign3A_173 = arith.cmpi slt, %jit3A_160, %sign3A_172 : i32
    %sign3A_174 = arith.extui %sign3A_173 : i1 to i32
    %sign3A_175 = arith.subi %sign3A_171, %sign3A_174 : i32
    %ne3A_176 = arith.cmpi ne, %sign3A_168, %sign3A_175 : i32
    %rem3A_177 = arith.remsi %add3A_159, %jit3A_160 : i32
    %ne3A_178 = arith.constant 0 : i32
    %ne3A_179 = arith.cmpi ne, %rem3A_177, %ne3A_178 : i32
    %and3A_180 = arith.andi %ne3A_176, %ne3A_179 : i1
    %sub3A_181 = arith.constant 1 : i32
    %sub3A_182 = arith.subi %div3A_161, %sub3A_181 : i32
    %select_n3A_183 = arith.select %and3A_180, %sub3A_182, %div3A_161 : i32
    %jit3A_184 = arith.constant 4 : i32
    %eq3A_185 = arith.constant 0 : i32
    %eq3A_186 = arith.cmpi eq, %jit3A_184, %eq3A_185 : i32
    %jit3A_187 = arith.constant 1 : i32
    %select_n3A_188 = arith.select %eq3A_186, %jit3A_187, %jit3A_184 : i32
    %rem3A_189 = arith.remsi %add3A_159, %select_n3A_188 : i32
    %ne3A_190 = arith.constant 0 : i32
    %ne3A_191 = arith.cmpi ne, %rem3A_189, %ne3A_190 : i32
    %lt3A_192 = arith.constant 0 : i32
    %lt3A_193 = arith.cmpi slt, %rem3A_189, %lt3A_192 : i32
    %lt3A_194 = arith.constant 0 : i32
    %lt3A_195 = arith.cmpi slt, %select_n3A_188, %lt3A_194 : i32
    %ne3A_196 = arith.xori %lt3A_193, %lt3A_195 : i1
    %and3A_197 = arith.andi %ne3A_196, %ne3A_191 : i1
    %add3A_198 = arith.addi %rem3A_189, %select_n3A_188 : i32
    %select_n3A_199 = arith.select %and3A_197, %add3A_198, %rem3A_189 : i32
    %mul3A_200 = arith.constant 8 : i32
    %mul3A_201 = arith.muli %select_n3A_183, %mul3A_200 : i32
    %mul3A_202 = arith.constant 2 : i32
    %mul3A_203 = arith.muli %select_n3A_199, %mul3A_202 : i32
    %add3A_204 = arith.addi %mul3A_201, %mul3A_203 : i32
    %dma_wait3A = arith.constant 0 : i32
    %dma_wait3A_205 = tpu.memref_slice %arg3[%add3A_204, %dma_wait3A] : memref<1728x23296xf32, #tpu.memory_space<hbm>> -> memref<2x23296xf32, #tpu.memory_space<hbm>>
    %dma_wait3A_206 = arith.constant 0 : i32
    %dma_wait3A_207 = tpu.memref_slice %arg3[%add3A_204, %dma_wait3A_206] : memref<1728x23296xf32, #tpu.memory_space<hbm>> -> memref<2x23296xf32, #tpu.memory_space<hbm>>
    tpu.wait_dma2 semaphore(%arg11 : memref<!tpu.dma_semaphore, #tpu.memory_space<semaphore_mem>>) src(%dma_wait3A_207 : memref<2x23296xf32, #tpu.memory_space<hbm>>) dst(%arg5 : memref<2x23296xf32, #tpu.memory_space<vmem>>)
    %dma_wait3A_208 = arith.constant 0 : i32
    %dma_wait3A_209 = arith.constant 0 : i32
    %dma_wait3A_210 = tpu.memref_slice %arg2[%dma_wait3A_208, %dma_wait3A_209] : memref<50x1024xi32, #tpu.memory_space<hbm>> -> memref<1x1024xi32, #tpu.memory_space<hbm>>
    %dma_wait3A_211 = tpu.memref_squeeze %dma_wait3A_210 : memref<1x1024xi32, #tpu.memory_space<hbm>> -> memref<1024xi32, #tpu.memory_space<hbm>>
    %dma_wait3A_212 = arith.constant 0 : i32
    %dma_wait3A_213 = tpu.memref_slice %arg2[%dma_wait3A_208, %dma_wait3A_212] : memref<50x1024xi32, #tpu.memory_space<hbm>> -> memref<1x1024xi32, #tpu.memory_space<hbm>>
    %dma_wait3A_214 = tpu.memref_squeeze %dma_wait3A_213 : memref<1x1024xi32, #tpu.memory_space<hbm>> -> memref<1024xi32, #tpu.memory_space<hbm>>
    tpu.wait_dma2 semaphore(%arg13 : memref<!tpu.dma_semaphore, #tpu.memory_space<semaphore_mem>>) src(%dma_wait3A_214 : memref<1024xi32, #tpu.memory_space<hbm>>) dst(%arg7 : memref<1024xi32, #tpu.memory_space<vmem>>)
    %scan3A_215 = arith.constant 0 : i32
    %scan3A_216 = arith.constant 0 : i32
    %scan3A_217 = arith.constant 64 : i32
    %scan3A_218 = arith.addi %scan3A_216, %scan3A_217 : i32
    %scan3A_219 = arith.constant 4 : i32
    scf.for %scan3A_312 = %scan3A_216 to %scan3A_218 step %scan3A_219  : i32 {
      %mul3A_313 = arith.constant 16 : i32
      %mul3A_314 = arith.muli %scan3A_312, %mul3A_313 : i32
      %get3A = arith.index_cast %mul3A_314 : i32 to index
      %get3A_315 = tpu.vector_load %arg7[%get3A] {strides = array<i32>} : memref<1024xi32, #tpu.memory_space<vmem>>, vector<16xi32>,
      %jit3A_316 = arith.constant 8 : i32
      %div3A_317 = arith.divsi %scan3A_312, %jit3A_316 : i32
      %sign3A_318 = arith.constant 0 : i32
      %sign3A_319 = arith.cmpi sgt, %scan3A_312, %sign3A_318 : i32
      %sign3A_320 = arith.extui %sign3A_319 : i1 to i32
      %sign3A_321 = arith.constant 0 : i32
      %sign3A_322 = arith.cmpi slt, %scan3A_312, %sign3A_321 : i32
      %sign3A_323 = arith.extui %sign3A_322 : i1 to i32
      %sign3A_324 = arith.subi %sign3A_320, %sign3A_323 : i32
      %sign3A_325 = arith.constant 0 : i32
      %sign3A_326 = arith.cmpi sgt, %jit3A_316, %sign3A_325 : i32
      %sign3A_327 = arith.extui %sign3A_326 : i1 to i32
      %sign3A_328 = arith.constant 0 : i32
      %sign3A_329 = arith.cmpi slt, %jit3A_316, %sign3A_328 : i32
      %sign3A_330 = arith.extui %sign3A_329 : i1 to i32
      %sign3A_331 = arith.subi %sign3A_327, %sign3A_330 : i32
      %ne3A_332 = arith.cmpi ne, %sign3A_324, %sign3A_331 : i32
      %rem3A_333 = arith.remsi %scan3A_312, %jit3A_316 : i32
      %ne3A_334 = arith.constant 0 : i32
      %ne3A_335 = arith.cmpi ne, %rem3A_333, %ne3A_334 : i32
      %and3A_336 = arith.andi %ne3A_332, %ne3A_335 : i1
      %sub3A_337 = arith.constant 1 : i32
      %sub3A_338 = arith.subi %div3A_317, %sub3A_337 : i32
      %select_n3A_339 = arith.select %and3A_336, %sub3A_338, %div3A_317 : i32
      %jit3A_340 = arith.constant 8 : i32
      %eq3A_341 = arith.constant 0 : i32
      %eq3A_342 = arith.cmpi eq, %jit3A_340, %eq3A_341 : i32
      %jit3A_343 = arith.constant 1 : i32
      %select_n3A_344 = arith.select %eq3A_342, %jit3A_343, %jit3A_340 : i32
      %rem3A_345 = arith.remsi %scan3A_312, %select_n3A_344 : i32
      %ne3A_346 = arith.constant 0 : i32
      %ne3A_347 = arith.cmpi ne, %rem3A_345, %ne3A_346 : i32
      %lt3A_348 = arith.constant 0 : i32
      %lt3A_349 = arith.cmpi slt, %rem3A_345, %lt3A_348 : i32
      %lt3A_350 = arith.constant 0 : i32
      %lt3A_351 = arith.cmpi slt, %select_n3A_344, %lt3A_350 : i32
      %ne3A_352 = arith.xori %lt3A_349, %lt3A_351 : i1
      %and3A_353 = arith.andi %ne3A_352, %ne3A_347 : i1
      %add3A_354 = arith.addi %rem3A_345, %select_n3A_344 : i32
      %select_n3A_355 = arith.select %and3A_353, %add3A_354, %rem3A_345 : i32
      %mul3A_356 = arith.constant 16 : i32
      %mul3A_357 = arith.muli %select_n3A_355, %mul3A_356 : i32
      %broadcast_in_dim3A = arith.constant 0 : i32
      %broadcast_in_dim3A_358 = vector.broadcast %broadcast_in_dim3A : i32 to vector<16xi32>
      %gather3A = tpu.vector_load_idx %arg5[%broadcast_in_dim3A_358, %get3A_315] : memref<2x23296xf32, #tpu.memory_space<vmem>>[vector<16xi32>, vector<16xi32>], vector<16xf32>,
      %swap3A = arith.constant 0 : i32
      %swap3A_359 = arith.index_cast %select_n3A_339 : i32 to index
      %swap3A_360 = arith.index_cast %swap3A : i32 to index
      %swap3A_361 = arith.index_cast %mul3A_357 : i32 to index
      %swap3A_362 = tpu.vector_load %arg9[%swap3A_359, %swap3A_360, %swap3A_361] {strides = array<i32>} : memref<8x2x128xf32, #tpu.memory_space<vmem>>, vector<16xf32>,
      tpu.vector_store %arg9[%swap3A_359, %swap3A_360, %swap3A_361], %gather3A {strides = array<i32>} : memref<8x2x128xf32, #tpu.memory_space<vmem>>, vector<16xf32>,
      %broadcast_in_dim3A_363 = arith.constant 1 : i32
      %broadcast_in_dim3A_364 = vector.broadcast %broadcast_in_dim3A_363 : i32 to vector<16xi32>
      %gather3A_365 = tpu.vector_load_idx %arg5[%broadcast_in_dim3A_364, %get3A_315] : memref<2x23296xf32, #tpu.memory_space<vmem>>[vector<16xi32>, vector<16xi32>], vector<16xf32>,
      %swap3A_366 = arith.constant 1 : i32
      %swap3A_367 = arith.index_cast %select_n3A_339 : i32 to index
      %swap3A_368 = arith.index_cast %swap3A_366 : i32 to index
      %swap3A_369 = arith.index_cast %mul3A_357 : i32 to index
      %swap3A_370 = tpu.vector_load %arg9[%swap3A_367, %swap3A_368, %swap3A_369] {strides = array<i32>} : memref<8x2x128xf32, #tpu.memory_space<vmem>>, vector<16xf32>,
      tpu.vector_store %arg9[%swap3A_367, %swap3A_368, %swap3A_369], %gather3A_365 {strides = array<i32>} : memref<8x2x128xf32, #tpu.memory_space<vmem>>, vector<16xf32>,
      %scan3A_371 = arith.constant 1 : i32
      %scan3A_372 = arith.addi %scan3A_312, %scan3A_371 : i32
      %mul3A_373 = arith.constant 16 : i32
      %mul3A_374 = arith.muli %scan3A_372, %mul3A_373 : i32
      %get3A_375 = arith.index_cast %mul3A_374 : i32 to index
      %get3A_376 = tpu.vector_load %arg7[%get3A_375] {strides = array<i32>} : memref<1024xi32, #tpu.memory_space<vmem>>, vector<16xi32>,
      %jit3A_377 = arith.constant 8 : i32
      %div3A_378 = arith.divsi %scan3A_372, %jit3A_377 : i32
      %sign3A_379 = arith.constant 0 : i32
      %sign3A_380 = arith.cmpi sgt, %scan3A_372, %sign3A_379 : i32
      %sign3A_381 = arith.extui %sign3A_380 : i1 to i32
      %sign3A_382 = arith.constant 0 : i32
      %sign3A_383 = arith.cmpi slt, %scan3A_372, %sign3A_382 : i32
      %sign3A_384 = arith.extui %sign3A_383 : i1 to i32
      %sign3A_385 = arith.subi %sign3A_381, %sign3A_384 : i32
      %sign3A_386 = arith.constant 0 : i32
      %sign3A_387 = arith.cmpi sgt, %jit3A_377, %sign3A_386 : i32
      %sign3A_388 = arith.extui %sign3A_387 : i1 to i32
      %sign3A_389 = arith.constant 0 : i32
      %sign3A_390 = arith.cmpi slt, %jit3A_377, %sign3A_389 : i32
      %sign3A_391 = arith.extui %sign3A_390 : i1 to i32
      %sign3A_392 = arith.subi %sign3A_388, %sign3A_391 : i32
      %ne3A_393 = arith.cmpi ne, %sign3A_385, %sign3A_392 : i32
      %rem3A_394 = arith.remsi %scan3A_372, %jit3A_377 : i32
      %ne3A_395 = arith.constant 0 : i32
      %ne3A_396 = arith.cmpi ne, %rem3A_394, %ne3A_395 : i32
      %and3A_397 = arith.andi %ne3A_393, %ne3A_396 : i1
      %sub3A_398 = arith.constant 1 : i32
      %sub3A_399 = arith.subi %div3A_378, %sub3A_398 : i32
      %select_n3A_400 = arith.select %and3A_397, %sub3A_399, %div3A_378 : i32
      %jit3A_401 = arith.constant 8 : i32
      %eq3A_402 = arith.constant 0 : i32
      %eq3A_403 = arith.cmpi eq, %jit3A_401, %eq3A_402 : i32
      %jit3A_404 = arith.constant 1 : i32
      %select_n3A_405 = arith.select %eq3A_403, %jit3A_404, %jit3A_401 : i32
      %rem3A_406 = arith.remsi %scan3A_372, %select_n3A_405 : i32
      %ne3A_407 = arith.constant 0 : i32
      %ne3A_408 = arith.cmpi ne, %rem3A_406, %ne3A_407 : i32
      %lt3A_409 = arith.constant 0 : i32
      %lt3A_410 = arith.cmpi slt, %rem3A_406, %lt3A_409 : i32
      %lt3A_411 = arith.constant 0 : i32
      %lt3A_412 = arith.cmpi slt, %select_n3A_405, %lt3A_411 : i32
      %ne3A_413 = arith.xori %lt3A_410, %lt3A_412 : i1
      %and3A_414 = arith.andi %ne3A_413, %ne3A_408 : i1
      %add3A_415 = arith.addi %rem3A_406, %select_n3A_405 : i32
      %select_n3A_416 = arith.select %and3A_414, %add3A_415, %rem3A_406 : i32
      %mul3A_417 = arith.constant 16 : i32
      %mul3A_418 = arith.muli %select_n3A_416, %mul3A_417 : i32
      %broadcast_in_dim3A_419 = arith.constant 0 : i32
      %broadcast_in_dim3A_420 = vector.broadcast %broadcast_in_dim3A_419 : i32 to vector<16xi32>
      %gather3A_421 = tpu.vector_load_idx %arg5[%broadcast_in_dim3A_420, %get3A_376] : memref<2x23296xf32, #tpu.memory_space<vmem>>[vector<16xi32>, vector<16xi32>], vector<16xf32>,
      %swap3A_422 = arith.constant 0 : i32
      %swap3A_423 = arith.index_cast %select_n3A_400 : i32 to index
      %swap3A_424 = arith.index_cast %swap3A_422 : i32 to index
      %swap3A_425 = arith.index_cast %mul3A_418 : i32 to index
      %swap3A_426 = tpu.vector_load %arg9[%swap3A_423, %swap3A_424, %swap3A_425] {strides = array<i32>} : memref<8x2x128xf32, #tpu.memory_space<vmem>>, vector<16xf32>,
      tpu.vector_store %arg9[%swap3A_423, %swap3A_424, %swap3A_425], %gather3A_421 {strides = array<i32>} : memref<8x2x128xf32, #tpu.memory_space<vmem>>, vector<16xf32>,
      %broadcast_in_dim3A_427 = arith.constant 1 : i32
      %broadcast_in_dim3A_428 = vector.broadcast %broadcast_in_dim3A_427 : i32 to vector<16xi32>
      %gather3A_429 = tpu.vector_load_idx %arg5[%broadcast_in_dim3A_428, %get3A_376] : memref<2x23296xf32, #tpu.memory_space<vmem>>[vector<16xi32>, vector<16xi32>], vector<16xf32>,
      %swap3A_430 = arith.constant 1 : i32
      %swap3A_431 = arith.index_cast %select_n3A_400 : i32 to index
      %swap3A_432 = arith.index_cast %swap3A_430 : i32 to index
      %swap3A_433 = arith.index_cast %mul3A_418 : i32 to index
      %swap3A_434 = tpu.vector_load %arg9[%swap3A_431, %swap3A_432, %swap3A_433] {strides = array<i32>} : memref<8x2x128xf32, #tpu.memory_space<vmem>>, vector<16xf32>,
      tpu.vector_store %arg9[%swap3A_431, %swap3A_432, %swap3A_433], %gather3A_429 {strides = array<i32>} : memref<8x2x128xf32, #tpu.memory_space<vmem>>, vector<16xf32>,
      %scan3A_435 = arith.constant 2 : i32
      %scan3A_436 = arith.addi %scan3A_312, %scan3A_435 : i32
      %mul3A_437 = arith.constant 16 : i32
      %mul3A_438 = arith.muli %scan3A_436, %mul3A_437 : i32
      %get3A_439 = arith.index_cast %mul3A_438 : i32 to index
      %get3A_440 = tpu.vector_load %arg7[%get3A_439] {strides = array<i32>} : memref<1024xi32, #tpu.memory_space<vmem>>, vector<16xi32>,
      %jit3A_441 = arith.constant 8 : i32
      %div3A_442 = arith.divsi %scan3A_436, %jit3A_441 : i32
      %sign3A_443 = arith.constant 0 : i32
      %sign3A_444 = arith.cmpi sgt, %scan3A_436, %sign3A_443 : i32
      %sign3A_445 = arith.extui %sign3A_444 : i1 to i32
      %sign3A_446 = arith.constant 0 : i32
      %sign3A_447 = arith.cmpi slt, %scan3A_436, %sign3A_446 : i32
      %sign3A_448 = arith.extui %sign3A_447 : i1 to i32
      %sign3A_449 = arith.subi %sign3A_445, %sign3A_448 : i32
      %sign3A_450 = arith.constant 0 : i32
      %sign3A_451 = arith.cmpi sgt, %jit3A_441, %sign3A_450 : i32
      %sign3A_452 = arith.extui %sign3A_451 : i1 to i32
      %sign3A_453 = arith.constant 0 : i32
      %sign3A_454 = arith.cmpi slt, %jit3A_441, %sign3A_453 : i32
      %sign3A_455 = arith.extui %sign3A_454 : i1 to i32
      %sign3A_456 = arith.subi %sign3A_452, %sign3A_455 : i32
      %ne3A_457 = arith.cmpi ne, %sign3A_449, %sign3A_456 : i32
      %rem3A_458 = arith.remsi %scan3A_436, %jit3A_441 : i32
      %ne3A_459 = arith.constant 0 : i32
      %ne3A_460 = arith.cmpi ne, %rem3A_458, %ne3A_459 : i32
      %and3A_461 = arith.andi %ne3A_457, %ne3A_460 : i1
      %sub3A_462 = arith.constant 1 : i32
      %sub3A_463 = arith.subi %div3A_442, %sub3A_462 : i32
      %select_n3A_464 = arith.select %and3A_461, %sub3A_463, %div3A_442 : i32
      %jit3A_465 = arith.constant 8 : i32
      %eq3A_466 = arith.constant 0 : i32
      %eq3A_467 = arith.cmpi eq, %jit3A_465, %eq3A_466 : i32
      %jit3A_468 = arith.constant 1 : i32
      %select_n3A_469 = arith.select %eq3A_467, %jit3A_468, %jit3A_465 : i32
      %rem3A_470 = arith.remsi %scan3A_436, %select_n3A_469 : i32
      %ne3A_471 = arith.constant 0 : i32
      %ne3A_472 = arith.cmpi ne, %rem3A_470, %ne3A_471 : i32
      %lt3A_473 = arith.constant 0 : i32
      %lt3A_474 = arith.cmpi slt, %rem3A_470, %lt3A_473 : i32
      %lt3A_475 = arith.constant 0 : i32
      %lt3A_476 = arith.cmpi slt, %select_n3A_469, %lt3A_475 : i32
      %ne3A_477 = arith.xori %lt3A_474, %lt3A_476 : i1
      %and3A_478 = arith.andi %ne3A_477, %ne3A_472 : i1
      %add3A_479 = arith.addi %rem3A_470, %select_n3A_469 : i32
      %select_n3A_480 = arith.select %and3A_478, %add3A_479, %rem3A_470 : i32
      %mul3A_481 = arith.constant 16 : i32
      %mul3A_482 = arith.muli %select_n3A_480, %mul3A_481 : i32
      %broadcast_in_dim3A_483 = arith.constant 0 : i32
      %broadcast_in_dim3A_484 = vector.broadcast %broadcast_in_dim3A_483 : i32 to vector<16xi32>
      %gather3A_485 = tpu.vector_load_idx %arg5[%broadcast_in_dim3A_484, %get3A_440] : memref<2x23296xf32, #tpu.memory_space<vmem>>[vector<16xi32>, vector<16xi32>], vector<16xf32>,
      %swap3A_486 = arith.constant 0 : i32
      %swap3A_487 = arith.index_cast %select_n3A_464 : i32 to index
      %swap3A_488 = arith.index_cast %swap3A_486 : i32 to index
      %swap3A_489 = arith.index_cast %mul3A_482 : i32 to index
      %swap3A_490 = tpu.vector_load %arg9[%swap3A_487, %swap3A_488, %swap3A_489] {strides = array<i32>} : memref<8x2x128xf32, #tpu.memory_space<vmem>>, vector<16xf32>,
      tpu.vector_store %arg9[%swap3A_487, %swap3A_488, %swap3A_489], %gather3A_485 {strides = array<i32>} : memref<8x2x128xf32, #tpu.memory_space<vmem>>, vector<16xf32>,
      %broadcast_in_dim3A_491 = arith.constant 1 : i32
      %broadcast_in_dim3A_492 = vector.broadcast %broadcast_in_dim3A_491 : i32 to vector<16xi32>
      %gather3A_493 = tpu.vector_load_idx %arg5[%broadcast_in_dim3A_492, %get3A_440] : memref<2x23296xf32, #tpu.memory_space<vmem>>[vector<16xi32>, vector<16xi32>], vector<16xf32>,
      %swap3A_494 = arith.constant 1 : i32
      %swap3A_495 = arith.index_cast %select_n3A_464 : i32 to index
      %swap3A_496 = arith.index_cast %swap3A_494 : i32 to index
      %swap3A_497 = arith.index_cast %mul3A_482 : i32 to index
      %swap3A_498 = tpu.vector_load %arg9[%swap3A_495, %swap3A_496, %swap3A_497] {strides = array<i32>} : memref<8x2x128xf32, #tpu.memory_space<vmem>>, vector<16xf32>,
      tpu.vector_store %arg9[%swap3A_495, %swap3A_496, %swap3A_497], %gather3A_493 {strides = array<i32>} : memref<8x2x128xf32, #tpu.memory_space<vmem>>, vector<16xf32>,
      %scan3A_499 = arith.constant 3 : i32
      %scan3A_500 = arith.addi %scan3A_312, %scan3A_499 : i32
      %mul3A_501 = arith.constant 16 : i32
      %mul3A_502 = arith.muli %scan3A_500, %mul3A_501 : i32
      %get3A_503 = arith.index_cast %mul3A_502 : i32 to index
      %get3A_504 = tpu.vector_load %arg7[%get3A_503] {strides = array<i32>} : memref<1024xi32, #tpu.memory_space<vmem>>, vector<16xi32>,
      %jit3A_505 = arith.constant 8 : i32
      %div3A_506 = arith.divsi %scan3A_500, %jit3A_505 : i32
      %sign3A_507 = arith.constant 0 : i32
      %sign3A_508 = arith.cmpi sgt, %scan3A_500, %sign3A_507 : i32
      %sign3A_509 = arith.extui %sign3A_508 : i1 to i32
      %sign3A_510 = arith.constant 0 : i32
      %sign3A_511 = arith.cmpi slt, %scan3A_500, %sign3A_510 : i32
      %sign3A_512 = arith.extui %sign3A_511 : i1 to i32
      %sign3A_513 = arith.subi %sign3A_509, %sign3A_512 : i32
      %sign3A_514 = arith.constant 0 : i32
      %sign3A_515 = arith.cmpi sgt, %jit3A_505, %sign3A_514 : i32
      %sign3A_516 = arith.extui %sign3A_515 : i1 to i32
      %sign3A_517 = arith.constant 0 : i32
      %sign3A_518 = arith.cmpi slt, %jit3A_505, %sign3A_517 : i32
      %sign3A_519 = arith.extui %sign3A_518 : i1 to i32
      %sign3A_520 = arith.subi %sign3A_516, %sign3A_519 : i32
      %ne3A_521 = arith.cmpi ne, %sign3A_513, %sign3A_520 : i32
      %rem3A_522 = arith.remsi %scan3A_500, %jit3A_505 : i32
      %ne3A_523 = arith.constant 0 : i32
      %ne3A_524 = arith.cmpi ne, %rem3A_522, %ne3A_523 : i32
      %and3A_525 = arith.andi %ne3A_521, %ne3A_524 : i1
      %sub3A_526 = arith.constant 1 : i32
      %sub3A_527 = arith.subi %div3A_506, %sub3A_526 : i32
      %select_n3A_528 = arith.select %and3A_525, %sub3A_527, %div3A_506 : i32
      %jit3A_529 = arith.constant 8 : i32
      %eq3A_530 = arith.constant 0 : i32
      %eq3A_531 = arith.cmpi eq, %jit3A_529, %eq3A_530 : i32
      %jit3A_532 = arith.constant 1 : i32
      %select_n3A_533 = arith.select %eq3A_531, %jit3A_532, %jit3A_529 : i32
      %rem3A_534 = arith.remsi %scan3A_500, %select_n3A_533 : i32
      %ne3A_535 = arith.constant 0 : i32
      %ne3A_536 = arith.cmpi ne, %rem3A_534, %ne3A_535 : i32
      %lt3A_537 = arith.constant 0 : i32
      %lt3A_538 = arith.cmpi slt, %rem3A_534, %lt3A_537 : i32
      %lt3A_539 = arith.constant 0 : i32
      %lt3A_540 = arith.cmpi slt, %select_n3A_533, %lt3A_539 : i32
      %ne3A_541 = arith.xori %lt3A_538, %lt3A_540 : i1
      %and3A_542 = arith.andi %ne3A_541, %ne3A_536 : i1
      %add3A_543 = arith.addi %rem3A_534, %select_n3A_533 : i32
      %select_n3A_544 = arith.select %and3A_542, %add3A_543, %rem3A_534 : i32
      %mul3A_545 = arith.constant 16 : i32
      %mul3A_546 = arith.muli %select_n3A_544, %mul3A_545 : i32
      %broadcast_in_dim3A_547 = arith.constant 0 : i32
      %broadcast_in_dim3A_548 = vector.broadcast %broadcast_in_dim3A_547 : i32 to vector<16xi32>
      %gather3A_549 = tpu.vector_load_idx %arg5[%broadcast_in_dim3A_548, %get3A_504] : memref<2x23296xf32, #tpu.memory_space<vmem>>[vector<16xi32>, vector<16xi32>], vector<16xf32>,
      %swap3A_550 = arith.constant 0 : i32
      %swap3A_551 = arith.index_cast %select_n3A_528 : i32 to index
      %swap3A_552 = arith.index_cast %swap3A_550 : i32 to index
      %swap3A_553 = arith.index_cast %mul3A_546 : i32 to index
      %swap3A_554 = tpu.vector_load %arg9[%swap3A_551, %swap3A_552, %swap3A_553] {strides = array<i32>} : memref<8x2x128xf32, #tpu.memory_space<vmem>>, vector<16xf32>,
      tpu.vector_store %arg9[%swap3A_551, %swap3A_552, %swap3A_553], %gather3A_549 {strides = array<i32>} : memref<8x2x128xf32, #tpu.memory_space<vmem>>, vector<16xf32>,
      %broadcast_in_dim3A_555 = arith.constant 1 : i32
      %broadcast_in_dim3A_556 = vector.broadcast %broadcast_in_dim3A_555 : i32 to vector<16xi32>
      %gather3A_557 = tpu.vector_load_idx %arg5[%broadcast_in_dim3A_556, %get3A_504] : memref<2x23296xf32, #tpu.memory_space<vmem>>[vector<16xi32>, vector<16xi32>], vector<16xf32>,
      %swap3A_558 = arith.constant 1 : i32
      %swap3A_559 = arith.index_cast %select_n3A_528 : i32 to index
      %swap3A_560 = arith.index_cast %swap3A_558 : i32 to index
      %swap3A_561 = arith.index_cast %mul3A_546 : i32 to index
      %swap3A_562 = tpu.vector_load %arg9[%swap3A_559, %swap3A_560, %swap3A_561] {strides = array<i32>} : memref<8x2x128xf32, #tpu.memory_space<vmem>>, vector<16xf32>,
      tpu.vector_store %arg9[%swap3A_559, %swap3A_560, %swap3A_561], %gather3A_557 {strides = array<i32>} : memref<8x2x128xf32, #tpu.memory_space<vmem>>, vector<16xf32>,
    }
    %scan3A_220 = arith.constant 64 : i32
    %mul3A_221 = arith.constant 2 : i32
    %mul3A_222 = arith.muli %select_n3A_138, %mul3A_221 : i32
    %dma_start3A_223 = arith.constant 0 : i32
    %dma_start3A_224 = arith.constant 0 : i32
    %dma_start3A_225 = arith.constant 0 : i32
    %dma_start3A_226 = tpu.memref_slice %arg4[%dma_start3A_223, %select_n3A_122, %dma_start3A_224, %mul3A_222, %dma_start3A_225] : memref<50x216x8x8x128xf32, #tpu.memory_space<hbm>> -> memref<1x1x8x2x128xf32, #tpu.memory_space<hbm>>
    %dma_start3A_227 = tpu.memref_squeeze %dma_start3A_226 : memref<1x1x8x2x128xf32, #tpu.memory_space<hbm>> -> memref<8x2x128xf32, #tpu.memory_space<hbm>>
    %dma_start3A_228 = arith.constant 0 : i32
    %dma_start3A_229 = arith.constant 0 : i32
    %dma_start3A_230 = tpu.memref_slice %arg4[%dma_start3A_223, %select_n3A_122, %dma_start3A_228, %mul3A_222, %dma_start3A_229] : memref<50x216x8x8x128xf32, #tpu.memory_space<hbm>> -> memref<1x1x8x2x128xf32, #tpu.memory_space<hbm>>
    %dma_start3A_231 = tpu.memref_squeeze %dma_start3A_230 : memref<1x1x8x2x128xf32, #tpu.memory_space<hbm>> -> memref<8x2x128xf32, #tpu.memory_space<hbm>>
    tpu.enqueue_dma source(%arg9 : memref<8x2x128xf32, #tpu.memory_space<vmem>>) target(%dma_start3A_231 : memref<8x2x128xf32, #tpu.memory_space<hbm>>) target_semaphore(%arg15 : memref<!tpu.dma_semaphore, #tpu.memory_space<semaphore_mem>>)
    %dma_start3A_232 = arith.constant 2 : i32
    %dma_start3A_233 = arith.constant 0 : i32
    %dma_start3A_234 = tpu.memref_slice %arg2[%dma_start3A_232, %dma_start3A_233] : memref<50x1024xi32, #tpu.memory_space<hbm>> -> memref<1x1024xi32, #tpu.memory_space<hbm>>
    %dma_start3A_235 = tpu.memref_squeeze %dma_start3A_234 : memref<1x1024xi32, #tpu.memory_space<hbm>> -> memref<1024xi32, #tpu.memory_space<hbm>>
    %dma_start3A_236 = arith.constant 0 : i32
    %dma_start3A_237 = tpu.memref_slice %arg2[%dma_start3A_232, %dma_start3A_236] : memref<50x1024xi32, #tpu.memory_space<hbm>> -> memref<1x1024xi32, #tpu.memory_space<hbm>>
    %dma_start3A_238 = tpu.memref_squeeze %dma_start3A_237 : memref<1x1024xi32, #tpu.memory_space<hbm>> -> memref<1024xi32, #tpu.memory_space<hbm>>
    tpu.enqueue_dma source(%dma_start3A_238 : memref<1024xi32, #tpu.memory_space<hbm>>) target(%arg7 : memref<1024xi32, #tpu.memory_space<vmem>>) target_semaphore(%arg13 : memref<!tpu.dma_semaphore, #tpu.memory_space<semaphore_mem>>)
    %dma_wait3A_239 = arith.constant 1 : i32
    %dma_wait3A_240 = arith.constant 0 : i32
    %dma_wait3A_241 = tpu.memref_slice %arg2[%dma_wait3A_239, %dma_wait3A_240] : memref<50x1024xi32, #tpu.memory_space<hbm>> -> memref<1x1024xi32, #tpu.memory_space<hbm>>
    %dma_wait3A_242 = tpu.memref_squeeze %dma_wait3A_241 : memref<1x1024xi32, #tpu.memory_space<hbm>> -> memref<1024xi32, #tpu.memory_space<hbm>>
    %dma_wait3A_243 = arith.constant 0 : i32
    %dma_wait3A_244 = tpu.memref_slice %arg2[%dma_wait3A_239, %dma_wait3A_243] : memref<50x1024xi32, #tpu.memory_space<hbm>> -> memref<1x1024xi32, #tpu.memory_space<hbm>>
    %dma_wait3A_245 = tpu.memref_squeeze %dma_wait3A_244 : memref<1x1024xi32, #tpu.memory_space<hbm>> -> memref<1024xi32, #tpu.memory_space<hbm>>
    tpu.wait_dma2 semaphore(%arg14 : memref<!tpu.dma_semaphore, #tpu.memory_space<semaphore_mem>>) src(%dma_wait3A_245 : memref<1024xi32, #tpu.memory_space<hbm>>) dst(%arg8 : memref<1024xi32, #tpu.memory_space<vmem>>)
    %scan3A_246 = arith.constant 0 : i32
    %scan3A_247 = arith.constant 0 : i32
    %scan3A_248 = arith.constant 64 : i32
    %scan3A_249 = arith.addi %scan3A_247, %scan3A_248 : i32
    %scan3A_250 = arith.constant 4 : i32
    scf.for %scan3A_312 = %scan3A_247 to %scan3A_249 step %scan3A_250  : i32 {
      %mul3A_313 = arith.constant 16 : i32
      %mul3A_314 = arith.muli %scan3A_312, %mul3A_313 : i32
      %get3A = arith.index_cast %mul3A_314 : i32 to index
      %get3A_315 = tpu.vector_load %arg8[%get3A] {strides = array<i32>} : memref<1024xi32, #tpu.memory_space<vmem>>, vector<16xi32>,
      %jit3A_316 = arith.constant 8 : i32
      %div3A_317 = arith.divsi %scan3A_312, %jit3A_316 : i32
      %sign3A_318 = arith.constant 0 : i32
      %sign3A_319 = arith.cmpi sgt, %scan3A_312, %sign3A_318 : i32
      %sign3A_320 = arith.extui %sign3A_319 : i1 to i32
      %sign3A_321 = arith.constant 0 : i32
      %sign3A_322 = arith.cmpi slt, %scan3A_312, %sign3A_321 : i32
      %sign3A_323 = arith.extui %sign3A_322 : i1 to i32
      %sign3A_324 = arith.subi %sign3A_320, %sign3A_323 : i32
      %sign3A_325 = arith.constant 0 : i32
      %sign3A_326 = arith.cmpi sgt, %jit3A_316, %sign3A_325 : i32
      %sign3A_327 = arith.extui %sign3A_326 : i1 to i32
      %sign3A_328 = arith.constant 0 : i32
      %sign3A_329 = arith.cmpi slt, %jit3A_316, %sign3A_328 : i32
      %sign3A_330 = arith.extui %sign3A_329 : i1 to i32
      %sign3A_331 = arith.subi %sign3A_327, %sign3A_330 : i32
      %ne3A_332 = arith.cmpi ne, %sign3A_324, %sign3A_331 : i32
      %rem3A_333 = arith.remsi %scan3A_312, %jit3A_316 : i32
      %ne3A_334 = arith.constant 0 : i32
      %ne3A_335 = arith.cmpi ne, %rem3A_333, %ne3A_334 : i32
      %and3A_336 = arith.andi %ne3A_332, %ne3A_335 : i1
      %sub3A_337 = arith.constant 1 : i32
      %sub3A_338 = arith.subi %div3A_317, %sub3A_337 : i32
      %select_n3A_339 = arith.select %and3A_336, %sub3A_338, %div3A_317 : i32
      %jit3A_340 = arith.constant 8 : i32
      %eq3A_341 = arith.constant 0 : i32
      %eq3A_342 = arith.cmpi eq, %jit3A_340, %eq3A_341 : i32
      %jit3A_343 = arith.constant 1 : i32
      %select_n3A_344 = arith.select %eq3A_342, %jit3A_343, %jit3A_340 : i32
      %rem3A_345 = arith.remsi %scan3A_312, %select_n3A_344 : i32
      %ne3A_346 = arith.constant 0 : i32
      %ne3A_347 = arith.cmpi ne, %rem3A_345, %ne3A_346 : i32
      %lt3A_348 = arith.constant 0 : i32
      %lt3A_349 = arith.cmpi slt, %rem3A_345, %lt3A_348 : i32
      %lt3A_350 = arith.constant 0 : i32
      %lt3A_351 = arith.cmpi slt, %select_n3A_344, %lt3A_350 : i32
      %ne3A_352 = arith.xori %lt3A_349, %lt3A_351 : i1
      %and3A_353 = arith.andi %ne3A_352, %ne3A_347 : i1
      %add3A_354 = arith.addi %rem3A_345, %select_n3A_344 : i32
      %select_n3A_355 = arith.select %and3A_353, %add3A_354, %rem3A_345 : i32
      %mul3A_356 = arith.constant 16 : i32
      %mul3A_357 = arith.muli %select_n3A_355, %mul3A_356 : i32
      %broadcast_in_dim3A = arith.constant 0 : i32
      %broadcast_in_dim3A_358 = vector.broadcast %broadcast_in_dim3A : i32 to vector<16xi32>
      %gather3A = tpu.vector_load_idx %arg5[%broadcast_in_dim3A_358, %get3A_315] : memref<2x23296xf32, #tpu.memory_space<vmem>>[vector<16xi32>, vector<16xi32>], vector<16xf32>,
      %swap3A = arith.constant 0 : i32
      %swap3A_359 = arith.index_cast %select_n3A_339 : i32 to index
      %swap3A_360 = arith.index_cast %swap3A : i32 to index
      %swap3A_361 = arith.index_cast %mul3A_357 : i32 to index
      %swap3A_362 = tpu.vector_load %arg10[%swap3A_359, %swap3A_360, %swap3A_361] {strides = array<i32>} : memref<8x2x128xf32, #tpu.memory_space<vmem>>, vector<16xf32>,
      tpu.vector_store %arg10[%swap3A_359, %swap3A_360, %swap3A_361], %gather3A {strides = array<i32>} : memref<8x2x128xf32, #tpu.memory_space<vmem>>, vector<16xf32>,
      %broadcast_in_dim3A_363 = arith.constant 1 : i32
      %broadcast_in_dim3A_364 = vector.broadcast %broadcast_in_dim3A_363 : i32 to vector<16xi32>
      %gather3A_365 = tpu.vector_load_idx %arg5[%broadcast_in_dim3A_364, %get3A_315] : memref<2x23296xf32, #tpu.memory_space<vmem>>[vector<16xi32>, vector<16xi32>], vector<16xf32>,
      %swap3A_366 = arith.constant 1 : i32
      %swap3A_367 = arith.index_cast %select_n3A_339 : i32 to index
      %swap3A_368 = arith.index_cast %swap3A_366 : i32 to index
      %swap3A_369 = arith.index_cast %mul3A_357 : i32 to index
      %swap3A_370 = tpu.vector_load %arg10[%swap3A_367, %swap3A_368, %swap3A_369] {strides = array<i32>} : memref<8x2x128xf32, #tpu.memory_space<vmem>>, vector<16xf32>,
      tpu.vector_store %arg10[%swap3A_367, %swap3A_368, %swap3A_369], %gather3A_365 {strides = array<i32>} : memref<8x2x128xf32, #tpu.memory_space<vmem>>, vector<16xf32>,
      %scan3A_371 = arith.constant 1 : i32
      %scan3A_372 = arith.addi %scan3A_312, %scan3A_371 : i32
      %mul3A_373 = arith.constant 16 : i32
      %mul3A_374 = arith.muli %scan3A_372, %mul3A_373 : i32
      %get3A_375 = arith.index_cast %mul3A_374 : i32 to index
      %get3A_376 = tpu.vector_load %arg8[%get3A_375] {strides = array<i32>} : memref<1024xi32, #tpu.memory_space<vmem>>, vector<16xi32>,
      %jit3A_377 = arith.constant 8 : i32
      %div3A_378 = arith.divsi %scan3A_372, %jit3A_377 : i32
      %sign3A_379 = arith.constant 0 : i32
      %sign3A_380 = arith.cmpi sgt, %scan3A_372, %sign3A_379 : i32
      %sign3A_381 = arith.extui %sign3A_380 : i1 to i32
      %sign3A_382 = arith.constant 0 : i32
      %sign3A_383 = arith.cmpi slt, %scan3A_372, %sign3A_382 : i32
      %sign3A_384 = arith.extui %sign3A_383 : i1 to i32
      %sign3A_385 = arith.subi %sign3A_381, %sign3A_384 : i32
      %sign3A_386 = arith.constant 0 : i32
      %sign3A_387 = arith.cmpi sgt, %jit3A_377, %sign3A_386 : i32
      %sign3A_388 = arith.extui %sign3A_387 : i1 to i32
      %sign3A_389 = arith.constant 0 : i32
      %sign3A_390 = arith.cmpi slt, %jit3A_377, %sign3A_389 : i32
      %sign3A_391 = arith.extui %sign3A_390 : i1 to i32
      %sign3A_392 = arith.subi %sign3A_388, %sign3A_391 : i32
      %ne3A_393 = arith.cmpi ne, %sign3A_385, %sign3A_392 : i32
      %rem3A_394 = arith.remsi %scan3A_372, %jit3A_377 : i32
      %ne3A_395 = arith.constant 0 : i32
      %ne3A_396 = arith.cmpi ne, %rem3A_394, %ne3A_395 : i32
      %and3A_397 = arith.andi %ne3A_393, %ne3A_396 : i1
      %sub3A_398 = arith.constant 1 : i32
      %sub3A_399 = arith.subi %div3A_378, %sub3A_398 : i32
      %select_n3A_400 = arith.select %and3A_397, %sub3A_399, %div3A_378 : i32
      %jit3A_401 = arith.constant 8 : i32
      %eq3A_402 = arith.constant 0 : i32
      %eq3A_403 = arith.cmpi eq, %jit3A_401, %eq3A_402 : i32
      %jit3A_404 = arith.constant 1 : i32
      %select_n3A_405 = arith.select %eq3A_403, %jit3A_404, %jit3A_401 : i32
      %rem3A_406 = arith.remsi %scan3A_372, %select_n3A_405 : i32
      %ne3A_407 = arith.constant 0 : i32
      %ne3A_408 = arith.cmpi ne, %rem3A_406, %ne3A_407 : i32
      %lt3A_409 = arith.constant 0 : i32
      %lt3A_410 = arith.cmpi slt, %rem3A_406, %lt3A_409 : i32
      %lt3A_411 = arith.constant 0 : i32
      %lt3A_412 = arith.cmpi slt, %select_n3A_405, %lt3A_411 : i32
      %ne3A_413 = arith.xori %lt3A_410, %lt3A_412 : i1
      %and3A_414 = arith.andi %ne3A_413, %ne3A_408 : i1
      %add3A_415 = arith.addi %rem3A_406, %select_n3A_405 : i32
      %select_n3A_416 = arith.select %and3A_414, %add3A_415, %rem3A_406 : i32
      %mul3A_417 = arith.constant 16 : i32
      %mul3A_418 = arith.muli %select_n3A_416, %mul3A_417 : i32
      %broadcast_in_dim3A_419 = arith.constant 0 : i32
      %broadcast_in_dim3A_420 = vector.broadcast %broadcast_in_dim3A_419 : i32 to vector<16xi32>
      %gather3A_421 = tpu.vector_load_idx %arg5[%broadcast_in_dim3A_420, %get3A_376] : memref<2x23296xf32, #tpu.memory_space<vmem>>[vector<16xi32>, vector<16xi32>], vector<16xf32>,
      %swap3A_422 = arith.constant 0 : i32
      %swap3A_423 = arith.index_cast %select_n3A_400 : i32 to index
      %swap3A_424 = arith.index_cast %swap3A_422 : i32 to index
      %swap3A_425 = arith.index_cast %mul3A_418 : i32 to index
      %swap3A_426 = tpu.vector_load %arg10[%swap3A_423, %swap3A_424, %swap3A_425] {strides = array<i32>} : memref<8x2x128xf32, #tpu.memory_space<vmem>>, vector<16xf32>,
      tpu.vector_store %arg10[%swap3A_423, %swap3A_424, %swap3A_425], %gather3A_421 {strides = array<i32>} : memref<8x2x128xf32, #tpu.memory_space<vmem>>, vector<16xf32>,
      %broadcast_in_dim3A_427 = arith.constant 1 : i32
      %broadcast_in_dim3A_428 = vector.broadcast %broadcast_in_dim3A_427 : i32 to vector<16xi32>
      %gather3A_429 = tpu.vector_load_idx %arg5[%broadcast_in_dim3A_428, %get3A_376] : memref<2x23296xf32, #tpu.memory_space<vmem>>[vector<16xi32>, vector<16xi32>], vector<16xf32>,
      %swap3A_430 = arith.constant 1 : i32
      %swap3A_431 = arith.index_cast %select_n3A_400 : i32 to index
      %swap3A_432 = arith.index_cast %swap3A_430 : i32 to index
      %swap3A_433 = arith.index_cast %mul3A_418 : i32 to index
      %swap3A_434 = tpu.vector_load %arg10[%swap3A_431, %swap3A_432, %swap3A_433] {strides = array<i32>} : memref<8x2x128xf32, #tpu.memory_space<vmem>>, vector<16xf32>,
      tpu.vector_store %arg10[%swap3A_431, %swap3A_432, %swap3A_433], %gather3A_429 {strides = array<i32>} : memref<8x2x128xf32, #tpu.memory_space<vmem>>, vector<16xf32>,
      %scan3A_435 = arith.constant 2 : i32
      %scan3A_436 = arith.addi %scan3A_312, %scan3A_435 : i32
      %mul3A_437 = arith.constant 16 : i32
      %mul3A_438 = arith.muli %scan3A_436, %mul3A_437 : i32
      %get3A_439 = arith.index_cast %mul3A_438 : i32 to index
      %get3A_440 = tpu.vector_load %arg8[%get3A_439] {strides = array<i32>} : memref<1024xi32, #tpu.memory_space<vmem>>, vector<16xi32>,
      %jit3A_441 = arith.constant 8 : i32
      %div3A_442 = arith.divsi %scan3A_436, %jit3A_441 : i32
      %sign3A_443 = arith.constant 0 : i32
      %sign3A_444 = arith.cmpi sgt, %scan3A_436, %sign3A_443 : i32
      %sign3A_445 = arith.extui %sign3A_444 : i1 to i32
      %sign3A_446 = arith.constant 0 : i32
      %sign3A_447 = arith.cmpi slt, %scan3A_436, %sign3A_446 : i32
      %sign3A_448 = arith.extui %sign3A_447 : i1 to i32
      %sign3A_449 = arith.subi %sign3A_445, %sign3A_448 : i32
      %sign3A_450 = arith.constant 0 : i32
      %sign3A_451 = arith.cmpi sgt, %jit3A_441, %sign3A_450 : i32
      %sign3A_452 = arith.extui %sign3A_451 : i1 to i32
      %sign3A_453 = arith.constant 0 : i32
      %sign3A_454 = arith.cmpi slt, %jit3A_441, %sign3A_453 : i32
      %sign3A_455 = arith.extui %sign3A_454 : i1 to i32
      %sign3A_456 = arith.subi %sign3A_452, %sign3A_455 : i32
      %ne3A_457 = arith.cmpi ne, %sign3A_449, %sign3A_456 : i32
      %rem3A_458 = arith.remsi %scan3A_436, %jit3A_441 : i32
      %ne3A_459 = arith.constant 0 : i32
      %ne3A_460 = arith.cmpi ne, %rem3A_458, %ne3A_459 : i32
      %and3A_461 = arith.andi %ne3A_457, %ne3A_460 : i1
      %sub3A_462 = arith.constant 1 : i32
      %sub3A_463 = arith.subi %div3A_442, %sub3A_462 : i32
      %select_n3A_464 = arith.select %and3A_461, %sub3A_463, %div3A_442 : i32
      %jit3A_465 = arith.constant 8 : i32
      %eq3A_466 = arith.constant 0 : i32
      %eq3A_467 = arith.cmpi eq, %jit3A_465, %eq3A_466 : i32
      %jit3A_468 = arith.constant 1 : i32
      %select_n3A_469 = arith.select %eq3A_467, %jit3A_468, %jit3A_465 : i32
      %rem3A_470 = arith.remsi %scan3A_436, %select_n3A_469 : i32
      %ne3A_471 = arith.constant 0 : i32
      %ne3A_472 = arith.cmpi ne, %rem3A_470, %ne3A_471 : i32
      %lt3A_473 = arith.constant 0 : i32
      %lt3A_474 = arith.cmpi slt, %rem3A_470, %lt3A_473 : i32
      %lt3A_475 = arith.constant 0 : i32
      %lt3A_476 = arith.cmpi slt, %select_n3A_469, %lt3A_475 : i32
      %ne3A_477 = arith.xori %lt3A_474, %lt3A_476 : i1
      %and3A_478 = arith.andi %ne3A_477, %ne3A_472 : i1
      %add3A_479 = arith.addi %rem3A_470, %select_n3A_469 : i32
      %select_n3A_480 = arith.select %and3A_478, %add3A_479, %rem3A_470 : i32
      %mul3A_481 = arith.constant 16 : i32
      %mul3A_482 = arith.muli %select_n3A_480, %mul3A_481 : i32
      %broadcast_in_dim3A_483 = arith.constant 0 : i32
      %broadcast_in_dim3A_484 = vector.broadcast %broadcast_in_dim3A_483 : i32 to vector<16xi32>
      %gather3A_485 = tpu.vector_load_idx %arg5[%broadcast_in_dim3A_484, %get3A_440] : memref<2x23296xf32, #tpu.memory_space<vmem>>[vector<16xi32>, vector<16xi32>], vector<16xf32>,
      %swap3A_486 = arith.constant 0 : i32
      %swap3A_487 = arith.index_cast %select_n3A_464 : i32 to index
      %swap3A_488 = arith.index_cast %swap3A_486 : i32 to index
      %swap3A_489 = arith.index_cast %mul3A_482 : i32 to index
      %swap3A_490 = tpu.vector_load %arg10[%swap3A_487, %swap3A_488, %swap3A_489] {strides = array<i32>} : memref<8x2x128xf32, #tpu.memory_space<vmem>>, vector<16xf32>,
      tpu.vector_store %arg10[%swap3A_487, %swap3A_488, %swap3A_489], %gather3A_485 {strides = array<i32>} : memref<8x2x128xf32, #tpu.memory_space<vmem>>, vector<16xf32>,
      %broadcast_in_dim3A_491 = arith.constant 1 : i32
      %broadcast_in_dim3A_492 = vector.broadcast %broadcast_in_dim3A_491 : i32 to vector<16xi32>
      %gather3A_493 = tpu.vector_load_idx %arg5[%broadcast_in_dim3A_492, %get3A_440] : memref<2x23296xf32, #tpu.memory_space<vmem>>[vector<16xi32>, vector<16xi32>], vector<16xf32>,
      %swap3A_494 = arith.constant 1 : i32
      %swap3A_495 = arith.index_cast %select_n3A_464 : i32 to index
      %swap3A_496 = arith.index_cast %swap3A_494 : i32 to index
      %swap3A_497 = arith.index_cast %mul3A_482 : i32 to index
      %swap3A_498 = tpu.vector_load %arg10[%swap3A_495, %swap3A_496, %swap3A_497] {strides = array<i32>} : memref<8x2x128xf32, #tpu.memory_space<vmem>>, vector<16xf32>,
      tpu.vector_store %arg10[%swap3A_495, %swap3A_496, %swap3A_497], %gather3A_493 {strides = array<i32>} : memref<8x2x128xf32, #tpu.memory_space<vmem>>, vector<16xf32>,
      %scan3A_499 = arith.constant 3 : i32
      %scan3A_500 = arith.addi %scan3A_312, %scan3A_499 : i32
      %mul3A_501 = arith.constant 16 : i32
      %mul3A_502 = arith.muli %scan3A_500, %mul3A_501 : i32
      %get3A_503 = arith.index_cast %mul3A_502 : i32 to index
      %get3A_504 = tpu.vector_load %arg8[%get3A_503] {strides = array<i32>} : memref<1024xi32, #tpu.memory_space<vmem>>, vector<16xi32>,
      %jit3A_505 = arith.constant 8 : i32
      %div3A_506 = arith.divsi %scan3A_500, %jit3A_505 : i32
      %sign3A_507 = arith.constant 0 : i32
      %sign3A_508 = arith.cmpi sgt, %scan3A_500, %sign3A_507 : i32
      %sign3A_509 = arith.extui %sign3A_508 : i1 to i32
      %sign3A_510 = arith.constant 0 : i32
      %sign3A_511 = arith.cmpi slt, %scan3A_500, %sign3A_510 : i32
      %sign3A_512 = arith.extui %sign3A_511 : i1 to i32
      %sign3A_513 = arith.subi %sign3A_509, %sign3A_512 : i32
      %sign3A_514 = arith.constant 0 : i32
      %sign3A_515 = arith.cmpi sgt, %jit3A_505, %sign3A_514 : i32
      %sign3A_516 = arith.extui %sign3A_515 : i1 to i32
      %sign3A_517 = arith.constant 0 : i32
      %sign3A_518 = arith.cmpi slt, %jit3A_505, %sign3A_517 : i32
      %sign3A_519 = arith.extui %sign3A_518 : i1 to i32
      %sign3A_520 = arith.subi %sign3A_516, %sign3A_519 : i32
      %ne3A_521 = arith.cmpi ne, %sign3A_513, %sign3A_520 : i32
      %rem3A_522 = arith.remsi %scan3A_500, %jit3A_505 : i32
      %ne3A_523 = arith.constant 0 : i32
      %ne3A_524 = arith.cmpi ne, %rem3A_522, %ne3A_523 : i32
      %and3A_525 = arith.andi %ne3A_521, %ne3A_524 : i1
      %sub3A_526 = arith.constant 1 : i32
      %sub3A_527 = arith.subi %div3A_506, %sub3A_526 : i32
      %select_n3A_528 = arith.select %and3A_525, %sub3A_527, %div3A_506 : i32
      %jit3A_529 = arith.constant 8 : i32
      %eq3A_530 = arith.constant 0 : i32
      %eq3A_531 = arith.cmpi eq, %jit3A_529, %eq3A_530 : i32
      %jit3A_532 = arith.constant 1 : i32
      %select_n3A_533 = arith.select %eq3A_531, %jit3A_532, %jit3A_529 : i32
      %rem3A_534 = arith.remsi %scan3A_500, %select_n3A_533 : i32
      %ne3A_535 = arith.constant 0 : i32
      %ne3A_536 = arith.cmpi ne, %rem3A_534, %ne3A_535 : i32
      %lt3A_537 = arith.constant 0 : i32
      %lt3A_538 = arith.cmpi slt, %rem3A_534, %lt3A_537 : i32
      %lt3A_539 = arith.constant 0 : i32
      %lt3A_540 = arith.cmpi slt, %select_n3A_533, %lt3A_539 : i32
      %ne3A_541 = arith.xori %lt3A_538, %lt3A_540 : i1
      %and3A_542 = arith.andi %ne3A_541, %ne3A_536 : i1
      %add3A_543 = arith.addi %rem3A_534, %select_n3A_533 : i32
      %select_n3A_544 = arith.select %and3A_542, %add3A_543, %rem3A_534 : i32
      %mul3A_545 = arith.constant 16 : i32
      %mul3A_546 = arith.muli %select_n3A_544, %mul3A_545 : i32
      %broadcast_in_dim3A_547 = arith.constant 0 : i32
      %broadcast_in_dim3A_548 = vector.broadcast %broadcast_in_dim3A_547 : i32 to vector<16xi32>
      %gather3A_549 = tpu.vector_load_idx %arg5[%broadcast_in_dim3A_548, %get3A_504] : memref<2x23296xf32, #tpu.memory_space<vmem>>[vector<16xi32>, vector<16xi32>], vector<16xf32>,
      %swap3A_550 = arith.constant 0 : i32
      %swap3A_551 = arith.index_cast %select_n3A_528 : i32 to index
      %swap3A_552 = arith.index_cast %swap3A_550 : i32 to index
      %swap3A_553 = arith.index_cast %mul3A_546 : i32 to index
      %swap3A_554 = tpu.vector_load %arg10[%swap3A_551, %swap3A_552, %swap3A_553] {strides = array<i32>} : memref<8x2x128xf32, #tpu.memory_space<vmem>>, vector<16xf32>,
      tpu.vector_store %arg10[%swap3A_551, %swap3A_552, %swap3A_553], %gather3A_549 {strides = array<i32>} : memref<8x2x128xf32, #tpu.memory_space<vmem>>, vector<16xf32>,
      %broadcast_in_dim3A_555 = arith.constant 1 : i32
      %broadcast_in_dim3A_556 = vector.broadcast %broadcast_in_dim3A_555 : i32 to vector<16xi32>
      %gather3A_557 = tpu.vector_load_idx %arg5[%broadcast_in_dim3A_556, %get3A_504] : memref<2x23296xf32, #tpu.memory_space<vmem>>[vector<16xi32>, vector<16xi32>], vector<16xf32>,
      %swap3A_558 = arith.constant 1 : i32
      %swap3A_559 = arith.index_cast %select_n3A_528 : i32 to index
      %swap3A_560 = arith.index_cast %swap3A_558 : i32 to index
      %swap3A_561 = arith.index_cast %mul3A_546 : i32 to index
      %swap3A_562 = tpu.vector_load %arg10[%swap3A_559, %swap3A_560, %swap3A_561] {strides = array<i32>} : memref<8x2x128xf32, #tpu.memory_space<vmem>>, vector<16xf32>,
      tpu.vector_store %arg10[%swap3A_559, %swap3A_560, %swap3A_561], %gather3A_557 {strides = array<i32>} : memref<8x2x128xf32, #tpu.memory_space<vmem>>, vector<16xf32>,
    }
    %scan3A_251 = arith.constant 64 : i32
    %mul3A_252 = arith.constant 2 : i32
    %mul3A_253 = arith.muli %select_n3A_138, %mul3A_252 : i32
    %dma_start3A_254 = arith.constant 1 : i32
    %dma_start3A_255 = arith.constant 0 : i32
    %dma_start3A_256 = arith.constant 0 : i32
    %dma_start3A_257 = tpu.memref_slice %arg4[%dma_start3A_254, %select_n3A_122, %dma_start3A_255, %mul3A_253, %dma_start3A_256] : memref<50x216x8x8x128xf32, #tpu.memory_space<hbm>> -> memref<1x1x8x2x128xf32, #tpu.memory_space<hbm>>
    %dma_start3A_258 = tpu.memref_squeeze %dma_start3A_257 : memref<1x1x8x2x128xf32, #tpu.memory_space<hbm>> -> memref<8x2x128xf32, #tpu.memory_space<hbm>>
    %dma_start3A_259 = arith.constant 0 : i32
    %dma_start3A_260 = arith.constant 0 : i32
    %dma_start3A_261 = tpu.memref_slice %arg4[%dma_start3A_254, %select_n3A_122, %dma_start3A_259, %mul3A_253, %dma_start3A_260] : memref<50x216x8x8x128xf32, #tpu.memory_space<hbm>> -> memref<1x1x8x2x128xf32, #tpu.memory_space<hbm>>
    %dma_start3A_262 = tpu.memref_squeeze %dma_start3A_261 : memref<1x1x8x2x128xf32, #tpu.memory_space<hbm>> -> memref<8x2x128xf32, #tpu.memory_space<hbm>>
    tpu.enqueue_dma source(%arg10 : memref<8x2x128xf32, #tpu.memory_space<vmem>>) target(%dma_start3A_262 : memref<8x2x128xf32, #tpu.memory_space<hbm>>) target_semaphore(%arg16 : memref<!tpu.dma_semaphore, #tpu.memory_space<semaphore_mem>>)
    %dma_start3A_263 = arith.constant 3 : i32
    %dma_start3A_264 = arith.constant 0 : i32
    %dma_start3A_265 = tpu.memref_slice %arg2[%dma_start3A_263, %dma_start3A_264] : memref<50x1024xi32, #tpu.memory_space<hbm>> -> memref<1x1024xi32, #tpu.memory_space<hbm>>
    %dma_start3A_266 = tpu.memref_squeeze %dma_start3A_265 : memref<1x1024xi32, #tpu.memory_space<hbm>> -> memref<1024xi32, #tpu.memory_space<hbm>>
    %dma_start3A_267 = arith.constant 0 : i32
    %dma_start3A_268 = tpu.memref_slice %arg2[%dma_start3A_263, %dma_start3A_267] : memref<50x1024xi32, #tpu.memory_space<hbm>> -> memref<1x1024xi32, #tpu.memory_space<hbm>>
    %dma_start3A_269 = tpu.memref_squeeze %dma_start3A_268 : memref<1x1024xi32, #tpu.memory_space<hbm>> -> memref<1024xi32, #tpu.memory_space<hbm>>
    tpu.enqueue_dma source(%dma_start3A_269 : memref<1024xi32, #tpu.memory_space<hbm>>) target(%arg8 : memref<1024xi32, #tpu.memory_space<vmem>>) target_semaphore(%arg14 : memref<!tpu.dma_semaphore, #tpu.memory_space<semaphore_mem>>)
    %scan3A_270 = arith.constant 0 : i32
    %scan3A_271 = arith.constant 1 : i32
    %scan3A_272 = arith.constant 24 : i32
    %scan3A_273 = arith.addi %scan3A_271, %scan3A_272 : i32
    %scan3A_274 = arith.constant 1 : i32
    scf.for %scan3A_312 = %scan3A_271 to %scan3A_273 step %scan3A_274  : i32 {
      %mul3A_313 = arith.constant 2 : i32
      %mul3A_314 = arith.muli %mul3A_313, %scan3A_312 : i32
      %mul3A_315 = arith.constant 2 : i32
      %mul3A_316 = arith.muli %select_n3A_138, %mul3A_315 : i32
      %dma_wait3A_317 = arith.constant 0 : i32
      %dma_wait3A_318 = arith.constant 0 : i32
      %dma_wait3A_319 = arith.constant 0 : i32
      %dma_wait3A_320 = tpu.memref_slice %arg4[%dma_wait3A_317, %select_n3A_122, %dma_wait3A_318, %mul3A_316, %dma_wait3A_319] : memref<50x216x8x8x128xf32, #tpu.memory_space<hbm>> -> memref<1x1x8x2x128xf32, #tpu.memory_space<hbm>>
      %dma_wait3A_321 = tpu.memref_squeeze %dma_wait3A_320 : memref<1x1x8x2x128xf32, #tpu.memory_space<hbm>> -> memref<8x2x128xf32, #tpu.memory_space<hbm>>
      %dma_wait3A_322 = arith.constant 0 : i32
      %dma_wait3A_323 = arith.constant 0 : i32
      %dma_wait3A_324 = tpu.memref_slice %arg4[%dma_wait3A_317, %select_n3A_122, %dma_wait3A_322, %mul3A_316, %dma_wait3A_323] : memref<50x216x8x8x128xf32, #tpu.memory_space<hbm>> -> memref<1x1x8x2x128xf32, #tpu.memory_space<hbm>>
      %dma_wait3A_325 = tpu.memref_squeeze %dma_wait3A_324 : memref<1x1x8x2x128xf32, #tpu.memory_space<hbm>> -> memref<8x2x128xf32, #tpu.memory_space<hbm>>
      tpu.wait_dma2 semaphore(%arg15 : memref<!tpu.dma_semaphore, #tpu.memory_space<semaphore_mem>>) src(%arg9 : memref<8x2x128xf32, #tpu.memory_space<vmem>>) dst(%dma_wait3A_325 : memref<8x2x128xf32, #tpu.memory_space<hbm>>)
      %dma_wait3A_326 = arith.constant 0 : i32
      %dma_wait3A_327 = tpu.memref_slice %arg2[%mul3A_314, %dma_wait3A_326] : memref<50x1024xi32, #tpu.memory_space<hbm>> -> memref<1x1024xi32, #tpu.memory_space<hbm>>
      %dma_wait3A_328 = tpu.memref_squeeze %dma_wait3A_327 : memref<1x1024xi32, #tpu.memory_space<hbm>> -> memref<1024xi32, #tpu.memory_space<hbm>>
      %dma_wait3A_329 = arith.constant 0 : i32
      %dma_wait3A_330 = tpu.memref_slice %arg2[%mul3A_314, %dma_wait3A_329] : memref<50x1024xi32, #tpu.memory_space<hbm>> -> memref<1x1024xi32, #tpu.memory_space<hbm>>
      %dma_wait3A_331 = tpu.memref_squeeze %dma_wait3A_330 : memref<1x1024xi32, #tpu.memory_space<hbm>> -> memref<1024xi32, #tpu.memory_space<hbm>>
      tpu.wait_dma2 semaphore(%arg13 : memref<!tpu.dma_semaphore, #tpu.memory_space<semaphore_mem>>) src(%dma_wait3A_331 : memref<1024xi32, #tpu.memory_space<hbm>>) dst(%arg7 : memref<1024xi32, #tpu.memory_space<vmem>>)
      %scan3A_332 = arith.constant 0 : i32
      %scan3A_333 = arith.constant 0 : i32
      %scan3A_334 = arith.constant 64 : i32
      %scan3A_335 = arith.addi %scan3A_333, %scan3A_334 : i32
      %scan3A_336 = arith.constant 4 : i32
      scf.for %scan3A_402 = %scan3A_333 to %scan3A_335 step %scan3A_336  : i32 {
        %mul3A_403 = arith.constant 16 : i32
        %mul3A_404 = arith.muli %scan3A_402, %mul3A_403 : i32
        %get3A = arith.index_cast %mul3A_404 : i32 to index
        %get3A_405 = tpu.vector_load %arg7[%get3A] {strides = array<i32>} : memref<1024xi32, #tpu.memory_space<vmem>>, vector<16xi32>,
        %jit3A_406 = arith.constant 8 : i32
        %div3A_407 = arith.divsi %scan3A_402, %jit3A_406 : i32
        %sign3A_408 = arith.constant 0 : i32
        %sign3A_409 = arith.cmpi sgt, %scan3A_402, %sign3A_408 : i32
        %sign3A_410 = arith.extui %sign3A_409 : i1 to i32
        %sign3A_411 = arith.constant 0 : i32
        %sign3A_412 = arith.cmpi slt, %scan3A_402, %sign3A_411 : i32
        %sign3A_413 = arith.extui %sign3A_412 : i1 to i32
        %sign3A_414 = arith.subi %sign3A_410, %sign3A_413 : i32
        %sign3A_415 = arith.constant 0 : i32
        %sign3A_416 = arith.cmpi sgt, %jit3A_406, %sign3A_415 : i32
        %sign3A_417 = arith.extui %sign3A_416 : i1 to i32
        %sign3A_418 = arith.constant 0 : i32
        %sign3A_419 = arith.cmpi slt, %jit3A_406, %sign3A_418 : i32
        %sign3A_420 = arith.extui %sign3A_419 : i1 to i32
        %sign3A_421 = arith.subi %sign3A_417, %sign3A_420 : i32
        %ne3A_422 = arith.cmpi ne, %sign3A_414, %sign3A_421 : i32
        %rem3A_423 = arith.remsi %scan3A_402, %jit3A_406 : i32
        %ne3A_424 = arith.constant 0 : i32
        %ne3A_425 = arith.cmpi ne, %rem3A_423, %ne3A_424 : i32
        %and3A_426 = arith.andi %ne3A_422, %ne3A_425 : i1
        %sub3A_427 = arith.constant 1 : i32
        %sub3A_428 = arith.subi %div3A_407, %sub3A_427 : i32
        %select_n3A_429 = arith.select %and3A_426, %sub3A_428, %div3A_407 : i32
        %jit3A_430 = arith.constant 8 : i32
        %eq3A_431 = arith.constant 0 : i32
        %eq3A_432 = arith.cmpi eq, %jit3A_430, %eq3A_431 : i32
        %jit3A_433 = arith.constant 1 : i32
        %select_n3A_434 = arith.select %eq3A_432, %jit3A_433, %jit3A_430 : i32
        %rem3A_435 = arith.remsi %scan3A_402, %select_n3A_434 : i32
        %ne3A_436 = arith.constant 0 : i32
        %ne3A_437 = arith.cmpi ne, %rem3A_435, %ne3A_436 : i32
        %lt3A_438 = arith.constant 0 : i32
        %lt3A_439 = arith.cmpi slt, %rem3A_435, %lt3A_438 : i32
        %lt3A_440 = arith.constant 0 : i32
        %lt3A_441 = arith.cmpi slt, %select_n3A_434, %lt3A_440 : i32
        %ne3A_442 = arith.xori %lt3A_439, %lt3A_441 : i1
        %and3A_443 = arith.andi %ne3A_442, %ne3A_437 : i1
        %add3A_444 = arith.addi %rem3A_435, %select_n3A_434 : i32
        %select_n3A_445 = arith.select %and3A_443, %add3A_444, %rem3A_435 : i32
        %mul3A_446 = arith.constant 16 : i32
        %mul3A_447 = arith.muli %select_n3A_445, %mul3A_446 : i32
        %broadcast_in_dim3A = arith.constant 0 : i32
        %broadcast_in_dim3A_448 = vector.broadcast %broadcast_in_dim3A : i32 to vector<16xi32>
        %gather3A = tpu.vector_load_idx %arg5[%broadcast_in_dim3A_448, %get3A_405] : memref<2x23296xf32, #tpu.memory_space<vmem>>[vector<16xi32>, vector<16xi32>], vector<16xf32>,
        %swap3A = arith.constant 0 : i32
        %swap3A_449 = arith.index_cast %select_n3A_429 : i32 to index
        %swap3A_450 = arith.index_cast %swap3A : i32 to index
        %swap3A_451 = arith.index_cast %mul3A_447 : i32 to index
        %swap3A_452 = tpu.vector_load %arg9[%swap3A_449, %swap3A_450, %swap3A_451] {strides = array<i32>} : memref<8x2x128xf32, #tpu.memory_space<vmem>>, vector<16xf32>,
        tpu.vector_store %arg9[%swap3A_449, %swap3A_450, %swap3A_451], %gather3A {strides = array<i32>} : memref<8x2x128xf32, #tpu.memory_space<vmem>>, vector<16xf32>,
        %broadcast_in_dim3A_453 = arith.constant 1 : i32
        %broadcast_in_dim3A_454 = vector.broadcast %broadcast_in_dim3A_453 : i32 to vector<16xi32>
        %gather3A_455 = tpu.vector_load_idx %arg5[%broadcast_in_dim3A_454, %get3A_405] : memref<2x23296xf32, #tpu.memory_space<vmem>>[vector<16xi32>, vector<16xi32>], vector<16xf32>,
        %swap3A_456 = arith.constant 1 : i32
        %swap3A_457 = arith.index_cast %select_n3A_429 : i32 to index
        %swap3A_458 = arith.index_cast %swap3A_456 : i32 to index
        %swap3A_459 = arith.index_cast %mul3A_447 : i32 to index
        %swap3A_460 = tpu.vector_load %arg9[%swap3A_457, %swap3A_458, %swap3A_459] {strides = array<i32>} : memref<8x2x128xf32, #tpu.memory_space<vmem>>, vector<16xf32>,
        tpu.vector_store %arg9[%swap3A_457, %swap3A_458, %swap3A_459], %gather3A_455 {strides = array<i32>} : memref<8x2x128xf32, #tpu.memory_space<vmem>>, vector<16xf32>,
        %scan3A_461 = arith.constant 1 : i32
        %scan3A_462 = arith.addi %scan3A_402, %scan3A_461 : i32
        %mul3A_463 = arith.constant 16 : i32
        %mul3A_464 = arith.muli %scan3A_462, %mul3A_463 : i32
        %get3A_465 = arith.index_cast %mul3A_464 : i32 to index
        %get3A_466 = tpu.vector_load %arg7[%get3A_465] {strides = array<i32>} : memref<1024xi32, #tpu.memory_space<vmem>>, vector<16xi32>,
        %jit3A_467 = arith.constant 8 : i32
        %div3A_468 = arith.divsi %scan3A_462, %jit3A_467 : i32
        %sign3A_469 = arith.constant 0 : i32
        %sign3A_470 = arith.cmpi sgt, %scan3A_462, %sign3A_469 : i32
        %sign3A_471 = arith.extui %sign3A_470 : i1 to i32
        %sign3A_472 = arith.constant 0 : i32
        %sign3A_473 = arith.cmpi slt, %scan3A_462, %sign3A_472 : i32
        %sign3A_474 = arith.extui %sign3A_473 : i1 to i32
        %sign3A_475 = arith.subi %sign3A_471, %sign3A_474 : i32
        %sign3A_476 = arith.constant 0 : i32
        %sign3A_477 = arith.cmpi sgt, %jit3A_467, %sign3A_476 : i32
        %sign3A_478 = arith.extui %sign3A_477 : i1 to i32
        %sign3A_479 = arith.constant 0 : i32
        %sign3A_480 = arith.cmpi slt, %jit3A_467, %sign3A_479 : i32
        %sign3A_481 = arith.extui %sign3A_480 : i1 to i32
        %sign3A_482 = arith.subi %sign3A_478, %sign3A_481 : i32
        %ne3A_483 = arith.cmpi ne, %sign3A_475, %sign3A_482 : i32
        %rem3A_484 = arith.remsi %scan3A_462, %jit3A_467 : i32
        %ne3A_485 = arith.constant 0 : i32
        %ne3A_486 = arith.cmpi ne, %rem3A_484, %ne3A_485 : i32
        %and3A_487 = arith.andi %ne3A_483, %ne3A_486 : i1
        %sub3A_488 = arith.constant 1 : i32
        %sub3A_489 = arith.subi %div3A_468, %sub3A_488 : i32
        %select_n3A_490 = arith.select %and3A_487, %sub3A_489, %div3A_468 : i32
        %jit3A_491 = arith.constant 8 : i32
        %eq3A_492 = arith.constant 0 : i32
        %eq3A_493 = arith.cmpi eq, %jit3A_491, %eq3A_492 : i32
        %jit3A_494 = arith.constant 1 : i32
        %select_n3A_495 = arith.select %eq3A_493, %jit3A_494, %jit3A_491 : i32
        %rem3A_496 = arith.remsi %scan3A_462, %select_n3A_495 : i32
        %ne3A_497 = arith.constant 0 : i32
        %ne3A_498 = arith.cmpi ne, %rem3A_496, %ne3A_497 : i32
        %lt3A_499 = arith.constant 0 : i32
        %lt3A_500 = arith.cmpi slt, %rem3A_496, %lt3A_499 : i32
        %lt3A_501 = arith.constant 0 : i32
        %lt3A_502 = arith.cmpi slt, %select_n3A_495, %lt3A_501 : i32
        %ne3A_503 = arith.xori %lt3A_500, %lt3A_502 : i1
        %and3A_504 = arith.andi %ne3A_503, %ne3A_498 : i1
        %add3A_505 = arith.addi %rem3A_496, %select_n3A_495 : i32
        %select_n3A_506 = arith.select %and3A_504, %add3A_505, %rem3A_496 : i32
        %mul3A_507 = arith.constant 16 : i32
        %mul3A_508 = arith.muli %select_n3A_506, %mul3A_507 : i32
        %broadcast_in_dim3A_509 = arith.constant 0 : i32
        %broadcast_in_dim3A_510 = vector.broadcast %broadcast_in_dim3A_509 : i32 to vector<16xi32>
        %gather3A_511 = tpu.vector_load_idx %arg5[%broadcast_in_dim3A_510, %get3A_466] : memref<2x23296xf32, #tpu.memory_space<vmem>>[vector<16xi32>, vector<16xi32>], vector<16xf32>,
        %swap3A_512 = arith.constant 0 : i32
        %swap3A_513 = arith.index_cast %select_n3A_490 : i32 to index
        %swap3A_514 = arith.index_cast %swap3A_512 : i32 to index
        %swap3A_515 = arith.index_cast %mul3A_508 : i32 to index
        %swap3A_516 = tpu.vector_load %arg9[%swap3A_513, %swap3A_514, %swap3A_515] {strides = array<i32>} : memref<8x2x128xf32, #tpu.memory_space<vmem>>, vector<16xf32>,
        tpu.vector_store %arg9[%swap3A_513, %swap3A_514, %swap3A_515], %gather3A_511 {strides = array<i32>} : memref<8x2x128xf32, #tpu.memory_space<vmem>>, vector<16xf32>,
        %broadcast_in_dim3A_517 = arith.constant 1 : i32
        %broadcast_in_dim3A_518 = vector.broadcast %broadcast_in_dim3A_517 : i32 to vector<16xi32>
        %gather3A_519 = tpu.vector_load_idx %arg5[%broadcast_in_dim3A_518, %get3A_466] : memref<2x23296xf32, #tpu.memory_space<vmem>>[vector<16xi32>, vector<16xi32>], vector<16xf32>,
        %swap3A_520 = arith.constant 1 : i32
        %swap3A_521 = arith.index_cast %select_n3A_490 : i32 to index
        %swap3A_522 = arith.index_cast %swap3A_520 : i32 to index
        %swap3A_523 = arith.index_cast %mul3A_508 : i32 to index
        %swap3A_524 = tpu.vector_load %arg9[%swap3A_521, %swap3A_522, %swap3A_523] {strides = array<i32>} : memref<8x2x128xf32, #tpu.memory_space<vmem>>, vector<16xf32>,
        tpu.vector_store %arg9[%swap3A_521, %swap3A_522, %swap3A_523], %gather3A_519 {strides = array<i32>} : memref<8x2x128xf32, #tpu.memory_space<vmem>>, vector<16xf32>,
        %scan3A_525 = arith.constant 2 : i32
        %scan3A_526 = arith.addi %scan3A_402, %scan3A_525 : i32
        %mul3A_527 = arith.constant 16 : i32
        %mul3A_528 = arith.muli %scan3A_526, %mul3A_527 : i32
        %get3A_529 = arith.index_cast %mul3A_528 : i32 to index
        %get3A_530 = tpu.vector_load %arg7[%get3A_529] {strides = array<i32>} : memref<1024xi32, #tpu.memory_space<vmem>>, vector<16xi32>,
        %jit3A_531 = arith.constant 8 : i32
        %div3A_532 = arith.divsi %scan3A_526, %jit3A_531 : i32
        %sign3A_533 = arith.constant 0 : i32
        %sign3A_534 = arith.cmpi sgt, %scan3A_526, %sign3A_533 : i32
        %sign3A_535 = arith.extui %sign3A_534 : i1 to i32
        %sign3A_536 = arith.constant 0 : i32
        %sign3A_537 = arith.cmpi slt, %scan3A_526, %sign3A_536 : i32
        %sign3A_538 = arith.extui %sign3A_537 : i1 to i32
        %sign3A_539 = arith.subi %sign3A_535, %sign3A_538 : i32
        %sign3A_540 = arith.constant 0 : i32
        %sign3A_541 = arith.cmpi sgt, %jit3A_531, %sign3A_540 : i32
        %sign3A_542 = arith.extui %sign3A_541 : i1 to i32
        %sign3A_543 = arith.constant 0 : i32
        %sign3A_544 = arith.cmpi slt, %jit3A_531, %sign3A_543 : i32
        %sign3A_545 = arith.extui %sign3A_544 : i1 to i32
        %sign3A_546 = arith.subi %sign3A_542, %sign3A_545 : i32
        %ne3A_547 = arith.cmpi ne, %sign3A_539, %sign3A_546 : i32
        %rem3A_548 = arith.remsi %scan3A_526, %jit3A_531 : i32
        %ne3A_549 = arith.constant 0 : i32
        %ne3A_550 = arith.cmpi ne, %rem3A_548, %ne3A_549 : i32
        %and3A_551 = arith.andi %ne3A_547, %ne3A_550 : i1
        %sub3A_552 = arith.constant 1 : i32
        %sub3A_553 = arith.subi %div3A_532, %sub3A_552 : i32
        %select_n3A_554 = arith.select %and3A_551, %sub3A_553, %div3A_532 : i32
        %jit3A_555 = arith.constant 8 : i32
        %eq3A_556 = arith.constant 0 : i32
        %eq3A_557 = arith.cmpi eq, %jit3A_555, %eq3A_556 : i32
        %jit3A_558 = arith.constant 1 : i32
        %select_n3A_559 = arith.select %eq3A_557, %jit3A_558, %jit3A_555 : i32
        %rem3A_560 = arith.remsi %scan3A_526, %select_n3A_559 : i32
        %ne3A_561 = arith.constant 0 : i32
        %ne3A_562 = arith.cmpi ne, %rem3A_560, %ne3A_561 : i32
        %lt3A_563 = arith.constant 0 : i32
        %lt3A_564 = arith.cmpi slt, %rem3A_560, %lt3A_563 : i32
        %lt3A_565 = arith.constant 0 : i32
        %lt3A_566 = arith.cmpi slt, %select_n3A_559, %lt3A_565 : i32
        %ne3A_567 = arith.xori %lt3A_564, %lt3A_566 : i1
        %and3A_568 = arith.andi %ne3A_567, %ne3A_562 : i1
        %add3A_569 = arith.addi %rem3A_560, %select_n3A_559 : i32
        %select_n3A_570 = arith.select %and3A_568, %add3A_569, %rem3A_560 : i32
        %mul3A_571 = arith.constant 16 : i32
        %mul3A_572 = arith.muli %select_n3A_570, %mul3A_571 : i32
        %broadcast_in_dim3A_573 = arith.constant 0 : i32
        %broadcast_in_dim3A_574 = vector.broadcast %broadcast_in_dim3A_573 : i32 to vector<16xi32>
        %gather3A_575 = tpu.vector_load_idx %arg5[%broadcast_in_dim3A_574, %get3A_530] : memref<2x23296xf32, #tpu.memory_space<vmem>>[vector<16xi32>, vector<16xi32>], vector<16xf32>,
        %swap3A_576 = arith.constant 0 : i32
        %swap3A_577 = arith.index_cast %select_n3A_554 : i32 to index
        %swap3A_578 = arith.index_cast %swap3A_576 : i32 to index
        %swap3A_579 = arith.index_cast %mul3A_572 : i32 to index
        %swap3A_580 = tpu.vector_load %arg9[%swap3A_577, %swap3A_578, %swap3A_579] {strides = array<i32>} : memref<8x2x128xf32, #tpu.memory_space<vmem>>, vector<16xf32>,
        tpu.vector_store %arg9[%swap3A_577, %swap3A_578, %swap3A_579], %gather3A_575 {strides = array<i32>} : memref<8x2x128xf32, #tpu.memory_space<vmem>>, vector<16xf32>,
        %broadcast_in_dim3A_581 = arith.constant 1 : i32
        %broadcast_in_dim3A_582 = vector.broadcast %broadcast_in_dim3A_581 : i32 to vector<16xi32>
        %gather3A_583 = tpu.vector_load_idx %arg5[%broadcast_in_dim3A_582, %get3A_530] : memref<2x23296xf32, #tpu.memory_space<vmem>>[vector<16xi32>, vector<16xi32>], vector<16xf32>,
        %swap3A_584 = arith.constant 1 : i32
        %swap3A_585 = arith.index_cast %select_n3A_554 : i32 to index
        %swap3A_586 = arith.index_cast %swap3A_584 : i32 to index
        %swap3A_587 = arith.index_cast %mul3A_572 : i32 to index
        %swap3A_588 = tpu.vector_load %arg9[%swap3A_585, %swap3A_586, %swap3A_587] {strides = array<i32>} : memref<8x2x128xf32, #tpu.memory_space<vmem>>, vector<16xf32>,
        tpu.vector_store %arg9[%swap3A_585, %swap3A_586, %swap3A_587], %gather3A_583 {strides = array<i32>} : memref<8x2x128xf32, #tpu.memory_space<vmem>>, vector<16xf32>,
        %scan3A_589 = arith.constant 3 : i32
        %scan3A_590 = arith.addi %scan3A_402, %scan3A_589 : i32
        %mul3A_591 = arith.constant 16 : i32
        %mul3A_592 = arith.muli %scan3A_590, %mul3A_591 : i32
        %get3A_593 = arith.index_cast %mul3A_592 : i32 to index
        %get3A_594 = tpu.vector_load %arg7[%get3A_593] {strides = array<i32>} : memref<1024xi32, #tpu.memory_space<vmem>>, vector<16xi32>,
        %jit3A_595 = arith.constant 8 : i32
        %div3A_596 = arith.divsi %scan3A_590, %jit3A_595 : i32
        %sign3A_597 = arith.constant 0 : i32
        %sign3A_598 = arith.cmpi sgt, %scan3A_590, %sign3A_597 : i32
        %sign3A_599 = arith.extui %sign3A_598 : i1 to i32
        %sign3A_600 = arith.constant 0 : i32
        %sign3A_601 = arith.cmpi slt, %scan3A_590, %sign3A_600 : i32
        %sign3A_602 = arith.extui %sign3A_601 : i1 to i32
        %sign3A_603 = arith.subi %sign3A_599, %sign3A_602 : i32
        %sign3A_604 = arith.constant 0 : i32
        %sign3A_605 = arith.cmpi sgt, %jit3A_595, %sign3A_604 : i32
        %sign3A_606 = arith.extui %sign3A_605 : i1 to i32
        %sign3A_607 = arith.constant 0 : i32
        %sign3A_608 = arith.cmpi slt, %jit3A_595, %sign3A_607 : i32
        %sign3A_609 = arith.extui %sign3A_608 : i1 to i32
        %sign3A_610 = arith.subi %sign3A_606, %sign3A_609 : i32
        %ne3A_611 = arith.cmpi ne, %sign3A_603, %sign3A_610 : i32
        %rem3A_612 = arith.remsi %scan3A_590, %jit3A_595 : i32
        %ne3A_613 = arith.constant 0 : i32
        %ne3A_614 = arith.cmpi ne, %rem3A_612, %ne3A_613 : i32
        %and3A_615 = arith.andi %ne3A_611, %ne3A_614 : i1
        %sub3A_616 = arith.constant 1 : i32
        %sub3A_617 = arith.subi %div3A_596, %sub3A_616 : i32
        %select_n3A_618 = arith.select %and3A_615, %sub3A_617, %div3A_596 : i32
        %jit3A_619 = arith.constant 8 : i32
        %eq3A_620 = arith.constant 0 : i32
        %eq3A_621 = arith.cmpi eq, %jit3A_619, %eq3A_620 : i32
        %jit3A_622 = arith.constant 1 : i32
        %select_n3A_623 = arith.select %eq3A_621, %jit3A_622, %jit3A_619 : i32
        %rem3A_624 = arith.remsi %scan3A_590, %select_n3A_623 : i32
        %ne3A_625 = arith.constant 0 : i32
        %ne3A_626 = arith.cmpi ne, %rem3A_624, %ne3A_625 : i32
        %lt3A_627 = arith.constant 0 : i32
        %lt3A_628 = arith.cmpi slt, %rem3A_624, %lt3A_627 : i32
        %lt3A_629 = arith.constant 0 : i32
        %lt3A_630 = arith.cmpi slt, %select_n3A_623, %lt3A_629 : i32
        %ne3A_631 = arith.xori %lt3A_628, %lt3A_630 : i1
        %and3A_632 = arith.andi %ne3A_631, %ne3A_626 : i1
        %add3A_633 = arith.addi %rem3A_624, %select_n3A_623 : i32
        %select_n3A_634 = arith.select %and3A_632, %add3A_633, %rem3A_624 : i32
        %mul3A_635 = arith.constant 16 : i32
        %mul3A_636 = arith.muli %select_n3A_634, %mul3A_635 : i32
        %broadcast_in_dim3A_637 = arith.constant 0 : i32
        %broadcast_in_dim3A_638 = vector.broadcast %broadcast_in_dim3A_637 : i32 to vector<16xi32>
        %gather3A_639 = tpu.vector_load_idx %arg5[%broadcast_in_dim3A_638, %get3A_594] : memref<2x23296xf32, #tpu.memory_space<vmem>>[vector<16xi32>, vector<16xi32>], vector<16xf32>,
        %swap3A_640 = arith.constant 0 : i32
        %swap3A_641 = arith.index_cast %select_n3A_618 : i32 to index
        %swap3A_642 = arith.index_cast %swap3A_640 : i32 to index
        %swap3A_643 = arith.index_cast %mul3A_636 : i32 to index
        %swap3A_644 = tpu.vector_load %arg9[%swap3A_641, %swap3A_642, %swap3A_643] {strides = array<i32>} : memref<8x2x128xf32, #tpu.memory_space<vmem>>, vector<16xf32>,
        tpu.vector_store %arg9[%swap3A_641, %swap3A_642, %swap3A_643], %gather3A_639 {strides = array<i32>} : memref<8x2x128xf32, #tpu.memory_space<vmem>>, vector<16xf32>,
        %broadcast_in_dim3A_645 = arith.constant 1 : i32
        %broadcast_in_dim3A_646 = vector.broadcast %broadcast_in_dim3A_645 : i32 to vector<16xi32>
        %gather3A_647 = tpu.vector_load_idx %arg5[%broadcast_in_dim3A_646, %get3A_594] : memref<2x23296xf32, #tpu.memory_space<vmem>>[vector<16xi32>, vector<16xi32>], vector<16xf32>,
        %swap3A_648 = arith.constant 1 : i32
        %swap3A_649 = arith.index_cast %select_n3A_618 : i32 to index
        %swap3A_650 = arith.index_cast %swap3A_648 : i32 to index
        %swap3A_651 = arith.index_cast %mul3A_636 : i32 to index
        %swap3A_652 = tpu.vector_load %arg9[%swap3A_649, %swap3A_650, %swap3A_651] {strides = array<i32>} : memref<8x2x128xf32, #tpu.memory_space<vmem>>, vector<16xf32>,
        tpu.vector_store %arg9[%swap3A_649, %swap3A_650, %swap3A_651], %gather3A_647 {strides = array<i32>} : memref<8x2x128xf32, #tpu.memory_space<vmem>>, vector<16xf32>,
      }
      %scan3A_337 = arith.constant 64 : i32
      %mul3A_338 = arith.constant 2 : i32
      %mul3A_339 = arith.muli %select_n3A_138, %mul3A_338 : i32
      %dma_start3A_340 = arith.constant 0 : i32
      %dma_start3A_341 = arith.constant 0 : i32
      %dma_start3A_342 = tpu.memref_slice %arg4[%mul3A_314, %select_n3A_122, %dma_start3A_340, %mul3A_339, %dma_start3A_341] : memref<50x216x8x8x128xf32, #tpu.memory_space<hbm>> -> memref<1x1x8x2x128xf32, #tpu.memory_space<hbm>>
      %dma_start3A_343 = tpu.memref_squeeze %dma_start3A_342 : memref<1x1x8x2x128xf32, #tpu.memory_space<hbm>> -> memref<8x2x128xf32, #tpu.memory_space<hbm>>
      %dma_start3A_344 = arith.constant 0 : i32
      %dma_start3A_345 = arith.constant 0 : i32
      %dma_start3A_346 = tpu.memref_slice %arg4[%mul3A_314, %select_n3A_122, %dma_start3A_344, %mul3A_339, %dma_start3A_345] : memref<50x216x8x8x128xf32, #tpu.memory_space<hbm>> -> memref<1x1x8x2x128xf32, #tpu.memory_space<hbm>>
      %dma_start3A_347 = tpu.memref_squeeze %dma_start3A_346 : memref<1x1x8x2x128xf32, #tpu.memory_space<hbm>> -> memref<8x2x128xf32, #tpu.memory_space<hbm>>
      tpu.enqueue_dma source(%arg9 : memref<8x2x128xf32, #tpu.memory_space<vmem>>) target(%dma_start3A_347 : memref<8x2x128xf32, #tpu.memory_space<hbm>>) target_semaphore(%arg15 : memref<!tpu.dma_semaphore, #tpu.memory_space<semaphore_mem>>)
      %add3A_348 = arith.constant 2 : i32
      %add3A_349 = arith.addi %mul3A_314, %add3A_348 : i32
      %min3A = arith.constant 49 : i32
      %min3A_350 = arith.minsi %add3A_349, %min3A : i32
      %dma_start3A_351 = arith.constant 0 : i32
      %dma_start3A_352 = tpu.memref_slice %arg2[%min3A_350, %dma_start3A_351] : memref<50x1024xi32, #tpu.memory_space<hbm>> -> memref<1x1024xi32, #tpu.memory_space<hbm>>
      %dma_start3A_353 = tpu.memref_squeeze %dma_start3A_352 : memref<1x1024xi32, #tpu.memory_space<hbm>> -> memref<1024xi32, #tpu.memory_space<hbm>>
      %dma_start3A_354 = arith.constant 0 : i32
      %dma_start3A_355 = tpu.memref_slice %arg2[%min3A_350, %dma_start3A_354] : memref<50x1024xi32, #tpu.memory_space<hbm>> -> memref<1x1024xi32, #tpu.memory_space<hbm>>
      %dma_start3A_356 = tpu.memref_squeeze %dma_start3A_355 : memref<1x1024xi32, #tpu.memory_space<hbm>> -> memref<1024xi32, #tpu.memory_space<hbm>>
      tpu.enqueue_dma source(%dma_start3A_356 : memref<1024xi32, #tpu.memory_space<hbm>>) target(%arg7 : memref<1024xi32, #tpu.memory_space<vmem>>) target_semaphore(%arg13 : memref<!tpu.dma_semaphore, #tpu.memory_space<semaphore_mem>>)
      %add3A_357 = arith.constant 1 : i32
      %add3A_358 = arith.addi %mul3A_314, %add3A_357 : i32
      %mul3A_359 = arith.constant 2 : i32
      %mul3A_360 = arith.muli %select_n3A_138, %mul3A_359 : i32
      %dma_wait3A_361 = arith.constant 0 : i32
      %dma_wait3A_362 = arith.constant 0 : i32
      %dma_wait3A_363 = arith.constant 0 : i32
      %dma_wait3A_364 = tpu.memref_slice %arg4[%dma_wait3A_361, %select_n3A_122, %dma_wait3A_362, %mul3A_360, %dma_wait3A_363] : memref<50x216x8x8x128xf32, #tpu.memory_space<hbm>> -> memref<1x1x8x2x128xf32, #tpu.memory_space<hbm>>
      %dma_wait3A_365 = tpu.memref_squeeze %dma_wait3A_364 : memref<1x1x8x2x128xf32, #tpu.memory_space<hbm>> -> memref<8x2x128xf32, #tpu.memory_space<hbm>>
      %dma_wait3A_366 = arith.constant 0 : i32
      %dma_wait3A_367 = arith.constant 0 : i32
      %dma_wait3A_368 = tpu.memref_slice %arg4[%dma_wait3A_361, %select_n3A_122, %dma_wait3A_366, %mul3A_360, %dma_wait3A_367] : memref<50x216x8x8x128xf32, #tpu.memory_space<hbm>> -> memref<1x1x8x2x128xf32, #tpu.memory_space<hbm>>
      %dma_wait3A_369 = tpu.memref_squeeze %dma_wait3A_368 : memref<1x1x8x2x128xf32, #tpu.memory_space<hbm>> -> memref<8x2x128xf32, #tpu.memory_space<hbm>>
      tpu.wait_dma2 semaphore(%arg16 : memref<!tpu.dma_semaphore, #tpu.memory_space<semaphore_mem>>) src(%arg10 : memref<8x2x128xf32, #tpu.memory_space<vmem>>) dst(%dma_wait3A_369 : memref<8x2x128xf32, #tpu.memory_space<hbm>>)
      %dma_wait3A_370 = arith.constant 0 : i32
      %dma_wait3A_371 = tpu.memref_slice %arg2[%add3A_358, %dma_wait3A_370] : memref<50x1024xi32, #tpu.memory_space<hbm>> -> memref<1x1024xi32, #tpu.memory_space<hbm>>
      %dma_wait3A_372 = tpu.memref_squeeze %dma_wait3A_371 : memref<1x1024xi32, #tpu.memory_space<hbm>> -> memref<1024xi32, #tpu.memory_space<hbm>>
      %dma_wait3A_373 = arith.constant 0 : i32
      %dma_wait3A_374 = tpu.memref_slice %arg2[%add3A_358, %dma_wait3A_373] : memref<50x1024xi32, #tpu.memory_space<hbm>> -> memref<1x1024xi32, #tpu.memory_space<hbm>>
      %dma_wait3A_375 = tpu.memref_squeeze %dma_wait3A_374 : memref<1x1024xi32, #tpu.memory_space<hbm>> -> memref<1024xi32, #tpu.memory_space<hbm>>
      tpu.wait_dma2 semaphore(%arg14 : memref<!tpu.dma_semaphore, #tpu.memory_space<semaphore_mem>>) src(%dma_wait3A_375 : memref<1024xi32, #tpu.memory_space<hbm>>) dst(%arg8 : memref<1024xi32, #tpu.memory_space<vmem>>)
      %scan3A_376 = arith.constant 0 : i32
      %scan3A_377 = arith.constant 0 : i32
      %scan3A_378 = arith.constant 64 : i32
      %scan3A_379 = arith.addi %scan3A_377, %scan3A_378 : i32
      %scan3A_380 = arith.constant 4 : i32
      scf.for %scan3A_402 = %scan3A_377 to %scan3A_379 step %scan3A_380  : i32 {
        %mul3A_403 = arith.constant 16 : i32
        %mul3A_404 = arith.muli %scan3A_402, %mul3A_403 : i32
        %get3A = arith.index_cast %mul3A_404 : i32 to index
        %get3A_405 = tpu.vector_load %arg8[%get3A] {strides = array<i32>} : memref<1024xi32, #tpu.memory_space<vmem>>, vector<16xi32>,
        %jit3A_406 = arith.constant 8 : i32
        %div3A_407 = arith.divsi %scan3A_402, %jit3A_406 : i32
        %sign3A_408 = arith.constant 0 : i32
        %sign3A_409 = arith.cmpi sgt, %scan3A_402, %sign3A_408 : i32
        %sign3A_410 = arith.extui %sign3A_409 : i1 to i32
        %sign3A_411 = arith.constant 0 : i32
        %sign3A_412 = arith.cmpi slt, %scan3A_402, %sign3A_411 : i32
        %sign3A_413 = arith.extui %sign3A_412 : i1 to i32
        %sign3A_414 = arith.subi %sign3A_410, %sign3A_413 : i32
        %sign3A_415 = arith.constant 0 : i32
        %sign3A_416 = arith.cmpi sgt, %jit3A_406, %sign3A_415 : i32
        %sign3A_417 = arith.extui %sign3A_416 : i1 to i32
        %sign3A_418 = arith.constant 0 : i32
        %sign3A_419 = arith.cmpi slt, %jit3A_406, %sign3A_418 : i32
        %sign3A_420 = arith.extui %sign3A_419 : i1 to i32
        %sign3A_421 = arith.subi %sign3A_417, %sign3A_420 : i32
        %ne3A_422 = arith.cmpi ne, %sign3A_414, %sign3A_421 : i32
        %rem3A_423 = arith.remsi %scan3A_402, %jit3A_406 : i32
        %ne3A_424 = arith.constant 0 : i32
        %ne3A_425 = arith.cmpi ne, %rem3A_423, %ne3A_424 : i32
        %and3A_426 = arith.andi %ne3A_422, %ne3A_425 : i1
        %sub3A_427 = arith.constant 1 : i32
        %sub3A_428 = arith.subi %div3A_407, %sub3A_427 : i32
        %select_n3A_429 = arith.select %and3A_426, %sub3A_428, %div3A_407 : i32
        %jit3A_430 = arith.constant 8 : i32
        %eq3A_431 = arith.constant 0 : i32
        %eq3A_432 = arith.cmpi eq, %jit3A_430, %eq3A_431 : i32
        %jit3A_433 = arith.constant 1 : i32
        %select_n3A_434 = arith.select %eq3A_432, %jit3A_433, %jit3A_430 : i32
        %rem3A_435 = arith.remsi %scan3A_402, %select_n3A_434 : i32
        %ne3A_436 = arith.constant 0 : i32
        %ne3A_437 = arith.cmpi ne, %rem3A_435, %ne3A_436 : i32
        %lt3A_438 = arith.constant 0 : i32
        %lt3A_439 = arith.cmpi slt, %rem3A_435, %lt3A_438 : i32
        %lt3A_440 = arith.constant 0 : i32
        %lt3A_441 = arith.cmpi slt, %select_n3A_434, %lt3A_440 : i32
        %ne3A_442 = arith.xori %lt3A_439, %lt3A_441 : i1
        %and3A_443 = arith.andi %ne3A_442, %ne3A_437 : i1
        %add3A_444 = arith.addi %rem3A_435, %select_n3A_434 : i32
        %select_n3A_445 = arith.select %and3A_443, %add3A_444, %rem3A_435 : i32
        %mul3A_446 = arith.constant 16 : i32
        %mul3A_447 = arith.muli %select_n3A_445, %mul3A_446 : i32
        %broadcast_in_dim3A = arith.constant 0 : i32
        %broadcast_in_dim3A_448 = vector.broadcast %broadcast_in_dim3A : i32 to vector<16xi32>
        %gather3A = tpu.vector_load_idx %arg5[%broadcast_in_dim3A_448, %get3A_405] : memref<2x23296xf32, #tpu.memory_space<vmem>>[vector<16xi32>, vector<16xi32>], vector<16xf32>,
        %swap3A = arith.constant 0 : i32
        %swap3A_449 = arith.index_cast %select_n3A_429 : i32 to index
        %swap3A_450 = arith.index_cast %swap3A : i32 to index
        %swap3A_451 = arith.index_cast %mul3A_447 : i32 to index
        %swap3A_452 = tpu.vector_load %arg10[%swap3A_449, %swap3A_450, %swap3A_451] {strides = array<i32>} : memref<8x2x128xf32, #tpu.memory_space<vmem>>, vector<16xf32>,
        tpu.vector_store %arg10[%swap3A_449, %swap3A_450, %swap3A_451], %gather3A {strides = array<i32>} : memref<8x2x128xf32, #tpu.memory_space<vmem>>, vector<16xf32>,
        %broadcast_in_dim3A_453 = arith.constant 1 : i32
        %broadcast_in_dim3A_454 = vector.broadcast %broadcast_in_dim3A_453 : i32 to vector<16xi32>
        %gather3A_455 = tpu.vector_load_idx %arg5[%broadcast_in_dim3A_454, %get3A_405] : memref<2x23296xf32, #tpu.memory_space<vmem>>[vector<16xi32>, vector<16xi32>], vector<16xf32>,
        %swap3A_456 = arith.constant 1 : i32
        %swap3A_457 = arith.index_cast %select_n3A_429 : i32 to index
        %swap3A_458 = arith.index_cast %swap3A_456 : i32 to index
        %swap3A_459 = arith.index_cast %mul3A_447 : i32 to index
        %swap3A_460 = tpu.vector_load %arg10[%swap3A_457, %swap3A_458, %swap3A_459] {strides = array<i32>} : memref<8x2x128xf32, #tpu.memory_space<vmem>>, vector<16xf32>,
        tpu.vector_store %arg10[%swap3A_457, %swap3A_458, %swap3A_459], %gather3A_455 {strides = array<i32>} : memref<8x2x128xf32, #tpu.memory_space<vmem>>, vector<16xf32>,
        %scan3A_461 = arith.constant 1 : i32
        %scan3A_462 = arith.addi %scan3A_402, %scan3A_461 : i32
        %mul3A_463 = arith.constant 16 : i32
        %mul3A_464 = arith.muli %scan3A_462, %mul3A_463 : i32
        %get3A_465 = arith.index_cast %mul3A_464 : i32 to index
        %get3A_466 = tpu.vector_load %arg8[%get3A_465] {strides = array<i32>} : memref<1024xi32, #tpu.memory_space<vmem>>, vector<16xi32>,
        %jit3A_467 = arith.constant 8 : i32
        %div3A_468 = arith.divsi %scan3A_462, %jit3A_467 : i32
        %sign3A_469 = arith.constant 0 : i32
        %sign3A_470 = arith.cmpi sgt, %scan3A_462, %sign3A_469 : i32
        %sign3A_471 = arith.extui %sign3A_470 : i1 to i32
        %sign3A_472 = arith.constant 0 : i32
        %sign3A_473 = arith.cmpi slt, %scan3A_462, %sign3A_472 : i32
        %sign3A_474 = arith.extui %sign3A_473 : i1 to i32
        %sign3A_475 = arith.subi %sign3A_471, %sign3A_474 : i32
        %sign3A_476 = arith.constant 0 : i32
        %sign3A_477 = arith.cmpi sgt, %jit3A_467, %sign3A_476 : i32
        %sign3A_478 = arith.extui %sign3A_477 : i1 to i32
        %sign3A_479 = arith.constant 0 : i32
        %sign3A_480 = arith.cmpi slt, %jit3A_467, %sign3A_479 : i32
        %sign3A_481 = arith.extui %sign3A_480 : i1 to i32
        %sign3A_482 = arith.subi %sign3A_478, %sign3A_481 : i32
        %ne3A_483 = arith.cmpi ne, %sign3A_475, %sign3A_482 : i32
        %rem3A_484 = arith.remsi %scan3A_462, %jit3A_467 : i32
        %ne3A_485 = arith.constant 0 : i32
        %ne3A_486 = arith.cmpi ne, %rem3A_484, %ne3A_485 : i32
        %and3A_487 = arith.andi %ne3A_483, %ne3A_486 : i1
        %sub3A_488 = arith.constant 1 : i32
        %sub3A_489 = arith.subi %div3A_468, %sub3A_488 : i32
        %select_n3A_490 = arith.select %and3A_487, %sub3A_489, %div3A_468 : i32
        %jit3A_491 = arith.constant 8 : i32
        %eq3A_492 = arith.constant 0 : i32
        %eq3A_493 = arith.cmpi eq, %jit3A_491, %eq3A_492 : i32
        %jit3A_494 = arith.constant 1 : i32
        %select_n3A_495 = arith.select %eq3A_493, %jit3A_494, %jit3A_491 : i32
        %rem3A_496 = arith.remsi %scan3A_462, %select_n3A_495 : i32
        %ne3A_497 = arith.constant 0 : i32
        %ne3A_498 = arith.cmpi ne, %rem3A_496, %ne3A_497 : i32
        %lt3A_499 = arith.constant 0 : i32
        %lt3A_500 = arith.cmpi slt, %rem3A_496, %lt3A_499 : i32
        %lt3A_501 = arith.constant 0 : i32
        %lt3A_502 = arith.cmpi slt, %select_n3A_495, %lt3A_501 : i32
        %ne3A_503 = arith.xori %lt3A_500, %lt3A_502 : i1
        %and3A_504 = arith.andi %ne3A_503, %ne3A_498 : i1
        %add3A_505 = arith.addi %rem3A_496, %select_n3A_495 : i32
        %select_n3A_506 = arith.select %and3A_504, %add3A_505, %rem3A_496 : i32
        %mul3A_507 = arith.constant 16 : i32
        %mul3A_508 = arith.muli %select_n3A_506, %mul3A_507 : i32
        %broadcast_in_dim3A_509 = arith.constant 0 : i32
        %broadcast_in_dim3A_510 = vector.broadcast %broadcast_in_dim3A_509 : i32 to vector<16xi32>
        %gather3A_511 = tpu.vector_load_idx %arg5[%broadcast_in_dim3A_510, %get3A_466] : memref<2x23296xf32, #tpu.memory_space<vmem>>[vector<16xi32>, vector<16xi32>], vector<16xf32>,
        %swap3A_512 = arith.constant 0 : i32
        %swap3A_513 = arith.index_cast %select_n3A_490 : i32 to index
        %swap3A_514 = arith.index_cast %swap3A_512 : i32 to index
        %swap3A_515 = arith.index_cast %mul3A_508 : i32 to index
        %swap3A_516 = tpu.vector_load %arg10[%swap3A_513, %swap3A_514, %swap3A_515] {strides = array<i32>} : memref<8x2x128xf32, #tpu.memory_space<vmem>>, vector<16xf32>,
        tpu.vector_store %arg10[%swap3A_513, %swap3A_514, %swap3A_515], %gather3A_511 {strides = array<i32>} : memref<8x2x128xf32, #tpu.memory_space<vmem>>, vector<16xf32>,
        %broadcast_in_dim3A_517 = arith.constant 1 : i32
        %broadcast_in_dim3A_518 = vector.broadcast %broadcast_in_dim3A_517 : i32 to vector<16xi32>
        %gather3A_519 = tpu.vector_load_idx %arg5[%broadcast_in_dim3A_518, %get3A_466] : memref<2x23296xf32, #tpu.memory_space<vmem>>[vector<16xi32>, vector<16xi32>], vector<16xf32>,
        %swap3A_520 = arith.constant 1 : i32
        %swap3A_521 = arith.index_cast %select_n3A_490 : i32 to index
        %swap3A_522 = arith.index_cast %swap3A_520 : i32 to index
        %swap3A_523 = arith.index_cast %mul3A_508 : i32 to index
        %swap3A_524 = tpu.vector_load %arg10[%swap3A_521, %swap3A_522, %swap3A_523] {strides = array<i32>} : memref<8x2x128xf32, #tpu.memory_space<vmem>>, vector<16xf32>,
        tpu.vector_store %arg10[%swap3A_521, %swap3A_522, %swap3A_523], %gather3A_519 {strides = array<i32>} : memref<8x2x128xf32, #tpu.memory_space<vmem>>, vector<16xf32>,
        %scan3A_525 = arith.constant 2 : i32
        %scan3A_526 = arith.addi %scan3A_402, %scan3A_525 : i32
        %mul3A_527 = arith.constant 16 : i32
        %mul3A_528 = arith.muli %scan3A_526, %mul3A_527 : i32
        %get3A_529 = arith.index_cast %mul3A_528 : i32 to index
        %get3A_530 = tpu.vector_load %arg8[%get3A_529] {strides = array<i32>} : memref<1024xi32, #tpu.memory_space<vmem>>, vector<16xi32>,
        %jit3A_531 = arith.constant 8 : i32
        %div3A_532 = arith.divsi %scan3A_526, %jit3A_531 : i32
        %sign3A_533 = arith.constant 0 : i32
        %sign3A_534 = arith.cmpi sgt, %scan3A_526, %sign3A_533 : i32
        %sign3A_535 = arith.extui %sign3A_534 : i1 to i32
        %sign3A_536 = arith.constant 0 : i32
        %sign3A_537 = arith.cmpi slt, %scan3A_526, %sign3A_536 : i32
        %sign3A_538 = arith.extui %sign3A_537 : i1 to i32
        %sign3A_539 = arith.subi %sign3A_535, %sign3A_538 : i32
        %sign3A_540 = arith.constant 0 : i32
        %sign3A_541 = arith.cmpi sgt, %jit3A_531, %sign3A_540 : i32
        %sign3A_542 = arith.extui %sign3A_541 : i1 to i32
        %sign3A_543 = arith.constant 0 : i32
        %sign3A_544 = arith.cmpi slt, %jit3A_531, %sign3A_543 : i32
        %sign3A_545 = arith.extui %sign3A_544 : i1 to i32
        %sign3A_546 = arith.subi %sign3A_542, %sign3A_545 : i32
        %ne3A_547 = arith.cmpi ne, %sign3A_539, %sign3A_546 : i32
        %rem3A_548 = arith.remsi %scan3A_526, %jit3A_531 : i32
        %ne3A_549 = arith.constant 0 : i32
        %ne3A_550 = arith.cmpi ne, %rem3A_548, %ne3A_549 : i32
        %and3A_551 = arith.andi %ne3A_547, %ne3A_550 : i1
        %sub3A_552 = arith.constant 1 : i32
        %sub3A_553 = arith.subi %div3A_532, %sub3A_552 : i32
        %select_n3A_554 = arith.select %and3A_551, %sub3A_553, %div3A_532 : i32
        %jit3A_555 = arith.constant 8 : i32
        %eq3A_556 = arith.constant 0 : i32
        %eq3A_557 = arith.cmpi eq, %jit3A_555, %eq3A_556 : i32
        %jit3A_558 = arith.constant 1 : i32
        %select_n3A_559 = arith.select %eq3A_557, %jit3A_558, %jit3A_555 : i32
        %rem3A_560 = arith.remsi %scan3A_526, %select_n3A_559 : i32
        %ne3A_561 = arith.constant 0 : i32
        %ne3A_562 = arith.cmpi ne, %rem3A_560, %ne3A_561 : i32
        %lt3A_563 = arith.constant 0 : i32
        %lt3A_564 = arith.cmpi slt, %rem3A_560, %lt3A_563 : i32
        %lt3A_565 = arith.constant 0 : i32
        %lt3A_566 = arith.cmpi slt, %select_n3A_559, %lt3A_565 : i32
        %ne3A_567 = arith.xori %lt3A_564, %lt3A_566 : i1
        %and3A_568 = arith.andi %ne3A_567, %ne3A_562 : i1
        %add3A_569 = arith.addi %rem3A_560, %select_n3A_559 : i32
        %select_n3A_570 = arith.select %and3A_568, %add3A_569, %rem3A_560 : i32
        %mul3A_571 = arith.constant 16 : i32
        %mul3A_572 = arith.muli %select_n3A_570, %mul3A_571 : i32
        %broadcast_in_dim3A_573 = arith.constant 0 : i32
        %broadcast_in_dim3A_574 = vector.broadcast %broadcast_in_dim3A_573 : i32 to vector<16xi32>
        %gather3A_575 = tpu.vector_load_idx %arg5[%broadcast_in_dim3A_574, %get3A_530] : memref<2x23296xf32, #tpu.memory_space<vmem>>[vector<16xi32>, vector<16xi32>], vector<16xf32>,
        %swap3A_576 = arith.constant 0 : i32
        %swap3A_577 = arith.index_cast %select_n3A_554 : i32 to index
        %swap3A_578 = arith.index_cast %swap3A_576 : i32 to index
        %swap3A_579 = arith.index_cast %mul3A_572 : i32 to index
        %swap3A_580 = tpu.vector_load %arg10[%swap3A_577, %swap3A_578, %swap3A_579] {strides = array<i32>} : memref<8x2x128xf32, #tpu.memory_space<vmem>>, vector<16xf32>,
        tpu.vector_store %arg10[%swap3A_577, %swap3A_578, %swap3A_579], %gather3A_575 {strides = array<i32>} : memref<8x2x128xf32, #tpu.memory_space<vmem>>, vector<16xf32>,
        %broadcast_in_dim3A_581 = arith.constant 1 : i32
        %broadcast_in_dim3A_582 = vector.broadcast %broadcast_in_dim3A_581 : i32 to vector<16xi32>
        %gather3A_583 = tpu.vector_load_idx %arg5[%broadcast_in_dim3A_582, %get3A_530] : memref<2x23296xf32, #tpu.memory_space<vmem>>[vector<16xi32>, vector<16xi32>], vector<16xf32>,
        %swap3A_584 = arith.constant 1 : i32
        %swap3A_585 = arith.index_cast %select_n3A_554 : i32 to index
        %swap3A_586 = arith.index_cast %swap3A_584 : i32 to index
        %swap3A_587 = arith.index_cast %mul3A_572 : i32 to index
        %swap3A_588 = tpu.vector_load %arg10[%swap3A_585, %swap3A_586, %swap3A_587] {strides = array<i32>} : memref<8x2x128xf32, #tpu.memory_space<vmem>>, vector<16xf32>,
        tpu.vector_store %arg10[%swap3A_585, %swap3A_586, %swap3A_587], %gather3A_583 {strides = array<i32>} : memref<8x2x128xf32, #tpu.memory_space<vmem>>, vector<16xf32>,
        %scan3A_589 = arith.constant 3 : i32
        %scan3A_590 = arith.addi %scan3A_402, %scan3A_589 : i32
        %mul3A_591 = arith.constant 16 : i32
        %mul3A_592 = arith.muli %scan3A_590, %mul3A_591 : i32
        %get3A_593 = arith.index_cast %mul3A_592 : i32 to index
        %get3A_594 = tpu.vector_load %arg8[%get3A_593] {strides = array<i32>} : memref<1024xi32, #tpu.memory_space<vmem>>, vector<16xi32>,
        %jit3A_595 = arith.constant 8 : i32
        %div3A_596 = arith.divsi %scan3A_590, %jit3A_595 : i32
        %sign3A_597 = arith.constant 0 : i32
        %sign3A_598 = arith.cmpi sgt, %scan3A_590, %sign3A_597 : i32
        %sign3A_599 = arith.extui %sign3A_598 : i1 to i32
        %sign3A_600 = arith.constant 0 : i32
        %sign3A_601 = arith.cmpi slt, %scan3A_590, %sign3A_600 : i32
        %sign3A_602 = arith.extui %sign3A_601 : i1 to i32
        %sign3A_603 = arith.subi %sign3A_599, %sign3A_602 : i32
        %sign3A_604 = arith.constant 0 : i32
        %sign3A_605 = arith.cmpi sgt, %jit3A_595, %sign3A_604 : i32
        %sign3A_606 = arith.extui %sign3A_605 : i1 to i32
        %sign3A_607 = arith.constant 0 : i32
        %sign3A_608 = arith.cmpi slt, %jit3A_595, %sign3A_607 : i32
        %sign3A_609 = arith.extui %sign3A_608 : i1 to i32
        %sign3A_610 = arith.subi %sign3A_606, %sign3A_609 : i32
        %ne3A_611 = arith.cmpi ne, %sign3A_603, %sign3A_610 : i32
        %rem3A_612 = arith.remsi %scan3A_590, %jit3A_595 : i32
        %ne3A_613 = arith.constant 0 : i32
        %ne3A_614 = arith.cmpi ne, %rem3A_612, %ne3A_613 : i32
        %and3A_615 = arith.andi %ne3A_611, %ne3A_614 : i1
        %sub3A_616 = arith.constant 1 : i32
        %sub3A_617 = arith.subi %div3A_596, %sub3A_616 : i32
        %select_n3A_618 = arith.select %and3A_615, %sub3A_617, %div3A_596 : i32
        %jit3A_619 = arith.constant 8 : i32
        %eq3A_620 = arith.constant 0 : i32
        %eq3A_621 = arith.cmpi eq, %jit3A_619, %eq3A_620 : i32
        %jit3A_622 = arith.constant 1 : i32
        %select_n3A_623 = arith.select %eq3A_621, %jit3A_622, %jit3A_619 : i32
        %rem3A_624 = arith.remsi %scan3A_590, %select_n3A_623 : i32
        %ne3A_625 = arith.constant 0 : i32
        %ne3A_626 = arith.cmpi ne, %rem3A_624, %ne3A_625 : i32
        %lt3A_627 = arith.constant 0 : i32
        %lt3A_628 = arith.cmpi slt, %rem3A_624, %lt3A_627 : i32
        %lt3A_629 = arith.constant 0 : i32
        %lt3A_630 = arith.cmpi slt, %select_n3A_623, %lt3A_629 : i32
        %ne3A_631 = arith.xori %lt3A_628, %lt3A_630 : i1
        %and3A_632 = arith.andi %ne3A_631, %ne3A_626 : i1
        %add3A_633 = arith.addi %rem3A_624, %select_n3A_623 : i32
        %select_n3A_634 = arith.select %and3A_632, %add3A_633, %rem3A_624 : i32
        %mul3A_635 = arith.constant 16 : i32
        %mul3A_636 = arith.muli %select_n3A_634, %mul3A_635 : i32
        %broadcast_in_dim3A_637 = arith.constant 0 : i32
        %broadcast_in_dim3A_638 = vector.broadcast %broadcast_in_dim3A_637 : i32 to vector<16xi32>
        %gather3A_639 = tpu.vector_load_idx %arg5[%broadcast_in_dim3A_638, %get3A_594] : memref<2x23296xf32, #tpu.memory_space<vmem>>[vector<16xi32>, vector<16xi32>], vector<16xf32>,
        %swap3A_640 = arith.constant 0 : i32
        %swap3A_641 = arith.index_cast %select_n3A_618 : i32 to index
        %swap3A_642 = arith.index_cast %swap3A_640 : i32 to index
        %swap3A_643 = arith.index_cast %mul3A_636 : i32 to index
        %swap3A_644 = tpu.vector_load %arg10[%swap3A_641, %swap3A_642, %swap3A_643] {strides = array<i32>} : memref<8x2x128xf32, #tpu.memory_space<vmem>>, vector<16xf32>,
        tpu.vector_store %arg10[%swap3A_641, %swap3A_642, %swap3A_643], %gather3A_639 {strides = array<i32>} : memref<8x2x128xf32, #tpu.memory_space<vmem>>, vector<16xf32>,
        %broadcast_in_dim3A_645 = arith.constant 1 : i32
        %broadcast_in_dim3A_646 = vector.broadcast %broadcast_in_dim3A_645 : i32 to vector<16xi32>
        %gather3A_647 = tpu.vector_load_idx %arg5[%broadcast_in_dim3A_646, %get3A_594] : memref<2x23296xf32, #tpu.memory_space<vmem>>[vector<16xi32>, vector<16xi32>], vector<16xf32>,
        %swap3A_648 = arith.constant 1 : i32
        %swap3A_649 = arith.index_cast %select_n3A_618 : i32 to index
        %swap3A_650 = arith.index_cast %swap3A_648 : i32 to index
        %swap3A_651 = arith.index_cast %mul3A_636 : i32 to index
        %swap3A_652 = tpu.vector_load %arg10[%swap3A_649, %swap3A_650, %swap3A_651] {strides = array<i32>} : memref<8x2x128xf32, #tpu.memory_space<vmem>>, vector<16xf32>,
        tpu.vector_store %arg10[%swap3A_649, %swap3A_650, %swap3A_651], %gather3A_647 {strides = array<i32>} : memref<8x2x128xf32, #tpu.memory_space<vmem>>, vector<16xf32>,
      }
      %scan3A_381 = arith.constant 64 : i32
      %mul3A_382 = arith.constant 2 : i32
      %mul3A_383 = arith.muli %select_n3A_138, %mul3A_382 : i32
      %dma_start3A_384 = arith.constant 0 : i32
      %dma_start3A_385 = arith.constant 0 : i32
      %dma_start3A_386 = tpu.memref_slice %arg4[%add3A_358, %select_n3A_122, %dma_start3A_384, %mul3A_383, %dma_start3A_385] : memref<50x216x8x8x128xf32, #tpu.memory_space<hbm>> -> memref<1x1x8x2x128xf32, #tpu.memory_space<hbm>>
      %dma_start3A_387 = tpu.memref_squeeze %dma_start3A_386 : memref<1x1x8x2x128xf32, #tpu.memory_space<hbm>> -> memref<8x2x128xf32, #tpu.memory_space<hbm>>
      %dma_start3A_388 = arith.constant 0 : i32
      %dma_start3A_389 = arith.constant 0 : i32
      %dma_start3A_390 = tpu.memref_slice %arg4[%add3A_358, %select_n3A_122, %dma_start3A_388, %mul3A_383, %dma_start3A_389] : memref<50x216x8x8x128xf32, #tpu.memory_space<hbm>> -> memref<1x1x8x2x128xf32, #tpu.memory_space<hbm>>
      %dma_start3A_391 = tpu.memref_squeeze %dma_start3A_390 : memref<1x1x8x2x128xf32, #tpu.memory_space<hbm>> -> memref<8x2x128xf32, #tpu.memory_space<hbm>>
      tpu.enqueue_dma source(%arg10 : memref<8x2x128xf32, #tpu.memory_space<vmem>>) target(%dma_start3A_391 : memref<8x2x128xf32, #tpu.memory_space<hbm>>) target_semaphore(%arg16 : memref<!tpu.dma_semaphore, #tpu.memory_space<semaphore_mem>>)
      %add3A_392 = arith.constant 2 : i32
      %add3A_393 = arith.addi %add3A_358, %add3A_392 : i32
      %min3A_394 = arith.constant 49 : i32
      %min3A_395 = arith.minsi %add3A_393, %min3A_394 : i32
      %dma_start3A_396 = arith.constant 0 : i32
      %dma_start3A_397 = tpu.memref_slice %arg2[%min3A_395, %dma_start3A_396] : memref<50x1024xi32, #tpu.memory_space<hbm>> -> memref<1x1024xi32, #tpu.memory_space<hbm>>
      %dma_start3A_398 = tpu.memref_squeeze %dma_start3A_397 : memref<1x1024xi32, #tpu.memory_space<hbm>> -> memref<1024xi32, #tpu.memory_space<hbm>>
      %dma_start3A_399 = arith.constant 0 : i32
      %dma_start3A_400 = tpu.memref_slice %arg2[%min3A_395, %dma_start3A_399] : memref<50x1024xi32, #tpu.memory_space<hbm>> -> memref<1x1024xi32, #tpu.memory_space<hbm>>
      %dma_start3A_401 = tpu.memref_squeeze %dma_start3A_400 : memref<1x1024xi32, #tpu.memory_space<hbm>> -> memref<1024xi32, #tpu.memory_space<hbm>>
      tpu.enqueue_dma source(%dma_start3A_401 : memref<1024xi32, #tpu.memory_space<hbm>>) target(%arg8 : memref<1024xi32, #tpu.memory_space<vmem>>) target_semaphore(%arg14 : memref<!tpu.dma_semaphore, #tpu.memory_space<semaphore_mem>>)
    }
    %scan3A_275 = arith.constant 24 : i32
    %mul3A_276 = arith.constant 2 : i32
    %mul3A_277 = arith.muli %select_n3A_138, %mul3A_276 : i32
    %dma_wait3A_278 = arith.constant 0 : i32
    %dma_wait3A_279 = arith.constant 0 : i32
    %dma_wait3A_280 = arith.constant 0 : i32
    %dma_wait3A_281 = tpu.memref_slice %arg4[%dma_wait3A_278, %select_n3A_122, %dma_wait3A_279, %mul3A_277, %dma_wait3A_280] : memref<50x216x8x8x128xf32, #tpu.memory_space<hbm>> -> memref<1x1x8x2x128xf32, #tpu.memory_space<hbm>>
    %dma_wait3A_282 = tpu.memref_squeeze %dma_wait3A_281 : memref<1x1x8x2x128xf32, #tpu.memory_space<hbm>> -> memref<8x2x128xf32, #tpu.memory_space<hbm>>
    %dma_wait3A_283 = arith.constant 0 : i32
    %dma_wait3A_284 = arith.constant 0 : i32
    %dma_wait3A_285 = tpu.memref_slice %arg4[%dma_wait3A_278, %select_n3A_122, %dma_wait3A_283, %mul3A_277, %dma_wait3A_284] : memref<50x216x8x8x128xf32, #tpu.memory_space<hbm>> -> memref<1x1x8x2x128xf32, #tpu.memory_space<hbm>>
    %dma_wait3A_286 = tpu.memref_squeeze %dma_wait3A_285 : memref<1x1x8x2x128xf32, #tpu.memory_space<hbm>> -> memref<8x2x128xf32, #tpu.memory_space<hbm>>
    tpu.wait_dma2 semaphore(%arg15 : memref<!tpu.dma_semaphore, #tpu.memory_space<semaphore_mem>>) src(%arg9 : memref<8x2x128xf32, #tpu.memory_space<vmem>>) dst(%dma_wait3A_286 : memref<8x2x128xf32, #tpu.memory_space<hbm>>)
    %mul3A_287 = arith.constant 2 : i32
    %mul3A_288 = arith.muli %select_n3A_138, %mul3A_287 : i32
    %dma_wait3A_289 = arith.constant 0 : i32
    %dma_wait3A_290 = arith.constant 0 : i32
    %dma_wait3A_291 = arith.constant 0 : i32
    %dma_wait3A_292 = tpu.memref_slice %arg4[%dma_wait3A_289, %select_n3A_122, %dma_wait3A_290, %mul3A_288, %dma_wait3A_291] : memref<50x216x8x8x128xf32, #tpu.memory_space<hbm>> -> memref<1x1x8x2x128xf32, #tpu.memory_space<hbm>>
    %dma_wait3A_293 = tpu.memref_squeeze %dma_wait3A_292 : memref<1x1x8x2x128xf32, #tpu.memory_space<hbm>> -> memref<8x2x128xf32, #tpu.memory_space<hbm>>
    %dma_wait3A_294 = arith.constant 0 : i32
    %dma_wait3A_295 = arith.constant 0 : i32
    %dma_wait3A_296 = tpu.memref_slice %arg4[%dma_wait3A_289, %select_n3A_122, %dma_wait3A_294, %mul3A_288, %dma_wait3A_295] : memref<50x216x8x8x128xf32, #tpu.memory_space<hbm>> -> memref<1x1x8x2x128xf32, #tpu.memory_space<hbm>>
    %dma_wait3A_297 = tpu.memref_squeeze %dma_wait3A_296 : memref<1x1x8x2x128xf32, #tpu.memory_space<hbm>> -> memref<8x2x128xf32, #tpu.memory_space<hbm>>
    tpu.wait_dma2 semaphore(%arg16 : memref<!tpu.dma_semaphore, #tpu.memory_space<semaphore_mem>>) src(%arg10 : memref<8x2x128xf32, #tpu.memory_space<vmem>>) dst(%dma_wait3A_297 : memref<8x2x128xf32, #tpu.memory_space<hbm>>)
    %dma_wait3A_298 = arith.constant 0 : i32
    %dma_wait3A_299 = arith.constant 0 : i32
    %dma_wait3A_300 = tpu.memref_slice %arg2[%dma_wait3A_298, %dma_wait3A_299] : memref<50x1024xi32, #tpu.memory_space<hbm>> -> memref<1x1024xi32, #tpu.memory_space<hbm>>
    %dma_wait3A_301 = tpu.memref_squeeze %dma_wait3A_300 : memref<1x1024xi32, #tpu.memory_space<hbm>> -> memref<1024xi32, #tpu.memory_space<hbm>>
    %dma_wait3A_302 = arith.constant 0 : i32
    %dma_wait3A_303 = tpu.memref_slice %arg2[%dma_wait3A_298, %dma_wait3A_302] : memref<50x1024xi32, #tpu.memory_space<hbm>> -> memref<1x1024xi32, #tpu.memory_space<hbm>>
    %dma_wait3A_304 = tpu.memref_squeeze %dma_wait3A_303 : memref<1x1024xi32, #tpu.memory_space<hbm>> -> memref<1024xi32, #tpu.memory_space<hbm>>
    tpu.wait_dma2 semaphore(%arg13 : memref<!tpu.dma_semaphore, #tpu.memory_space<semaphore_mem>>) src(%dma_wait3A_304 : memref<1024xi32, #tpu.memory_space<hbm>>) dst(%arg7 : memref<1024xi32, #tpu.memory_space<vmem>>)
    %dma_wait3A_305 = arith.constant 0 : i32
    %dma_wait3A_306 = arith.constant 0 : i32
    %dma_wait3A_307 = tpu.memref_slice %arg2[%dma_wait3A_305, %dma_wait3A_306] : memref<50x1024xi32, #tpu.memory_space<hbm>> -> memref<1x1024xi32, #tpu.memory_space<hbm>>
    %dma_wait3A_308 = tpu.memref_squeeze %dma_wait3A_307 : memref<1x1024xi32, #tpu.memory_space<hbm>> -> memref<1024xi32, #tpu.memory_space<hbm>>
    %dma_wait3A_309 = arith.constant 0 : i32
    %dma_wait3A_310 = tpu.memref_slice %arg2[%dma_wait3A_305, %dma_wait3A_309] : memref<50x1024xi32, #tpu.memory_space<hbm>> -> memref<1x1024xi32, #tpu.memory_space<hbm>>
    %dma_wait3A_311 = tpu.memref_squeeze %dma_wait3A_310 : memref<1x1024xi32, #tpu.memory_space<hbm>> -> memref<1024xi32, #tpu.memory_space<hbm>>
    tpu.wait_dma2 semaphore(%arg14 : memref<!tpu.dma_semaphore, #tpu.memory_space<semaphore_mem>>) src(%dma_wait3A_311 : memref<1024xi32, #tpu.memory_space<hbm>>) dst(%arg8 : memref<1024xi32, #tpu.memory_space<vmem>>)
    return
  }
}

module attributes {stable_mosaic.version = 14 : i64} {
  func.func @_tc_copy_body(%arg0: i32, %arg1: memref<1728x512xf32, #tpu.memory_space<vmem>>, %arg2: memref<1728x512xf32, #tpu.memory_space<vmem>>) attributes {dimension_semantics = [#tpu.dimension_semantics<arbitrary>], iteration_bounds = array<i64: 46>, scalar_prefetch = 0 : i64, scratch_operands = 0 : i64, tpu.core_type = #tpu.core_type<tc>, window_params = [{transform_indices = @transform_0, window_bounds = array<i64: 1728, 512>}, {transform_indices = @transform_1, window_bounds = array<i64: 1728, 512>}]} {
    %get3A = arith.constant 0 : index
    %get3A_0 = arith.constant 0 : index
    %get3A_1 = vector.load %arg1[%get3A, %get3A_0] : memref<1728x512xf32, #tpu.memory_space<vmem>>, vector<1728x512xf32>
    %swap3A = arith.constant 0 : index
    %swap3A_2 = arith.constant 0 : index
    %swap3A_3 = vector.load %arg2[%swap3A, %swap3A_2] : memref<1728x512xf32, #tpu.memory_space<vmem>>, vector<1728x512xf32>
    tpu.vector_store %arg2[%swap3A, %swap3A_2], %get3A_1 {strides = array<i32>} : memref<1728x512xf32, #tpu.memory_space<vmem>>, vector<1728x512xf32>,
    return
  }
  func.func @transform_0(%arg0: i32) -> (i32, i32) {
    %c0_i32 = arith.constant 0 : i32
    %c0_i32_0 = arith.constant 0 : i32
    return %c0_i32, %arg0 : i32, i32
  }
  func.func @transform_1(%arg0: i32) -> (i32, i32) {
    %c0_i32 = arith.constant 0 : i32
    %c0_i32_0 = arith.constant 0 : i32
    return %c0_i32, %arg0 : i32, i32
  }
}

</mosaic_0001>

<sc_bundles>
// kernel: _run.4.cloned.1.call-start
scs
__scs_entry_jumppad:
0x0: {  	(pc) =	sbr.rel $0x88, $3  }
0x1: {  	(tag) =	ssettag $0x0;
	lr =	simm.s32 $0x1  }
0x2: {  	[smem:$0x3F9F] =	sst lr;
	_ =	strace $0xD0000000  }
0x3: {  	_ = 	snop  }
0x4: {  	_ = 	snop  }
0x5: {  	_ = 	snop  }
0x6: {  	_ = 	snop  }
0x7: {  	_ = 	snop  }
__scs_overlays_trampoline_lowered:
0x8: {  	[smem:$0x3FAE] =	sst s0  }
0x9: {  	[smem:$0x3FAF] =	sst s1  }
0xa: {  	[smem:$0x3FB0] =	sst s2  }
0xb: {  	[smem:$0x3FB1] =	sst s3  }
0xc: {  	[smem:$0x3FB2] =	sst s4  }
0xd: {  	[smem:$0x3FB3] =	sst s5  }
0xe: {  	[smem:$0x3FB4] =	sst s6  }
0xf: {  	[smem:$0x3FB5] =	sst s7  }
0x10: {  	[smem:$0x3FB6] =	sst s8  }
0x11: {  	[smem:$0x3FB7] =	sst s9;
	s0 =	simm.s32 @!p0 $0x0  }
0x12: {  	s1 =	sld [smem:$0x3F9D];
	s0 =	simm.s32 @p0 $0x1  }
0x13: {  	[smem:$0x3FB8] =	sst s0;
	s0 =	simm.s32 @!p1 $0x0  }
0x14: {  	s2 =	sld [smem:$0x3F9C];
	s0 =	simm.s32 @p1 $0x1  }
0x15: {  	[smem:$0x3FB9] =	sst s0;
	s0 =	simm.s32 @!p2 $0x0  }
0x16: {  	s3 =	sld [smem:$0x3FDB];
	s0 =	simm.s32 @p2 $0x1  }
0x17: {  	s4 =	simm.s32 $0x1BF5;
	[smem:$0x3FBB] =	sst s0  }
0x18: {  	s0 =	sld [smem:$0x3F9E];
	_ =	swait.ge [sflag:s4], $0x0  }
0x19: {  	s7 =	sld [smem:$0x3F9F]  }
0x1a: {  	s8 =	sadd.s32 $0xFFFFE003, lr  }
0x1b: {  	s9 =	sadd.s32 $0xFFFFFEF7, lr;
	s5 =	simm.s32 $0xFFFFFFFF;
	p2 =	slt.u32 s8, $0xFFFFF086  }
0x1c: {  	p1 =	slt.u32 s9, $0xF7A;
	s5 =	simm.s32 @!p2 $0x0  }
0x1d: {  	s5 =	simm.s32 @p1 $0x1;
	p0 =	seq.s32 s7, s2  }
0x1e: {  	s7 =	smul.u32 @!p0 $0xF7A, s2;
	p2 =	seq.s32 @!p0 s5, $0x0  }
0x1f: {  	s9 =	smul.u32 $0xF7A, s1;
	s8 =	simm.s32 @!p0 $0x1BF5;
	p2 =	por !p2, p0  }
0x20: {  	[sflag:s8] =	ssyncset.s32 @!p0 $0xFFFFF086;
	s6 =	sadd.s32 @!p0 s3, s7;
	s7 =	simm.s32 @!p0 $0x108  }
0x21: {  	s3 =	sadd.s32 s3, s9;
	s6 =	sadd.s32 @!p0 $0x88, s6;
	s7 =	simm.s32 @p2 $0x1082  }
0x22: {  	[simem:s7], [sflag:s8] =	dma.local @!p0 [hbm:s6], $0xF7A  }
0x23: {  	s9 =	sor.u32 $0xD0000000, s2;
	s6 =	simm.s32 $0x108;
	_ =	swait.ge @!p0 [sflag:s8], $0x0  }
0x24: {  	s3 =	sadd.s32 $0x88, s3;
	s6 =	simm.s32 @!p1 $0x1082;
	[sflag:s4] =	ssyncset.s32 $0xFFFFF086  }
0x25: {  	[simem:s6], [sflag:s4] =	dma.local [hbm:s3], $0xF7A  }
0x26: {  	[smem:$0x3F9F] =	sst s1;
	(tag) =	ssettag s2;
	_ =	strace s9  }
0x27: {  	s1 =	sld [smem:$0x3FAF]  }
0x28: {  	s2 =	sld [smem:$0x3FB0]  }
0x29: {  	s4 =	sld [smem:$0x3FB2]  }
0x2a: {  	p0 =	seq.s32 s5, $0x0;
	s5 =	sld [smem:$0x3FB3]  }
0x2b: {  	s6 =	sld [smem:$0x3FB4]  }
0x2c: {  	s7 =	sld [smem:$0x3FB5]  }
0x2d: {  	s3 =	simm.s32 $0x108;
	s8 =	sld [smem:$0x3FB6]  }
0x2e: {  	s3 =	simm.s32 @!p0 $0x1082;
	s9 =	sld [smem:$0x3FB7]  }
0x2f: {  	lr =	sadd.s32 s0, s3;
	s0 =	sld [smem:$0x3FAE]  }
0x30: {  	s3 =	sld [smem:$0x3FB1]  }
0x31: {  	[smem:$0x3FBA] =	sst s10  }
0x32: {  	s10 =	sld [smem:$0x3FB8];
	_ =	sdelay $0x3  }
0x33: {  	p0 =	seq.s32 s10, $0x1;
	s10 =	sld [smem:$0x3FBA];
	_ =	sdelay $0x3  }
0x34: {  	[smem:$0x3FBA] =	sst s10  }
0x35: {  	s10 =	sld [smem:$0x3FB9];
	_ =	sdelay $0x3  }
0x36: {  	p1 =	seq.s32 s10, $0x1;
	s10 =	sld [smem:$0x3FBA];
	_ =	sdelay $0x3  }
0x37: {  	[smem:$0x3FBA] =	sst s10  }
0x38: {  	s10 =	sld [smem:$0x3FBB]  }
0x39: {  	_ = 	snop;
	(pc) =	sbr.ind lr, $3  }
0x3a: {  	_ = 	snop  }
0x3b: {  	_ = 	snop  }
0x3c: {  	p2 =	seq.s32 s10, $0x1;
	s10 =	sld [smem:$0x3FBA]  }
0x3d: {  	_ =	shalt  }
0x3e: {  	_ =	shalt  }
0x3f: {  	_ =	shalt  }
0x40: {  	_ =	shalt  }
0x41: {  	_ =	shalt  }
0x42: {  	_ =	shalt  }
0x43: {  	_ =	shalt  }
0x44: {  	_ =	shalt  }
0x45: {  	_ =	shalt  }
0x46: {  	_ =	shalt  }
0x47: {  	_ =	shalt  }
0x48: {  	_ =	shalt  }
0x49: {  	_ =	shalt  }
0x4a: {  	_ =	shalt  }
0x4b: {  	_ =	shalt  }
0x4c: {  	_ =	shalt  }
0x4d: {  	_ =	shalt  }
0x4e: {  	_ =	shalt  }
0x4f: {  	_ =	shalt  }
0x50: {  	_ =	shalt  }
0x51: {  	_ =	shalt  }
0x52: {  	_ =	shalt  }
0x53: {  	_ =	shalt  }
0x54: {  	_ =	shalt  }
0x55: {  	_ =	shalt  }
0x56: {  	_ =	shalt  }
0x57: {  	_ =	shalt  }
0x58: {  	_ =	shalt  }
0x59: {  	_ =	shalt  }
0x5a: {  	_ =	shalt  }
0x5b: {  	_ =	shalt  }
0x5c: {  	_ =	shalt  }
0x5d: {  	_ =	shalt  }
0x5e: {  	_ =	shalt  }
0x5f: {  	_ =	shalt  }
0x60: {  	_ =	shalt  }
0x61: {  	_ =	shalt  }
0x62: {  	_ =	shalt  }
0x63: {  	_ =	shalt  }
0x64: {  	_ =	shalt  }
0x65: {  	_ =	shalt  }
0x66: {  	_ =	shalt  }
0x67: {  	_ =	shalt  }
0x68: {  	_ =	shalt  }
0x69: {  	_ =	shalt  }
0x6a: {  	_ =	shalt  }
0x6b: {  	_ =	shalt  }
0x6c: {  	_ =	shalt  }
0x6d: {  	_ =	shalt  }
0x6e: {  	_ =	shalt  }
0x6f: {  	_ =	shalt  }
0x70: {  	_ =	shalt  }
0x71: {  	_ =	shalt  }
0x72: {  	_ =	shalt  }
0x73: {  	_ =	shalt  }
0x74: {  	_ =	shalt  }
0x75: {  	_ =	shalt  }
0x76: {  	_ =	shalt  }
0x77: {  	_ =	shalt  }
0x78: {  	_ =	shalt  }
0x79: {  	_ =	shalt  }
0x7a: {  	_ =	shalt  }
0x7b: {  	_ =	shalt  }
0x7c: {  	_ =	shalt  }
0x7d: {  	_ =	shalt  }
0x7e: {  	_ =	shalt  }
0x7f: {  	_ =	shalt  }
0x80: {  	_ =	shalt  }
0x81: {  	_ =	shalt  }
0x82: {  	_ =	shalt  }
0x83: {  	_ =	shalt  }
0x84: {  	_ =	shalt  }
0x85: {  	_ =	shalt  }
0x86: {  	_ =	shalt  }
0x87: {  	_ =	shalt  }
.Lfunc_end0:
.L_simem_size_0:
called_computation_lowered:
.L_overlay_start_0:
0x88: {  	s2 =	sld [smem:$0x3FD9]  }
0x89: {  	s3 =	sld [smem:$0x3FFE];
	_ =	sdelay $0x1  }
0x8a: {  	s1 =	srdreg.scid  }
0x8b: {  	s0 =	sand.u32 $0x1, s1  }
0x8c: {  	s17 =	sshll.u32 s0, $0xA;
	s2 =	sadd.s32 s3, s2  }
0x8d: {  	s2 =	sadd.s32 s2, s17  }
0x8e: {  	[smem:$0x3FC6] =	sst s2  }
0x8f: {  	_ = 	snop  }
0x90: {  	s2 =	sld [smem:$0x3FD0];
	(tm) =	ssettm $0x1  }
0x91: {  	s18 =	sld [smem:$0x3FFB];
	_ =	sdelay $0x3  }
0x92: {  	_ =	strace s18  }
0x93: {  	s3 =	sld [smem:$0x3FFC];
	_ =	sdelay $0x3  }
0x94: {  	_ =	strace s3  }
0x95: {  	s3 =	sld [smem:$0x3FFD];
	_ =	sdelay $0x3  }
0x96: {  	_ =	strace s3  }
0x97: {  	_ =	strace $0x8FFFFFFF  }
0x98: {  	s19 =	sld [smem:$0x3FDB];
	_ =	sdelay $0x1  }
0x99: {  	s4 =	simm.s32 $_scs_section_size  }
0x9a: {  	s5 =	simm.s32 $_size__tile_overlayer_lowered;
	s6 =	simm.s32 $_tile_overlayer_lowered  }
0x9b: {  	s22 =	simm.s32 $0x1BFF;
	s21 =	sshll.u32 s6, $0x1;
	s3 =	sadd.s32 s4, s19  }
0x9c: {  	s7 =	simm.s32 $0x0;
	s20 =	sshll.u32 s5, $0x1;
	s5 =	sadd.s32 s21, s3  }
0x9d: {  	[timem:s7], [sflag:s22] =	dma.local [hbm:s5], s20  }
0x9e: {  	_ =	swait.ge [sflag:s22], s20  }
0x9f: {  	s4 =	ssub.s32 $0x0, s20;
	[sflag:s22] =	ssyncset.done $0x0  }
0xa0: {  	[sflag:s22] =	ssyncadd.s32 s4;
	_ =	sdelay $0x1  }
0xa1: {  	s23 =	simm.s32 $0x1B8B  }
0xa2: {  	_ =	swait.ge [sflag:s23], $0x1  }
0xa3: {  	[sflag:s23] =	ssyncset.done $0x0  }
0xa4: {  	s25 =	simm.s32 $0x1B8E;
	s24 =	sld [smem:$0x3FFE];
	[sflag:s23] =	ssyncadd.s32 $0xFFFFFFFF  }
0xa5: {  	s26 =	simm.s32 $execute0_lowered;
	[smem:$0x3FD2] =	sst s25  }
0xa6: {  	s5 =	sshll.u32 s26, $0x1;
	_ =	strace $0x80000046;
	[dreg:$0x1] =	wrdreg $0xFFFFFFFF  }
0xa7: {  	s28 =	simm.s32 $_size_execute0_lowered;
	s3 =	sadd.s32 s3, s5;
	[dreg:$0x0] =	wrdreg $0x0  }
0xa8: {  	s5 =	sshll.u32 s28, $0x1;
	[dreg:$0x2] =	wrdreg s3  }
0xa9: {  	[dreg:$0x3] =	wrdreg s5  }
0xaa: {  	[dreg:$0x4] =	wrdreg $0xC0  }
0xab: {  	_ =	task [dreg:s7], $0x5FFFF  }
0xac: {  	[dreg:$0x1] =	wrdreg $0xFFFFFFFF  }
0xad: {  	[dreg:$0x0] =	wrdreg $0x60  }
0xae: {  	[dreg:$0x2] =	wrdreg s24  }
0xaf: {  	[dreg:$0x3] =	wrdreg s2  }
0xb0: {  	[dreg:$0x4] =	wrdreg $0x9  }
0xb1: {  	_ =	task.clear_ibuf [dreg:s7], $0x5FFFF;
	_ =	strace $0x90000046  }
0xb2: {  	s29 =	simm.s32 $0x9;
	_ =	strace $0x80000048  }
0xb3: {  	_ =	swait.ge [sflag:s29], $0x1  }
0xb4: {  	[sflag:s29] =	ssyncadd.s32 $0xFFFFFFFF  }
0xb5: {  	_ =	strace $0x90000048  }
0xb6: {  	_ =	sfence  }
0xb7: {  	s30 =	sld [smem:$0x0];
	_ =	sdelay $0x2  }
0xb8: {  	s31 =	sshll.u32 s1, $0xD;
	s1 =	sshrl.u32 s1, $0x2  }
0xb9: {  	s3 =	sand.u32 $0x4000, s31;
	s1 =	sadd.s32 s1, s30  }
0xba: {  	s0 =	sor.u32 s3, s0;
	s1 =	sshll.u32 s1, $0x11  }
0xbb: {  	s0 =	sor.u32 s1, s0  }
0xbc: {  	s0 =	sadd.s32 $0x8F2B, s0  }
0xbd: {  	[sflag:s0] =	ssyncadd.remote.s32 $0x1  }
0xbe: {  	_ =	sfence.sel $0xFFFF  }
0xbf: {  	[dreg:$0x0] =	wrdreg $0xFFFFFFFF;
	(pc) =	sbr.abs _section_cstart, $3  }
0xc0: {  	[dreg:$0x1] =	wrdreg $0xFFFFFFFF  }
0xc1: {  	_ =	task.clear_ibuf [dreg:s7], $0x2FFFF;
	_ =	strace $0x9FFFFFFF  }
0xc2: {  	(tm) =	ssettm $0x7FFFFFFF  }
0xc3: {  	_ =	shalt  }
tec
execute0_lowered:
.L_overlay_start_1:
0x0: {  	(tag) =	ssettag $0x1  }
0x1: {  	s0 =	srdreg.scid  }
0x2: {  	s6 =	stileid.u32;
	s1 =	rddreg [dreg:$0x0]  }
0x3: {  	s3 =	rddreg [dreg:$0x1];
	s5 =	simm.s32 $0x0;
	s28 =	simm.s32 $0x3  }
0x4: {  	s29 =	simm.s32 $0x100;
	s30 =	simm.s32 $0x400;
	s31 =	simm.s32 $0x17400  }
0x5: {  	s0 =	sand.u32 $0x1, s0;
	s8 =	sshll.u32 s6, $0x1;
	s2 =	sshll.u32 s6, $0x2  }
0x6: {  	[smem:$0x7FF] =	sst s5;
	s15 =	sadd.s32 $0x400, s1;
	s10 =	sadd.s32 $0x1E00, s1  }
0x7: {  	s6 =	sshll.u32 s6, $0xC;
	s11 =	sadd.s32 $0x480, s1;
	s9 =	sor.u32 s0, s8  }
0x8: {  	s2 =	sand.u32 $0x38, s2;
	s0 =	ssub.s32 $0x2, s0;
	s22 =	sor.u32 $0x40, s8  }
0x9: {  	s23 =	sor.u32 $0x60, s8;
	s4 =	sshll.u32 s9, $0x1;
	s16 =	sshrl.u32 s0, $0x1  }
0xa: {  	s17 =	sshll.u32 s9, $0x8;
	s20 =	sand.u32 $0x3, s9;
	s4 =	sand.u32 $0x6, s4  }
0xb: {  	s0 =	ssub.s32 s0, s16;
	s19 =	sor.u32 s17, s6;
	[dreg:$0x5] =	wrdreg s4  }
0xc: {  	s21 =	sand.u32 $0x300, s17;
	_ =	strace $0x80000047;
	[dreg:$0x9] =	wrdreg s15  }
0xd: {  	s16 =	sadd.s32 $0x500, s1;
	s17 =	sadd.s32 $0x580, s1;
	[dreg:$0x6] =	wrdreg s10  }
0xe: {  	p0 =	sne.s32 s20, $0x0;
	s20 =	simm.s32 $0x6;
	[dreg:$0x4] =	wrdreg s9  }
0xf: {  	s2 =	sor.u32 s2, s4;
	s4 =	sand.u32 $0xE300, s19;
	[dreg:$0xa] =	wrdreg s22  }
0x10: {  	s7 =	smov.u32 s21;
	s0 =	smax.u32 s0, $0x1;
	[dreg:$0x3] =	wrdreg s8  }
0x11: {  	s2 =	smul.u32 $0xB60, s2;
	s19 =	sor.u32 $0x1A0000, s4;
	[dreg:$0xc] =	wrdreg s23  }
0x12: {  	s26 =	sor.u32 $0x350000, s4;
	[dreg:$0x10] =	wrdreg s0;
	s23 =	simm.s32 $0xB600  }
0x13: {  	s0 =	simm.s32 $0x17C00;
	s4 =	simm.s32 $0x0;
	[dreg:$0xf] =	wrdreg s26  }
0x14: {  	s24 =	sshrl.u32 s19, $0x3;
	[dreg:$0xb] =	wrdreg s19;
	s10 =	sadd.s32 s10, s2  }
0x15: {  	s25 =	sadd.s32 s3, s24;
	s24 =	simm.s32 $0x16C00;
	[dreg:$0x7] =	wrdreg s10  }
0x16: {  	s18 =	sadd.s32 $0x2D800, s10;
	[dreg:$0xd] =	wrdreg s25;
	s1 =	sadd.s32 $0x36000, s25  }
0x17: {  	s25 =	simm.s32 $0x17000;
	s10 =	simm.s32 $0x5;
	[dreg:$0x8] =	wrdreg s18  }
0x18: {  	s18 =	sor.u32 $0x1B0000, s21;
	[dreg:$0xe] =	wrdreg s1;
	s1 =	simm.s32 $0x4  }
.LBB2_1:
0x19: {  	[dreg:$0x11] =	wrdreg s4  }
0x1a: {  	s2 =	rddreg [dreg:$0x7]  }
0x1b: {  	[tilespmem:s5], [sflag:$0x1] =	stream.linear.gather [hbm4b:s2+s5], $0xB600, $0x38;
	[tilespmem:$0x18400] =	vst v63  }
0x1c: {  	s26 =	rddreg [dreg:$0x8];
	s19 =	simm.s32 $0x0  }
0x1d: {  	[tilespmem:s23], [sflag:$0x2] =	stream.linear.gather [hbm4b:s26+s5], $0xB600, $0x38;
	[tilespmem:$0x18400] =	vst v63  }
.LBB2_2:
0x1e: {  	s2 =	simm.s32 $0x0;
	s4 =	rddreg [dreg:$0x9]  }
0x1f: {  	[tilespmem:s24], [sflag:$0x3] =	stream.linear.gather [hbm4b:s4+s2], $0x400, $0x38;
	[tilespmem:$0x18400] =	vst v63  }
0x20: {  	s26 =	simm.s32 $0x1  }
0x21: {  	[tilespmem:s25], [sflag:$0x4] =	stream.linear.gather [hbm4b:s11+s2], $0x400, $0x38;
	[tilespmem:$0x18400] =	vst v63  }
0x22: {  	_ =	swait.ge [sflag:s26], $0xB600  }
0x23: {  	[sflag:s26] =	ssyncset.done $0x0  }
0x24: {  	[sflag:s26] =	ssyncadd.s32 $0xFFFF4A00  }
0x25: {  	_ =	swait.ge [sflag:s28], $0x400  }
0x26: {  	s9 =	simm.s32 $0x30;
	[sflag:s28] =	ssyncset.done $0x0  }
0x27: {  	s13 =	simm.s32 $0x16C20;
	s4 =	simm.s32 $0xFFFFFFFC;
	[sflag:s28] =	ssyncadd.s32 $0xFFFFFC00  }
.LBB2_3:
0x28: {  	v0 =	vld [tilespmem:s13+$0xFFFFFFE0];
	_ =	sdelay $0x7  }
0x29: {  	v1 =	vld.idx.msk [tilespmem:v0+s5+$0x0], $0xffff  }
0x2a: {  	v0 =	vadd.s32 $0x5B00, v0  }
0x2b: {  	s6 =	sadd.s32 $0xFFFFFFD0, s9;
	s14 =	sand.u32 $0x700, s2  }
0x2c: {  	s6 =	sand.u32 $0x40, s6;
	s14 =	sadd.s32 $0x17400, s14  }
0x2d: {  	s6 =	sor.u32 s6, s14  }
0x2e: {  	[tilespmem:s6+$0x0] =	vst v1  }
0x2f: {  	v0 =	vld.idx.msk [tilespmem:v0+s5+$0x0], $0xffff;
	_ =	sdelay $0x4  }
0x30: {  	[tilespmem:s6+$0x80] =	vst v0  }
0x31: {  	v0 =	vld [tilespmem:s13+$0xFFFFFFF0];
	_ =	sdelay $0x7  }
0x32: {  	v1 =	vld.idx.msk [tilespmem:v0+s5+$0x0], $0xffff  }
0x33: {  	v0 =	vadd.s32 $0x5B00, v0  }
0x34: {  	s21 =	sadd.s32 $0xFFFFFFE0, s9  }
0x35: {  	s6 =	sand.u32 $0x50, s21  }
0x36: {  	s6 =	sor.u32 s6, s14  }
0x37: {  	[tilespmem:s6+$0x0] =	vst v1  }
0x38: {  	v0 =	vld.idx.msk [tilespmem:v0+s5+$0x0], $0xffff;
	_ =	sdelay $0x4  }
0x39: {  	[tilespmem:s6+$0x80] =	vst v0  }
0x3a: {  	v0 =	vld [tilespmem:s13+$0x0];
	_ =	sdelay $0x7  }
0x3b: {  	v1 =	vld.idx.msk [tilespmem:v0+s5+$0x0], $0xffff  }
0x3c: {  	v0 =	vadd.s32 $0x5B00, v0  }
0x3d: {  	s22 =	sadd.s32 $0xFFFFFFF0, s9  }
0x3e: {  	s6 =	sand.u32 $0x60, s22  }
0x3f: {  	s6 =	sor.u32 s6, s14  }
0x40: {  	[tilespmem:s6+$0x0] =	vst v1  }
0x41: {  	v0 =	vld.idx.msk [tilespmem:v0+s5+$0x0], $0xffff;
	_ =	sdelay $0x4  }
0x42: {  	[tilespmem:s6+$0x80] =	vst v0  }
0x43: {  	v0 =	vld [tilespmem:s13+$0x10];
	_ =	sdelay $0x7  }
0x44: {  	v1 =	vld.idx.msk [tilespmem:v0+s5+$0x0], $0xffff  }
0x45: {  	v0 =	vadd.s32 $0x5B00, v0;
	_ =	sdelay $0x1  }
0x46: {  	s26 =	sand.u32 $0x70, s9  }
0x47: {  	s6 =	sor.u32 s26, s14  }
0x48: {  	s4 =	sadd.s32 $0x4, s4;
	[tilespmem:s6+$0x0] =	vst v1  }
0x49: {  	p1 =	slt.u32 s4, $0x3C;
	v0 =	vld.idx.msk [tilespmem:v0+s5+$0x0], $0xffff  }
.Ltmp0:
0x4a: {  	_ = 	snop;
	(pc) =	sbr.rel @p1 .LBB2_3-.Ltmp0, $2  }
0x4b: {  	_ =	sdelay $0x2  }
0x4c: {  	s9 =	sadd.s32 $0x40, s9;
	s2 =	sadd.s32 $0x80, s2;
	s13 =	sadd.s32 $0x40, s13;
	[tilespmem:s6+$0x80] =	vst v0  }
0x4d: {  	s9 =	sshll.u32 s19, $0x6;
	s2 =	rddreg [dreg:$0x4]  }
0x4e: {  	s2 =	sor.u32 s2, s9  }
0x4f: {  	p1 =	seq.s32 s2, $0x0  }
0x50: {  	p1 =	por !p0, !p1  }
0x51: {  	s4 =	simm.s32 $0x1;
	p1 =	por !p1, !p1  }
0x52: {  	s2 =	sshrl.u32 s2, $0x2;
	s4 =	simm.s32 @!p1 $0x0  }
0x53: {  	s2 =	ssub.s32 s2, s4  }
0x54: {  	s2 =	sshll.u32 s2, $0xD  }
0x55: {  	s15 =	sor.u32 s7, s2  }
0x56: {  	s26 =	sshrl.u32 s15, $0x3  }
0x57: {  	s4 =	sadd.s32 s3, s26  }
0x58: {  	[hbm4b:s4+s29] =	stream.strided.scatter [tilespmem:s31], [sflag:$0x5], $0x800, s30, s29, $0x38;
	[tilespmem:$0x18400] =	vst v63  }
0x59: {  	s4 =	simm.s32 $0x0  }
0x5a: {  	[tilespmem:s24], [sflag:$0x3] =	stream.linear.gather [hbm4b:s16+s4], $0x400, $0x38;
	[tilespmem:$0x18400] =	vst v63  }
0x5b: {  	_ =	swait.ge [sflag:s1], $0x400  }
0x5c: {  	s13 =	simm.s32 $0xFFFFFFFC;
	[sflag:s1] =	ssyncset.done $0x0  }
0x5d: {  	s14 =	simm.s32 $0x30;
	s21 =	simm.s32 $0x17020;
	[sflag:s1] =	ssyncadd.s32 $0xFFFFFC00  }
.LBB2_5:
0x5e: {  	v0 =	vld [tilespmem:s21+$0xFFFFFFE0];
	_ =	sdelay $0x7  }
0x5f: {  	v1 =	vld.idx.msk [tilespmem:v0+s5+$0x0], $0xffff  }
0x60: {  	v0 =	vadd.s32 $0x5B00, v0  }
0x61: {  	s6 =	sadd.s32 $0xFFFFFFD0, s14;
	s22 =	sand.u32 $0x700, s4  }
0x62: {  	s6 =	sand.u32 $0x40, s6;
	s22 =	sadd.s32 $0x17C00, s22  }
0x63: {  	s6 =	sor.u32 s6, s22  }
0x64: {  	[tilespmem:s6+$0x0] =	vst v1  }
0x65: {  	v0 =	vld.idx.msk [tilespmem:v0+s5+$0x0], $0xffff;
	_ =	sdelay $0x4  }
0x66: {  	[tilespmem:s6+$0x80] =	vst v0  }
0x67: {  	v0 =	vld [tilespmem:s21+$0xFFFFFFF0];
	_ =	sdelay $0x7  }
0x68: {  	v1 =	vld.idx.msk [tilespmem:v0+s5+$0x0], $0xffff  }
0x69: {  	v0 =	vadd.s32 $0x5B00, v0  }
0x6a: {  	s8 =	sadd.s32 $0xFFFFFFE0, s14  }
0x6b: {  	s6 =	sand.u32 $0x50, s8  }
0x6c: {  	s6 =	sor.u32 s6, s22  }
0x6d: {  	[tilespmem:s6+$0x0] =	vst v1  }
0x6e: {  	v0 =	vld.idx.msk [tilespmem:v0+s5+$0x0], $0xffff;
	_ =	sdelay $0x4  }
0x6f: {  	[tilespmem:s6+$0x80] =	vst v0  }
0x70: {  	v0 =	vld [tilespmem:s21+$0x0];
	_ =	sdelay $0x7  }
0x71: {  	v1 =	vld.idx.msk [tilespmem:v0+s5+$0x0], $0xffff  }
0x72: {  	v0 =	vadd.s32 $0x5B00, v0  }
0x73: {  	s12 =	sadd.s32 $0xFFFFFFF0, s14  }
0x74: {  	s6 =	sand.u32 $0x60, s12  }
0x75: {  	s6 =	sor.u32 s6, s22  }
0x76: {  	[tilespmem:s6+$0x0] =	vst v1  }
0x77: {  	v0 =	vld.idx.msk [tilespmem:v0+s5+$0x0], $0xffff;
	_ =	sdelay $0x4  }
0x78: {  	[tilespmem:s6+$0x80] =	vst v0  }
0x79: {  	v0 =	vld [tilespmem:s21+$0x10];
	_ =	sdelay $0x7  }
0x7a: {  	v1 =	vld.idx.msk [tilespmem:v0+s5+$0x0], $0xffff  }
0x7b: {  	v0 =	vadd.s32 $0x5B00, v0;
	_ =	sdelay $0x1  }
0x7c: {  	s26 =	sand.u32 $0x70, s14  }
0x7d: {  	s6 =	sor.u32 s26, s22  }
0x7e: {  	s13 =	sadd.s32 $0x4, s13;
	[tilespmem:s6+$0x0] =	vst v1  }
0x7f: {  	p1 =	slt.u32 s13, $0x3C;
	v0 =	vld.idx.msk [tilespmem:v0+s5+$0x0], $0xffff  }
.Ltmp1:
0x80: {  	_ = 	snop;
	(pc) =	sbr.rel @p1 .LBB2_5-.Ltmp1, $2  }
0x81: {  	_ =	sdelay $0x2  }
0x82: {  	s14 =	sadd.s32 $0x40, s14;
	s4 =	sadd.s32 $0x80, s4;
	s21 =	sadd.s32 $0x40, s21;
	[tilespmem:s6+$0x80] =	vst v0  }
0x83: {  	s4 =	sadd.s32 $0x1B0000, s15  }
0x84: {  	s4 =	sshrl.u32 s4, $0x3  }
0x85: {  	s4 =	sadd.s32 s3, s4  }
0x86: {  	[hbm4b:s4+s29] =	stream.strided.scatter [tilespmem:s0], [sflag:$0x6], $0x800, s30, s29, $0x38;
	[tilespmem:$0x18400] =	vst v63  }
0x87: {  	s2 =	sadd.s32 s2, s18;
	s4 =	simm.s32 $0x1  }
0x88: {  	[tilespmem:s25], [sflag:$0x4] =	stream.linear.gather [hbm4b:s17+s5], $0x400, $0x38;
	[tilespmem:$0x18400] =	vst v63  }
.LBB2_7:
0x89: {  	_ =	swait.ge [sflag:s10], $0x800  }
0x8a: {  	[sflag:s10] =	ssyncset.done $0x0  }
0x8b: {  	[sflag:s10] =	ssyncadd.s32 $0xFFFFF800  }
0x8c: {  	_ =	swait.ge [sflag:s28], $0x400  }
0x8d: {  	s13 =	simm.s32 $0xFFFFFFFC;
	s14 =	simm.s32 $0x30;
	[sflag:s28] =	ssyncset.done $0x0  }
0x8e: {  	s21 =	simm.s32 $0x0;
	s22 =	simm.s32 $0x16C20;
	[sflag:s28] =	ssyncadd.s32 $0xFFFFFC00  }
.LBB2_8:
0x8f: {  	v0 =	vld [tilespmem:s22+$0xFFFFFFE0];
	_ =	sdelay $0x7  }
0x90: {  	v1 =	vld.idx.msk [tilespmem:v0+s5+$0x0], $0xffff  }
0x91: {  	v0 =	vadd.s32 $0x5B00, v0  }
0x92: {  	s6 =	sadd.s32 $0xFFFFFFD0, s14;
	s26 =	sand.u32 $0x700, s21  }
0x93: {  	s6 =	sand.u32 $0x40, s6;
	s26 =	sadd.s32 $0x17400, s26  }
0x94: {  	s6 =	sor.u32 s6, s26  }
0x95: {  	[tilespmem:s6+$0x0] =	vst v1  }
0x96: {  	v0 =	vld.idx.msk [tilespmem:v0+s5+$0x0], $0xffff;
	_ =	sdelay $0x4  }
0x97: {  	[tilespmem:s6+$0x80] =	vst v0  }
0x98: {  	v0 =	vld [tilespmem:s22+$0xFFFFFFF0];
	_ =	sdelay $0x7  }
0x99: {  	v1 =	vld.idx.msk [tilespmem:v0+s5+$0x0], $0xffff  }
0x9a: {  	v0 =	vadd.s32 $0x5B00, v0  }
0x9b: {  	s12 =	sadd.s32 $0xFFFFFFE0, s14  }
0x9c: {  	s6 =	sand.u32 $0x50, s12  }
0x9d: {  	s6 =	sor.u32 s6, s26  }
0x9e: {  	[tilespmem:s6+$0x0] =	vst v1  }
0x9f: {  	v0 =	vld.idx.msk [tilespmem:v0+s5+$0x0], $0xffff;
	_ =	sdelay $0x4  }
0xa0: {  	[tilespmem:s6+$0x80] =	vst v0  }
0xa1: {  	v0 =	vld [tilespmem:s22+$0x0];
	_ =	sdelay $0x7  }
0xa2: {  	v1 =	vld.idx.msk [tilespmem:v0+s5+$0x0], $0xffff  }
0xa3: {  	v0 =	vadd.s32 $0x5B00, v0  }
0xa4: {  	s8 =	sadd.s32 $0xFFFFFFF0, s14  }
0xa5: {  	s6 =	sand.u32 $0x60, s8  }
0xa6: {  	s6 =	sor.u32 s6, s26  }
0xa7: {  	[tilespmem:s6+$0x0] =	vst v1  }
0xa8: {  	v0 =	vld.idx.msk [tilespmem:v0+s5+$0x0], $0xffff;
	_ =	sdelay $0x4  }
0xa9: {  	[tilespmem:s6+$0x80] =	vst v0  }
0xaa: {  	v0 =	vld [tilespmem:s22+$0x10];
	_ =	sdelay $0x7  }
0xab: {  	v1 =	vld.idx.msk [tilespmem:v0+s5+$0x0], $0xffff  }
0xac: {  	v0 =	vadd.s32 $0x5B00, v0;
	_ =	sdelay $0x1  }
0xad: {  	s12 =	sand.u32 $0x70, s14  }
0xae: {  	s6 =	sor.u32 s12, s26  }
0xaf: {  	s13 =	sadd.s32 $0x4, s13;
	[tilespmem:s6+$0x0] =	vst v1  }
0xb0: {  	p1 =	slt.u32 s13, $0x3C;
	v0 =	vld.idx.msk [tilespmem:v0+s5+$0x0], $0xffff  }
.Ltmp2:
0xb1: {  	_ = 	snop;
	(pc) =	sbr.rel @p1 .LBB2_8-.Ltmp2, $2  }
0xb2: {  	_ =	sdelay $0x2  }
0xb3: {  	s21 =	sadd.s32 $0x80, s21;
	s14 =	sadd.s32 $0x40, s14;
	s22 =	sadd.s32 $0x40, s22;
	[tilespmem:s6+$0x80] =	vst v0  }
0xb4: {  	s14 =	smul.u32 $0x360000, s4;
	_ =	sdelay $0x1  }
0xb5: {  	s6 =	sadd.s32 s15, s14  }
0xb6: {  	s13 =	sshll.u32 s4, $0x1;
	s6 =	sshrl.u32 s6, $0x3  }
0xb7: {  	s26 =	smin.u32 s13, $0x2F;
	s6 =	sadd.s32 s3, s6  }
0xb8: {  	[hbm4b:s6+s29] =	stream.strided.scatter [tilespmem:s31], [sflag:$0x5], $0x800, s30, s29, $0x38;
	[tilespmem:$0x18400] =	vst v63  }
0xb9: {  	s6 =	sshll.u32 s26, $0x7  }
0xba: {  	s21 =	simm.s32 $0x0;
	s6 =	sadd.s32 s6, s16  }
0xbb: {  	[tilespmem:s24], [sflag:$0x3] =	stream.linear.gather [hbm4b:s6+s21], $0x400, $0x38;
	[tilespmem:$0x18400] =	vst v63  }
0xbc: {  	_ =	swait.ge [sflag:s20], $0x800  }
0xbd: {  	[sflag:s20] =	ssyncset.done $0x0  }
0xbe: {  	[sflag:s20] =	ssyncadd.s32 $0xFFFFF800  }
0xbf: {  	_ =	swait.ge [sflag:s1], $0x400  }
0xc0: {  	s22 =	simm.s32 $0xFFFFFFFC;
	[sflag:s1] =	ssyncset.done $0x0  }
0xc1: {  	s26 =	simm.s32 $0x30;
	s6 =	simm.s32 $0x17020;
	[sflag:s1] =	ssyncadd.s32 $0xFFFFFC00  }
.LBB2_10:
0xc2: {  	v0 =	vld [tilespmem:s6+$0xFFFFFFE0];
	_ =	sdelay $0x7  }
0xc3: {  	v1 =	vld.idx.msk [tilespmem:v0+s5+$0x0], $0xffff  }
0xc4: {  	v0 =	vadd.s32 $0x5B00, v0  }
0xc5: {  	s8 =	sadd.s32 $0xFFFFFFD0, s26;
	s12 =	sand.u32 $0x700, s21  }
0xc6: {  	s8 =	sand.u32 $0x40, s8;
	s12 =	sadd.s32 $0x17C00, s12  }
0xc7: {  	s8 =	sor.u32 s8, s12  }
0xc8: {  	[tilespmem:s8+$0x0] =	vst v1  }
0xc9: {  	v0 =	vld.idx.msk [tilespmem:v0+s5+$0x0], $0xffff;
	_ =	sdelay $0x4  }
0xca: {  	[tilespmem:s8+$0x80] =	vst v0  }
0xcb: {  	v0 =	vld [tilespmem:s6+$0xFFFFFFF0];
	_ =	sdelay $0x7  }
0xcc: {  	v1 =	vld.idx.msk [tilespmem:v0+s5+$0x0], $0xffff  }
0xcd: {  	v0 =	vadd.s32 $0x5B00, v0  }
0xce: {  	s8 =	sadd.s32 $0xFFFFFFE0, s26  }
0xcf: {  	s8 =	sand.u32 $0x50, s8  }
0xd0: {  	s8 =	sor.u32 s8, s12  }
0xd1: {  	[tilespmem:s8+$0x0] =	vst v1  }
0xd2: {  	v0 =	vld.idx.msk [tilespmem:v0+s5+$0x0], $0xffff;
	_ =	sdelay $0x4  }
0xd3: {  	[tilespmem:s8+$0x80] =	vst v0  }
0xd4: {  	v0 =	vld [tilespmem:s6+$0x0];
	_ =	sdelay $0x7  }
0xd5: {  	v1 =	vld.idx.msk [tilespmem:v0+s5+$0x0], $0xffff  }
0xd6: {  	v0 =	vadd.s32 $0x5B00, v0  }
0xd7: {  	s8 =	sadd.s32 $0xFFFFFFF0, s26  }
0xd8: {  	s8 =	sand.u32 $0x60, s8  }
0xd9: {  	s8 =	sor.u32 s8, s12  }
0xda: {  	[tilespmem:s8+$0x0] =	vst v1  }
0xdb: {  	v0 =	vld.idx.msk [tilespmem:v0+s5+$0x0], $0xffff;
	_ =	sdelay $0x4  }
0xdc: {  	[tilespmem:s8+$0x80] =	vst v0  }
0xdd: {  	v0 =	vld [tilespmem:s6+$0x10];
	_ =	sdelay $0x7  }
0xde: {  	v1 =	vld.idx.msk [tilespmem:v0+s5+$0x0], $0xffff  }
0xdf: {  	v0 =	vadd.s32 $0x5B00, v0;
	_ =	sdelay $0x1  }
0xe0: {  	s8 =	sand.u32 $0x70, s26  }
0xe1: {  	s8 =	sor.u32 s8, s12  }
0xe2: {  	s22 =	sadd.s32 $0x4, s22;
	[tilespmem:s8+$0x0] =	vst v1  }
0xe3: {  	p1 =	slt.u32 s22, $0x3C;
	v0 =	vld.idx.msk [tilespmem:v0+s5+$0x0], $0xffff  }
.Ltmp3:
0xe4: {  	_ = 	snop;
	(pc) =	sbr.rel @p1 .LBB2_10-.Ltmp3, $2  }
0xe5: {  	_ =	sdelay $0x2  }
0xe6: {  	s21 =	sadd.s32 $0x80, s21;
	s26 =	sadd.s32 $0x40, s26;
	s6 =	sadd.s32 $0x40, s6;
	[tilespmem:s8+$0x80] =	vst v0  }
0xe7: {  	s6 =	sadd.s32 s14, s2;
	s4 =	sadd.s32 $0x1, s4  }
0xe8: {  	s6 =	sshrl.u32 s6, $0x3;
	p1 =	sne.s32 s4, $0x19  }
.Ltmp4:
0xe9: {  	s26 =	smin.u32 s13, $0x2E;
	s6 =	sadd.s32 s3, s6;
	(pc) =	sbr.rel @p1 .LBB2_7-.Ltmp4, $4  }
0xea: {  	[hbm4b:s6+s29] =	stream.strided.scatter [tilespmem:s0], [sflag:$0x6], $0x800, s30, s29, $0x38;
	[tilespmem:$0x18400] =	vst v63  }
0xeb: {  	s6 =	sshll.u32 s26, $0x7  }
0xec: {  	s6 =	sadd.s32 s6, s17  }
0xed: {  	[tilespmem:s25], [sflag:$0x4] =	stream.linear.gather [hbm4b:s6+s5], $0x400, $0x38;
	[tilespmem:$0x18400] =	vst v63  }
0xee: {  	_ =	swait.ge [sflag:s10], $0x800  }
0xef: {  	[sflag:s10] =	ssyncset.done $0x0  }
0xf0: {  	[sflag:s10] =	ssyncadd.s32 $0xFFFFF800  }
0xf1: {  	_ =	swait.ge [sflag:s20], $0x800  }
0xf2: {  	[sflag:s20] =	ssyncset.done $0x0;
	s2 =	rddreg [dreg:$0xa]  }
0xf3: {  	[sflag:s20] =	ssyncadd.s32 $0xFFFFF800;
	s2 =	sadd.s32 s2, s9  }
0xf4: {  	_ =	swait.ge [sflag:s28], $0x400;
	s2 =	sshll.u32 s2, $0x1  }
0xf5: {  	[sflag:s28] =	ssyncset.done $0x0;
	s2 =	sand.u32 $0xFB8, s2;
	s4 =	rddreg [dreg:$0x5]  }
0xf6: {  	[sflag:s28] =	ssyncadd.s32 $0xFFFFFC00;
	s2 =	sor.u32 s4, s2  }
0xf7: {  	_ =	swait.ge [sflag:s1], $0x400;
	s2 =	smul.u32 $0xB60, s2  }
0xf8: {  	[sflag:s1] =	ssyncset.done $0x0;
	s21 =	rddreg [dreg:$0x6]  }
0xf9: {  	[sflag:s1] =	ssyncadd.s32 $0xFFFFFC00;
	s4 =	sadd.s32 s21, s2;
	s2 =	simm.s32 $0x0  }
0xfa: {  	[tilespmem:s2], [sflag:$0x1] =	stream.linear.gather [hbm4b:s4+s2], $0xB600, $0x38;
	[tilespmem:$0x18400] =	vst v63  }
0xfb: {  	s22 =	rddreg [dreg:$0x9]  }
0xfc: {  	[tilespmem:s24], [sflag:$0x3] =	stream.linear.gather [hbm4b:s22+s2], $0x400, $0x38;
	[tilespmem:$0x18400] =	vst v63  }
0xfd: {  	s26 =	simm.s32 $0x2  }
0xfe: {  	[tilespmem:s25], [sflag:$0x4] =	stream.linear.gather [hbm4b:s11+s2], $0x400, $0x38;
	[tilespmem:$0x18400] =	vst v63  }
0xff: {  	_ =	swait.ge [sflag:s26], $0xB600  }
0x100: {  	[sflag:s26] =	ssyncset.done $0x0  }
0x101: {  	[sflag:s26] =	ssyncadd.s32 $0xFFFF4A00  }
0x102: {  	_ =	swait.ge [sflag:s28], $0x400  }
0x103: {  	s13 =	simm.s32 $0x30;
	[sflag:s28] =	ssyncset.done $0x0  }
0x104: {  	s6 =	simm.s32 $0x16C20;
	s4 =	simm.s32 $0xFFFFFFFC;
	[sflag:s28] =	ssyncadd.s32 $0xFFFFFC00  }
.LBB2_13:
0x105: {  	v0 =	vld [tilespmem:s6+$0xFFFFFFE0];
	_ =	sdelay $0x7  }
0x106: {  	v1 =	vld.idx.msk [tilespmem:v0+s23+$0x0], $0xffff  }
0x107: {  	v0 =	vadd.s32 $0x5B00, v0  }
0x108: {  	s8 =	sadd.s32 $0xFFFFFFD0, s13;
	s12 =	sand.u32 $0x700, s2  }
0x109: {  	s8 =	sand.u32 $0x40, s8;
	s12 =	sadd.s32 $0x17400, s12  }
0x10a: {  	s8 =	sor.u32 s8, s12  }
0x10b: {  	[tilespmem:s8+$0x0] =	vst v1  }
0x10c: {  	v0 =	vld.idx.msk [tilespmem:v0+s23+$0x0], $0xffff;
	_ =	sdelay $0x4  }
0x10d: {  	[tilespmem:s8+$0x80] =	vst v0  }
0x10e: {  	v0 =	vld [tilespmem:s6+$0xFFFFFFF0];
	_ =	sdelay $0x7  }
0x10f: {  	v1 =	vld.idx.msk [tilespmem:v0+s23+$0x0], $0xffff  }
0x110: {  	v0 =	vadd.s32 $0x5B00, v0  }
0x111: {  	s21 =	sadd.s32 $0xFFFFFFE0, s13  }
0x112: {  	s8 =	sand.u32 $0x50, s21  }
0x113: {  	s8 =	sor.u32 s8, s12  }
0x114: {  	[tilespmem:s8+$0x0] =	vst v1  }
0x115: {  	v0 =	vld.idx.msk [tilespmem:v0+s23+$0x0], $0xffff;
	_ =	sdelay $0x4  }
0x116: {  	[tilespmem:s8+$0x80] =	vst v0  }
0x117: {  	v0 =	vld [tilespmem:s6+$0x0];
	_ =	sdelay $0x7  }
0x118: {  	v1 =	vld.idx.msk [tilespmem:v0+s23+$0x0], $0xffff  }
0x119: {  	v0 =	vadd.s32 $0x5B00, v0  }
0x11a: {  	s22 =	sadd.s32 $0xFFFFFFF0, s13  }
0x11b: {  	s8 =	sand.u32 $0x60, s22  }
0x11c: {  	s8 =	sor.u32 s8, s12  }
0x11d: {  	[tilespmem:s8+$0x0] =	vst v1  }
0x11e: {  	v0 =	vld.idx.msk [tilespmem:v0+s23+$0x0], $0xffff;
	_ =	sdelay $0x4  }
0x11f: {  	[tilespmem:s8+$0x80] =	vst v0  }
0x120: {  	v0 =	vld [tilespmem:s6+$0x10];
	_ =	sdelay $0x7  }
0x121: {  	v1 =	vld.idx.msk [tilespmem:v0+s23+$0x0], $0xffff  }
0x122: {  	v0 =	vadd.s32 $0x5B00, v0;
	_ =	sdelay $0x1  }
0x123: {  	s26 =	sand.u32 $0x70, s13  }
0x124: {  	s8 =	sor.u32 s26, s12  }
0x125: {  	s4 =	sadd.s32 $0x4, s4;
	[tilespmem:s8+$0x0] =	vst v1  }
0x126: {  	p1 =	slt.u32 s4, $0x3C;
	v0 =	vld.idx.msk [tilespmem:v0+s23+$0x0], $0xffff  }
.Ltmp5:
0x127: {  	_ = 	snop;
	(pc) =	sbr.rel @p1 .LBB2_13-.Ltmp5, $2  }
0x128: {  	_ =	sdelay $0x2  }
0x129: {  	s13 =	sadd.s32 $0x40, s13;
	s2 =	sadd.s32 $0x80, s2;
	s6 =	sadd.s32 $0x40, s6;
	[tilespmem:s8+$0x80] =	vst v0  }
0x12a: {  	s2 =	rddreg [dreg:$0x3]  }
0x12b: {  	s2 =	sor.u32 s2, s9  }
0x12c: {  	s2 =	sshll.u32 s2, $0xB  }
0x12d: {  	s2 =	sand.u32 $0x1EE000, s2  }
0x12e: {  	s2 =	sor.u32 $0x10000, s2  }
0x12f: {  	s15 =	sor.u32 s7, s2  }
0x130: {  	s4 =	sshrl.u32 s15, $0x3  }
0x131: {  	s4 =	sadd.s32 s3, s4  }
0x132: {  	[hbm4b:s4+s29] =	stream.strided.scatter [tilespmem:s31], [sflag:$0x5], $0x800, s30, s29, $0x38;
	[tilespmem:$0x18400] =	vst v63  }
0x133: {  	s13 =	simm.s32 $0x0  }
0x134: {  	[tilespmem:s24], [sflag:$0x3] =	stream.linear.gather [hbm4b:s16+s13], $0x400, $0x38;
	[tilespmem:$0x18400] =	vst v63  }
0x135: {  	_ =	swait.ge [sflag:s1], $0x400  }
0x136: {  	s14 =	simm.s32 $0xFFFFFFFC;
	[sflag:s1] =	ssyncset.done $0x0  }
0x137: {  	s21 =	simm.s32 $0x30;
	s6 =	simm.s32 $0x17020;
	[sflag:s1] =	ssyncadd.s32 $0xFFFFFC00  }
.LBB2_15:
0x138: {  	v0 =	vld [tilespmem:s6+$0xFFFFFFE0];
	_ =	sdelay $0x7  }
0x139: {  	v1 =	vld.idx.msk [tilespmem:v0+s23+$0x0], $0xffff  }
0x13a: {  	v0 =	vadd.s32 $0x5B00, v0  }
0x13b: {  	s8 =	sadd.s32 $0xFFFFFFD0, s21;
	s12 =	sand.u32 $0x700, s13  }
0x13c: {  	s8 =	sand.u32 $0x40, s8;
	s12 =	sadd.s32 $0x17C00, s12  }
0x13d: {  	s8 =	sor.u32 s8, s12  }
0x13e: {  	[tilespmem:s8+$0x0] =	vst v1  }
0x13f: {  	v0 =	vld.idx.msk [tilespmem:v0+s23+$0x0], $0xffff;
	_ =	sdelay $0x4  }
0x140: {  	[tilespmem:s8+$0x80] =	vst v0  }
0x141: {  	v0 =	vld [tilespmem:s6+$0xFFFFFFF0];
	_ =	sdelay $0x7  }
0x142: {  	v1 =	vld.idx.msk [tilespmem:v0+s23+$0x0], $0xffff  }
0x143: {  	v0 =	vadd.s32 $0x5B00, v0  }
0x144: {  	s26 =	sadd.s32 $0xFFFFFFE0, s21  }
0x145: {  	s8 =	sand.u32 $0x50, s26  }
0x146: {  	s8 =	sor.u32 s8, s12  }
0x147: {  	[tilespmem:s8+$0x0] =	vst v1  }
0x148: {  	v0 =	vld.idx.msk [tilespmem:v0+s23+$0x0], $0xffff;
	_ =	sdelay $0x4  }
0x149: {  	[tilespmem:s8+$0x80] =	vst v0  }
0x14a: {  	v0 =	vld [tilespmem:s6+$0x0];
	_ =	sdelay $0x7  }
0x14b: {  	v1 =	vld.idx.msk [tilespmem:v0+s23+$0x0], $0xffff  }
0x14c: {  	v0 =	vadd.s32 $0x5B00, v0  }
0x14d: {  	s22 =	sadd.s32 $0xFFFFFFF0, s21  }
0x14e: {  	s8 =	sand.u32 $0x60, s22  }
0x14f: {  	s8 =	sor.u32 s8, s12  }
0x150: {  	[tilespmem:s8+$0x0] =	vst v1  }
0x151: {  	v0 =	vld.idx.msk [tilespmem:v0+s23+$0x0], $0xffff;
	_ =	sdelay $0x4  }
0x152: {  	[tilespmem:s8+$0x80] =	vst v0  }
0x153: {  	v0 =	vld [tilespmem:s6+$0x10];
	_ =	sdelay $0x7  }
0x154: {  	v1 =	vld.idx.msk [tilespmem:v0+s23+$0x0], $0xffff  }
0x155: {  	v0 =	vadd.s32 $0x5B00, v0;
	_ =	sdelay $0x1  }
0x156: {  	s26 =	sand.u32 $0x70, s21  }
0x157: {  	s8 =	sor.u32 s26, s12  }
0x158: {  	s14 =	sadd.s32 $0x4, s14;
	[tilespmem:s8+$0x0] =	vst v1  }
0x159: {  	p1 =	slt.u32 s14, $0x3C;
	v0 =	vld.idx.msk [tilespmem:v0+s23+$0x0], $0xffff  }
.Ltmp6:
0x15a: {  	_ = 	snop;
	(pc) =	sbr.rel @p1 .LBB2_15-.Ltmp6, $2  }
0x15b: {  	_ =	sdelay $0x2  }
0x15c: {  	s13 =	sadd.s32 $0x80, s13;
	s21 =	sadd.s32 $0x40, s21;
	s6 =	sadd.s32 $0x40, s6;
	[tilespmem:s8+$0x80] =	vst v0  }
0x15d: {  	s4 =	sadd.s32 $0x36000, s4  }
0x15e: {  	[hbm4b:s4+s29] =	stream.strided.scatter [tilespmem:s0], [sflag:$0x6], $0x800, s30, s29, $0x38;
	[tilespmem:$0x18400] =	vst v63  }
0x15f: {  	s2 =	sadd.s32 s2, s18;
	s4 =	simm.s32 $0x1  }
0x160: {  	[tilespmem:s25], [sflag:$0x4] =	stream.linear.gather [hbm4b:s17+s5], $0x400, $0x38;
	[tilespmem:$0x18400] =	vst v63  }
.LBB2_17:
0x161: {  	_ =	swait.ge [sflag:s10], $0x800  }
0x162: {  	[sflag:s10] =	ssyncset.done $0x0  }
0x163: {  	[sflag:s10] =	ssyncadd.s32 $0xFFFFF800  }
0x164: {  	_ =	swait.ge [sflag:s28], $0x400  }
0x165: {  	s13 =	simm.s32 $0xFFFFFFFC;
	s14 =	simm.s32 $0x30;
	[sflag:s28] =	ssyncset.done $0x0  }
0x166: {  	s21 =	simm.s32 $0x0;
	s6 =	simm.s32 $0x16C20;
	[sflag:s28] =	ssyncadd.s32 $0xFFFFFC00  }
.LBB2_18:
0x167: {  	v0 =	vld [tilespmem:s6+$0xFFFFFFE0];
	_ =	sdelay $0x7  }
0x168: {  	v1 =	vld.idx.msk [tilespmem:v0+s23+$0x0], $0xffff  }
0x169: {  	v0 =	vadd.s32 $0x5B00, v0  }
0x16a: {  	s8 =	sadd.s32 $0xFFFFFFD0, s14;
	s12 =	sand.u32 $0x700, s21  }
0x16b: {  	s8 =	sand.u32 $0x40, s8;
	s12 =	sadd.s32 $0x17400, s12  }
0x16c: {  	s8 =	sor.u32 s8, s12  }
0x16d: {  	[tilespmem:s8+$0x0] =	vst v1  }
0x16e: {  	v0 =	vld.idx.msk [tilespmem:v0+s23+$0x0], $0xffff;
	_ =	sdelay $0x4  }
0x16f: {  	[tilespmem:s8+$0x80] =	vst v0  }
0x170: {  	v0 =	vld [tilespmem:s6+$0xFFFFFFF0];
	_ =	sdelay $0x7  }
0x171: {  	v1 =	vld.idx.msk [tilespmem:v0+s23+$0x0], $0xffff  }
0x172: {  	v0 =	vadd.s32 $0x5B00, v0  }
0x173: {  	s26 =	sadd.s32 $0xFFFFFFE0, s14  }
0x174: {  	s8 =	sand.u32 $0x50, s26  }
0x175: {  	s8 =	sor.u32 s8, s12  }
0x176: {  	[tilespmem:s8+$0x0] =	vst v1  }
0x177: {  	v0 =	vld.idx.msk [tilespmem:v0+s23+$0x0], $0xffff;
	_ =	sdelay $0x4  }
0x178: {  	[tilespmem:s8+$0x80] =	vst v0  }
0x179: {  	v0 =	vld [tilespmem:s6+$0x0];
	_ =	sdelay $0x7  }
0x17a: {  	v1 =	vld.idx.msk [tilespmem:v0+s23+$0x0], $0xffff  }
0x17b: {  	v0 =	vadd.s32 $0x5B00, v0  }
0x17c: {  	s22 =	sadd.s32 $0xFFFFFFF0, s14  }
0x17d: {  	s8 =	sand.u32 $0x60, s22  }
0x17e: {  	s8 =	sor.u32 s8, s12  }
0x17f: {  	[tilespmem:s8+$0x0] =	vst v1  }
0x180: {  	v0 =	vld.idx.msk [tilespmem:v0+s23+$0x0], $0xffff;
	_ =	sdelay $0x4  }
0x181: {  	[tilespmem:s8+$0x80] =	vst v0  }
0x182: {  	v0 =	vld [tilespmem:s6+$0x10];
	_ =	sdelay $0x7  }
0x183: {  	v1 =	vld.idx.msk [tilespmem:v0+s23+$0x0], $0xffff  }
0x184: {  	v0 =	vadd.s32 $0x5B00, v0;
	_ =	sdelay $0x1  }
0x185: {  	s26 =	sand.u32 $0x70, s14  }
0x186: {  	s8 =	sor.u32 s26, s12  }
0x187: {  	s13 =	sadd.s32 $0x4, s13;
	[tilespmem:s8+$0x0] =	vst v1  }
0x188: {  	p1 =	slt.u32 s13, $0x3C;
	v0 =	vld.idx.msk [tilespmem:v0+s23+$0x0], $0xffff  }
.Ltmp7:
0x189: {  	_ = 	snop;
	(pc) =	sbr.rel @p1 .LBB2_18-.Ltmp7, $2  }
0x18a: {  	_ =	sdelay $0x2  }
0x18b: {  	s21 =	sadd.s32 $0x80, s21;
	s14 =	sadd.s32 $0x40, s14;
	s6 =	sadd.s32 $0x40, s6;
	[tilespmem:s8+$0x80] =	vst v0  }
0x18c: {  	s14 =	smul.u32 $0x360000, s4;
	_ =	sdelay $0x1  }
0x18d: {  	s6 =	sadd.s32 s15, s14  }
0x18e: {  	s13 =	sshll.u32 s4, $0x1;
	s6 =	sshrl.u32 s6, $0x3  }
0x18f: {  	s26 =	smin.u32 s13, $0x2F;
	s6 =	sadd.s32 s3, s6  }
0x190: {  	[hbm4b:s6+s29] =	stream.strided.scatter [tilespmem:s31], [sflag:$0x5], $0x800, s30, s29, $0x38;
	[tilespmem:$0x18400] =	vst v63  }
0x191: {  	s6 =	sshll.u32 s26, $0x7  }
0x192: {  	s21 =	simm.s32 $0x0;
	s6 =	sadd.s32 s6, s16  }
0x193: {  	[tilespmem:s24], [sflag:$0x3] =	stream.linear.gather [hbm4b:s6+s21], $0x400, $0x38;
	[tilespmem:$0x18400] =	vst v63  }
0x194: {  	_ =	swait.ge [sflag:s20], $0x800  }
0x195: {  	[sflag:s20] =	ssyncset.done $0x0  }
0x196: {  	[sflag:s20] =	ssyncadd.s32 $0xFFFFF800  }
0x197: {  	_ =	swait.ge [sflag:s1], $0x400  }
0x198: {  	s22 =	simm.s32 $0xFFFFFFFC;
	[sflag:s1] =	ssyncset.done $0x0  }
0x199: {  	s26 =	simm.s32 $0x30;
	s6 =	simm.s32 $0x17020;
	[sflag:s1] =	ssyncadd.s32 $0xFFFFFC00  }
.LBB2_20:
0x19a: {  	v0 =	vld [tilespmem:s6+$0xFFFFFFE0];
	_ =	sdelay $0x7  }
0x19b: {  	v1 =	vld.idx.msk [tilespmem:v0+s23+$0x0], $0xffff  }
0x19c: {  	v0 =	vadd.s32 $0x5B00, v0  }
0x19d: {  	s8 =	sadd.s32 $0xFFFFFFD0, s26;
	s12 =	sand.u32 $0x700, s21  }
0x19e: {  	s8 =	sand.u32 $0x40, s8;
	s12 =	sadd.s32 $0x17C00, s12  }
0x19f: {  	s8 =	sor.u32 s8, s12  }
0x1a0: {  	[tilespmem:s8+$0x0] =	vst v1  }
0x1a1: {  	v0 =	vld.idx.msk [tilespmem:v0+s23+$0x0], $0xffff;
	_ =	sdelay $0x4  }
0x1a2: {  	[tilespmem:s8+$0x80] =	vst v0  }
0x1a3: {  	v0 =	vld [tilespmem:s6+$0xFFFFFFF0];
	_ =	sdelay $0x7  }
0x1a4: {  	v1 =	vld.idx.msk [tilespmem:v0+s23+$0x0], $0xffff  }
0x1a5: {  	v0 =	vadd.s32 $0x5B00, v0  }
0x1a6: {  	s8 =	sadd.s32 $0xFFFFFFE0, s26  }
0x1a7: {  	s8 =	sand.u32 $0x50, s8  }
0x1a8: {  	s8 =	sor.u32 s8, s12  }
0x1a9: {  	[tilespmem:s8+$0x0] =	vst v1  }
0x1aa: {  	v0 =	vld.idx.msk [tilespmem:v0+s23+$0x0], $0xffff;
	_ =	sdelay $0x4  }
0x1ab: {  	[tilespmem:s8+$0x80] =	vst v0  }
0x1ac: {  	v0 =	vld [tilespmem:s6+$0x0];
	_ =	sdelay $0x7  }
0x1ad: {  	v1 =	vld.idx.msk [tilespmem:v0+s23+$0x0], $0xffff  }
0x1ae: {  	v0 =	vadd.s32 $0x5B00, v0  }
0x1af: {  	s8 =	sadd.s32 $0xFFFFFFF0, s26  }
0x1b0: {  	s8 =	sand.u32 $0x60, s8  }
0x1b1: {  	s8 =	sor.u32 s8, s12  }
0x1b2: {  	[tilespmem:s8+$0x0] =	vst v1  }
0x1b3: {  	v0 =	vld.idx.msk [tilespmem:v0+s23+$0x0], $0xffff;
	_ =	sdelay $0x4  }
0x1b4: {  	[tilespmem:s8+$0x80] =	vst v0  }
0x1b5: {  	v0 =	vld [tilespmem:s6+$0x10];
	_ =	sdelay $0x7  }
0x1b6: {  	v1 =	vld.idx.msk [tilespmem:v0+s23+$0x0], $0xffff  }
0x1b7: {  	v0 =	vadd.s32 $0x5B00, v0;
	_ =	sdelay $0x1  }
0x1b8: {  	s8 =	sand.u32 $0x70, s26  }
0x1b9: {  	s8 =	sor.u32 s8, s12  }
0x1ba: {  	s22 =	sadd.s32 $0x4, s22;
	[tilespmem:s8+$0x0] =	vst v1  }
0x1bb: {  	p1 =	slt.u32 s22, $0x3C;
	v0 =	vld.idx.msk [tilespmem:v0+s23+$0x0], $0xffff  }
.Ltmp8:
0x1bc: {  	_ = 	snop;
	(pc) =	sbr.rel @p1 .LBB2_20-.Ltmp8, $2  }
0x1bd: {  	_ =	sdelay $0x2  }
0x1be: {  	s21 =	sadd.s32 $0x80, s21;
	s26 =	sadd.s32 $0x40, s26;
	s6 =	sadd.s32 $0x40, s6;
	[tilespmem:s8+$0x80] =	vst v0  }
0x1bf: {  	s6 =	sadd.s32 s14, s2;
	s4 =	sadd.s32 $0x1, s4  }
0x1c0: {  	s6 =	sshrl.u32 s6, $0x3;
	p1 =	sne.s32 s4, $0x19  }
.Ltmp9:
0x1c1: {  	s26 =	smin.u32 s13, $0x2E;
	s6 =	sadd.s32 s3, s6;
	(pc) =	sbr.rel @p1 .LBB2_17-.Ltmp9, $4  }
0x1c2: {  	[hbm4b:s6+s29] =	stream.strided.scatter [tilespmem:s0], [sflag:$0x6], $0x800, s30, s29, $0x38;
	[tilespmem:$0x18400] =	vst v63  }
0x1c3: {  	s6 =	sshll.u32 s26, $0x7  }
0x1c4: {  	s6 =	sadd.s32 s6, s17  }
0x1c5: {  	[tilespmem:s25], [sflag:$0x4] =	stream.linear.gather [hbm4b:s6+s5], $0x400, $0x38;
	[tilespmem:$0x18400] =	vst v63  }
0x1c6: {  	_ =	swait.ge [sflag:s10], $0x800  }
0x1c7: {  	[sflag:s10] =	ssyncset.done $0x0  }
0x1c8: {  	[sflag:s10] =	ssyncadd.s32 $0xFFFFF800  }
0x1c9: {  	_ =	swait.ge [sflag:s20], $0x800  }
0x1ca: {  	[sflag:s20] =	ssyncset.done $0x0  }
0x1cb: {  	[sflag:s20] =	ssyncadd.s32 $0xFFFFF800  }
0x1cc: {  	p1 =	seq.s32 s19, $0xC;
	_ =	swait.ge [sflag:s28], $0x400  }
.Ltmp10:
0x1cd: {  	[sflag:s28] =	ssyncset.done $0x0;
	(pc) =	sbr.rel @p1 .LBB2_24-.Ltmp10, $4  }
0x1ce: {  	[sflag:s28] =	ssyncadd.s32 $0xFFFFFC00  }
0x1cf: {  	_ =	swait.ge [sflag:s1], $0x400  }
0x1d0: {  	[sflag:s1] =	ssyncset.done $0x0  }
0x1d1: {  	[sflag:s1] =	ssyncadd.s32 $0xFFFFFC00  }
0x1d2: {  	s2 =	rddreg [dreg:$0xc]  }
0x1d3: {  	s2 =	sadd.s32 s2, s9  }
0x1d4: {  	s2 =	sshll.u32 s2, $0x1  }
0x1d5: {  	s4 =	rddreg [dreg:$0x5];
	s2 =	sand.u32 $0xFF8, s2  }
.Ltmp11:
0x1d6: {  	s2 =	sor.u32 s4, s2;
	(pc) =	sbr.rel .LBB2_2-.Ltmp11, $4  }
0x1d7: {  	s2 =	smul.u32 $0xB60, s2  }
0x1d8: {  	s26 =	rddreg [dreg:$0x6]  }
0x1d9: {  	s19 =	sadd.s32 $0x1, s19;
	s2 =	sadd.s32 s26, s2  }
0x1da: {  	[tilespmem:s23], [sflag:$0x2] =	stream.linear.gather [hbm4b:s2+s5], $0xB600, $0x38;
	[tilespmem:$0x18400] =	vst v63  }
.LBB2_24:
0x1db: {  	s2 =	simm.s32 $0x0;
	s4 =	rddreg [dreg:$0x9]  }
0x1dc: {  	[tilespmem:s24], [sflag:$0x3] =	stream.linear.gather [hbm4b:s4+s2], $0x400, $0x38;
	[tilespmem:$0x18400] =	vst v63  }
0x1dd: {  	s26 =	simm.s32 $0x1  }
0x1de: {  	[tilespmem:s25], [sflag:$0x4] =	stream.linear.gather [hbm4b:s11+s2], $0x400, $0x38;
	[tilespmem:$0x18400] =	vst v63  }
0x1df: {  	_ =	swait.ge [sflag:s26], $0xB600  }
0x1e0: {  	[sflag:s26] =	ssyncset.done $0x0  }
0x1e1: {  	[sflag:s26] =	ssyncadd.s32 $0xFFFF4A00  }
0x1e2: {  	_ =	swait.ge [sflag:s28], $0x400  }
0x1e3: {  	s9 =	simm.s32 $0x30;
	[sflag:s28] =	ssyncset.done $0x0  }
0x1e4: {  	s6 =	simm.s32 $0x16C20;
	s4 =	simm.s32 $0xFFFFFFFC;
	[sflag:s28] =	ssyncadd.s32 $0xFFFFFC00  }
.LBB2_25:
0x1e5: {  	v0 =	vld [tilespmem:s6+$0xFFFFFFE0];
	_ =	sdelay $0x7  }
0x1e6: {  	v1 =	vld.idx.msk [tilespmem:v0+s5+$0x0], $0xffff  }
0x1e7: {  	v0 =	vadd.s32 $0x5B00, v0  }
0x1e8: {  	s8 =	sadd.s32 $0xFFFFFFD0, s9;
	s12 =	sand.u32 $0x700, s2  }
0x1e9: {  	s8 =	sand.u32 $0x40, s8;
	s12 =	sadd.s32 $0x17400, s12  }
0x1ea: {  	s8 =	sor.u32 s8, s12  }
0x1eb: {  	[tilespmem:s8+$0x0] =	vst v1  }
0x1ec: {  	v0 =	vld.idx.msk [tilespmem:v0+s5+$0x0], $0xffff;
	_ =	sdelay $0x4  }
0x1ed: {  	[tilespmem:s8+$0x80] =	vst v0  }
0x1ee: {  	v0 =	vld [tilespmem:s6+$0xFFFFFFF0];
	_ =	sdelay $0x7  }
0x1ef: {  	v1 =	vld.idx.msk [tilespmem:v0+s5+$0x0], $0xffff  }
0x1f0: {  	v0 =	vadd.s32 $0x5B00, v0  }
0x1f1: {  	s21 =	sadd.s32 $0xFFFFFFE0, s9  }
0x1f2: {  	s8 =	sand.u32 $0x50, s21  }
0x1f3: {  	s8 =	sor.u32 s8, s12  }
0x1f4: {  	[tilespmem:s8+$0x0] =	vst v1  }
0x1f5: {  	v0 =	vld.idx.msk [tilespmem:v0+s5+$0x0], $0xffff;
	_ =	sdelay $0x4  }
0x1f6: {  	[tilespmem:s8+$0x80] =	vst v0  }
0x1f7: {  	v0 =	vld [tilespmem:s6+$0x0];
	_ =	sdelay $0x7  }
0x1f8: {  	v1 =	vld.idx.msk [tilespmem:v0+s5+$0x0], $0xffff  }
0x1f9: {  	v0 =	vadd.s32 $0x5B00, v0  }
0x1fa: {  	s22 =	sadd.s32 $0xFFFFFFF0, s9  }
0x1fb: {  	s8 =	sand.u32 $0x60, s22  }
0x1fc: {  	s8 =	sor.u32 s8, s12  }
0x1fd: {  	[tilespmem:s8+$0x0] =	vst v1  }
0x1fe: {  	v0 =	vld.idx.msk [tilespmem:v0+s5+$0x0], $0xffff;
	_ =	sdelay $0x4  }
0x1ff: {  	[tilespmem:s8+$0x80] =	vst v0  }
0x200: {  	v0 =	vld [tilespmem:s6+$0x10];
	_ =	sdelay $0x7  }
0x201: {  	v1 =	vld.idx.msk [tilespmem:v0+s5+$0x0], $0xffff  }
0x202: {  	v0 =	vadd.s32 $0x5B00, v0;
	_ =	sdelay $0x1  }
0x203: {  	s26 =	sand.u32 $0x70, s9  }
0x204: {  	s8 =	sor.u32 s26, s12  }
0x205: {  	s4 =	sadd.s32 $0x4, s4;
	[tilespmem:s8+$0x0] =	vst v1  }
0x206: {  	p1 =	slt.u32 s4, $0x3C;
	v0 =	vld.idx.msk [tilespmem:v0+s5+$0x0], $0xffff  }
.Ltmp12:
0x207: {  	_ = 	snop;
	(pc) =	sbr.rel @p1 .LBB2_25-.Ltmp12, $2  }
0x208: {  	_ =	sdelay $0x2  }
0x209: {  	s9 =	sadd.s32 $0x40, s9;
	s2 =	sadd.s32 $0x80, s2;
	s6 =	sadd.s32 $0x40, s6;
	[tilespmem:s8+$0x80] =	vst v0  }
0x20a: {  	s2 =	rddreg [dreg:$0xd]  }
0x20b: {  	[hbm4b:s2+s29] =	stream.strided.scatter [tilespmem:s31], [sflag:$0x5], $0x800, s30, s29, $0x38;
	[tilespmem:$0x18400] =	vst v63  }
0x20c: {  	s2 =	simm.s32 $0x0  }
0x20d: {  	[tilespmem:s24], [sflag:$0x3] =	stream.linear.gather [hbm4b:s16+s2], $0x400, $0x38;
	[tilespmem:$0x18400] =	vst v63  }
0x20e: {  	_ =	swait.ge [sflag:s1], $0x400  }
0x20f: {  	s4 =	simm.s32 $0xFFFFFFFC;
	s9 =	simm.s32 $0x30;
	[sflag:s1] =	ssyncset.done $0x0  }
0x210: {  	s6 =	simm.s32 $0x17020;
	s19 =	rddreg [dreg:$0xb];
	[sflag:s1] =	ssyncadd.s32 $0xFFFFFC00  }
.LBB2_27:
0x211: {  	v0 =	vld [tilespmem:s6+$0xFFFFFFE0];
	_ =	sdelay $0x7  }
0x212: {  	v1 =	vld.idx.msk [tilespmem:v0+s5+$0x0], $0xffff  }
0x213: {  	v0 =	vadd.s32 $0x5B00, v0  }
0x214: {  	s8 =	sadd.s32 $0xFFFFFFD0, s9;
	s12 =	sand.u32 $0x700, s2  }
0x215: {  	s8 =	sand.u32 $0x40, s8;
	s12 =	sadd.s32 $0x17C00, s12  }
0x216: {  	s8 =	sor.u32 s8, s12  }
0x217: {  	[tilespmem:s8+$0x0] =	vst v1  }
0x218: {  	v0 =	vld.idx.msk [tilespmem:v0+s5+$0x0], $0xffff;
	_ =	sdelay $0x4  }
0x219: {  	[tilespmem:s8+$0x80] =	vst v0  }
0x21a: {  	v0 =	vld [tilespmem:s6+$0xFFFFFFF0];
	_ =	sdelay $0x7  }
0x21b: {  	v1 =	vld.idx.msk [tilespmem:v0+s5+$0x0], $0xffff  }
0x21c: {  	v0 =	vadd.s32 $0x5B00, v0  }
0x21d: {  	s21 =	sadd.s32 $0xFFFFFFE0, s9  }
0x21e: {  	s8 =	sand.u32 $0x50, s21  }
0x21f: {  	s8 =	sor.u32 s8, s12  }
0x220: {  	[tilespmem:s8+$0x0] =	vst v1  }
0x221: {  	v0 =	vld.idx.msk [tilespmem:v0+s5+$0x0], $0xffff;
	_ =	sdelay $0x4  }
0x222: {  	[tilespmem:s8+$0x80] =	vst v0  }
0x223: {  	v0 =	vld [tilespmem:s6+$0x0];
	_ =	sdelay $0x7  }
0x224: {  	v1 =	vld.idx.msk [tilespmem:v0+s5+$0x0], $0xffff  }
0x225: {  	v0 =	vadd.s32 $0x5B00, v0  }
0x226: {  	s22 =	sadd.s32 $0xFFFFFFF0, s9  }
0x227: {  	s8 =	sand.u32 $0x60, s22  }
0x228: {  	s8 =	sor.u32 s8, s12  }
0x229: {  	[tilespmem:s8+$0x0] =	vst v1  }
0x22a: {  	v0 =	vld.idx.msk [tilespmem:v0+s5+$0x0], $0xffff;
	_ =	sdelay $0x4  }
0x22b: {  	[tilespmem:s8+$0x80] =	vst v0  }
0x22c: {  	v0 =	vld [tilespmem:s6+$0x10];
	_ =	sdelay $0x7  }
0x22d: {  	v1 =	vld.idx.msk [tilespmem:v0+s5+$0x0], $0xffff  }
0x22e: {  	v0 =	vadd.s32 $0x5B00, v0;
	_ =	sdelay $0x1  }
0x22f: {  	s26 =	sand.u32 $0x70, s9  }
0x230: {  	s8 =	sor.u32 s26, s12  }
0x231: {  	s4 =	sadd.s32 $0x4, s4;
	[tilespmem:s8+$0x0] =	vst v1  }
0x232: {  	p1 =	slt.u32 s4, $0x3C;
	v0 =	vld.idx.msk [tilespmem:v0+s5+$0x0], $0xffff  }
.Ltmp13:
0x233: {  	_ = 	snop;
	(pc) =	sbr.rel @p1 .LBB2_27-.Ltmp13, $2  }
0x234: {  	_ =	sdelay $0x2  }
0x235: {  	s9 =	sadd.s32 $0x40, s9;
	s2 =	sadd.s32 $0x80, s2;
	s6 =	sadd.s32 $0x40, s6;
	[tilespmem:s8+$0x80] =	vst v0  }
0x236: {  	s2 =	rddreg [dreg:$0xe]  }
0x237: {  	[hbm4b:s2+s29] =	stream.strided.scatter [tilespmem:s0], [sflag:$0x6], $0x800, s30, s29, $0x38;
	[tilespmem:$0x18400] =	vst v63  }
0x238: {  	s2 =	simm.s32 $0x1  }
0x239: {  	[tilespmem:s25], [sflag:$0x4] =	stream.linear.gather [hbm4b:s17+s5], $0x400, $0x38;
	[tilespmem:$0x18400] =	vst v63  }
.LBB2_29:
0x23a: {  	_ =	swait.ge [sflag:s10], $0x800  }
0x23b: {  	[sflag:s10] =	ssyncset.done $0x0  }
0x23c: {  	[sflag:s10] =	ssyncadd.s32 $0xFFFFF800  }
0x23d: {  	_ =	swait.ge [sflag:s28], $0x400  }
0x23e: {  	s4 =	simm.s32 $0xFFFFFFFC;
	s9 =	simm.s32 $0x30;
	[sflag:s28] =	ssyncset.done $0x0  }
0x23f: {  	s13 =	simm.s32 $0x0;
	s6 =	simm.s32 $0x16C20;
	[sflag:s28] =	ssyncadd.s32 $0xFFFFFC00  }
.LBB2_30:
0x240: {  	v0 =	vld [tilespmem:s6+$0xFFFFFFE0];
	_ =	sdelay $0x7  }
0x241: {  	v1 =	vld.idx.msk [tilespmem:v0+s5+$0x0], $0xffff  }
0x242: {  	v0 =	vadd.s32 $0x5B00, v0  }
0x243: {  	s8 =	sadd.s32 $0xFFFFFFD0, s9;
	s12 =	sand.u32 $0x700, s13  }
0x244: {  	s8 =	sand.u32 $0x40, s8;
	s12 =	sadd.s32 $0x17400, s12  }
0x245: {  	s8 =	sor.u32 s8, s12  }
0x246: {  	[tilespmem:s8+$0x0] =	vst v1  }
0x247: {  	v0 =	vld.idx.msk [tilespmem:v0+s5+$0x0], $0xffff;
	_ =	sdelay $0x4  }
0x248: {  	[tilespmem:s8+$0x80] =	vst v0  }
0x249: {  	v0 =	vld [tilespmem:s6+$0xFFFFFFF0];
	_ =	sdelay $0x7  }
0x24a: {  	v1 =	vld.idx.msk [tilespmem:v0+s5+$0x0], $0xffff  }
0x24b: {  	v0 =	vadd.s32 $0x5B00, v0  }
0x24c: {  	s21 =	sadd.s32 $0xFFFFFFE0, s9  }
0x24d: {  	s8 =	sand.u32 $0x50, s21  }
0x24e: {  	s8 =	sor.u32 s8, s12  }
0x24f: {  	[tilespmem:s8+$0x0] =	vst v1  }
0x250: {  	v0 =	vld.idx.msk [tilespmem:v0+s5+$0x0], $0xffff;
	_ =	sdelay $0x4  }
0x251: {  	[tilespmem:s8+$0x80] =	vst v0  }
0x252: {  	v0 =	vld [tilespmem:s6+$0x0];
	_ =	sdelay $0x7  }
0x253: {  	v1 =	vld.idx.msk [tilespmem:v0+s5+$0x0], $0xffff  }
0x254: {  	v0 =	vadd.s32 $0x5B00, v0  }
0x255: {  	s22 =	sadd.s32 $0xFFFFFFF0, s9  }
0x256: {  	s8 =	sand.u32 $0x60, s22  }
0x257: {  	s8 =	sor.u32 s8, s12  }
0x258: {  	[tilespmem:s8+$0x0] =	vst v1  }
0x259: {  	v0 =	vld.idx.msk [tilespmem:v0+s5+$0x0], $0xffff;
	_ =	sdelay $0x4  }
0x25a: {  	[tilespmem:s8+$0x80] =	vst v0  }
0x25b: {  	v0 =	vld [tilespmem:s6+$0x10];
	_ =	sdelay $0x7  }
0x25c: {  	v1 =	vld.idx.msk [tilespmem:v0+s5+$0x0], $0xffff  }
0x25d: {  	v0 =	vadd.s32 $0x5B00, v0;
	_ =	sdelay $0x1  }
0x25e: {  	s26 =	sand.u32 $0x70, s9  }
0x25f: {  	s8 =	sor.u32 s26, s12  }
0x260: {  	s4 =	sadd.s32 $0x4, s4;
	[tilespmem:s8+$0x0] =	vst v1  }
0x261: {  	p1 =	slt.u32 s4, $0x3C;
	v0 =	vld.idx.msk [tilespmem:v0+s5+$0x0], $0xffff  }
.Ltmp14:
0x262: {  	_ = 	snop;
	(pc) =	sbr.rel @p1 .LBB2_30-.Ltmp14, $2  }
0x263: {  	_ =	sdelay $0x2  }
0x264: {  	s9 =	sadd.s32 $0x40, s9;
	s13 =	sadd.s32 $0x80, s13;
	s6 =	sadd.s32 $0x40, s6;
	[tilespmem:s8+$0x80] =	vst v0  }
0x265: {  	s9 =	smul.u32 $0x360000, s2;
	_ =	sdelay $0x1  }
0x266: {  	s4 =	sadd.s32 s19, s9  }
0x267: {  	s6 =	sshrl.u32 s4, $0x3;
	s4 =	sshll.u32 s2, $0x1  }
0x268: {  	s6 =	sadd.s32 s3, s6;
	s26 =	smin.u32 s4, $0x2F  }
0x269: {  	[hbm4b:s6+s29] =	stream.strided.scatter [tilespmem:s31], [sflag:$0x5], $0x800, s30, s29, $0x38;
	[tilespmem:$0x18400] =	vst v63  }
0x26a: {  	s6 =	sshll.u32 s26, $0x7  }
0x26b: {  	s13 =	simm.s32 $0x0;
	s6 =	sadd.s32 s6, s16  }
0x26c: {  	[tilespmem:s24], [sflag:$0x3] =	stream.linear.gather [hbm4b:s6+s13], $0x400, $0x38;
	[tilespmem:$0x18400] =	vst v63  }
0x26d: {  	_ =	swait.ge [sflag:s20], $0x800  }
0x26e: {  	[sflag:s20] =	ssyncset.done $0x0  }
0x26f: {  	[sflag:s20] =	ssyncadd.s32 $0xFFFFF800  }
0x270: {  	_ =	swait.ge [sflag:s1], $0x400  }
0x271: {  	s14 =	simm.s32 $0xFFFFFFFC;
	[sflag:s1] =	ssyncset.done $0x0  }
0x272: {  	s15 =	simm.s32 $0x30;
	s6 =	simm.s32 $0x17020;
	[sflag:s1] =	ssyncadd.s32 $0xFFFFFC00  }
.LBB2_32:
0x273: {  	v0 =	vld [tilespmem:s6+$0xFFFFFFE0];
	_ =	sdelay $0x7  }
0x274: {  	v1 =	vld.idx.msk [tilespmem:v0+s5+$0x0], $0xffff  }
0x275: {  	v0 =	vadd.s32 $0x5B00, v0  }
0x276: {  	s8 =	sadd.s32 $0xFFFFFFD0, s15;
	s12 =	sand.u32 $0x700, s13  }
0x277: {  	s8 =	sand.u32 $0x40, s8;
	s12 =	sadd.s32 $0x17C00, s12  }
0x278: {  	s8 =	sor.u32 s8, s12  }
0x279: {  	[tilespmem:s8+$0x0] =	vst v1  }
0x27a: {  	v0 =	vld.idx.msk [tilespmem:v0+s5+$0x0], $0xffff;
	_ =	sdelay $0x4  }
0x27b: {  	[tilespmem:s8+$0x80] =	vst v0  }
0x27c: {  	v0 =	vld [tilespmem:s6+$0xFFFFFFF0];
	_ =	sdelay $0x7  }
0x27d: {  	v1 =	vld.idx.msk [tilespmem:v0+s5+$0x0], $0xffff  }
0x27e: {  	v0 =	vadd.s32 $0x5B00, v0  }
0x27f: {  	s21 =	sadd.s32 $0xFFFFFFE0, s15  }
0x280: {  	s8 =	sand.u32 $0x50, s21  }
0x281: {  	s8 =	sor.u32 s8, s12  }
0x282: {  	[tilespmem:s8+$0x0] =	vst v1  }
0x283: {  	v0 =	vld.idx.msk [tilespmem:v0+s5+$0x0], $0xffff;
	_ =	sdelay $0x4  }
0x284: {  	[tilespmem:s8+$0x80] =	vst v0  }
0x285: {  	v0 =	vld [tilespmem:s6+$0x0];
	_ =	sdelay $0x7  }
0x286: {  	v1 =	vld.idx.msk [tilespmem:v0+s5+$0x0], $0xffff  }
0x287: {  	v0 =	vadd.s32 $0x5B00, v0  }
0x288: {  	s22 =	sadd.s32 $0xFFFFFFF0, s15  }
0x289: {  	s8 =	sand.u32 $0x60, s22  }
0x28a: {  	s8 =	sor.u32 s8, s12  }
0x28b: {  	[tilespmem:s8+$0x0] =	vst v1  }
0x28c: {  	v0 =	vld.idx.msk [tilespmem:v0+s5+$0x0], $0xffff;
	_ =	sdelay $0x4  }
0x28d: {  	[tilespmem:s8+$0x80] =	vst v0  }
0x28e: {  	v0 =	vld [tilespmem:s6+$0x10];
	_ =	sdelay $0x7  }
0x28f: {  	v1 =	vld.idx.msk [tilespmem:v0+s5+$0x0], $0xffff  }
0x290: {  	v0 =	vadd.s32 $0x5B00, v0;
	_ =	sdelay $0x1  }
0x291: {  	s26 =	sand.u32 $0x70, s15  }
0x292: {  	s8 =	sor.u32 s26, s12  }
0x293: {  	s14 =	sadd.s32 $0x4, s14;
	[tilespmem:s8+$0x0] =	vst v1  }
0x294: {  	p1 =	slt.u32 s14, $0x3C;
	v0 =	vld.idx.msk [tilespmem:v0+s5+$0x0], $0xffff  }
.Ltmp15:
0x295: {  	_ = 	snop;
	(pc) =	sbr.rel @p1 .LBB2_32-.Ltmp15, $2  }
0x296: {  	_ =	sdelay $0x2  }
0x297: {  	s15 =	sadd.s32 $0x40, s15;
	s13 =	sadd.s32 $0x80, s13;
	s6 =	sadd.s32 $0x40, s6;
	[tilespmem:s8+$0x80] =	vst v0  }
0x298: {  	s6 =	rddreg [dreg:$0xf];
	s2 =	sadd.s32 $0x1, s2  }
0x299: {  	s6 =	sadd.s32 s9, s6;
	p1 =	sne.s32 s2, $0x19  }
.Ltmp16:
0x29a: {  	s4 =	smin.u32 s4, $0x2E;
	s6 =	sshrl.u32 s6, $0x3;
	(pc) =	sbr.rel @p1 .LBB2_29-.Ltmp16, $4  }
0x29b: {  	s4 =	sshll.u32 s4, $0x7;
	s6 =	sadd.s32 s3, s6  }
0x29c: {  	[hbm4b:s6+s29] =	stream.strided.scatter [tilespmem:s0], [sflag:$0x6], $0x800, s30, s29, $0x38;
	[tilespmem:$0x18400] =	vst v63  }
0x29d: {  	s4 =	sadd.s32 s4, s17  }
0x29e: {  	[tilespmem:s25], [sflag:$0x4] =	stream.linear.gather [hbm4b:s4+s5], $0x400, $0x38;
	[tilespmem:$0x18400] =	vst v63  }
0x29f: {  	_ =	swait.ge [sflag:s10], $0x800  }
0x2a0: {  	[sflag:s10] =	ssyncset.done $0x0  }
0x2a1: {  	[sflag:s10] =	ssyncadd.s32 $0xFFFFF800  }
0x2a2: {  	_ =	swait.ge [sflag:s20], $0x800  }
0x2a3: {  	[sflag:s20] =	ssyncset.done $0x0  }
0x2a4: {  	[sflag:s20] =	ssyncadd.s32 $0xFFFFF800  }
0x2a5: {  	_ =	swait.ge [sflag:s28], $0x400  }
0x2a6: {  	[sflag:s28] =	ssyncset.done $0x0  }
0x2a7: {  	[sflag:s28] =	ssyncadd.s32 $0xFFFFFC00  }
0x2a8: {  	_ =	swait.ge [sflag:s1], $0x400  }
0x2a9: {  	s4 =	rddreg [dreg:$0x11]  }
0x2aa: {  	s2 =	rddreg [dreg:$0x10];
	s4 =	sadd.s32 $0x1, s4  }
0x2ab: {  	p1 =	sne.s32 s4, s2  }
.Ltmp17:
0x2ac: {  	_ = 	snop;
	(pc) =	sbr.rel @p1 .LBB2_1-.Ltmp17, $3  }
0x2ad: {  	_ =	sdelay $0x1  }
0x2ae: {  	[sflag:s1] =	ssyncset.done $0x0  }
0x2af: {  	[sflag:s1] =	ssyncadd.s32 $0xFFFFFC00  }
0x2b0: {  	_ =	sfence.sel $0x180000  }
0x2b1: {  	[bflag:$0x0] =	sbarrier.arrive $0xFFFF  }
0x2b2: {  	_ =	strace $0x90000047  }
0x2b3: {  	s0 =	stileid.u32;
	[bflag:$0x2] =	sbarrier.arrive $0xFFFF  }
0x2b4: {  	p0 =	sne.s32 s0, $0x0;
	s0 =	rddreg [dreg:$0x2]  }
0x2b5: {  	s0 =	sadd.s32 @!p0 $0x100000, s0  }
0x2b6: {  	[sflag:s0] =	ssyncadd.tile.s32 @!p0 $0x1;
	_ =	shalt  }
.Lfunc_end2:
_tile_overlayer_lowered:
.L_overlay_start_2:
0x2b7: {  	(tag) =	ssettag $0x2  }
0x2b8: {  	s0 =	rddreg [dreg:$0x0];
	s2 =	stileid.u32  }
0x2b9: {  	s1 =	rddreg [dreg:$0x1];
	p0 =	sne.s32 s2, $0x0  }
0x2ba: {  	s3 =	rddreg [dreg:$0x2];
	[bflag:$0x3] =	sbarrier.arrive $0xFFFF;
	s2 =	simm.s32 @!p0 $0x1C07  }
0x2bb: {  	[timem:s3], [sflag:s2] =	dma.local @!p0 [hbm:s0], s1  }
0x2bc: {  	s0 =	simm.s32 @!p0 $0x7  }
0x2bd: {  	_ =	swait.ge @!p0 [sflag:s0], s1  }
0x2be: {  	s1 =	ssub.s32 @!p0 $0x0, s1;
	[sflag:s0] =	ssyncset.done @!p0 $0x0  }
0x2bf: {  	[sflag:s0] =	ssyncadd.s32 @!p0 s1  }
0x2c0: {  	[bflag:$0x3] =	sbarrier.arrive $0xFFFF  }
0x2c1: {  	_ =	shalt  }

</sc_bundles>
